<compile_context>
chip_gen: v7x
topology: tpu7x:2x2x1
jax: 0.10.2.dev20260603
libtpu: 0.0.44.dev20260713+nightly
codegen_flags: <defaults>
</compile_context>

<pallas_src>
import jax
import jax.numpy as jnp
from jax import lax
from jax.experimental import pallas as pl
from jax.experimental.pallas import tpu as pltpu
from jax.experimental.pallas import tpu_sc as plsc

N_SEQ_LEN = 20
NUM_EMBEDDINGS = 100000
EMBEDDING_DIM = 32
BATCH = 4096

_CHUNK = 128
_NCHUNK = BATCH // _CHUNK
_ROWS = N_SEQ_LEN * EMBEDDING_DIM


def _body(idx_hbm, tab_hbm, out_hbm, idx_v, row_v,
          psem, gsem0, gsem1, osem0, osem1):
    nc = 2
    e = lax.axis_index("s") * nc + lax.axis_index("c")

    def idxload(d):
        pltpu.async_copy(idx_hbm.at[d], idx_v.at[d % 2], psem)

    def fire_gathers(d, gsem):
        row = d * EMBEDDING_DIM + e
        for r in range(_NCHUNK):
            pltpu.async_copy(
                tab_hbm.at[row].at[idx_v.at[d % 2, r]],
                row_v.at[d % 2, r],
                gsem,
            )

    def drain_gathers(gsem):
        for _ in range(_NCHUNK):
            pltpu.make_async_copy(
                out_hbm.at[0, 0], row_v.at[0, 0], gsem
            ).wait()

    def fire_store(d, osem):
        row = d * EMBEDDING_DIM + e
        pltpu.async_copy(row_v.at[d % 2], out_hbm.at[row], osem)

    def drain_store(osem):
        pltpu.make_async_copy(out_hbm.at[0], row_v.at[0], osem).wait()

    idxload(0)

    def step(d, carry):
        @pl.when(d >= 1)
        def _retire_prev():
            @pl.when(d % 2 == 1)
            def _():
                drain_gathers(gsem0)
                fire_store(d - 1, osem0)

            @pl.when(d % 2 == 0)
            def _():
                drain_gathers(gsem1)
                fire_store(d - 1, osem1)

        pltpu.make_async_copy(idx_hbm.at[0], idx_v.at[0], psem).wait()

        @pl.when(d + 1 < N_SEQ_LEN)
        def _prefetch():
            idxload(d + 1)

        @pl.when(d >= 2)
        def _free_buf():
            @pl.when(d % 2 == 0)
            def _():
                drain_store(osem0)

            @pl.when(d % 2 == 1)
            def _():
                drain_store(osem1)

        @pl.when(d % 2 == 0)
        def _fire_even():
            fire_gathers(d, gsem0)

        @pl.when(d % 2 == 1)
        def _fire_odd():
            fire_gathers(d, gsem1)

        return carry

    lax.fori_loop(0, N_SEQ_LEN, step, 0)

    drain_gathers(gsem1)
    fire_store(N_SEQ_LEN - 1, osem1)
    drain_store(osem0)
    drain_store(osem1)


@jax.jit
def kernel(x, tables):
    idx = x.astype(jnp.int32).T.reshape(N_SEQ_LEN, _NCHUNK, _CHUNK)
    tab = jnp.transpose(tables, (0, 2, 1)).reshape(_ROWS, NUM_EMBEDDINGS)

    mesh = plsc.VectorSubcoreMesh(core_axis_name="c", subcore_axis_name="s")
    run = pl.kernel(
        _body,
        mesh=mesh,
        compiler_params=pltpu.CompilerParams(use_tc_tiling_on_sc=False),
        out_type=jax.ShapeDtypeStruct(
            (_ROWS, _NCHUNK, _CHUNK), jnp.float32
        ),
        scratch_types=[
            pltpu.VMEM((2, _NCHUNK, _CHUNK), jnp.int32),
            pltpu.VMEM((2, _NCHUNK, _CHUNK), jnp.float32),
            pltpu.SemaphoreType.DMA,
            pltpu.SemaphoreType.DMA,
            pltpu.SemaphoreType.DMA,
            pltpu.SemaphoreType.DMA,
            pltpu.SemaphoreType.DMA,
        ],
    )
    out = run(idx, tab)
    out = out.reshape(N_SEQ_LEN, EMBEDDING_DIM, BATCH)
    return jnp.transpose(out, (2, 0, 1))

# --- scband reference (transcript-rebuilt; emitter-appended) ---
"""Pipeline reference for scband-position-aware-embedding-72619307041553 (READ-ONLY COPY).

The authoritative reference and input builder live on the scoring server;
editing this copy changes nothing except your own understanding.
"""

import jax, jax.numpy as jnp
import numpy as np

N_SEQ_LEN = 20
NUM_EMBEDDINGS = 100000
EMBEDDING_DIM = 32
BATCH = 4096


def setup_inputs(seed: int = 0) -> dict:
    key = jax.random.key(seed)
    k_idx, k_tab = jax.random.split(key)
    x = jax.random.randint(k_idx, (BATCH, N_SEQ_LEN), 0, NUM_EMBEDDINGS, dtype=jnp.int64 if jax.config.jax_enable_x64 else jnp.int32)
    # One embedding table per sequence position (nn.ModuleList of nn.Embedding).
    # nn.Embedding default init is N(0, 1).
    tables = jax.random.normal(k_tab, (N_SEQ_LEN, NUM_EMBEDDINGS, EMBEDDING_DIM), dtype=jnp.float32)
    return {"x": x, "tables": tables}


def reference(x, tables):
    # forward_sparse_input with position-aware ModuleList:
    #   lst_t_emb = [emb_layers[d](x[:, d]) for d in range(n_digits)]
    #   t_emb = stack(lst_t_emb, dim=1)
    lst_t_emb = [jnp.take(tables[d], x[:, d], axis=0) for d in range(N_SEQ_LEN)]
    t_emb = jnp.stack(lst_t_emb, axis=1)  # [B, n_seq_len, embed_dim]
    return t_emb

if __name__ == "__main__":
    import jax
    _d = setup_inputs()
    print(jax.jit(kernel)(*tuple(_d.values())))

</pallas_src>

<mosaic_0001>
#map = affine_map<(d0, d1) -> (0, 0, 0)>
#map1 = affine_map<(d0, d1) -> (0, 0)>
module attributes {stable_mosaic.version = 14 : i64} {
  func.func @_body(%arg0: i32, %arg1: i32, %arg2: memref<20x32x128xi32, #tpu.memory_space<hbm>>, %arg3: memref<640x100000xf32, #tpu.memory_space<hbm>>, %arg4: memref<640x32x128xf32, #tpu.memory_space<hbm>>, %arg5: memref<2x32x128xi32, #tpu.memory_space<vmem>>, %arg6: memref<2x32x128xf32, #tpu.memory_space<vmem>>, %arg7: memref<!tpu.dma_semaphore, #tpu.memory_space<semaphore_mem>>, %arg8: memref<!tpu.dma_semaphore, #tpu.memory_space<semaphore_mem>>, %arg9: memref<!tpu.dma_semaphore, #tpu.memory_space<semaphore_mem>>, %arg10: memref<!tpu.dma_semaphore, #tpu.memory_space<semaphore_mem>>, %arg11: memref<!tpu.dma_semaphore, #tpu.memory_space<semaphore_mem>>) attributes {dimension_semantics = [#tpu.dimension_semantics<core_parallel>, #tpu.dimension_semantics<subcore_parallel>], iteration_bounds = array<i64: 2, 16>, scalar_prefetch = 0 : i64, scratch_operands = 7 : i64, tpu.core_type = #tpu.core_type<sc_vector_subcore>, window_params = [{transform_indices = #map}, {transform_indices = #map1}, {transform_indices = #map}]} {
    %mul3A = arith.constant 2 : i32
    %mul3A_0 = arith.muli %arg1, %mul3A : i32
    %add3A = arith.addi %mul3A_0, %arg0 : i32
    %dma_start3A = arith.constant 0 : i32
    %dma_start3A_1 = arith.constant 0 : i32
    %dma_start3A_2 = arith.constant 0 : i32
    %dma_start3A_3 = arith.constant 0 : i32
    %dma_start3A_4 = tpu.memref_slice %arg5[%dma_start3A_1, %dma_start3A_2, %dma_start3A_3] : memref<2x32x128xi32, #tpu.memory_space<vmem>> -> memref<1x32x128xi32, #tpu.memory_space<vmem>>
    %dma_start3A_5 = tpu.memref_squeeze %dma_start3A_4 : memref<1x32x128xi32, #tpu.memory_space<vmem>> -> memref<32x128xi32, #tpu.memory_space<vmem>>
    %dma_start3A_6 = arith.constant 0 : i32
    %dma_start3A_7 = arith.constant 0 : i32
    %dma_start3A_8 = tpu.memref_slice %arg2[%dma_start3A, %dma_start3A_6, %dma_start3A_7] : memref<20x32x128xi32, #tpu.memory_space<hbm>> -> memref<1x32x128xi32, #tpu.memory_space<hbm>>
    %dma_start3A_9 = tpu.memref_squeeze %dma_start3A_8 : memref<1x32x128xi32, #tpu.memory_space<hbm>> -> memref<32x128xi32, #tpu.memory_space<hbm>>
    %dma_start3A_10 = arith.constant 0 : i32
    %dma_start3A_11 = arith.constant 0 : i32
    %dma_start3A_12 = tpu.memref_slice %arg5[%dma_start3A_1, %dma_start3A_10, %dma_start3A_11] : memref<2x32x128xi32, #tpu.memory_space<vmem>> -> memref<1x32x128xi32, #tpu.memory_space<vmem>>
    %dma_start3A_13 = tpu.memref_squeeze %dma_start3A_12 : memref<1x32x128xi32, #tpu.memory_space<vmem>> -> memref<32x128xi32, #tpu.memory_space<vmem>>
    %dma_start3A_14 = arith.constant 0 : i32
    %dma_start3A_15 = arith.constant 0 : i32
    %dma_start3A_16 = tpu.memref_slice %arg2[%dma_start3A, %dma_start3A_14, %dma_start3A_15] : memref<20x32x128xi32, #tpu.memory_space<hbm>> -> memref<1x32x128xi32, #tpu.memory_space<hbm>>
    %dma_start3A_17 = tpu.memref_squeeze %dma_start3A_16 : memref<1x32x128xi32, #tpu.memory_space<hbm>> -> memref<32x128xi32, #tpu.memory_space<hbm>>
    tpu.enqueue_dma source(%dma_start3A_17 : memref<32x128xi32, #tpu.memory_space<hbm>>) target(%dma_start3A_13 : memref<32x128xi32, #tpu.memory_space<vmem>>) target_semaphore(%arg7 : memref<!tpu.dma_semaphore, #tpu.memory_space<semaphore_mem>>)
    %scan3A = arith.constant 0 : i32
    %scan3A_18 = arith.constant 0 : i32
    %scan3A_19 = arith.constant 20 : i32
    %scan3A_20 = arith.addi %scan3A_18, %scan3A_19 : i32
    %scan3A_21 = arith.constant 1 : i32
    scf.for %scan3A_589 = %scan3A_18 to %scan3A_20 step %scan3A_21  : i32 {
      %ge3A = arith.constant 1 : i32
      %ge3A_590 = arith.cmpi sge, %scan3A_589, %ge3A : i32
      %convert_element_type3A = arith.extui %ge3A_590 : i1 to i32
      %cond3A = arith.constant 0 : i32
      %cond3A_591 = arith.cmpi ne, %convert_element_type3A, %cond3A : i32
      scf.if %cond3A_591 {
        %jit3A_657 = arith.constant 2 : i32
        %eq3A_658 = arith.constant 0 : i32
        %eq3A_659 = arith.cmpi eq, %jit3A_657, %eq3A_658 : i32
        %jit3A_660 = arith.constant 1 : i32
        %select_n3A_661 = arith.select %eq3A_659, %jit3A_660, %jit3A_657 : i32
        %rem3A_662 = arith.remsi %scan3A_589, %select_n3A_661 : i32
        %ne3A_663 = arith.constant 0 : i32
        %ne3A_664 = arith.cmpi ne, %rem3A_662, %ne3A_663 : i32
        %lt3A_665 = arith.constant 0 : i32
        %lt3A_666 = arith.cmpi slt, %rem3A_662, %lt3A_665 : i32
        %lt3A_667 = arith.constant 0 : i32
        %lt3A_668 = arith.cmpi slt, %select_n3A_661, %lt3A_667 : i32
        %ne3A_669 = arith.xori %lt3A_666, %lt3A_668 : i1
        %and3A_670 = arith.andi %ne3A_669, %ne3A_664 : i1
        %add3A_671 = arith.addi %rem3A_662, %select_n3A_661 : i32
        %select_n3A_672 = arith.select %and3A_670, %add3A_671, %rem3A_662 : i32
        %eq3A_673 = arith.constant 1 : i32
        %eq3A_674 = arith.cmpi eq, %select_n3A_672, %eq3A_673 : i32
        %convert_element_type3A_675 = arith.extui %eq3A_674 : i1 to i32
        %cond3A_676 = arith.constant 0 : i32
        %cond3A_677 = arith.cmpi ne, %convert_element_type3A_675, %cond3A_676 : i32
        scf.if %cond3A_677 {
          %dma_wait3A_699 = arith.constant 0 : i32
          %dma_wait3A_700 = arith.constant 0 : i32
          %dma_wait3A_701 = arith.constant 0 : i32
          %dma_wait3A_702 = arith.constant 0 : i32
          %dma_wait3A_703 = arith.constant 0 : i32
          %dma_wait3A_704 = tpu.memref_slice %arg6[%dma_wait3A_701, %dma_wait3A_702, %dma_wait3A_703] : memref<2x32x128xf32, #tpu.memory_space<vmem>> -> memref<1x1x128xf32, #tpu.memory_space<vmem>>
          %dma_wait3A_705 = tpu.memref_squeeze %dma_wait3A_704 : memref<1x1x128xf32, #tpu.memory_space<vmem>> -> memref<128xf32, #tpu.memory_space<vmem>>
          %dma_wait3A_706 = arith.constant 0 : i32
          %dma_wait3A_707 = tpu.memref_slice %arg4[%dma_wait3A_699, %dma_wait3A_700, %dma_wait3A_706] : memref<640x32x128xf32, #tpu.memory_space<hbm>> -> memref<1x1x128xf32, #tpu.memory_space<hbm>>
          %dma_wait3A_708 = tpu.memref_squeeze %dma_wait3A_707 : memref<1x1x128xf32, #tpu.memory_space<hbm>> -> memref<128xf32, #tpu.memory_space<hbm>>
          %dma_wait3A_709 = arith.constant 0 : i32
          %dma_wait3A_710 = tpu.memref_slice %arg6[%dma_wait3A_701, %dma_wait3A_702, %dma_wait3A_709] : memref<2x32x128xf32, #tpu.memory_space<vmem>> -> memref<1x1x128xf32, #tpu.memory_space<vmem>>
          %dma_wait3A_711 = tpu.memref_squeeze %dma_wait3A_710 : memref<1x1x128xf32, #tpu.memory_space<vmem>> -> memref<128xf32, #tpu.memory_space<vmem>>
          %dma_wait3A_712 = arith.constant 0 : i32
          %dma_wait3A_713 = tpu.memref_slice %arg4[%dma_wait3A_699, %dma_wait3A_700, %dma_wait3A_712] : memref<640x32x128xf32, #tpu.memory_space<hbm>> -> memref<1x1x128xf32, #tpu.memory_space<hbm>>
          %dma_wait3A_714 = tpu.memref_squeeze %dma_wait3A_713 : memref<1x1x128xf32, #tpu.memory_space<hbm>> -> memref<128xf32, #tpu.memory_space<hbm>>
          tpu.wait_dma2 semaphore(%arg8 : memref<!tpu.dma_semaphore, #tpu.memory_space<semaphore_mem>>) src(%dma_wait3A_714 : memref<128xf32, #tpu.memory_space<hbm>>) dst(%dma_wait3A_711 : memref<128xf32, #tpu.memory_space<vmem>>)
          %dma_wait3A_715 = arith.constant 0 : i32
          %dma_wait3A_716 = arith.constant 0 : i32
          %dma_wait3A_717 = arith.constant 0 : i32
          %dma_wait3A_718 = arith.constant 0 : i32
          %dma_wait3A_719 = arith.constant 0 : i32
          %dma_wait3A_720 = tpu.memref_slice %arg6[%dma_wait3A_717, %dma_wait3A_718, %dma_wait3A_719] : memref<2x32x128xf32, #tpu.memory_space<vmem>> -> memref<1x1x128xf32, #tpu.memory_space<vmem>>
          %dma_wait3A_721 = tpu.memref_squeeze %dma_wait3A_720 : memref<1x1x128xf32, #tpu.memory_space<vmem>> -> memref<128xf32, #tpu.memory_space<vmem>>
          %dma_wait3A_722 = arith.constant 0 : i32
          %dma_wait3A_723 = tpu.memref_slice %arg4[%dma_wait3A_715, %dma_wait3A_716, %dma_wait3A_722] : memref<640x32x128xf32, #tpu.memory_space<hbm>> -> memref<1x1x128xf32, #tpu.memory_space<hbm>>
          %dma_wait3A_724 = tpu.memref_squeeze %dma_wait3A_723 : memref<1x1x128xf32, #tpu.memory_space<hbm>> -> memref<128xf32, #tpu.memory_space<hbm>>
          %dma_wait3A_725 = arith.constant 0 : i32
          %dma_wait3A_726 = tpu.memref_slice %arg6[%dma_wait3A_717, %dma_wait3A_718, %dma_wait3A_725] : memref<2x32x128xf32, #tpu.memory_space<vmem>> -> memref<1x1x128xf32, #tpu.memory_space<vmem>>
          %dma_wait3A_727 = tpu.memref_squeeze %dma_wait3A_726 : memref<1x1x128xf32, #tpu.memory_space<vmem>> -> memref<128xf32, #tpu.memory_space<vmem>>
          %dma_wait3A_728 = arith.constant 0 : i32
          %dma_wait3A_729 = tpu.memref_slice %arg4[%dma_wait3A_715, %dma_wait3A_716, %dma_wait3A_728] : memref<640x32x128xf32, #tpu.memory_space<hbm>> -> memref<1x1x128xf32, #tpu.memory_space<hbm>>
          %dma_wait3A_730 = tpu.memref_squeeze %dma_wait3A_729 : memref<1x1x128xf32, #tpu.memory_space<hbm>> -> memref<128xf32, #tpu.memory_space<hbm>>
          tpu.wait_dma2 semaphore(%arg8 : memref<!tpu.dma_semaphore, #tpu.memory_space<semaphore_mem>>) src(%dma_wait3A_730 : memref<128xf32, #tpu.memory_space<hbm>>) dst(%dma_wait3A_727 : memref<128xf32, #tpu.memory_space<vmem>>)
          %dma_wait3A_731 = arith.constant 0 : i32
          %dma_wait3A_732 = arith.constant 0 : i32
          %dma_wait3A_733 = arith.constant 0 : i32
          %dma_wait3A_734 = arith.constant 0 : i32
          %dma_wait3A_735 = arith.constant 0 : i32
          %dma_wait3A_736 = tpu.memref_slice %arg6[%dma_wait3A_733, %dma_wait3A_734, %dma_wait3A_735] : memref<2x32x128xf32, #tpu.memory_space<vmem>> -> memref<1x1x128xf32, #tpu.memory_space<vmem>>
          %dma_wait3A_737 = tpu.memref_squeeze %dma_wait3A_736 : memref<1x1x128xf32, #tpu.memory_space<vmem>> -> memref<128xf32, #tpu.memory_space<vmem>>
          %dma_wait3A_738 = arith.constant 0 : i32
          %dma_wait3A_739 = tpu.memref_slice %arg4[%dma_wait3A_731, %dma_wait3A_732, %dma_wait3A_738] : memref<640x32x128xf32, #tpu.memory_space<hbm>> -> memref<1x1x128xf32, #tpu.memory_space<hbm>>
          %dma_wait3A_740 = tpu.memref_squeeze %dma_wait3A_739 : memref<1x1x128xf32, #tpu.memory_space<hbm>> -> memref<128xf32, #tpu.memory_space<hbm>>
          %dma_wait3A_741 = arith.constant 0 : i32
          %dma_wait3A_742 = tpu.memref_slice %arg6[%dma_wait3A_733, %dma_wait3A_734, %dma_wait3A_741] : memref<2x32x128xf32, #tpu.memory_space<vmem>> -> memref<1x1x128xf32, #tpu.memory_space<vmem>>
          %dma_wait3A_743 = tpu.memref_squeeze %dma_wait3A_742 : memref<1x1x128xf32, #tpu.memory_space<vmem>> -> memref<128xf32, #tpu.memory_space<vmem>>
          %dma_wait3A_744 = arith.constant 0 : i32
          %dma_wait3A_745 = tpu.memref_slice %arg4[%dma_wait3A_731, %dma_wait3A_732, %dma_wait3A_744] : memref<640x32x128xf32, #tpu.memory_space<hbm>> -> memref<1x1x128xf32, #tpu.memory_space<hbm>>
          %dma_wait3A_746 = tpu.memref_squeeze %dma_wait3A_745 : memref<1x1x128xf32, #tpu.memory_space<hbm>> -> memref<128xf32, #tpu.memory_space<hbm>>
          tpu.wait_dma2 semaphore(%arg8 : memref<!tpu.dma_semaphore, #tpu.memory_space<semaphore_mem>>) src(%dma_wait3A_746 : memref<128xf32, #tpu.memory_space<hbm>>) dst(%dma_wait3A_743 : memref<128xf32, #tpu.memory_space<vmem>>)
          %dma_wait3A_747 = arith.constant 0 : i32
          %dma_wait3A_748 = arith.constant 0 : i32
          %dma_wait3A_749 = arith.constant 0 : i32
          %dma_wait3A_750 = arith.constant 0 : i32
          %dma_wait3A_751 = arith.constant 0 : i32
          %dma_wait3A_752 = tpu.memref_slice %arg6[%dma_wait3A_749, %dma_wait3A_750, %dma_wait3A_751] : memref<2x32x128xf32, #tpu.memory_space<vmem>> -> memref<1x1x128xf32, #tpu.memory_space<vmem>>
          %dma_wait3A_753 = tpu.memref_squeeze %dma_wait3A_752 : memref<1x1x128xf32, #tpu.memory_space<vmem>> -> memref<128xf32, #tpu.memory_space<vmem>>
          %dma_wait3A_754 = arith.constant 0 : i32
          %dma_wait3A_755 = tpu.memref_slice %arg4[%dma_wait3A_747, %dma_wait3A_748, %dma_wait3A_754] : memref<640x32x128xf32, #tpu.memory_space<hbm>> -> memref<1x1x128xf32, #tpu.memory_space<hbm>>
          %dma_wait3A_756 = tpu.memref_squeeze %dma_wait3A_755 : memref<1x1x128xf32, #tpu.memory_space<hbm>> -> memref<128xf32, #tpu.memory_space<hbm>>
          %dma_wait3A_757 = arith.constant 0 : i32
          %dma_wait3A_758 = tpu.memref_slice %arg6[%dma_wait3A_749, %dma_wait3A_750, %dma_wait3A_757] : memref<2x32x128xf32, #tpu.memory_space<vmem>> -> memref<1x1x128xf32, #tpu.memory_space<vmem>>
          %dma_wait3A_759 = tpu.memref_squeeze %dma_wait3A_758 : memref<1x1x128xf32, #tpu.memory_space<vmem>> -> memref<128xf32, #tpu.memory_space<vmem>>
          %dma_wait3A_760 = arith.constant 0 : i32
          %dma_wait3A_761 = tpu.memref_slice %arg4[%dma_wait3A_747, %dma_wait3A_748, %dma_wait3A_760] : memref<640x32x128xf32, #tpu.memory_space<hbm>> -> memref<1x1x128xf32, #tpu.memory_space<hbm>>
          %dma_wait3A_762 = tpu.memref_squeeze %dma_wait3A_761 : memref<1x1x128xf32, #tpu.memory_space<hbm>> -> memref<128xf32, #tpu.memory_space<hbm>>
          tpu.wait_dma2 semaphore(%arg8 : memref<!tpu.dma_semaphore, #tpu.memory_space<semaphore_mem>>) src(%dma_wait3A_762 : memref<128xf32, #tpu.memory_space<hbm>>) dst(%dma_wait3A_759 : memref<128xf32, #tpu.memory_space<vmem>>)
          %dma_wait3A_763 = arith.constant 0 : i32
          %dma_wait3A_764 = arith.constant 0 : i32
          %dma_wait3A_765 = arith.constant 0 : i32
          %dma_wait3A_766 = arith.constant 0 : i32
          %dma_wait3A_767 = arith.constant 0 : i32
          %dma_wait3A_768 = tpu.memref_slice %arg6[%dma_wait3A_765, %dma_wait3A_766, %dma_wait3A_767] : memref<2x32x128xf32, #tpu.memory_space<vmem>> -> memref<1x1x128xf32, #tpu.memory_space<vmem>>
          %dma_wait3A_769 = tpu.memref_squeeze %dma_wait3A_768 : memref<1x1x128xf32, #tpu.memory_space<vmem>> -> memref<128xf32, #tpu.memory_space<vmem>>
          %dma_wait3A_770 = arith.constant 0 : i32
          %dma_wait3A_771 = tpu.memref_slice %arg4[%dma_wait3A_763, %dma_wait3A_764, %dma_wait3A_770] : memref<640x32x128xf32, #tpu.memory_space<hbm>> -> memref<1x1x128xf32, #tpu.memory_space<hbm>>
          %dma_wait3A_772 = tpu.memref_squeeze %dma_wait3A_771 : memref<1x1x128xf32, #tpu.memory_space<hbm>> -> memref<128xf32, #tpu.memory_space<hbm>>
          %dma_wait3A_773 = arith.constant 0 : i32
          %dma_wait3A_774 = tpu.memref_slice %arg6[%dma_wait3A_765, %dma_wait3A_766, %dma_wait3A_773] : memref<2x32x128xf32, #tpu.memory_space<vmem>> -> memref<1x1x128xf32, #tpu.memory_space<vmem>>
          %dma_wait3A_775 = tpu.memref_squeeze %dma_wait3A_774 : memref<1x1x128xf32, #tpu.memory_space<vmem>> -> memref<128xf32, #tpu.memory_space<vmem>>
          %dma_wait3A_776 = arith.constant 0 : i32
          %dma_wait3A_777 = tpu.memref_slice %arg4[%dma_wait3A_763, %dma_wait3A_764, %dma_wait3A_776] : memref<640x32x128xf32, #tpu.memory_space<hbm>> -> memref<1x1x128xf32, #tpu.memory_space<hbm>>
          %dma_wait3A_778 = tpu.memref_squeeze %dma_wait3A_777 : memref<1x1x128xf32, #tpu.memory_space<hbm>> -> memref<128xf32, #tpu.memory_space<hbm>>
          tpu.wait_dma2 semaphore(%arg8 : memref<!tpu.dma_semaphore, #tpu.memory_space<semaphore_mem>>) src(%dma_wait3A_778 : memref<128xf32, #tpu.memory_space<hbm>>) dst(%dma_wait3A_775 : memref<128xf32, #tpu.memory_space<vmem>>)
          %dma_wait3A_779 = arith.constant 0 : i32
          %dma_wait3A_780 = arith.constant 0 : i32
          %dma_wait3A_781 = arith.constant 0 : i32
          %dma_wait3A_782 = arith.constant 0 : i32
          %dma_wait3A_783 = arith.constant 0 : i32
          %dma_wait3A_784 = tpu.memref_slice %arg6[%dma_wait3A_781, %dma_wait3A_782, %dma_wait3A_783] : memref<2x32x128xf32, #tpu.memory_space<vmem>> -> memref<1x1x128xf32, #tpu.memory_space<vmem>>
          %dma_wait3A_785 = tpu.memref_squeeze %dma_wait3A_784 : memref<1x1x128xf32, #tpu.memory_space<vmem>> -> memref<128xf32, #tpu.memory_space<vmem>>
          %dma_wait3A_786 = arith.constant 0 : i32
          %dma_wait3A_787 = tpu.memref_slice %arg4[%dma_wait3A_779, %dma_wait3A_780, %dma_wait3A_786] : memref<640x32x128xf32, #tpu.memory_space<hbm>> -> memref<1x1x128xf32, #tpu.memory_space<hbm>>
          %dma_wait3A_788 = tpu.memref_squeeze %dma_wait3A_787 : memref<1x1x128xf32, #tpu.memory_space<hbm>> -> memref<128xf32, #tpu.memory_space<hbm>>
          %dma_wait3A_789 = arith.constant 0 : i32
          %dma_wait3A_790 = tpu.memref_slice %arg6[%dma_wait3A_781, %dma_wait3A_782, %dma_wait3A_789] : memref<2x32x128xf32, #tpu.memory_space<vmem>> -> memref<1x1x128xf32, #tpu.memory_space<vmem>>
          %dma_wait3A_791 = tpu.memref_squeeze %dma_wait3A_790 : memref<1x1x128xf32, #tpu.memory_space<vmem>> -> memref<128xf32, #tpu.memory_space<vmem>>
          %dma_wait3A_792 = arith.constant 0 : i32
          %dma_wait3A_793 = tpu.memref_slice %arg4[%dma_wait3A_779, %dma_wait3A_780, %dma_wait3A_792] : memref<640x32x128xf32, #tpu.memory_space<hbm>> -> memref<1x1x128xf32, #tpu.memory_space<hbm>>
          %dma_wait3A_794 = tpu.memref_squeeze %dma_wait3A_793 : memref<1x1x128xf32, #tpu.memory_space<hbm>> -> memref<128xf32, #tpu.memory_space<hbm>>
          tpu.wait_dma2 semaphore(%arg8 : memref<!tpu.dma_semaphore, #tpu.memory_space<semaphore_mem>>) src(%dma_wait3A_794 : memref<128xf32, #tpu.memory_space<hbm>>) dst(%dma_wait3A_791 : memref<128xf32, #tpu.memory_space<vmem>>)
          %dma_wait3A_795 = arith.constant 0 : i32
          %dma_wait3A_796 = arith.constant 0 : i32
          %dma_wait3A_797 = arith.constant 0 : i32
          %dma_wait3A_798 = arith.constant 0 : i32
          %dma_wait3A_799 = arith.constant 0 : i32
          %dma_wait3A_800 = tpu.memref_slice %arg6[%dma_wait3A_797, %dma_wait3A_798, %dma_wait3A_799] : memref<2x32x128xf32, #tpu.memory_space<vmem>> -> memref<1x1x128xf32, #tpu.memory_space<vmem>>
          %dma_wait3A_801 = tpu.memref_squeeze %dma_wait3A_800 : memref<1x1x128xf32, #tpu.memory_space<vmem>> -> memref<128xf32, #tpu.memory_space<vmem>>
          %dma_wait3A_802 = arith.constant 0 : i32
          %dma_wait3A_803 = tpu.memref_slice %arg4[%dma_wait3A_795, %dma_wait3A_796, %dma_wait3A_802] : memref<640x32x128xf32, #tpu.memory_space<hbm>> -> memref<1x1x128xf32, #tpu.memory_space<hbm>>
          %dma_wait3A_804 = tpu.memref_squeeze %dma_wait3A_803 : memref<1x1x128xf32, #tpu.memory_space<hbm>> -> memref<128xf32, #tpu.memory_space<hbm>>
          %dma_wait3A_805 = arith.constant 0 : i32
          %dma_wait3A_806 = tpu.memref_slice %arg6[%dma_wait3A_797, %dma_wait3A_798, %dma_wait3A_805] : memref<2x32x128xf32, #tpu.memory_space<vmem>> -> memref<1x1x128xf32, #tpu.memory_space<vmem>>
          %dma_wait3A_807 = tpu.memref_squeeze %dma_wait3A_806 : memref<1x1x128xf32, #tpu.memory_space<vmem>> -> memref<128xf32, #tpu.memory_space<vmem>>
          %dma_wait3A_808 = arith.constant 0 : i32
          %dma_wait3A_809 = tpu.memref_slice %arg4[%dma_wait3A_795, %dma_wait3A_796, %dma_wait3A_808] : memref<640x32x128xf32, #tpu.memory_space<hbm>> -> memref<1x1x128xf32, #tpu.memory_space<hbm>>
          %dma_wait3A_810 = tpu.memref_squeeze %dma_wait3A_809 : memref<1x1x128xf32, #tpu.memory_space<hbm>> -> memref<128xf32, #tpu.memory_space<hbm>>
          tpu.wait_dma2 semaphore(%arg8 : memref<!tpu.dma_semaphore, #tpu.memory_space<semaphore_mem>>) src(%dma_wait3A_810 : memref<128xf32, #tpu.memory_space<hbm>>) dst(%dma_wait3A_807 : memref<128xf32, #tpu.memory_space<vmem>>)
          %dma_wait3A_811 = arith.constant 0 : i32
          %dma_wait3A_812 = arith.constant 0 : i32
          %dma_wait3A_813 = arith.constant 0 : i32
          %dma_wait3A_814 = arith.constant 0 : i32
          %dma_wait3A_815 = arith.constant 0 : i32
          %dma_wait3A_816 = tpu.memref_slice %arg6[%dma_wait3A_813, %dma_wait3A_814, %dma_wait3A_815] : memref<2x32x128xf32, #tpu.memory_space<vmem>> -> memref<1x1x128xf32, #tpu.memory_space<vmem>>
          %dma_wait3A_817 = tpu.memref_squeeze %dma_wait3A_816 : memref<1x1x128xf32, #tpu.memory_space<vmem>> -> memref<128xf32, #tpu.memory_space<vmem>>
          %dma_wait3A_818 = arith.constant 0 : i32
          %dma_wait3A_819 = tpu.memref_slice %arg4[%dma_wait3A_811, %dma_wait3A_812, %dma_wait3A_818] : memref<640x32x128xf32, #tpu.memory_space<hbm>> -> memref<1x1x128xf32, #tpu.memory_space<hbm>>
          %dma_wait3A_820 = tpu.memref_squeeze %dma_wait3A_819 : memref<1x1x128xf32, #tpu.memory_space<hbm>> -> memref<128xf32, #tpu.memory_space<hbm>>
          %dma_wait3A_821 = arith.constant 0 : i32
          %dma_wait3A_822 = tpu.memref_slice %arg6[%dma_wait3A_813, %dma_wait3A_814, %dma_wait3A_821] : memref<2x32x128xf32, #tpu.memory_space<vmem>> -> memref<1x1x128xf32, #tpu.memory_space<vmem>>
          %dma_wait3A_823 = tpu.memref_squeeze %dma_wait3A_822 : memref<1x1x128xf32, #tpu.memory_space<vmem>> -> memref<128xf32, #tpu.memory_space<vmem>>
          %dma_wait3A_824 = arith.constant 0 : i32
          %dma_wait3A_825 = tpu.memref_slice %arg4[%dma_wait3A_811, %dma_wait3A_812, %dma_wait3A_824] : memref<640x32x128xf32, #tpu.memory_space<hbm>> -> memref<1x1x128xf32, #tpu.memory_space<hbm>>
          %dma_wait3A_826 = tpu.memref_squeeze %dma_wait3A_825 : memref<1x1x128xf32, #tpu.memory_space<hbm>> -> memref<128xf32, #tpu.memory_space<hbm>>
          tpu.wait_dma2 semaphore(%arg8 : memref<!tpu.dma_semaphore, #tpu.memory_space<semaphore_mem>>) src(%dma_wait3A_826 : memref<128xf32, #tpu.memory_space<hbm>>) dst(%dma_wait3A_823 : memref<128xf32, #tpu.memory_space<vmem>>)
          %dma_wait3A_827 = arith.constant 0 : i32
          %dma_wait3A_828 = arith.constant 0 : i32
          %dma_wait3A_829 = arith.constant 0 : i32
          %dma_wait3A_830 = arith.constant 0 : i32
          %dma_wait3A_831 = arith.constant 0 : i32
          %dma_wait3A_832 = tpu.memref_slice %arg6[%dma_wait3A_829, %dma_wait3A_830, %dma_wait3A_831] : memref<2x32x128xf32, #tpu.memory_space<vmem>> -> memref<1x1x128xf32, #tpu.memory_space<vmem>>
          %dma_wait3A_833 = tpu.memref_squeeze %dma_wait3A_832 : memref<1x1x128xf32, #tpu.memory_space<vmem>> -> memref<128xf32, #tpu.memory_space<vmem>>
          %dma_wait3A_834 = arith.constant 0 : i32
          %dma_wait3A_835 = tpu.memref_slice %arg4[%dma_wait3A_827, %dma_wait3A_828, %dma_wait3A_834] : memref<640x32x128xf32, #tpu.memory_space<hbm>> -> memref<1x1x128xf32, #tpu.memory_space<hbm>>
          %dma_wait3A_836 = tpu.memref_squeeze %dma_wait3A_835 : memref<1x1x128xf32, #tpu.memory_space<hbm>> -> memref<128xf32, #tpu.memory_space<hbm>>
          %dma_wait3A_837 = arith.constant 0 : i32
          %dma_wait3A_838 = tpu.memref_slice %arg6[%dma_wait3A_829, %dma_wait3A_830, %dma_wait3A_837] : memref<2x32x128xf32, #tpu.memory_space<vmem>> -> memref<1x1x128xf32, #tpu.memory_space<vmem>>
          %dma_wait3A_839 = tpu.memref_squeeze %dma_wait3A_838 : memref<1x1x128xf32, #tpu.memory_space<vmem>> -> memref<128xf32, #tpu.memory_space<vmem>>
          %dma_wait3A_840 = arith.constant 0 : i32
          %dma_wait3A_841 = tpu.memref_slice %arg4[%dma_wait3A_827, %dma_wait3A_828, %dma_wait3A_840] : memref<640x32x128xf32, #tpu.memory_space<hbm>> -> memref<1x1x128xf32, #tpu.memory_space<hbm>>
          %dma_wait3A_842 = tpu.memref_squeeze %dma_wait3A_841 : memref<1x1x128xf32, #tpu.memory_space<hbm>> -> memref<128xf32, #tpu.memory_space<hbm>>
          tpu.wait_dma2 semaphore(%arg8 : memref<!tpu.dma_semaphore, #tpu.memory_space<semaphore_mem>>) src(%dma_wait3A_842 : memref<128xf32, #tpu.memory_space<hbm>>) dst(%dma_wait3A_839 : memref<128xf32, #tpu.memory_space<vmem>>)
          %dma_wait3A_843 = arith.constant 0 : i32
          %dma_wait3A_844 = arith.constant 0 : i32
          %dma_wait3A_845 = arith.constant 0 : i32
          %dma_wait3A_846 = arith.constant 0 : i32
          %dma_wait3A_847 = arith.constant 0 : i32
          %dma_wait3A_848 = tpu.memref_slice %arg6[%dma_wait3A_845, %dma_wait3A_846, %dma_wait3A_847] : memref<2x32x128xf32, #tpu.memory_space<vmem>> -> memref<1x1x128xf32, #tpu.memory_space<vmem>>
          %dma_wait3A_849 = tpu.memref_squeeze %dma_wait3A_848 : memref<1x1x128xf32, #tpu.memory_space<vmem>> -> memref<128xf32, #tpu.memory_space<vmem>>
          %dma_wait3A_850 = arith.constant 0 : i32
          %dma_wait3A_851 = tpu.memref_slice %arg4[%dma_wait3A_843, %dma_wait3A_844, %dma_wait3A_850] : memref<640x32x128xf32, #tpu.memory_space<hbm>> -> memref<1x1x128xf32, #tpu.memory_space<hbm>>
          %dma_wait3A_852 = tpu.memref_squeeze %dma_wait3A_851 : memref<1x1x128xf32, #tpu.memory_space<hbm>> -> memref<128xf32, #tpu.memory_space<hbm>>
          %dma_wait3A_853 = arith.constant 0 : i32
          %dma_wait3A_854 = tpu.memref_slice %arg6[%dma_wait3A_845, %dma_wait3A_846, %dma_wait3A_853] : memref<2x32x128xf32, #tpu.memory_space<vmem>> -> memref<1x1x128xf32, #tpu.memory_space<vmem>>
          %dma_wait3A_855 = tpu.memref_squeeze %dma_wait3A_854 : memref<1x1x128xf32, #tpu.memory_space<vmem>> -> memref<128xf32, #tpu.memory_space<vmem>>
          %dma_wait3A_856 = arith.constant 0 : i32
          %dma_wait3A_857 = tpu.memref_slice %arg4[%dma_wait3A_843, %dma_wait3A_844, %dma_wait3A_856] : memref<640x32x128xf32, #tpu.memory_space<hbm>> -> memref<1x1x128xf32, #tpu.memory_space<hbm>>
          %dma_wait3A_858 = tpu.memref_squeeze %dma_wait3A_857 : memref<1x1x128xf32, #tpu.memory_space<hbm>> -> memref<128xf32, #tpu.memory_space<hbm>>
          tpu.wait_dma2 semaphore(%arg8 : memref<!tpu.dma_semaphore, #tpu.memory_space<semaphore_mem>>) src(%dma_wait3A_858 : memref<128xf32, #tpu.memory_space<hbm>>) dst(%dma_wait3A_855 : memref<128xf32, #tpu.memory_space<vmem>>)
          %dma_wait3A_859 = arith.constant 0 : i32
          %dma_wait3A_860 = arith.constant 0 : i32
          %dma_wait3A_861 = arith.constant 0 : i32
          %dma_wait3A_862 = arith.constant 0 : i32
          %dma_wait3A_863 = arith.constant 0 : i32
          %dma_wait3A_864 = tpu.memref_slice %arg6[%dma_wait3A_861, %dma_wait3A_862, %dma_wait3A_863] : memref<2x32x128xf32, #tpu.memory_space<vmem>> -> memref<1x1x128xf32, #tpu.memory_space<vmem>>
          %dma_wait3A_865 = tpu.memref_squeeze %dma_wait3A_864 : memref<1x1x128xf32, #tpu.memory_space<vmem>> -> memref<128xf32, #tpu.memory_space<vmem>>
          %dma_wait3A_866 = arith.constant 0 : i32
          %dma_wait3A_867 = tpu.memref_slice %arg4[%dma_wait3A_859, %dma_wait3A_860, %dma_wait3A_866] : memref<640x32x128xf32, #tpu.memory_space<hbm>> -> memref<1x1x128xf32, #tpu.memory_space<hbm>>
          %dma_wait3A_868 = tpu.memref_squeeze %dma_wait3A_867 : memref<1x1x128xf32, #tpu.memory_space<hbm>> -> memref<128xf32, #tpu.memory_space<hbm>>
          %dma_wait3A_869 = arith.constant 0 : i32
          %dma_wait3A_870 = tpu.memref_slice %arg6[%dma_wait3A_861, %dma_wait3A_862, %dma_wait3A_869] : memref<2x32x128xf32, #tpu.memory_space<vmem>> -> memref<1x1x128xf32, #tpu.memory_space<vmem>>
          %dma_wait3A_871 = tpu.memref_squeeze %dma_wait3A_870 : memref<1x1x128xf32, #tpu.memory_space<vmem>> -> memref<128xf32, #tpu.memory_space<vmem>>
          %dma_wait3A_872 = arith.constant 0 : i32
          %dma_wait3A_873 = tpu.memref_slice %arg4[%dma_wait3A_859, %dma_wait3A_860, %dma_wait3A_872] : memref<640x32x128xf32, #tpu.memory_space<hbm>> -> memref<1x1x128xf32, #tpu.memory_space<hbm>>
          %dma_wait3A_874 = tpu.memref_squeeze %dma_wait3A_873 : memref<1x1x128xf32, #tpu.memory_space<hbm>> -> memref<128xf32, #tpu.memory_space<hbm>>
          tpu.wait_dma2 semaphore(%arg8 : memref<!tpu.dma_semaphore, #tpu.memory_space<semaphore_mem>>) src(%dma_wait3A_874 : memref<128xf32, #tpu.memory_space<hbm>>) dst(%dma_wait3A_871 : memref<128xf32, #tpu.memory_space<vmem>>)
          %dma_wait3A_875 = arith.constant 0 : i32
          %dma_wait3A_876 = arith.constant 0 : i32
          %dma_wait3A_877 = arith.constant 0 : i32
          %dma_wait3A_878 = arith.constant 0 : i32
          %dma_wait3A_879 = arith.constant 0 : i32
          %dma_wait3A_880 = tpu.memref_slice %arg6[%dma_wait3A_877, %dma_wait3A_878, %dma_wait3A_879] : memref<2x32x128xf32, #tpu.memory_space<vmem>> -> memref<1x1x128xf32, #tpu.memory_space<vmem>>
          %dma_wait3A_881 = tpu.memref_squeeze %dma_wait3A_880 : memref<1x1x128xf32, #tpu.memory_space<vmem>> -> memref<128xf32, #tpu.memory_space<vmem>>
          %dma_wait3A_882 = arith.constant 0 : i32
          %dma_wait3A_883 = tpu.memref_slice %arg4[%dma_wait3A_875, %dma_wait3A_876, %dma_wait3A_882] : memref<640x32x128xf32, #tpu.memory_space<hbm>> -> memref<1x1x128xf32, #tpu.memory_space<hbm>>
          %dma_wait3A_884 = tpu.memref_squeeze %dma_wait3A_883 : memref<1x1x128xf32, #tpu.memory_space<hbm>> -> memref<128xf32, #tpu.memory_space<hbm>>
          %dma_wait3A_885 = arith.constant 0 : i32
          %dma_wait3A_886 = tpu.memref_slice %arg6[%dma_wait3A_877, %dma_wait3A_878, %dma_wait3A_885] : memref<2x32x128xf32, #tpu.memory_space<vmem>> -> memref<1x1x128xf32, #tpu.memory_space<vmem>>
          %dma_wait3A_887 = tpu.memref_squeeze %dma_wait3A_886 : memref<1x1x128xf32, #tpu.memory_space<vmem>> -> memref<128xf32, #tpu.memory_space<vmem>>
          %dma_wait3A_888 = arith.constant 0 : i32
          %dma_wait3A_889 = tpu.memref_slice %arg4[%dma_wait3A_875, %dma_wait3A_876, %dma_wait3A_888] : memref<640x32x128xf32, #tpu.memory_space<hbm>> -> memref<1x1x128xf32, #tpu.memory_space<hbm>>
          %dma_wait3A_890 = tpu.memref_squeeze %dma_wait3A_889 : memref<1x1x128xf32, #tpu.memory_space<hbm>> -> memref<128xf32, #tpu.memory_space<hbm>>
          tpu.wait_dma2 semaphore(%arg8 : memref<!tpu.dma_semaphore, #tpu.memory_space<semaphore_mem>>) src(%dma_wait3A_890 : memref<128xf32, #tpu.memory_space<hbm>>) dst(%dma_wait3A_887 : memref<128xf32, #tpu.memory_space<vmem>>)
          %dma_wait3A_891 = arith.constant 0 : i32
          %dma_wait3A_892 = arith.constant 0 : i32
          %dma_wait3A_893 = arith.constant 0 : i32
          %dma_wait3A_894 = arith.constant 0 : i32
          %dma_wait3A_895 = arith.constant 0 : i32
          %dma_wait3A_896 = tpu.memref_slice %arg6[%dma_wait3A_893, %dma_wait3A_894, %dma_wait3A_895] : memref<2x32x128xf32, #tpu.memory_space<vmem>> -> memref<1x1x128xf32, #tpu.memory_space<vmem>>
          %dma_wait3A_897 = tpu.memref_squeeze %dma_wait3A_896 : memref<1x1x128xf32, #tpu.memory_space<vmem>> -> memref<128xf32, #tpu.memory_space<vmem>>
          %dma_wait3A_898 = arith.constant 0 : i32
          %dma_wait3A_899 = tpu.memref_slice %arg4[%dma_wait3A_891, %dma_wait3A_892, %dma_wait3A_898] : memref<640x32x128xf32, #tpu.memory_space<hbm>> -> memref<1x1x128xf32, #tpu.memory_space<hbm>>
          %dma_wait3A_900 = tpu.memref_squeeze %dma_wait3A_899 : memref<1x1x128xf32, #tpu.memory_space<hbm>> -> memref<128xf32, #tpu.memory_space<hbm>>
          %dma_wait3A_901 = arith.constant 0 : i32
          %dma_wait3A_902 = tpu.memref_slice %arg6[%dma_wait3A_893, %dma_wait3A_894, %dma_wait3A_901] : memref<2x32x128xf32, #tpu.memory_space<vmem>> -> memref<1x1x128xf32, #tpu.memory_space<vmem>>
          %dma_wait3A_903 = tpu.memref_squeeze %dma_wait3A_902 : memref<1x1x128xf32, #tpu.memory_space<vmem>> -> memref<128xf32, #tpu.memory_space<vmem>>
          %dma_wait3A_904 = arith.constant 0 : i32
          %dma_wait3A_905 = tpu.memref_slice %arg4[%dma_wait3A_891, %dma_wait3A_892, %dma_wait3A_904] : memref<640x32x128xf32, #tpu.memory_space<hbm>> -> memref<1x1x128xf32, #tpu.memory_space<hbm>>
          %dma_wait3A_906 = tpu.memref_squeeze %dma_wait3A_905 : memref<1x1x128xf32, #tpu.memory_space<hbm>> -> memref<128xf32, #tpu.memory_space<hbm>>
          tpu.wait_dma2 semaphore(%arg8 : memref<!tpu.dma_semaphore, #tpu.memory_space<semaphore_mem>>) src(%dma_wait3A_906 : memref<128xf32, #tpu.memory_space<hbm>>) dst(%dma_wait3A_903 : memref<128xf32, #tpu.memory_space<vmem>>)
          %dma_wait3A_907 = arith.constant 0 : i32
          %dma_wait3A_908 = arith.constant 0 : i32
          %dma_wait3A_909 = arith.constant 0 : i32
          %dma_wait3A_910 = arith.constant 0 : i32
          %dma_wait3A_911 = arith.constant 0 : i32
          %dma_wait3A_912 = tpu.memref_slice %arg6[%dma_wait3A_909, %dma_wait3A_910, %dma_wait3A_911] : memref<2x32x128xf32, #tpu.memory_space<vmem>> -> memref<1x1x128xf32, #tpu.memory_space<vmem>>
          %dma_wait3A_913 = tpu.memref_squeeze %dma_wait3A_912 : memref<1x1x128xf32, #tpu.memory_space<vmem>> -> memref<128xf32, #tpu.memory_space<vmem>>
          %dma_wait3A_914 = arith.constant 0 : i32
          %dma_wait3A_915 = tpu.memref_slice %arg4[%dma_wait3A_907, %dma_wait3A_908, %dma_wait3A_914] : memref<640x32x128xf32, #tpu.memory_space<hbm>> -> memref<1x1x128xf32, #tpu.memory_space<hbm>>
          %dma_wait3A_916 = tpu.memref_squeeze %dma_wait3A_915 : memref<1x1x128xf32, #tpu.memory_space<hbm>> -> memref<128xf32, #tpu.memory_space<hbm>>
          %dma_wait3A_917 = arith.constant 0 : i32
          %dma_wait3A_918 = tpu.memref_slice %arg6[%dma_wait3A_909, %dma_wait3A_910, %dma_wait3A_917] : memref<2x32x128xf32, #tpu.memory_space<vmem>> -> memref<1x1x128xf32, #tpu.memory_space<vmem>>
          %dma_wait3A_919 = tpu.memref_squeeze %dma_wait3A_918 : memref<1x1x128xf32, #tpu.memory_space<vmem>> -> memref<128xf32, #tpu.memory_space<vmem>>
          %dma_wait3A_920 = arith.constant 0 : i32
          %dma_wait3A_921 = tpu.memref_slice %arg4[%dma_wait3A_907, %dma_wait3A_908, %dma_wait3A_920] : memref<640x32x128xf32, #tpu.memory_space<hbm>> -> memref<1x1x128xf32, #tpu.memory_space<hbm>>
          %dma_wait3A_922 = tpu.memref_squeeze %dma_wait3A_921 : memref<1x1x128xf32, #tpu.memory_space<hbm>> -> memref<128xf32, #tpu.memory_space<hbm>>
          tpu.wait_dma2 semaphore(%arg8 : memref<!tpu.dma_semaphore, #tpu.memory_space<semaphore_mem>>) src(%dma_wait3A_922 : memref<128xf32, #tpu.memory_space<hbm>>) dst(%dma_wait3A_919 : memref<128xf32, #tpu.memory_space<vmem>>)
          %dma_wait3A_923 = arith.constant 0 : i32
          %dma_wait3A_924 = arith.constant 0 : i32
          %dma_wait3A_925 = arith.constant 0 : i32
          %dma_wait3A_926 = arith.constant 0 : i32
          %dma_wait3A_927 = arith.constant 0 : i32
          %dma_wait3A_928 = tpu.memref_slice %arg6[%dma_wait3A_925, %dma_wait3A_926, %dma_wait3A_927] : memref<2x32x128xf32, #tpu.memory_space<vmem>> -> memref<1x1x128xf32, #tpu.memory_space<vmem>>
          %dma_wait3A_929 = tpu.memref_squeeze %dma_wait3A_928 : memref<1x1x128xf32, #tpu.memory_space<vmem>> -> memref<128xf32, #tpu.memory_space<vmem>>
          %dma_wait3A_930 = arith.constant 0 : i32
          %dma_wait3A_931 = tpu.memref_slice %arg4[%dma_wait3A_923, %dma_wait3A_924, %dma_wait3A_930] : memref<640x32x128xf32, #tpu.memory_space<hbm>> -> memref<1x1x128xf32, #tpu.memory_space<hbm>>
          %dma_wait3A_932 = tpu.memref_squeeze %dma_wait3A_931 : memref<1x1x128xf32, #tpu.memory_space<hbm>> -> memref<128xf32, #tpu.memory_space<hbm>>
          %dma_wait3A_933 = arith.constant 0 : i32
          %dma_wait3A_934 = tpu.memref_slice %arg6[%dma_wait3A_925, %dma_wait3A_926, %dma_wait3A_933] : memref<2x32x128xf32, #tpu.memory_space<vmem>> -> memref<1x1x128xf32, #tpu.memory_space<vmem>>
          %dma_wait3A_935 = tpu.memref_squeeze %dma_wait3A_934 : memref<1x1x128xf32, #tpu.memory_space<vmem>> -> memref<128xf32, #tpu.memory_space<vmem>>
          %dma_wait3A_936 = arith.constant 0 : i32
          %dma_wait3A_937 = tpu.memref_slice %arg4[%dma_wait3A_923, %dma_wait3A_924, %dma_wait3A_936] : memref<640x32x128xf32, #tpu.memory_space<hbm>> -> memref<1x1x128xf32, #tpu.memory_space<hbm>>
          %dma_wait3A_938 = tpu.memref_squeeze %dma_wait3A_937 : memref<1x1x128xf32, #tpu.memory_space<hbm>> -> memref<128xf32, #tpu.memory_space<hbm>>
          tpu.wait_dma2 semaphore(%arg8 : memref<!tpu.dma_semaphore, #tpu.memory_space<semaphore_mem>>) src(%dma_wait3A_938 : memref<128xf32, #tpu.memory_space<hbm>>) dst(%dma_wait3A_935 : memref<128xf32, #tpu.memory_space<vmem>>)
          %dma_wait3A_939 = arith.constant 0 : i32
          %dma_wait3A_940 = arith.constant 0 : i32
          %dma_wait3A_941 = arith.constant 0 : i32
          %dma_wait3A_942 = arith.constant 0 : i32
          %dma_wait3A_943 = arith.constant 0 : i32
          %dma_wait3A_944 = tpu.memref_slice %arg6[%dma_wait3A_941, %dma_wait3A_942, %dma_wait3A_943] : memref<2x32x128xf32, #tpu.memory_space<vmem>> -> memref<1x1x128xf32, #tpu.memory_space<vmem>>
          %dma_wait3A_945 = tpu.memref_squeeze %dma_wait3A_944 : memref<1x1x128xf32, #tpu.memory_space<vmem>> -> memref<128xf32, #tpu.memory_space<vmem>>
          %dma_wait3A_946 = arith.constant 0 : i32
          %dma_wait3A_947 = tpu.memref_slice %arg4[%dma_wait3A_939, %dma_wait3A_940, %dma_wait3A_946] : memref<640x32x128xf32, #tpu.memory_space<hbm>> -> memref<1x1x128xf32, #tpu.memory_space<hbm>>
          %dma_wait3A_948 = tpu.memref_squeeze %dma_wait3A_947 : memref<1x1x128xf32, #tpu.memory_space<hbm>> -> memref<128xf32, #tpu.memory_space<hbm>>
          %dma_wait3A_949 = arith.constant 0 : i32
          %dma_wait3A_950 = tpu.memref_slice %arg6[%dma_wait3A_941, %dma_wait3A_942, %dma_wait3A_949] : memref<2x32x128xf32, #tpu.memory_space<vmem>> -> memref<1x1x128xf32, #tpu.memory_space<vmem>>
          %dma_wait3A_951 = tpu.memref_squeeze %dma_wait3A_950 : memref<1x1x128xf32, #tpu.memory_space<vmem>> -> memref<128xf32, #tpu.memory_space<vmem>>
          %dma_wait3A_952 = arith.constant 0 : i32
          %dma_wait3A_953 = tpu.memref_slice %arg4[%dma_wait3A_939, %dma_wait3A_940, %dma_wait3A_952] : memref<640x32x128xf32, #tpu.memory_space<hbm>> -> memref<1x1x128xf32, #tpu.memory_space<hbm>>
          %dma_wait3A_954 = tpu.memref_squeeze %dma_wait3A_953 : memref<1x1x128xf32, #tpu.memory_space<hbm>> -> memref<128xf32, #tpu.memory_space<hbm>>
          tpu.wait_dma2 semaphore(%arg8 : memref<!tpu.dma_semaphore, #tpu.memory_space<semaphore_mem>>) src(%dma_wait3A_954 : memref<128xf32, #tpu.memory_space<hbm>>) dst(%dma_wait3A_951 : memref<128xf32, #tpu.memory_space<vmem>>)
          %dma_wait3A_955 = arith.constant 0 : i32
          %dma_wait3A_956 = arith.constant 0 : i32
          %dma_wait3A_957 = arith.constant 0 : i32
          %dma_wait3A_958 = arith.constant 0 : i32
          %dma_wait3A_959 = arith.constant 0 : i32
          %dma_wait3A_960 = tpu.memref_slice %arg6[%dma_wait3A_957, %dma_wait3A_958, %dma_wait3A_959] : memref<2x32x128xf32, #tpu.memory_space<vmem>> -> memref<1x1x128xf32, #tpu.memory_space<vmem>>
          %dma_wait3A_961 = tpu.memref_squeeze %dma_wait3A_960 : memref<1x1x128xf32, #tpu.memory_space<vmem>> -> memref<128xf32, #tpu.memory_space<vmem>>
          %dma_wait3A_962 = arith.constant 0 : i32
          %dma_wait3A_963 = tpu.memref_slice %arg4[%dma_wait3A_955, %dma_wait3A_956, %dma_wait3A_962] : memref<640x32x128xf32, #tpu.memory_space<hbm>> -> memref<1x1x128xf32, #tpu.memory_space<hbm>>
          %dma_wait3A_964 = tpu.memref_squeeze %dma_wait3A_963 : memref<1x1x128xf32, #tpu.memory_space<hbm>> -> memref<128xf32, #tpu.memory_space<hbm>>
          %dma_wait3A_965 = arith.constant 0 : i32
          %dma_wait3A_966 = tpu.memref_slice %arg6[%dma_wait3A_957, %dma_wait3A_958, %dma_wait3A_965] : memref<2x32x128xf32, #tpu.memory_space<vmem>> -> memref<1x1x128xf32, #tpu.memory_space<vmem>>
          %dma_wait3A_967 = tpu.memref_squeeze %dma_wait3A_966 : memref<1x1x128xf32, #tpu.memory_space<vmem>> -> memref<128xf32, #tpu.memory_space<vmem>>
          %dma_wait3A_968 = arith.constant 0 : i32
          %dma_wait3A_969 = tpu.memref_slice %arg4[%dma_wait3A_955, %dma_wait3A_956, %dma_wait3A_968] : memref<640x32x128xf32, #tpu.memory_space<hbm>> -> memref<1x1x128xf32, #tpu.memory_space<hbm>>
          %dma_wait3A_970 = tpu.memref_squeeze %dma_wait3A_969 : memref<1x1x128xf32, #tpu.memory_space<hbm>> -> memref<128xf32, #tpu.memory_space<hbm>>
          tpu.wait_dma2 semaphore(%arg8 : memref<!tpu.dma_semaphore, #tpu.memory_space<semaphore_mem>>) src(%dma_wait3A_970 : memref<128xf32, #tpu.memory_space<hbm>>) dst(%dma_wait3A_967 : memref<128xf32, #tpu.memory_space<vmem>>)
          %dma_wait3A_971 = arith.constant 0 : i32
          %dma_wait3A_972 = arith.constant 0 : i32
          %dma_wait3A_973 = arith.constant 0 : i32
          %dma_wait3A_974 = arith.constant 0 : i32
          %dma_wait3A_975 = arith.constant 0 : i32
          %dma_wait3A_976 = tpu.memref_slice %arg6[%dma_wait3A_973, %dma_wait3A_974, %dma_wait3A_975] : memref<2x32x128xf32, #tpu.memory_space<vmem>> -> memref<1x1x128xf32, #tpu.memory_space<vmem>>
          %dma_wait3A_977 = tpu.memref_squeeze %dma_wait3A_976 : memref<1x1x128xf32, #tpu.memory_space<vmem>> -> memref<128xf32, #tpu.memory_space<vmem>>
          %dma_wait3A_978 = arith.constant 0 : i32
          %dma_wait3A_979 = tpu.memref_slice %arg4[%dma_wait3A_971, %dma_wait3A_972, %dma_wait3A_978] : memref<640x32x128xf32, #tpu.memory_space<hbm>> -> memref<1x1x128xf32, #tpu.memory_space<hbm>>
          %dma_wait3A_980 = tpu.memref_squeeze %dma_wait3A_979 : memref<1x1x128xf32, #tpu.memory_space<hbm>> -> memref<128xf32, #tpu.memory_space<hbm>>
          %dma_wait3A_981 = arith.constant 0 : i32
          %dma_wait3A_982 = tpu.memref_slice %arg6[%dma_wait3A_973, %dma_wait3A_974, %dma_wait3A_981] : memref<2x32x128xf32, #tpu.memory_space<vmem>> -> memref<1x1x128xf32, #tpu.memory_space<vmem>>
          %dma_wait3A_983 = tpu.memref_squeeze %dma_wait3A_982 : memref<1x1x128xf32, #tpu.memory_space<vmem>> -> memref<128xf32, #tpu.memory_space<vmem>>
          %dma_wait3A_984 = arith.constant 0 : i32
          %dma_wait3A_985 = tpu.memref_slice %arg4[%dma_wait3A_971, %dma_wait3A_972, %dma_wait3A_984] : memref<640x32x128xf32, #tpu.memory_space<hbm>> -> memref<1x1x128xf32, #tpu.memory_space<hbm>>
          %dma_wait3A_986 = tpu.memref_squeeze %dma_wait3A_985 : memref<1x1x128xf32, #tpu.memory_space<hbm>> -> memref<128xf32, #tpu.memory_space<hbm>>
          tpu.wait_dma2 semaphore(%arg8 : memref<!tpu.dma_semaphore, #tpu.memory_space<semaphore_mem>>) src(%dma_wait3A_986 : memref<128xf32, #tpu.memory_space<hbm>>) dst(%dma_wait3A_983 : memref<128xf32, #tpu.memory_space<vmem>>)
          %dma_wait3A_987 = arith.constant 0 : i32
          %dma_wait3A_988 = arith.constant 0 : i32
          %dma_wait3A_989 = arith.constant 0 : i32
          %dma_wait3A_990 = arith.constant 0 : i32
          %dma_wait3A_991 = arith.constant 0 : i32
          %dma_wait3A_992 = tpu.memref_slice %arg6[%dma_wait3A_989, %dma_wait3A_990, %dma_wait3A_991] : memref<2x32x128xf32, #tpu.memory_space<vmem>> -> memref<1x1x128xf32, #tpu.memory_space<vmem>>
          %dma_wait3A_993 = tpu.memref_squeeze %dma_wait3A_992 : memref<1x1x128xf32, #tpu.memory_space<vmem>> -> memref<128xf32, #tpu.memory_space<vmem>>
          %dma_wait3A_994 = arith.constant 0 : i32
          %dma_wait3A_995 = tpu.memref_slice %arg4[%dma_wait3A_987, %dma_wait3A_988, %dma_wait3A_994] : memref<640x32x128xf32, #tpu.memory_space<hbm>> -> memref<1x1x128xf32, #tpu.memory_space<hbm>>
          %dma_wait3A_996 = tpu.memref_squeeze %dma_wait3A_995 : memref<1x1x128xf32, #tpu.memory_space<hbm>> -> memref<128xf32, #tpu.memory_space<hbm>>
          %dma_wait3A_997 = arith.constant 0 : i32
          %dma_wait3A_998 = tpu.memref_slice %arg6[%dma_wait3A_989, %dma_wait3A_990, %dma_wait3A_997] : memref<2x32x128xf32, #tpu.memory_space<vmem>> -> memref<1x1x128xf32, #tpu.memory_space<vmem>>
          %dma_wait3A_999 = tpu.memref_squeeze %dma_wait3A_998 : memref<1x1x128xf32, #tpu.memory_space<vmem>> -> memref<128xf32, #tpu.memory_space<vmem>>
          %dma_wait3A_1000 = arith.constant 0 : i32
          %dma_wait3A_1001 = tpu.memref_slice %arg4[%dma_wait3A_987, %dma_wait3A_988, %dma_wait3A_1000] : memref<640x32x128xf32, #tpu.memory_space<hbm>> -> memref<1x1x128xf32, #tpu.memory_space<hbm>>
          %dma_wait3A_1002 = tpu.memref_squeeze %dma_wait3A_1001 : memref<1x1x128xf32, #tpu.memory_space<hbm>> -> memref<128xf32, #tpu.memory_space<hbm>>
          tpu.wait_dma2 semaphore(%arg8 : memref<!tpu.dma_semaphore, #tpu.memory_space<semaphore_mem>>) src(%dma_wait3A_1002 : memref<128xf32, #tpu.memory_space<hbm>>) dst(%dma_wait3A_999 : memref<128xf32, #tpu.memory_space<vmem>>)
          %dma_wait3A_1003 = arith.constant 0 : i32
          %dma_wait3A_1004 = arith.constant 0 : i32
          %dma_wait3A_1005 = arith.constant 0 : i32
          %dma_wait3A_1006 = arith.constant 0 : i32
          %dma_wait3A_1007 = arith.constant 0 : i32
          %dma_wait3A_1008 = tpu.memref_slice %arg6[%dma_wait3A_1005, %dma_wait3A_1006, %dma_wait3A_1007] : memref<2x32x128xf32, #tpu.memory_space<vmem>> -> memref<1x1x128xf32, #tpu.memory_space<vmem>>
          %dma_wait3A_1009 = tpu.memref_squeeze %dma_wait3A_1008 : memref<1x1x128xf32, #tpu.memory_space<vmem>> -> memref<128xf32, #tpu.memory_space<vmem>>
          %dma_wait3A_1010 = arith.constant 0 : i32
          %dma_wait3A_1011 = tpu.memref_slice %arg4[%dma_wait3A_1003, %dma_wait3A_1004, %dma_wait3A_1010] : memref<640x32x128xf32, #tpu.memory_space<hbm>> -> memref<1x1x128xf32, #tpu.memory_space<hbm>>
          %dma_wait3A_1012 = tpu.memref_squeeze %dma_wait3A_1011 : memref<1x1x128xf32, #tpu.memory_space<hbm>> -> memref<128xf32, #tpu.memory_space<hbm>>
          %dma_wait3A_1013 = arith.constant 0 : i32
          %dma_wait3A_1014 = tpu.memref_slice %arg6[%dma_wait3A_1005, %dma_wait3A_1006, %dma_wait3A_1013] : memref<2x32x128xf32, #tpu.memory_space<vmem>> -> memref<1x1x128xf32, #tpu.memory_space<vmem>>
          %dma_wait3A_1015 = tpu.memref_squeeze %dma_wait3A_1014 : memref<1x1x128xf32, #tpu.memory_space<vmem>> -> memref<128xf32, #tpu.memory_space<vmem>>
          %dma_wait3A_1016 = arith.constant 0 : i32
          %dma_wait3A_1017 = tpu.memref_slice %arg4[%dma_wait3A_1003, %dma_wait3A_1004, %dma_wait3A_1016] : memref<640x32x128xf32, #tpu.memory_space<hbm>> -> memref<1x1x128xf32, #tpu.memory_space<hbm>>
          %dma_wait3A_1018 = tpu.memref_squeeze %dma_wait3A_1017 : memref<1x1x128xf32, #tpu.memory_space<hbm>> -> memref<128xf32, #tpu.memory_space<hbm>>
          tpu.wait_dma2 semaphore(%arg8 : memref<!tpu.dma_semaphore, #tpu.memory_space<semaphore_mem>>) src(%dma_wait3A_1018 : memref<128xf32, #tpu.memory_space<hbm>>) dst(%dma_wait3A_1015 : memref<128xf32, #tpu.memory_space<vmem>>)
          %dma_wait3A_1019 = arith.constant 0 : i32
          %dma_wait3A_1020 = arith.constant 0 : i32
          %dma_wait3A_1021 = arith.constant 0 : i32
          %dma_wait3A_1022 = arith.constant 0 : i32
          %dma_wait3A_1023 = arith.constant 0 : i32
          %dma_wait3A_1024 = tpu.memref_slice %arg6[%dma_wait3A_1021, %dma_wait3A_1022, %dma_wait3A_1023] : memref<2x32x128xf32, #tpu.memory_space<vmem>> -> memref<1x1x128xf32, #tpu.memory_space<vmem>>
          %dma_wait3A_1025 = tpu.memref_squeeze %dma_wait3A_1024 : memref<1x1x128xf32, #tpu.memory_space<vmem>> -> memref<128xf32, #tpu.memory_space<vmem>>
          %dma_wait3A_1026 = arith.constant 0 : i32
          %dma_wait3A_1027 = tpu.memref_slice %arg4[%dma_wait3A_1019, %dma_wait3A_1020, %dma_wait3A_1026] : memref<640x32x128xf32, #tpu.memory_space<hbm>> -> memref<1x1x128xf32, #tpu.memory_space<hbm>>
          %dma_wait3A_1028 = tpu.memref_squeeze %dma_wait3A_1027 : memref<1x1x128xf32, #tpu.memory_space<hbm>> -> memref<128xf32, #tpu.memory_space<hbm>>
          %dma_wait3A_1029 = arith.constant 0 : i32
          %dma_wait3A_1030 = tpu.memref_slice %arg6[%dma_wait3A_1021, %dma_wait3A_1022, %dma_wait3A_1029] : memref<2x32x128xf32, #tpu.memory_space<vmem>> -> memref<1x1x128xf32, #tpu.memory_space<vmem>>
          %dma_wait3A_1031 = tpu.memref_squeeze %dma_wait3A_1030 : memref<1x1x128xf32, #tpu.memory_space<vmem>> -> memref<128xf32, #tpu.memory_space<vmem>>
          %dma_wait3A_1032 = arith.constant 0 : i32
          %dma_wait3A_1033 = tpu.memref_slice %arg4[%dma_wait3A_1019, %dma_wait3A_1020, %dma_wait3A_1032] : memref<640x32x128xf32, #tpu.memory_space<hbm>> -> memref<1x1x128xf32, #tpu.memory_space<hbm>>
          %dma_wait3A_1034 = tpu.memref_squeeze %dma_wait3A_1033 : memref<1x1x128xf32, #tpu.memory_space<hbm>> -> memref<128xf32, #tpu.memory_space<hbm>>
          tpu.wait_dma2 semaphore(%arg8 : memref<!tpu.dma_semaphore, #tpu.memory_space<semaphore_mem>>) src(%dma_wait3A_1034 : memref<128xf32, #tpu.memory_space<hbm>>) dst(%dma_wait3A_1031 : memref<128xf32, #tpu.memory_space<vmem>>)
          %dma_wait3A_1035 = arith.constant 0 : i32
          %dma_wait3A_1036 = arith.constant 0 : i32
          %dma_wait3A_1037 = arith.constant 0 : i32
          %dma_wait3A_1038 = arith.constant 0 : i32
          %dma_wait3A_1039 = arith.constant 0 : i32
          %dma_wait3A_1040 = tpu.memref_slice %arg6[%dma_wait3A_1037, %dma_wait3A_1038, %dma_wait3A_1039] : memref<2x32x128xf32, #tpu.memory_space<vmem>> -> memref<1x1x128xf32, #tpu.memory_space<vmem>>
          %dma_wait3A_1041 = tpu.memref_squeeze %dma_wait3A_1040 : memref<1x1x128xf32, #tpu.memory_space<vmem>> -> memref<128xf32, #tpu.memory_space<vmem>>
          %dma_wait3A_1042 = arith.constant 0 : i32
          %dma_wait3A_1043 = tpu.memref_slice %arg4[%dma_wait3A_1035, %dma_wait3A_1036, %dma_wait3A_1042] : memref<640x32x128xf32, #tpu.memory_space<hbm>> -> memref<1x1x128xf32, #tpu.memory_space<hbm>>
          %dma_wait3A_1044 = tpu.memref_squeeze %dma_wait3A_1043 : memref<1x1x128xf32, #tpu.memory_space<hbm>> -> memref<128xf32, #tpu.memory_space<hbm>>
          %dma_wait3A_1045 = arith.constant 0 : i32
          %dma_wait3A_1046 = tpu.memref_slice %arg6[%dma_wait3A_1037, %dma_wait3A_1038, %dma_wait3A_1045] : memref<2x32x128xf32, #tpu.memory_space<vmem>> -> memref<1x1x128xf32, #tpu.memory_space<vmem>>
          %dma_wait3A_1047 = tpu.memref_squeeze %dma_wait3A_1046 : memref<1x1x128xf32, #tpu.memory_space<vmem>> -> memref<128xf32, #tpu.memory_space<vmem>>
          %dma_wait3A_1048 = arith.constant 0 : i32
          %dma_wait3A_1049 = tpu.memref_slice %arg4[%dma_wait3A_1035, %dma_wait3A_1036, %dma_wait3A_1048] : memref<640x32x128xf32, #tpu.memory_space<hbm>> -> memref<1x1x128xf32, #tpu.memory_space<hbm>>
          %dma_wait3A_1050 = tpu.memref_squeeze %dma_wait3A_1049 : memref<1x1x128xf32, #tpu.memory_space<hbm>> -> memref<128xf32, #tpu.memory_space<hbm>>
          tpu.wait_dma2 semaphore(%arg8 : memref<!tpu.dma_semaphore, #tpu.memory_space<semaphore_mem>>) src(%dma_wait3A_1050 : memref<128xf32, #tpu.memory_space<hbm>>) dst(%dma_wait3A_1047 : memref<128xf32, #tpu.memory_space<vmem>>)
          %dma_wait3A_1051 = arith.constant 0 : i32
          %dma_wait3A_1052 = arith.constant 0 : i32
          %dma_wait3A_1053 = arith.constant 0 : i32
          %dma_wait3A_1054 = arith.constant 0 : i32
          %dma_wait3A_1055 = arith.constant 0 : i32
          %dma_wait3A_1056 = tpu.memref_slice %arg6[%dma_wait3A_1053, %dma_wait3A_1054, %dma_wait3A_1055] : memref<2x32x128xf32, #tpu.memory_space<vmem>> -> memref<1x1x128xf32, #tpu.memory_space<vmem>>
          %dma_wait3A_1057 = tpu.memref_squeeze %dma_wait3A_1056 : memref<1x1x128xf32, #tpu.memory_space<vmem>> -> memref<128xf32, #tpu.memory_space<vmem>>
          %dma_wait3A_1058 = arith.constant 0 : i32
          %dma_wait3A_1059 = tpu.memref_slice %arg4[%dma_wait3A_1051, %dma_wait3A_1052, %dma_wait3A_1058] : memref<640x32x128xf32, #tpu.memory_space<hbm>> -> memref<1x1x128xf32, #tpu.memory_space<hbm>>
          %dma_wait3A_1060 = tpu.memref_squeeze %dma_wait3A_1059 : memref<1x1x128xf32, #tpu.memory_space<hbm>> -> memref<128xf32, #tpu.memory_space<hbm>>
          %dma_wait3A_1061 = arith.constant 0 : i32
          %dma_wait3A_1062 = tpu.memref_slice %arg6[%dma_wait3A_1053, %dma_wait3A_1054, %dma_wait3A_1061] : memref<2x32x128xf32, #tpu.memory_space<vmem>> -> memref<1x1x128xf32, #tpu.memory_space<vmem>>
          %dma_wait3A_1063 = tpu.memref_squeeze %dma_wait3A_1062 : memref<1x1x128xf32, #tpu.memory_space<vmem>> -> memref<128xf32, #tpu.memory_space<vmem>>
          %dma_wait3A_1064 = arith.constant 0 : i32
          %dma_wait3A_1065 = tpu.memref_slice %arg4[%dma_wait3A_1051, %dma_wait3A_1052, %dma_wait3A_1064] : memref<640x32x128xf32, #tpu.memory_space<hbm>> -> memref<1x1x128xf32, #tpu.memory_space<hbm>>
          %dma_wait3A_1066 = tpu.memref_squeeze %dma_wait3A_1065 : memref<1x1x128xf32, #tpu.memory_space<hbm>> -> memref<128xf32, #tpu.memory_space<hbm>>
          tpu.wait_dma2 semaphore(%arg8 : memref<!tpu.dma_semaphore, #tpu.memory_space<semaphore_mem>>) src(%dma_wait3A_1066 : memref<128xf32, #tpu.memory_space<hbm>>) dst(%dma_wait3A_1063 : memref<128xf32, #tpu.memory_space<vmem>>)
          %dma_wait3A_1067 = arith.constant 0 : i32
          %dma_wait3A_1068 = arith.constant 0 : i32
          %dma_wait3A_1069 = arith.constant 0 : i32
          %dma_wait3A_1070 = arith.constant 0 : i32
          %dma_wait3A_1071 = arith.constant 0 : i32
          %dma_wait3A_1072 = tpu.memref_slice %arg6[%dma_wait3A_1069, %dma_wait3A_1070, %dma_wait3A_1071] : memref<2x32x128xf32, #tpu.memory_space<vmem>> -> memref<1x1x128xf32, #tpu.memory_space<vmem>>
          %dma_wait3A_1073 = tpu.memref_squeeze %dma_wait3A_1072 : memref<1x1x128xf32, #tpu.memory_space<vmem>> -> memref<128xf32, #tpu.memory_space<vmem>>
          %dma_wait3A_1074 = arith.constant 0 : i32
          %dma_wait3A_1075 = tpu.memref_slice %arg4[%dma_wait3A_1067, %dma_wait3A_1068, %dma_wait3A_1074] : memref<640x32x128xf32, #tpu.memory_space<hbm>> -> memref<1x1x128xf32, #tpu.memory_space<hbm>>
          %dma_wait3A_1076 = tpu.memref_squeeze %dma_wait3A_1075 : memref<1x1x128xf32, #tpu.memory_space<hbm>> -> memref<128xf32, #tpu.memory_space<hbm>>
          %dma_wait3A_1077 = arith.constant 0 : i32
          %dma_wait3A_1078 = tpu.memref_slice %arg6[%dma_wait3A_1069, %dma_wait3A_1070, %dma_wait3A_1077] : memref<2x32x128xf32, #tpu.memory_space<vmem>> -> memref<1x1x128xf32, #tpu.memory_space<vmem>>
          %dma_wait3A_1079 = tpu.memref_squeeze %dma_wait3A_1078 : memref<1x1x128xf32, #tpu.memory_space<vmem>> -> memref<128xf32, #tpu.memory_space<vmem>>
          %dma_wait3A_1080 = arith.constant 0 : i32
          %dma_wait3A_1081 = tpu.memref_slice %arg4[%dma_wait3A_1067, %dma_wait3A_1068, %dma_wait3A_1080] : memref<640x32x128xf32, #tpu.memory_space<hbm>> -> memref<1x1x128xf32, #tpu.memory_space<hbm>>
          %dma_wait3A_1082 = tpu.memref_squeeze %dma_wait3A_1081 : memref<1x1x128xf32, #tpu.memory_space<hbm>> -> memref<128xf32, #tpu.memory_space<hbm>>
          tpu.wait_dma2 semaphore(%arg8 : memref<!tpu.dma_semaphore, #tpu.memory_space<semaphore_mem>>) src(%dma_wait3A_1082 : memref<128xf32, #tpu.memory_space<hbm>>) dst(%dma_wait3A_1079 : memref<128xf32, #tpu.memory_space<vmem>>)
          %dma_wait3A_1083 = arith.constant 0 : i32
          %dma_wait3A_1084 = arith.constant 0 : i32
          %dma_wait3A_1085 = arith.constant 0 : i32
          %dma_wait3A_1086 = arith.constant 0 : i32
          %dma_wait3A_1087 = arith.constant 0 : i32
          %dma_wait3A_1088 = tpu.memref_slice %arg6[%dma_wait3A_1085, %dma_wait3A_1086, %dma_wait3A_1087] : memref<2x32x128xf32, #tpu.memory_space<vmem>> -> memref<1x1x128xf32, #tpu.memory_space<vmem>>
          %dma_wait3A_1089 = tpu.memref_squeeze %dma_wait3A_1088 : memref<1x1x128xf32, #tpu.memory_space<vmem>> -> memref<128xf32, #tpu.memory_space<vmem>>
          %dma_wait3A_1090 = arith.constant 0 : i32
          %dma_wait3A_1091 = tpu.memref_slice %arg4[%dma_wait3A_1083, %dma_wait3A_1084, %dma_wait3A_1090] : memref<640x32x128xf32, #tpu.memory_space<hbm>> -> memref<1x1x128xf32, #tpu.memory_space<hbm>>
          %dma_wait3A_1092 = tpu.memref_squeeze %dma_wait3A_1091 : memref<1x1x128xf32, #tpu.memory_space<hbm>> -> memref<128xf32, #tpu.memory_space<hbm>>
          %dma_wait3A_1093 = arith.constant 0 : i32
          %dma_wait3A_1094 = tpu.memref_slice %arg6[%dma_wait3A_1085, %dma_wait3A_1086, %dma_wait3A_1093] : memref<2x32x128xf32, #tpu.memory_space<vmem>> -> memref<1x1x128xf32, #tpu.memory_space<vmem>>
          %dma_wait3A_1095 = tpu.memref_squeeze %dma_wait3A_1094 : memref<1x1x128xf32, #tpu.memory_space<vmem>> -> memref<128xf32, #tpu.memory_space<vmem>>
          %dma_wait3A_1096 = arith.constant 0 : i32
          %dma_wait3A_1097 = tpu.memref_slice %arg4[%dma_wait3A_1083, %dma_wait3A_1084, %dma_wait3A_1096] : memref<640x32x128xf32, #tpu.memory_space<hbm>> -> memref<1x1x128xf32, #tpu.memory_space<hbm>>
          %dma_wait3A_1098 = tpu.memref_squeeze %dma_wait3A_1097 : memref<1x1x128xf32, #tpu.memory_space<hbm>> -> memref<128xf32, #tpu.memory_space<hbm>>
          tpu.wait_dma2 semaphore(%arg8 : memref<!tpu.dma_semaphore, #tpu.memory_space<semaphore_mem>>) src(%dma_wait3A_1098 : memref<128xf32, #tpu.memory_space<hbm>>) dst(%dma_wait3A_1095 : memref<128xf32, #tpu.memory_space<vmem>>)
          %dma_wait3A_1099 = arith.constant 0 : i32
          %dma_wait3A_1100 = arith.constant 0 : i32
          %dma_wait3A_1101 = arith.constant 0 : i32
          %dma_wait3A_1102 = arith.constant 0 : i32
          %dma_wait3A_1103 = arith.constant 0 : i32
          %dma_wait3A_1104 = tpu.memref_slice %arg6[%dma_wait3A_1101, %dma_wait3A_1102, %dma_wait3A_1103] : memref<2x32x128xf32, #tpu.memory_space<vmem>> -> memref<1x1x128xf32, #tpu.memory_space<vmem>>
          %dma_wait3A_1105 = tpu.memref_squeeze %dma_wait3A_1104 : memref<1x1x128xf32, #tpu.memory_space<vmem>> -> memref<128xf32, #tpu.memory_space<vmem>>
          %dma_wait3A_1106 = arith.constant 0 : i32
          %dma_wait3A_1107 = tpu.memref_slice %arg4[%dma_wait3A_1099, %dma_wait3A_1100, %dma_wait3A_1106] : memref<640x32x128xf32, #tpu.memory_space<hbm>> -> memref<1x1x128xf32, #tpu.memory_space<hbm>>
          %dma_wait3A_1108 = tpu.memref_squeeze %dma_wait3A_1107 : memref<1x1x128xf32, #tpu.memory_space<hbm>> -> memref<128xf32, #tpu.memory_space<hbm>>
          %dma_wait3A_1109 = arith.constant 0 : i32
          %dma_wait3A_1110 = tpu.memref_slice %arg6[%dma_wait3A_1101, %dma_wait3A_1102, %dma_wait3A_1109] : memref<2x32x128xf32, #tpu.memory_space<vmem>> -> memref<1x1x128xf32, #tpu.memory_space<vmem>>
          %dma_wait3A_1111 = tpu.memref_squeeze %dma_wait3A_1110 : memref<1x1x128xf32, #tpu.memory_space<vmem>> -> memref<128xf32, #tpu.memory_space<vmem>>
          %dma_wait3A_1112 = arith.constant 0 : i32
          %dma_wait3A_1113 = tpu.memref_slice %arg4[%dma_wait3A_1099, %dma_wait3A_1100, %dma_wait3A_1112] : memref<640x32x128xf32, #tpu.memory_space<hbm>> -> memref<1x1x128xf32, #tpu.memory_space<hbm>>
          %dma_wait3A_1114 = tpu.memref_squeeze %dma_wait3A_1113 : memref<1x1x128xf32, #tpu.memory_space<hbm>> -> memref<128xf32, #tpu.memory_space<hbm>>
          tpu.wait_dma2 semaphore(%arg8 : memref<!tpu.dma_semaphore, #tpu.memory_space<semaphore_mem>>) src(%dma_wait3A_1114 : memref<128xf32, #tpu.memory_space<hbm>>) dst(%dma_wait3A_1111 : memref<128xf32, #tpu.memory_space<vmem>>)
          %dma_wait3A_1115 = arith.constant 0 : i32
          %dma_wait3A_1116 = arith.constant 0 : i32
          %dma_wait3A_1117 = arith.constant 0 : i32
          %dma_wait3A_1118 = arith.constant 0 : i32
          %dma_wait3A_1119 = arith.constant 0 : i32
          %dma_wait3A_1120 = tpu.memref_slice %arg6[%dma_wait3A_1117, %dma_wait3A_1118, %dma_wait3A_1119] : memref<2x32x128xf32, #tpu.memory_space<vmem>> -> memref<1x1x128xf32, #tpu.memory_space<vmem>>
          %dma_wait3A_1121 = tpu.memref_squeeze %dma_wait3A_1120 : memref<1x1x128xf32, #tpu.memory_space<vmem>> -> memref<128xf32, #tpu.memory_space<vmem>>
          %dma_wait3A_1122 = arith.constant 0 : i32
          %dma_wait3A_1123 = tpu.memref_slice %arg4[%dma_wait3A_1115, %dma_wait3A_1116, %dma_wait3A_1122] : memref<640x32x128xf32, #tpu.memory_space<hbm>> -> memref<1x1x128xf32, #tpu.memory_space<hbm>>
          %dma_wait3A_1124 = tpu.memref_squeeze %dma_wait3A_1123 : memref<1x1x128xf32, #tpu.memory_space<hbm>> -> memref<128xf32, #tpu.memory_space<hbm>>
          %dma_wait3A_1125 = arith.constant 0 : i32
          %dma_wait3A_1126 = tpu.memref_slice %arg6[%dma_wait3A_1117, %dma_wait3A_1118, %dma_wait3A_1125] : memref<2x32x128xf32, #tpu.memory_space<vmem>> -> memref<1x1x128xf32, #tpu.memory_space<vmem>>
          %dma_wait3A_1127 = tpu.memref_squeeze %dma_wait3A_1126 : memref<1x1x128xf32, #tpu.memory_space<vmem>> -> memref<128xf32, #tpu.memory_space<vmem>>
          %dma_wait3A_1128 = arith.constant 0 : i32
          %dma_wait3A_1129 = tpu.memref_slice %arg4[%dma_wait3A_1115, %dma_wait3A_1116, %dma_wait3A_1128] : memref<640x32x128xf32, #tpu.memory_space<hbm>> -> memref<1x1x128xf32, #tpu.memory_space<hbm>>
          %dma_wait3A_1130 = tpu.memref_squeeze %dma_wait3A_1129 : memref<1x1x128xf32, #tpu.memory_space<hbm>> -> memref<128xf32, #tpu.memory_space<hbm>>
          tpu.wait_dma2 semaphore(%arg8 : memref<!tpu.dma_semaphore, #tpu.memory_space<semaphore_mem>>) src(%dma_wait3A_1130 : memref<128xf32, #tpu.memory_space<hbm>>) dst(%dma_wait3A_1127 : memref<128xf32, #tpu.memory_space<vmem>>)
          %dma_wait3A_1131 = arith.constant 0 : i32
          %dma_wait3A_1132 = arith.constant 0 : i32
          %dma_wait3A_1133 = arith.constant 0 : i32
          %dma_wait3A_1134 = arith.constant 0 : i32
          %dma_wait3A_1135 = arith.constant 0 : i32
          %dma_wait3A_1136 = tpu.memref_slice %arg6[%dma_wait3A_1133, %dma_wait3A_1134, %dma_wait3A_1135] : memref<2x32x128xf32, #tpu.memory_space<vmem>> -> memref<1x1x128xf32, #tpu.memory_space<vmem>>
          %dma_wait3A_1137 = tpu.memref_squeeze %dma_wait3A_1136 : memref<1x1x128xf32, #tpu.memory_space<vmem>> -> memref<128xf32, #tpu.memory_space<vmem>>
          %dma_wait3A_1138 = arith.constant 0 : i32
          %dma_wait3A_1139 = tpu.memref_slice %arg4[%dma_wait3A_1131, %dma_wait3A_1132, %dma_wait3A_1138] : memref<640x32x128xf32, #tpu.memory_space<hbm>> -> memref<1x1x128xf32, #tpu.memory_space<hbm>>
          %dma_wait3A_1140 = tpu.memref_squeeze %dma_wait3A_1139 : memref<1x1x128xf32, #tpu.memory_space<hbm>> -> memref<128xf32, #tpu.memory_space<hbm>>
          %dma_wait3A_1141 = arith.constant 0 : i32
          %dma_wait3A_1142 = tpu.memref_slice %arg6[%dma_wait3A_1133, %dma_wait3A_1134, %dma_wait3A_1141] : memref<2x32x128xf32, #tpu.memory_space<vmem>> -> memref<1x1x128xf32, #tpu.memory_space<vmem>>
          %dma_wait3A_1143 = tpu.memref_squeeze %dma_wait3A_1142 : memref<1x1x128xf32, #tpu.memory_space<vmem>> -> memref<128xf32, #tpu.memory_space<vmem>>
          %dma_wait3A_1144 = arith.constant 0 : i32
          %dma_wait3A_1145 = tpu.memref_slice %arg4[%dma_wait3A_1131, %dma_wait3A_1132, %dma_wait3A_1144] : memref<640x32x128xf32, #tpu.memory_space<hbm>> -> memref<1x1x128xf32, #tpu.memory_space<hbm>>
          %dma_wait3A_1146 = tpu.memref_squeeze %dma_wait3A_1145 : memref<1x1x128xf32, #tpu.memory_space<hbm>> -> memref<128xf32, #tpu.memory_space<hbm>>
          tpu.wait_dma2 semaphore(%arg8 : memref<!tpu.dma_semaphore, #tpu.memory_space<semaphore_mem>>) src(%dma_wait3A_1146 : memref<128xf32, #tpu.memory_space<hbm>>) dst(%dma_wait3A_1143 : memref<128xf32, #tpu.memory_space<vmem>>)
          %dma_wait3A_1147 = arith.constant 0 : i32
          %dma_wait3A_1148 = arith.constant 0 : i32
          %dma_wait3A_1149 = arith.constant 0 : i32
          %dma_wait3A_1150 = arith.constant 0 : i32
          %dma_wait3A_1151 = arith.constant 0 : i32
          %dma_wait3A_1152 = tpu.memref_slice %arg6[%dma_wait3A_1149, %dma_wait3A_1150, %dma_wait3A_1151] : memref<2x32x128xf32, #tpu.memory_space<vmem>> -> memref<1x1x128xf32, #tpu.memory_space<vmem>>
          %dma_wait3A_1153 = tpu.memref_squeeze %dma_wait3A_1152 : memref<1x1x128xf32, #tpu.memory_space<vmem>> -> memref<128xf32, #tpu.memory_space<vmem>>
          %dma_wait3A_1154 = arith.constant 0 : i32
          %dma_wait3A_1155 = tpu.memref_slice %arg4[%dma_wait3A_1147, %dma_wait3A_1148, %dma_wait3A_1154] : memref<640x32x128xf32, #tpu.memory_space<hbm>> -> memref<1x1x128xf32, #tpu.memory_space<hbm>>
          %dma_wait3A_1156 = tpu.memref_squeeze %dma_wait3A_1155 : memref<1x1x128xf32, #tpu.memory_space<hbm>> -> memref<128xf32, #tpu.memory_space<hbm>>
          %dma_wait3A_1157 = arith.constant 0 : i32
          %dma_wait3A_1158 = tpu.memref_slice %arg6[%dma_wait3A_1149, %dma_wait3A_1150, %dma_wait3A_1157] : memref<2x32x128xf32, #tpu.memory_space<vmem>> -> memref<1x1x128xf32, #tpu.memory_space<vmem>>
          %dma_wait3A_1159 = tpu.memref_squeeze %dma_wait3A_1158 : memref<1x1x128xf32, #tpu.memory_space<vmem>> -> memref<128xf32, #tpu.memory_space<vmem>>
          %dma_wait3A_1160 = arith.constant 0 : i32
          %dma_wait3A_1161 = tpu.memref_slice %arg4[%dma_wait3A_1147, %dma_wait3A_1148, %dma_wait3A_1160] : memref<640x32x128xf32, #tpu.memory_space<hbm>> -> memref<1x1x128xf32, #tpu.memory_space<hbm>>
          %dma_wait3A_1162 = tpu.memref_squeeze %dma_wait3A_1161 : memref<1x1x128xf32, #tpu.memory_space<hbm>> -> memref<128xf32, #tpu.memory_space<hbm>>
          tpu.wait_dma2 semaphore(%arg8 : memref<!tpu.dma_semaphore, #tpu.memory_space<semaphore_mem>>) src(%dma_wait3A_1162 : memref<128xf32, #tpu.memory_space<hbm>>) dst(%dma_wait3A_1159 : memref<128xf32, #tpu.memory_space<vmem>>)
          %dma_wait3A_1163 = arith.constant 0 : i32
          %dma_wait3A_1164 = arith.constant 0 : i32
          %dma_wait3A_1165 = arith.constant 0 : i32
          %dma_wait3A_1166 = arith.constant 0 : i32
          %dma_wait3A_1167 = arith.constant 0 : i32
          %dma_wait3A_1168 = tpu.memref_slice %arg6[%dma_wait3A_1165, %dma_wait3A_1166, %dma_wait3A_1167] : memref<2x32x128xf32, #tpu.memory_space<vmem>> -> memref<1x1x128xf32, #tpu.memory_space<vmem>>
          %dma_wait3A_1169 = tpu.memref_squeeze %dma_wait3A_1168 : memref<1x1x128xf32, #tpu.memory_space<vmem>> -> memref<128xf32, #tpu.memory_space<vmem>>
          %dma_wait3A_1170 = arith.constant 0 : i32
          %dma_wait3A_1171 = tpu.memref_slice %arg4[%dma_wait3A_1163, %dma_wait3A_1164, %dma_wait3A_1170] : memref<640x32x128xf32, #tpu.memory_space<hbm>> -> memref<1x1x128xf32, #tpu.memory_space<hbm>>
          %dma_wait3A_1172 = tpu.memref_squeeze %dma_wait3A_1171 : memref<1x1x128xf32, #tpu.memory_space<hbm>> -> memref<128xf32, #tpu.memory_space<hbm>>
          %dma_wait3A_1173 = arith.constant 0 : i32
          %dma_wait3A_1174 = tpu.memref_slice %arg6[%dma_wait3A_1165, %dma_wait3A_1166, %dma_wait3A_1173] : memref<2x32x128xf32, #tpu.memory_space<vmem>> -> memref<1x1x128xf32, #tpu.memory_space<vmem>>
          %dma_wait3A_1175 = tpu.memref_squeeze %dma_wait3A_1174 : memref<1x1x128xf32, #tpu.memory_space<vmem>> -> memref<128xf32, #tpu.memory_space<vmem>>
          %dma_wait3A_1176 = arith.constant 0 : i32
          %dma_wait3A_1177 = tpu.memref_slice %arg4[%dma_wait3A_1163, %dma_wait3A_1164, %dma_wait3A_1176] : memref<640x32x128xf32, #tpu.memory_space<hbm>> -> memref<1x1x128xf32, #tpu.memory_space<hbm>>
          %dma_wait3A_1178 = tpu.memref_squeeze %dma_wait3A_1177 : memref<1x1x128xf32, #tpu.memory_space<hbm>> -> memref<128xf32, #tpu.memory_space<hbm>>
          tpu.wait_dma2 semaphore(%arg8 : memref<!tpu.dma_semaphore, #tpu.memory_space<semaphore_mem>>) src(%dma_wait3A_1178 : memref<128xf32, #tpu.memory_space<hbm>>) dst(%dma_wait3A_1175 : memref<128xf32, #tpu.memory_space<vmem>>)
          %dma_wait3A_1179 = arith.constant 0 : i32
          %dma_wait3A_1180 = arith.constant 0 : i32
          %dma_wait3A_1181 = arith.constant 0 : i32
          %dma_wait3A_1182 = arith.constant 0 : i32
          %dma_wait3A_1183 = arith.constant 0 : i32
          %dma_wait3A_1184 = tpu.memref_slice %arg6[%dma_wait3A_1181, %dma_wait3A_1182, %dma_wait3A_1183] : memref<2x32x128xf32, #tpu.memory_space<vmem>> -> memref<1x1x128xf32, #tpu.memory_space<vmem>>
          %dma_wait3A_1185 = tpu.memref_squeeze %dma_wait3A_1184 : memref<1x1x128xf32, #tpu.memory_space<vmem>> -> memref<128xf32, #tpu.memory_space<vmem>>
          %dma_wait3A_1186 = arith.constant 0 : i32
          %dma_wait3A_1187 = tpu.memref_slice %arg4[%dma_wait3A_1179, %dma_wait3A_1180, %dma_wait3A_1186] : memref<640x32x128xf32, #tpu.memory_space<hbm>> -> memref<1x1x128xf32, #tpu.memory_space<hbm>>
          %dma_wait3A_1188 = tpu.memref_squeeze %dma_wait3A_1187 : memref<1x1x128xf32, #tpu.memory_space<hbm>> -> memref<128xf32, #tpu.memory_space<hbm>>
          %dma_wait3A_1189 = arith.constant 0 : i32
          %dma_wait3A_1190 = tpu.memref_slice %arg6[%dma_wait3A_1181, %dma_wait3A_1182, %dma_wait3A_1189] : memref<2x32x128xf32, #tpu.memory_space<vmem>> -> memref<1x1x128xf32, #tpu.memory_space<vmem>>
          %dma_wait3A_1191 = tpu.memref_squeeze %dma_wait3A_1190 : memref<1x1x128xf32, #tpu.memory_space<vmem>> -> memref<128xf32, #tpu.memory_space<vmem>>
          %dma_wait3A_1192 = arith.constant 0 : i32
          %dma_wait3A_1193 = tpu.memref_slice %arg4[%dma_wait3A_1179, %dma_wait3A_1180, %dma_wait3A_1192] : memref<640x32x128xf32, #tpu.memory_space<hbm>> -> memref<1x1x128xf32, #tpu.memory_space<hbm>>
          %dma_wait3A_1194 = tpu.memref_squeeze %dma_wait3A_1193 : memref<1x1x128xf32, #tpu.memory_space<hbm>> -> memref<128xf32, #tpu.memory_space<hbm>>
          tpu.wait_dma2 semaphore(%arg8 : memref<!tpu.dma_semaphore, #tpu.memory_space<semaphore_mem>>) src(%dma_wait3A_1194 : memref<128xf32, #tpu.memory_space<hbm>>) dst(%dma_wait3A_1191 : memref<128xf32, #tpu.memory_space<vmem>>)
          %dma_wait3A_1195 = arith.constant 0 : i32
          %dma_wait3A_1196 = arith.constant 0 : i32
          %dma_wait3A_1197 = arith.constant 0 : i32
          %dma_wait3A_1198 = arith.constant 0 : i32
          %dma_wait3A_1199 = arith.constant 0 : i32
          %dma_wait3A_1200 = tpu.memref_slice %arg6[%dma_wait3A_1197, %dma_wait3A_1198, %dma_wait3A_1199] : memref<2x32x128xf32, #tpu.memory_space<vmem>> -> memref<1x1x128xf32, #tpu.memory_space<vmem>>
          %dma_wait3A_1201 = tpu.memref_squeeze %dma_wait3A_1200 : memref<1x1x128xf32, #tpu.memory_space<vmem>> -> memref<128xf32, #tpu.memory_space<vmem>>
          %dma_wait3A_1202 = arith.constant 0 : i32
          %dma_wait3A_1203 = tpu.memref_slice %arg4[%dma_wait3A_1195, %dma_wait3A_1196, %dma_wait3A_1202] : memref<640x32x128xf32, #tpu.memory_space<hbm>> -> memref<1x1x128xf32, #tpu.memory_space<hbm>>
          %dma_wait3A_1204 = tpu.memref_squeeze %dma_wait3A_1203 : memref<1x1x128xf32, #tpu.memory_space<hbm>> -> memref<128xf32, #tpu.memory_space<hbm>>
          %dma_wait3A_1205 = arith.constant 0 : i32
          %dma_wait3A_1206 = tpu.memref_slice %arg6[%dma_wait3A_1197, %dma_wait3A_1198, %dma_wait3A_1205] : memref<2x32x128xf32, #tpu.memory_space<vmem>> -> memref<1x1x128xf32, #tpu.memory_space<vmem>>
          %dma_wait3A_1207 = tpu.memref_squeeze %dma_wait3A_1206 : memref<1x1x128xf32, #tpu.memory_space<vmem>> -> memref<128xf32, #tpu.memory_space<vmem>>
          %dma_wait3A_1208 = arith.constant 0 : i32
          %dma_wait3A_1209 = tpu.memref_slice %arg4[%dma_wait3A_1195, %dma_wait3A_1196, %dma_wait3A_1208] : memref<640x32x128xf32, #tpu.memory_space<hbm>> -> memref<1x1x128xf32, #tpu.memory_space<hbm>>
          %dma_wait3A_1210 = tpu.memref_squeeze %dma_wait3A_1209 : memref<1x1x128xf32, #tpu.memory_space<hbm>> -> memref<128xf32, #tpu.memory_space<hbm>>
          tpu.wait_dma2 semaphore(%arg8 : memref<!tpu.dma_semaphore, #tpu.memory_space<semaphore_mem>>) src(%dma_wait3A_1210 : memref<128xf32, #tpu.memory_space<hbm>>) dst(%dma_wait3A_1207 : memref<128xf32, #tpu.memory_space<vmem>>)
          %sub3A = arith.constant 1 : i32
          %sub3A_1211 = arith.subi %scan3A_589, %sub3A : i32
          %mul3A_1212 = arith.constant 32 : i32
          %mul3A_1213 = arith.muli %sub3A_1211, %mul3A_1212 : i32
          %add3A_1214 = arith.addi %mul3A_1213, %add3A : i32
          %jit3A_1215 = arith.constant 2 : i32
          %eq3A_1216 = arith.constant 0 : i32
          %eq3A_1217 = arith.cmpi eq, %jit3A_1215, %eq3A_1216 : i32
          %jit3A_1218 = arith.constant 1 : i32
          %select_n3A_1219 = arith.select %eq3A_1217, %jit3A_1218, %jit3A_1215 : i32
          %rem3A_1220 = arith.remsi %sub3A_1211, %select_n3A_1219 : i32
          %ne3A_1221 = arith.constant 0 : i32
          %ne3A_1222 = arith.cmpi ne, %rem3A_1220, %ne3A_1221 : i32
          %lt3A_1223 = arith.constant 0 : i32
          %lt3A_1224 = arith.cmpi slt, %rem3A_1220, %lt3A_1223 : i32
          %lt3A_1225 = arith.constant 0 : i32
          %lt3A_1226 = arith.cmpi slt, %select_n3A_1219, %lt3A_1225 : i32
          %ne3A_1227 = arith.xori %lt3A_1224, %lt3A_1226 : i1
          %and3A_1228 = arith.andi %ne3A_1227, %ne3A_1222 : i1
          %add3A_1229 = arith.addi %rem3A_1220, %select_n3A_1219 : i32
          %select_n3A_1230 = arith.select %and3A_1228, %add3A_1229, %rem3A_1220 : i32
          %dma_start3A_1231 = arith.constant 0 : i32
          %dma_start3A_1232 = arith.constant 0 : i32
          %dma_start3A_1233 = tpu.memref_slice %arg6[%select_n3A_1230, %dma_start3A_1231, %dma_start3A_1232] : memref<2x32x128xf32, #tpu.memory_space<vmem>> -> memref<1x32x128xf32, #tpu.memory_space<vmem>>
          %dma_start3A_1234 = tpu.memref_squeeze %dma_start3A_1233 : memref<1x32x128xf32, #tpu.memory_space<vmem>> -> memref<32x128xf32, #tpu.memory_space<vmem>>
          %dma_start3A_1235 = arith.constant 0 : i32
          %dma_start3A_1236 = arith.constant 0 : i32
          %dma_start3A_1237 = tpu.memref_slice %arg4[%add3A_1214, %dma_start3A_1235, %dma_start3A_1236] : memref<640x32x128xf32, #tpu.memory_space<hbm>> -> memref<1x32x128xf32, #tpu.memory_space<hbm>>
          %dma_start3A_1238 = tpu.memref_squeeze %dma_start3A_1237 : memref<1x32x128xf32, #tpu.memory_space<hbm>> -> memref<32x128xf32, #tpu.memory_space<hbm>>
          %dma_start3A_1239 = arith.constant 0 : i32
          %dma_start3A_1240 = arith.constant 0 : i32
          %dma_start3A_1241 = tpu.memref_slice %arg4[%add3A_1214, %dma_start3A_1239, %dma_start3A_1240] : memref<640x32x128xf32, #tpu.memory_space<hbm>> -> memref<1x32x128xf32, #tpu.memory_space<hbm>>
          %dma_start3A_1242 = tpu.memref_squeeze %dma_start3A_1241 : memref<1x32x128xf32, #tpu.memory_space<hbm>> -> memref<32x128xf32, #tpu.memory_space<hbm>>
          %dma_start3A_1243 = arith.constant 0 : i32
          %dma_start3A_1244 = arith.constant 0 : i32
          %dma_start3A_1245 = tpu.memref_slice %arg6[%select_n3A_1230, %dma_start3A_1243, %dma_start3A_1244] : memref<2x32x128xf32, #tpu.memory_space<vmem>> -> memref<1x32x128xf32, #tpu.memory_space<vmem>>
          %dma_start3A_1246 = tpu.memref_squeeze %dma_start3A_1245 : memref<1x32x128xf32, #tpu.memory_space<vmem>> -> memref<32x128xf32, #tpu.memory_space<vmem>>
          tpu.enqueue_dma source(%dma_start3A_1246 : memref<32x128xf32, #tpu.memory_space<vmem>>) target(%dma_start3A_1242 : memref<32x128xf32, #tpu.memory_space<hbm>>) target_semaphore(%arg10 : memref<!tpu.dma_semaphore, #tpu.memory_space<semaphore_mem>>)
        } else {
        }
        %jit3A_678 = arith.constant 2 : i32
        %eq3A_679 = arith.constant 0 : i32
        %eq3A_680 = arith.cmpi eq, %jit3A_678, %eq3A_679 : i32
        %jit3A_681 = arith.constant 1 : i32
        %select_n3A_682 = arith.select %eq3A_680, %jit3A_681, %jit3A_678 : i32
        %rem3A_683 = arith.remsi %scan3A_589, %select_n3A_682 : i32
        %ne3A_684 = arith.constant 0 : i32
        %ne3A_685 = arith.cmpi ne, %rem3A_683, %ne3A_684 : i32
        %lt3A_686 = arith.constant 0 : i32
        %lt3A_687 = arith.cmpi slt, %rem3A_683, %lt3A_686 : i32
        %lt3A_688 = arith.constant 0 : i32
        %lt3A_689 = arith.cmpi slt, %select_n3A_682, %lt3A_688 : i32
        %ne3A_690 = arith.xori %lt3A_687, %lt3A_689 : i1
        %and3A_691 = arith.andi %ne3A_690, %ne3A_685 : i1
        %add3A_692 = arith.addi %rem3A_683, %select_n3A_682 : i32
        %select_n3A_693 = arith.select %and3A_691, %add3A_692, %rem3A_683 : i32
        %eq3A_694 = arith.constant 0 : i32
        %eq3A_695 = arith.cmpi eq, %select_n3A_693, %eq3A_694 : i32
        %convert_element_type3A_696 = arith.extui %eq3A_695 : i1 to i32
        %cond3A_697 = arith.constant 0 : i32
        %cond3A_698 = arith.cmpi ne, %convert_element_type3A_696, %cond3A_697 : i32
        scf.if %cond3A_698 {
          %dma_wait3A_699 = arith.constant 0 : i32
          %dma_wait3A_700 = arith.constant 0 : i32
          %dma_wait3A_701 = arith.constant 0 : i32
          %dma_wait3A_702 = arith.constant 0 : i32
          %dma_wait3A_703 = arith.constant 0 : i32
          %dma_wait3A_704 = tpu.memref_slice %arg6[%dma_wait3A_701, %dma_wait3A_702, %dma_wait3A_703] : memref<2x32x128xf32, #tpu.memory_space<vmem>> -> memref<1x1x128xf32, #tpu.memory_space<vmem>>
          %dma_wait3A_705 = tpu.memref_squeeze %dma_wait3A_704 : memref<1x1x128xf32, #tpu.memory_space<vmem>> -> memref<128xf32, #tpu.memory_space<vmem>>
          %dma_wait3A_706 = arith.constant 0 : i32
          %dma_wait3A_707 = tpu.memref_slice %arg4[%dma_wait3A_699, %dma_wait3A_700, %dma_wait3A_706] : memref<640x32x128xf32, #tpu.memory_space<hbm>> -> memref<1x1x128xf32, #tpu.memory_space<hbm>>
          %dma_wait3A_708 = tpu.memref_squeeze %dma_wait3A_707 : memref<1x1x128xf32, #tpu.memory_space<hbm>> -> memref<128xf32, #tpu.memory_space<hbm>>
          %dma_wait3A_709 = arith.constant 0 : i32
          %dma_wait3A_710 = tpu.memref_slice %arg6[%dma_wait3A_701, %dma_wait3A_702, %dma_wait3A_709] : memref<2x32x128xf32, #tpu.memory_space<vmem>> -> memref<1x1x128xf32, #tpu.memory_space<vmem>>
          %dma_wait3A_711 = tpu.memref_squeeze %dma_wait3A_710 : memref<1x1x128xf32, #tpu.memory_space<vmem>> -> memref<128xf32, #tpu.memory_space<vmem>>
          %dma_wait3A_712 = arith.constant 0 : i32
          %dma_wait3A_713 = tpu.memref_slice %arg4[%dma_wait3A_699, %dma_wait3A_700, %dma_wait3A_712] : memref<640x32x128xf32, #tpu.memory_space<hbm>> -> memref<1x1x128xf32, #tpu.memory_space<hbm>>
          %dma_wait3A_714 = tpu.memref_squeeze %dma_wait3A_713 : memref<1x1x128xf32, #tpu.memory_space<hbm>> -> memref<128xf32, #tpu.memory_space<hbm>>
          tpu.wait_dma2 semaphore(%arg9 : memref<!tpu.dma_semaphore, #tpu.memory_space<semaphore_mem>>) src(%dma_wait3A_714 : memref<128xf32, #tpu.memory_space<hbm>>) dst(%dma_wait3A_711 : memref<128xf32, #tpu.memory_space<vmem>>)
          %dma_wait3A_715 = arith.constant 0 : i32
          %dma_wait3A_716 = arith.constant 0 : i32
          %dma_wait3A_717 = arith.constant 0 : i32
          %dma_wait3A_718 = arith.constant 0 : i32
          %dma_wait3A_719 = arith.constant 0 : i32
          %dma_wait3A_720 = tpu.memref_slice %arg6[%dma_wait3A_717, %dma_wait3A_718, %dma_wait3A_719] : memref<2x32x128xf32, #tpu.memory_space<vmem>> -> memref<1x1x128xf32, #tpu.memory_space<vmem>>
          %dma_wait3A_721 = tpu.memref_squeeze %dma_wait3A_720 : memref<1x1x128xf32, #tpu.memory_space<vmem>> -> memref<128xf32, #tpu.memory_space<vmem>>
          %dma_wait3A_722 = arith.constant 0 : i32
          %dma_wait3A_723 = tpu.memref_slice %arg4[%dma_wait3A_715, %dma_wait3A_716, %dma_wait3A_722] : memref<640x32x128xf32, #tpu.memory_space<hbm>> -> memref<1x1x128xf32, #tpu.memory_space<hbm>>
          %dma_wait3A_724 = tpu.memref_squeeze %dma_wait3A_723 : memref<1x1x128xf32, #tpu.memory_space<hbm>> -> memref<128xf32, #tpu.memory_space<hbm>>
          %dma_wait3A_725 = arith.constant 0 : i32
          %dma_wait3A_726 = tpu.memref_slice %arg6[%dma_wait3A_717, %dma_wait3A_718, %dma_wait3A_725] : memref<2x32x128xf32, #tpu.memory_space<vmem>> -> memref<1x1x128xf32, #tpu.memory_space<vmem>>
          %dma_wait3A_727 = tpu.memref_squeeze %dma_wait3A_726 : memref<1x1x128xf32, #tpu.memory_space<vmem>> -> memref<128xf32, #tpu.memory_space<vmem>>
          %dma_wait3A_728 = arith.constant 0 : i32
          %dma_wait3A_729 = tpu.memref_slice %arg4[%dma_wait3A_715, %dma_wait3A_716, %dma_wait3A_728] : memref<640x32x128xf32, #tpu.memory_space<hbm>> -> memref<1x1x128xf32, #tpu.memory_space<hbm>>
          %dma_wait3A_730 = tpu.memref_squeeze %dma_wait3A_729 : memref<1x1x128xf32, #tpu.memory_space<hbm>> -> memref<128xf32, #tpu.memory_space<hbm>>
          tpu.wait_dma2 semaphore(%arg9 : memref<!tpu.dma_semaphore, #tpu.memory_space<semaphore_mem>>) src(%dma_wait3A_730 : memref<128xf32, #tpu.memory_space<hbm>>) dst(%dma_wait3A_727 : memref<128xf32, #tpu.memory_space<vmem>>)
          %dma_wait3A_731 = arith.constant 0 : i32
          %dma_wait3A_732 = arith.constant 0 : i32
          %dma_wait3A_733 = arith.constant 0 : i32
          %dma_wait3A_734 = arith.constant 0 : i32
          %dma_wait3A_735 = arith.constant 0 : i32
          %dma_wait3A_736 = tpu.memref_slice %arg6[%dma_wait3A_733, %dma_wait3A_734, %dma_wait3A_735] : memref<2x32x128xf32, #tpu.memory_space<vmem>> -> memref<1x1x128xf32, #tpu.memory_space<vmem>>
          %dma_wait3A_737 = tpu.memref_squeeze %dma_wait3A_736 : memref<1x1x128xf32, #tpu.memory_space<vmem>> -> memref<128xf32, #tpu.memory_space<vmem>>
          %dma_wait3A_738 = arith.constant 0 : i32
          %dma_wait3A_739 = tpu.memref_slice %arg4[%dma_wait3A_731, %dma_wait3A_732, %dma_wait3A_738] : memref<640x32x128xf32, #tpu.memory_space<hbm>> -> memref<1x1x128xf32, #tpu.memory_space<hbm>>
          %dma_wait3A_740 = tpu.memref_squeeze %dma_wait3A_739 : memref<1x1x128xf32, #tpu.memory_space<hbm>> -> memref<128xf32, #tpu.memory_space<hbm>>
          %dma_wait3A_741 = arith.constant 0 : i32
          %dma_wait3A_742 = tpu.memref_slice %arg6[%dma_wait3A_733, %dma_wait3A_734, %dma_wait3A_741] : memref<2x32x128xf32, #tpu.memory_space<vmem>> -> memref<1x1x128xf32, #tpu.memory_space<vmem>>
          %dma_wait3A_743 = tpu.memref_squeeze %dma_wait3A_742 : memref<1x1x128xf32, #tpu.memory_space<vmem>> -> memref<128xf32, #tpu.memory_space<vmem>>
          %dma_wait3A_744 = arith.constant 0 : i32
          %dma_wait3A_745 = tpu.memref_slice %arg4[%dma_wait3A_731, %dma_wait3A_732, %dma_wait3A_744] : memref<640x32x128xf32, #tpu.memory_space<hbm>> -> memref<1x1x128xf32, #tpu.memory_space<hbm>>
          %dma_wait3A_746 = tpu.memref_squeeze %dma_wait3A_745 : memref<1x1x128xf32, #tpu.memory_space<hbm>> -> memref<128xf32, #tpu.memory_space<hbm>>
          tpu.wait_dma2 semaphore(%arg9 : memref<!tpu.dma_semaphore, #tpu.memory_space<semaphore_mem>>) src(%dma_wait3A_746 : memref<128xf32, #tpu.memory_space<hbm>>) dst(%dma_wait3A_743 : memref<128xf32, #tpu.memory_space<vmem>>)
          %dma_wait3A_747 = arith.constant 0 : i32
          %dma_wait3A_748 = arith.constant 0 : i32
          %dma_wait3A_749 = arith.constant 0 : i32
          %dma_wait3A_750 = arith.constant 0 : i32
          %dma_wait3A_751 = arith.constant 0 : i32
          %dma_wait3A_752 = tpu.memref_slice %arg6[%dma_wait3A_749, %dma_wait3A_750, %dma_wait3A_751] : memref<2x32x128xf32, #tpu.memory_space<vmem>> -> memref<1x1x128xf32, #tpu.memory_space<vmem>>
          %dma_wait3A_753 = tpu.memref_squeeze %dma_wait3A_752 : memref<1x1x128xf32, #tpu.memory_space<vmem>> -> memref<128xf32, #tpu.memory_space<vmem>>
          %dma_wait3A_754 = arith.constant 0 : i32
          %dma_wait3A_755 = tpu.memref_slice %arg4[%dma_wait3A_747, %dma_wait3A_748, %dma_wait3A_754] : memref<640x32x128xf32, #tpu.memory_space<hbm>> -> memref<1x1x128xf32, #tpu.memory_space<hbm>>
          %dma_wait3A_756 = tpu.memref_squeeze %dma_wait3A_755 : memref<1x1x128xf32, #tpu.memory_space<hbm>> -> memref<128xf32, #tpu.memory_space<hbm>>
          %dma_wait3A_757 = arith.constant 0 : i32
          %dma_wait3A_758 = tpu.memref_slice %arg6[%dma_wait3A_749, %dma_wait3A_750, %dma_wait3A_757] : memref<2x32x128xf32, #tpu.memory_space<vmem>> -> memref<1x1x128xf32, #tpu.memory_space<vmem>>
          %dma_wait3A_759 = tpu.memref_squeeze %dma_wait3A_758 : memref<1x1x128xf32, #tpu.memory_space<vmem>> -> memref<128xf32, #tpu.memory_space<vmem>>
          %dma_wait3A_760 = arith.constant 0 : i32
          %dma_wait3A_761 = tpu.memref_slice %arg4[%dma_wait3A_747, %dma_wait3A_748, %dma_wait3A_760] : memref<640x32x128xf32, #tpu.memory_space<hbm>> -> memref<1x1x128xf32, #tpu.memory_space<hbm>>
          %dma_wait3A_762 = tpu.memref_squeeze %dma_wait3A_761 : memref<1x1x128xf32, #tpu.memory_space<hbm>> -> memref<128xf32, #tpu.memory_space<hbm>>
          tpu.wait_dma2 semaphore(%arg9 : memref<!tpu.dma_semaphore, #tpu.memory_space<semaphore_mem>>) src(%dma_wait3A_762 : memref<128xf32, #tpu.memory_space<hbm>>) dst(%dma_wait3A_759 : memref<128xf32, #tpu.memory_space<vmem>>)
          %dma_wait3A_763 = arith.constant 0 : i32
          %dma_wait3A_764 = arith.constant 0 : i32
          %dma_wait3A_765 = arith.constant 0 : i32
          %dma_wait3A_766 = arith.constant 0 : i32
          %dma_wait3A_767 = arith.constant 0 : i32
          %dma_wait3A_768 = tpu.memref_slice %arg6[%dma_wait3A_765, %dma_wait3A_766, %dma_wait3A_767] : memref<2x32x128xf32, #tpu.memory_space<vmem>> -> memref<1x1x128xf32, #tpu.memory_space<vmem>>
          %dma_wait3A_769 = tpu.memref_squeeze %dma_wait3A_768 : memref<1x1x128xf32, #tpu.memory_space<vmem>> -> memref<128xf32, #tpu.memory_space<vmem>>
          %dma_wait3A_770 = arith.constant 0 : i32
          %dma_wait3A_771 = tpu.memref_slice %arg4[%dma_wait3A_763, %dma_wait3A_764, %dma_wait3A_770] : memref<640x32x128xf32, #tpu.memory_space<hbm>> -> memref<1x1x128xf32, #tpu.memory_space<hbm>>
          %dma_wait3A_772 = tpu.memref_squeeze %dma_wait3A_771 : memref<1x1x128xf32, #tpu.memory_space<hbm>> -> memref<128xf32, #tpu.memory_space<hbm>>
          %dma_wait3A_773 = arith.constant 0 : i32
          %dma_wait3A_774 = tpu.memref_slice %arg6[%dma_wait3A_765, %dma_wait3A_766, %dma_wait3A_773] : memref<2x32x128xf32, #tpu.memory_space<vmem>> -> memref<1x1x128xf32, #tpu.memory_space<vmem>>
          %dma_wait3A_775 = tpu.memref_squeeze %dma_wait3A_774 : memref<1x1x128xf32, #tpu.memory_space<vmem>> -> memref<128xf32, #tpu.memory_space<vmem>>
          %dma_wait3A_776 = arith.constant 0 : i32
          %dma_wait3A_777 = tpu.memref_slice %arg4[%dma_wait3A_763, %dma_wait3A_764, %dma_wait3A_776] : memref<640x32x128xf32, #tpu.memory_space<hbm>> -> memref<1x1x128xf32, #tpu.memory_space<hbm>>
          %dma_wait3A_778 = tpu.memref_squeeze %dma_wait3A_777 : memref<1x1x128xf32, #tpu.memory_space<hbm>> -> memref<128xf32, #tpu.memory_space<hbm>>
          tpu.wait_dma2 semaphore(%arg9 : memref<!tpu.dma_semaphore, #tpu.memory_space<semaphore_mem>>) src(%dma_wait3A_778 : memref<128xf32, #tpu.memory_space<hbm>>) dst(%dma_wait3A_775 : memref<128xf32, #tpu.memory_space<vmem>>)
          %dma_wait3A_779 = arith.constant 0 : i32
          %dma_wait3A_780 = arith.constant 0 : i32
          %dma_wait3A_781 = arith.constant 0 : i32
          %dma_wait3A_782 = arith.constant 0 : i32
          %dma_wait3A_783 = arith.constant 0 : i32
          %dma_wait3A_784 = tpu.memref_slice %arg6[%dma_wait3A_781, %dma_wait3A_782, %dma_wait3A_783] : memref<2x32x128xf32, #tpu.memory_space<vmem>> -> memref<1x1x128xf32, #tpu.memory_space<vmem>>
          %dma_wait3A_785 = tpu.memref_squeeze %dma_wait3A_784 : memref<1x1x128xf32, #tpu.memory_space<vmem>> -> memref<128xf32, #tpu.memory_space<vmem>>
          %dma_wait3A_786 = arith.constant 0 : i32
          %dma_wait3A_787 = tpu.memref_slice %arg4[%dma_wait3A_779, %dma_wait3A_780, %dma_wait3A_786] : memref<640x32x128xf32, #tpu.memory_space<hbm>> -> memref<1x1x128xf32, #tpu.memory_space<hbm>>
          %dma_wait3A_788 = tpu.memref_squeeze %dma_wait3A_787 : memref<1x1x128xf32, #tpu.memory_space<hbm>> -> memref<128xf32, #tpu.memory_space<hbm>>
          %dma_wait3A_789 = arith.constant 0 : i32
          %dma_wait3A_790 = tpu.memref_slice %arg6[%dma_wait3A_781, %dma_wait3A_782, %dma_wait3A_789] : memref<2x32x128xf32, #tpu.memory_space<vmem>> -> memref<1x1x128xf32, #tpu.memory_space<vmem>>
          %dma_wait3A_791 = tpu.memref_squeeze %dma_wait3A_790 : memref<1x1x128xf32, #tpu.memory_space<vmem>> -> memref<128xf32, #tpu.memory_space<vmem>>
          %dma_wait3A_792 = arith.constant 0 : i32
          %dma_wait3A_793 = tpu.memref_slice %arg4[%dma_wait3A_779, %dma_wait3A_780, %dma_wait3A_792] : memref<640x32x128xf32, #tpu.memory_space<hbm>> -> memref<1x1x128xf32, #tpu.memory_space<hbm>>
          %dma_wait3A_794 = tpu.memref_squeeze %dma_wait3A_793 : memref<1x1x128xf32, #tpu.memory_space<hbm>> -> memref<128xf32, #tpu.memory_space<hbm>>
          tpu.wait_dma2 semaphore(%arg9 : memref<!tpu.dma_semaphore, #tpu.memory_space<semaphore_mem>>) src(%dma_wait3A_794 : memref<128xf32, #tpu.memory_space<hbm>>) dst(%dma_wait3A_791 : memref<128xf32, #tpu.memory_space<vmem>>)
          %dma_wait3A_795 = arith.constant 0 : i32
          %dma_wait3A_796 = arith.constant 0 : i32
          %dma_wait3A_797 = arith.constant 0 : i32
          %dma_wait3A_798 = arith.constant 0 : i32
          %dma_wait3A_799 = arith.constant 0 : i32
          %dma_wait3A_800 = tpu.memref_slice %arg6[%dma_wait3A_797, %dma_wait3A_798, %dma_wait3A_799] : memref<2x32x128xf32, #tpu.memory_space<vmem>> -> memref<1x1x128xf32, #tpu.memory_space<vmem>>
          %dma_wait3A_801 = tpu.memref_squeeze %dma_wait3A_800 : memref<1x1x128xf32, #tpu.memory_space<vmem>> -> memref<128xf32, #tpu.memory_space<vmem>>
          %dma_wait3A_802 = arith.constant 0 : i32
          %dma_wait3A_803 = tpu.memref_slice %arg4[%dma_wait3A_795, %dma_wait3A_796, %dma_wait3A_802] : memref<640x32x128xf32, #tpu.memory_space<hbm>> -> memref<1x1x128xf32, #tpu.memory_space<hbm>>
          %dma_wait3A_804 = tpu.memref_squeeze %dma_wait3A_803 : memref<1x1x128xf32, #tpu.memory_space<hbm>> -> memref<128xf32, #tpu.memory_space<hbm>>
          %dma_wait3A_805 = arith.constant 0 : i32
          %dma_wait3A_806 = tpu.memref_slice %arg6[%dma_wait3A_797, %dma_wait3A_798, %dma_wait3A_805] : memref<2x32x128xf32, #tpu.memory_space<vmem>> -> memref<1x1x128xf32, #tpu.memory_space<vmem>>
          %dma_wait3A_807 = tpu.memref_squeeze %dma_wait3A_806 : memref<1x1x128xf32, #tpu.memory_space<vmem>> -> memref<128xf32, #tpu.memory_space<vmem>>
          %dma_wait3A_808 = arith.constant 0 : i32
          %dma_wait3A_809 = tpu.memref_slice %arg4[%dma_wait3A_795, %dma_wait3A_796, %dma_wait3A_808] : memref<640x32x128xf32, #tpu.memory_space<hbm>> -> memref<1x1x128xf32, #tpu.memory_space<hbm>>
          %dma_wait3A_810 = tpu.memref_squeeze %dma_wait3A_809 : memref<1x1x128xf32, #tpu.memory_space<hbm>> -> memref<128xf32, #tpu.memory_space<hbm>>
          tpu.wait_dma2 semaphore(%arg9 : memref<!tpu.dma_semaphore, #tpu.memory_space<semaphore_mem>>) src(%dma_wait3A_810 : memref<128xf32, #tpu.memory_space<hbm>>) dst(%dma_wait3A_807 : memref<128xf32, #tpu.memory_space<vmem>>)
          %dma_wait3A_811 = arith.constant 0 : i32
          %dma_wait3A_812 = arith.constant 0 : i32
          %dma_wait3A_813 = arith.constant 0 : i32
          %dma_wait3A_814 = arith.constant 0 : i32
          %dma_wait3A_815 = arith.constant 0 : i32
          %dma_wait3A_816 = tpu.memref_slice %arg6[%dma_wait3A_813, %dma_wait3A_814, %dma_wait3A_815] : memref<2x32x128xf32, #tpu.memory_space<vmem>> -> memref<1x1x128xf32, #tpu.memory_space<vmem>>
          %dma_wait3A_817 = tpu.memref_squeeze %dma_wait3A_816 : memref<1x1x128xf32, #tpu.memory_space<vmem>> -> memref<128xf32, #tpu.memory_space<vmem>>
          %dma_wait3A_818 = arith.constant 0 : i32
          %dma_wait3A_819 = tpu.memref_slice %arg4[%dma_wait3A_811, %dma_wait3A_812, %dma_wait3A_818] : memref<640x32x128xf32, #tpu.memory_space<hbm>> -> memref<1x1x128xf32, #tpu.memory_space<hbm>>
          %dma_wait3A_820 = tpu.memref_squeeze %dma_wait3A_819 : memref<1x1x128xf32, #tpu.memory_space<hbm>> -> memref<128xf32, #tpu.memory_space<hbm>>
          %dma_wait3A_821 = arith.constant 0 : i32
          %dma_wait3A_822 = tpu.memref_slice %arg6[%dma_wait3A_813, %dma_wait3A_814, %dma_wait3A_821] : memref<2x32x128xf32, #tpu.memory_space<vmem>> -> memref<1x1x128xf32, #tpu.memory_space<vmem>>
          %dma_wait3A_823 = tpu.memref_squeeze %dma_wait3A_822 : memref<1x1x128xf32, #tpu.memory_space<vmem>> -> memref<128xf32, #tpu.memory_space<vmem>>
          %dma_wait3A_824 = arith.constant 0 : i32
          %dma_wait3A_825 = tpu.memref_slice %arg4[%dma_wait3A_811, %dma_wait3A_812, %dma_wait3A_824] : memref<640x32x128xf32, #tpu.memory_space<hbm>> -> memref<1x1x128xf32, #tpu.memory_space<hbm>>
          %dma_wait3A_826 = tpu.memref_squeeze %dma_wait3A_825 : memref<1x1x128xf32, #tpu.memory_space<hbm>> -> memref<128xf32, #tpu.memory_space<hbm>>
          tpu.wait_dma2 semaphore(%arg9 : memref<!tpu.dma_semaphore, #tpu.memory_space<semaphore_mem>>) src(%dma_wait3A_826 : memref<128xf32, #tpu.memory_space<hbm>>) dst(%dma_wait3A_823 : memref<128xf32, #tpu.memory_space<vmem>>)
          %dma_wait3A_827 = arith.constant 0 : i32
          %dma_wait3A_828 = arith.constant 0 : i32
          %dma_wait3A_829 = arith.constant 0 : i32
          %dma_wait3A_830 = arith.constant 0 : i32
          %dma_wait3A_831 = arith.constant 0 : i32
          %dma_wait3A_832 = tpu.memref_slice %arg6[%dma_wait3A_829, %dma_wait3A_830, %dma_wait3A_831] : memref<2x32x128xf32, #tpu.memory_space<vmem>> -> memref<1x1x128xf32, #tpu.memory_space<vmem>>
          %dma_wait3A_833 = tpu.memref_squeeze %dma_wait3A_832 : memref<1x1x128xf32, #tpu.memory_space<vmem>> -> memref<128xf32, #tpu.memory_space<vmem>>
          %dma_wait3A_834 = arith.constant 0 : i32
          %dma_wait3A_835 = tpu.memref_slice %arg4[%dma_wait3A_827, %dma_wait3A_828, %dma_wait3A_834] : memref<640x32x128xf32, #tpu.memory_space<hbm>> -> memref<1x1x128xf32, #tpu.memory_space<hbm>>
          %dma_wait3A_836 = tpu.memref_squeeze %dma_wait3A_835 : memref<1x1x128xf32, #tpu.memory_space<hbm>> -> memref<128xf32, #tpu.memory_space<hbm>>
          %dma_wait3A_837 = arith.constant 0 : i32
          %dma_wait3A_838 = tpu.memref_slice %arg6[%dma_wait3A_829, %dma_wait3A_830, %dma_wait3A_837] : memref<2x32x128xf32, #tpu.memory_space<vmem>> -> memref<1x1x128xf32, #tpu.memory_space<vmem>>
          %dma_wait3A_839 = tpu.memref_squeeze %dma_wait3A_838 : memref<1x1x128xf32, #tpu.memory_space<vmem>> -> memref<128xf32, #tpu.memory_space<vmem>>
          %dma_wait3A_840 = arith.constant 0 : i32
          %dma_wait3A_841 = tpu.memref_slice %arg4[%dma_wait3A_827, %dma_wait3A_828, %dma_wait3A_840] : memref<640x32x128xf32, #tpu.memory_space<hbm>> -> memref<1x1x128xf32, #tpu.memory_space<hbm>>
          %dma_wait3A_842 = tpu.memref_squeeze %dma_wait3A_841 : memref<1x1x128xf32, #tpu.memory_space<hbm>> -> memref<128xf32, #tpu.memory_space<hbm>>
          tpu.wait_dma2 semaphore(%arg9 : memref<!tpu.dma_semaphore, #tpu.memory_space<semaphore_mem>>) src(%dma_wait3A_842 : memref<128xf32, #tpu.memory_space<hbm>>) dst(%dma_wait3A_839 : memref<128xf32, #tpu.memory_space<vmem>>)
          %dma_wait3A_843 = arith.constant 0 : i32
          %dma_wait3A_844 = arith.constant 0 : i32
          %dma_wait3A_845 = arith.constant 0 : i32
          %dma_wait3A_846 = arith.constant 0 : i32
          %dma_wait3A_847 = arith.constant 0 : i32
          %dma_wait3A_848 = tpu.memref_slice %arg6[%dma_wait3A_845, %dma_wait3A_846, %dma_wait3A_847] : memref<2x32x128xf32, #tpu.memory_space<vmem>> -> memref<1x1x128xf32, #tpu.memory_space<vmem>>
          %dma_wait3A_849 = tpu.memref_squeeze %dma_wait3A_848 : memref<1x1x128xf32, #tpu.memory_space<vmem>> -> memref<128xf32, #tpu.memory_space<vmem>>
          %dma_wait3A_850 = arith.constant 0 : i32
          %dma_wait3A_851 = tpu.memref_slice %arg4[%dma_wait3A_843, %dma_wait3A_844, %dma_wait3A_850] : memref<640x32x128xf32, #tpu.memory_space<hbm>> -> memref<1x1x128xf32, #tpu.memory_space<hbm>>
          %dma_wait3A_852 = tpu.memref_squeeze %dma_wait3A_851 : memref<1x1x128xf32, #tpu.memory_space<hbm>> -> memref<128xf32, #tpu.memory_space<hbm>>
          %dma_wait3A_853 = arith.constant 0 : i32
          %dma_wait3A_854 = tpu.memref_slice %arg6[%dma_wait3A_845, %dma_wait3A_846, %dma_wait3A_853] : memref<2x32x128xf32, #tpu.memory_space<vmem>> -> memref<1x1x128xf32, #tpu.memory_space<vmem>>
          %dma_wait3A_855 = tpu.memref_squeeze %dma_wait3A_854 : memref<1x1x128xf32, #tpu.memory_space<vmem>> -> memref<128xf32, #tpu.memory_space<vmem>>
          %dma_wait3A_856 = arith.constant 0 : i32
          %dma_wait3A_857 = tpu.memref_slice %arg4[%dma_wait3A_843, %dma_wait3A_844, %dma_wait3A_856] : memref<640x32x128xf32, #tpu.memory_space<hbm>> -> memref<1x1x128xf32, #tpu.memory_space<hbm>>
          %dma_wait3A_858 = tpu.memref_squeeze %dma_wait3A_857 : memref<1x1x128xf32, #tpu.memory_space<hbm>> -> memref<128xf32, #tpu.memory_space<hbm>>
          tpu.wait_dma2 semaphore(%arg9 : memref<!tpu.dma_semaphore, #tpu.memory_space<semaphore_mem>>) src(%dma_wait3A_858 : memref<128xf32, #tpu.memory_space<hbm>>) dst(%dma_wait3A_855 : memref<128xf32, #tpu.memory_space<vmem>>)
          %dma_wait3A_859 = arith.constant 0 : i32
          %dma_wait3A_860 = arith.constant 0 : i32
          %dma_wait3A_861 = arith.constant 0 : i32
          %dma_wait3A_862 = arith.constant 0 : i32
          %dma_wait3A_863 = arith.constant 0 : i32
          %dma_wait3A_864 = tpu.memref_slice %arg6[%dma_wait3A_861, %dma_wait3A_862, %dma_wait3A_863] : memref<2x32x128xf32, #tpu.memory_space<vmem>> -> memref<1x1x128xf32, #tpu.memory_space<vmem>>
          %dma_wait3A_865 = tpu.memref_squeeze %dma_wait3A_864 : memref<1x1x128xf32, #tpu.memory_space<vmem>> -> memref<128xf32, #tpu.memory_space<vmem>>
          %dma_wait3A_866 = arith.constant 0 : i32
          %dma_wait3A_867 = tpu.memref_slice %arg4[%dma_wait3A_859, %dma_wait3A_860, %dma_wait3A_866] : memref<640x32x128xf32, #tpu.memory_space<hbm>> -> memref<1x1x128xf32, #tpu.memory_space<hbm>>
          %dma_wait3A_868 = tpu.memref_squeeze %dma_wait3A_867 : memref<1x1x128xf32, #tpu.memory_space<hbm>> -> memref<128xf32, #tpu.memory_space<hbm>>
          %dma_wait3A_869 = arith.constant 0 : i32
          %dma_wait3A_870 = tpu.memref_slice %arg6[%dma_wait3A_861, %dma_wait3A_862, %dma_wait3A_869] : memref<2x32x128xf32, #tpu.memory_space<vmem>> -> memref<1x1x128xf32, #tpu.memory_space<vmem>>
          %dma_wait3A_871 = tpu.memref_squeeze %dma_wait3A_870 : memref<1x1x128xf32, #tpu.memory_space<vmem>> -> memref<128xf32, #tpu.memory_space<vmem>>
          %dma_wait3A_872 = arith.constant 0 : i32
          %dma_wait3A_873 = tpu.memref_slice %arg4[%dma_wait3A_859, %dma_wait3A_860, %dma_wait3A_872] : memref<640x32x128xf32, #tpu.memory_space<hbm>> -> memref<1x1x128xf32, #tpu.memory_space<hbm>>
          %dma_wait3A_874 = tpu.memref_squeeze %dma_wait3A_873 : memref<1x1x128xf32, #tpu.memory_space<hbm>> -> memref<128xf32, #tpu.memory_space<hbm>>
          tpu.wait_dma2 semaphore(%arg9 : memref<!tpu.dma_semaphore, #tpu.memory_space<semaphore_mem>>) src(%dma_wait3A_874 : memref<128xf32, #tpu.memory_space<hbm>>) dst(%dma_wait3A_871 : memref<128xf32, #tpu.memory_space<vmem>>)
          %dma_wait3A_875 = arith.constant 0 : i32
          %dma_wait3A_876 = arith.constant 0 : i32
          %dma_wait3A_877 = arith.constant 0 : i32
          %dma_wait3A_878 = arith.constant 0 : i32
          %dma_wait3A_879 = arith.constant 0 : i32
          %dma_wait3A_880 = tpu.memref_slice %arg6[%dma_wait3A_877, %dma_wait3A_878, %dma_wait3A_879] : memref<2x32x128xf32, #tpu.memory_space<vmem>> -> memref<1x1x128xf32, #tpu.memory_space<vmem>>
          %dma_wait3A_881 = tpu.memref_squeeze %dma_wait3A_880 : memref<1x1x128xf32, #tpu.memory_space<vmem>> -> memref<128xf32, #tpu.memory_space<vmem>>
          %dma_wait3A_882 = arith.constant 0 : i32
          %dma_wait3A_883 = tpu.memref_slice %arg4[%dma_wait3A_875, %dma_wait3A_876, %dma_wait3A_882] : memref<640x32x128xf32, #tpu.memory_space<hbm>> -> memref<1x1x128xf32, #tpu.memory_space<hbm>>
          %dma_wait3A_884 = tpu.memref_squeeze %dma_wait3A_883 : memref<1x1x128xf32, #tpu.memory_space<hbm>> -> memref<128xf32, #tpu.memory_space<hbm>>
          %dma_wait3A_885 = arith.constant 0 : i32
          %dma_wait3A_886 = tpu.memref_slice %arg6[%dma_wait3A_877, %dma_wait3A_878, %dma_wait3A_885] : memref<2x32x128xf32, #tpu.memory_space<vmem>> -> memref<1x1x128xf32, #tpu.memory_space<vmem>>
          %dma_wait3A_887 = tpu.memref_squeeze %dma_wait3A_886 : memref<1x1x128xf32, #tpu.memory_space<vmem>> -> memref<128xf32, #tpu.memory_space<vmem>>
          %dma_wait3A_888 = arith.constant 0 : i32
          %dma_wait3A_889 = tpu.memref_slice %arg4[%dma_wait3A_875, %dma_wait3A_876, %dma_wait3A_888] : memref<640x32x128xf32, #tpu.memory_space<hbm>> -> memref<1x1x128xf32, #tpu.memory_space<hbm>>
          %dma_wait3A_890 = tpu.memref_squeeze %dma_wait3A_889 : memref<1x1x128xf32, #tpu.memory_space<hbm>> -> memref<128xf32, #tpu.memory_space<hbm>>
          tpu.wait_dma2 semaphore(%arg9 : memref<!tpu.dma_semaphore, #tpu.memory_space<semaphore_mem>>) src(%dma_wait3A_890 : memref<128xf32, #tpu.memory_space<hbm>>) dst(%dma_wait3A_887 : memref<128xf32, #tpu.memory_space<vmem>>)
          %dma_wait3A_891 = arith.constant 0 : i32
          %dma_wait3A_892 = arith.constant 0 : i32
          %dma_wait3A_893 = arith.constant 0 : i32
          %dma_wait3A_894 = arith.constant 0 : i32
          %dma_wait3A_895 = arith.constant 0 : i32
          %dma_wait3A_896 = tpu.memref_slice %arg6[%dma_wait3A_893, %dma_wait3A_894, %dma_wait3A_895] : memref<2x32x128xf32, #tpu.memory_space<vmem>> -> memref<1x1x128xf32, #tpu.memory_space<vmem>>
          %dma_wait3A_897 = tpu.memref_squeeze %dma_wait3A_896 : memref<1x1x128xf32, #tpu.memory_space<vmem>> -> memref<128xf32, #tpu.memory_space<vmem>>
          %dma_wait3A_898 = arith.constant 0 : i32
          %dma_wait3A_899 = tpu.memref_slice %arg4[%dma_wait3A_891, %dma_wait3A_892, %dma_wait3A_898] : memref<640x32x128xf32, #tpu.memory_space<hbm>> -> memref<1x1x128xf32, #tpu.memory_space<hbm>>
          %dma_wait3A_900 = tpu.memref_squeeze %dma_wait3A_899 : memref<1x1x128xf32, #tpu.memory_space<hbm>> -> memref<128xf32, #tpu.memory_space<hbm>>
          %dma_wait3A_901 = arith.constant 0 : i32
          %dma_wait3A_902 = tpu.memref_slice %arg6[%dma_wait3A_893, %dma_wait3A_894, %dma_wait3A_901] : memref<2x32x128xf32, #tpu.memory_space<vmem>> -> memref<1x1x128xf32, #tpu.memory_space<vmem>>
          %dma_wait3A_903 = tpu.memref_squeeze %dma_wait3A_902 : memref<1x1x128xf32, #tpu.memory_space<vmem>> -> memref<128xf32, #tpu.memory_space<vmem>>
          %dma_wait3A_904 = arith.constant 0 : i32
          %dma_wait3A_905 = tpu.memref_slice %arg4[%dma_wait3A_891, %dma_wait3A_892, %dma_wait3A_904] : memref<640x32x128xf32, #tpu.memory_space<hbm>> -> memref<1x1x128xf32, #tpu.memory_space<hbm>>
          %dma_wait3A_906 = tpu.memref_squeeze %dma_wait3A_905 : memref<1x1x128xf32, #tpu.memory_space<hbm>> -> memref<128xf32, #tpu.memory_space<hbm>>
          tpu.wait_dma2 semaphore(%arg9 : memref<!tpu.dma_semaphore, #tpu.memory_space<semaphore_mem>>) src(%dma_wait3A_906 : memref<128xf32, #tpu.memory_space<hbm>>) dst(%dma_wait3A_903 : memref<128xf32, #tpu.memory_space<vmem>>)
          %dma_wait3A_907 = arith.constant 0 : i32
          %dma_wait3A_908 = arith.constant 0 : i32
          %dma_wait3A_909 = arith.constant 0 : i32
          %dma_wait3A_910 = arith.constant 0 : i32
          %dma_wait3A_911 = arith.constant 0 : i32
          %dma_wait3A_912 = tpu.memref_slice %arg6[%dma_wait3A_909, %dma_wait3A_910, %dma_wait3A_911] : memref<2x32x128xf32, #tpu.memory_space<vmem>> -> memref<1x1x128xf32, #tpu.memory_space<vmem>>
          %dma_wait3A_913 = tpu.memref_squeeze %dma_wait3A_912 : memref<1x1x128xf32, #tpu.memory_space<vmem>> -> memref<128xf32, #tpu.memory_space<vmem>>
          %dma_wait3A_914 = arith.constant 0 : i32
          %dma_wait3A_915 = tpu.memref_slice %arg4[%dma_wait3A_907, %dma_wait3A_908, %dma_wait3A_914] : memref<640x32x128xf32, #tpu.memory_space<hbm>> -> memref<1x1x128xf32, #tpu.memory_space<hbm>>
          %dma_wait3A_916 = tpu.memref_squeeze %dma_wait3A_915 : memref<1x1x128xf32, #tpu.memory_space<hbm>> -> memref<128xf32, #tpu.memory_space<hbm>>
          %dma_wait3A_917 = arith.constant 0 : i32
          %dma_wait3A_918 = tpu.memref_slice %arg6[%dma_wait3A_909, %dma_wait3A_910, %dma_wait3A_917] : memref<2x32x128xf32, #tpu.memory_space<vmem>> -> memref<1x1x128xf32, #tpu.memory_space<vmem>>
          %dma_wait3A_919 = tpu.memref_squeeze %dma_wait3A_918 : memref<1x1x128xf32, #tpu.memory_space<vmem>> -> memref<128xf32, #tpu.memory_space<vmem>>
          %dma_wait3A_920 = arith.constant 0 : i32
          %dma_wait3A_921 = tpu.memref_slice %arg4[%dma_wait3A_907, %dma_wait3A_908, %dma_wait3A_920] : memref<640x32x128xf32, #tpu.memory_space<hbm>> -> memref<1x1x128xf32, #tpu.memory_space<hbm>>
          %dma_wait3A_922 = tpu.memref_squeeze %dma_wait3A_921 : memref<1x1x128xf32, #tpu.memory_space<hbm>> -> memref<128xf32, #tpu.memory_space<hbm>>
          tpu.wait_dma2 semaphore(%arg9 : memref<!tpu.dma_semaphore, #tpu.memory_space<semaphore_mem>>) src(%dma_wait3A_922 : memref<128xf32, #tpu.memory_space<hbm>>) dst(%dma_wait3A_919 : memref<128xf32, #tpu.memory_space<vmem>>)
          %dma_wait3A_923 = arith.constant 0 : i32
          %dma_wait3A_924 = arith.constant 0 : i32
          %dma_wait3A_925 = arith.constant 0 : i32
          %dma_wait3A_926 = arith.constant 0 : i32
          %dma_wait3A_927 = arith.constant 0 : i32
          %dma_wait3A_928 = tpu.memref_slice %arg6[%dma_wait3A_925, %dma_wait3A_926, %dma_wait3A_927] : memref<2x32x128xf32, #tpu.memory_space<vmem>> -> memref<1x1x128xf32, #tpu.memory_space<vmem>>
          %dma_wait3A_929 = tpu.memref_squeeze %dma_wait3A_928 : memref<1x1x128xf32, #tpu.memory_space<vmem>> -> memref<128xf32, #tpu.memory_space<vmem>>
          %dma_wait3A_930 = arith.constant 0 : i32
          %dma_wait3A_931 = tpu.memref_slice %arg4[%dma_wait3A_923, %dma_wait3A_924, %dma_wait3A_930] : memref<640x32x128xf32, #tpu.memory_space<hbm>> -> memref<1x1x128xf32, #tpu.memory_space<hbm>>
          %dma_wait3A_932 = tpu.memref_squeeze %dma_wait3A_931 : memref<1x1x128xf32, #tpu.memory_space<hbm>> -> memref<128xf32, #tpu.memory_space<hbm>>
          %dma_wait3A_933 = arith.constant 0 : i32
          %dma_wait3A_934 = tpu.memref_slice %arg6[%dma_wait3A_925, %dma_wait3A_926, %dma_wait3A_933] : memref<2x32x128xf32, #tpu.memory_space<vmem>> -> memref<1x1x128xf32, #tpu.memory_space<vmem>>
          %dma_wait3A_935 = tpu.memref_squeeze %dma_wait3A_934 : memref<1x1x128xf32, #tpu.memory_space<vmem>> -> memref<128xf32, #tpu.memory_space<vmem>>
          %dma_wait3A_936 = arith.constant 0 : i32
          %dma_wait3A_937 = tpu.memref_slice %arg4[%dma_wait3A_923, %dma_wait3A_924, %dma_wait3A_936] : memref<640x32x128xf32, #tpu.memory_space<hbm>> -> memref<1x1x128xf32, #tpu.memory_space<hbm>>
          %dma_wait3A_938 = tpu.memref_squeeze %dma_wait3A_937 : memref<1x1x128xf32, #tpu.memory_space<hbm>> -> memref<128xf32, #tpu.memory_space<hbm>>
          tpu.wait_dma2 semaphore(%arg9 : memref<!tpu.dma_semaphore, #tpu.memory_space<semaphore_mem>>) src(%dma_wait3A_938 : memref<128xf32, #tpu.memory_space<hbm>>) dst(%dma_wait3A_935 : memref<128xf32, #tpu.memory_space<vmem>>)
          %dma_wait3A_939 = arith.constant 0 : i32
          %dma_wait3A_940 = arith.constant 0 : i32
          %dma_wait3A_941 = arith.constant 0 : i32
          %dma_wait3A_942 = arith.constant 0 : i32
          %dma_wait3A_943 = arith.constant 0 : i32
          %dma_wait3A_944 = tpu.memref_slice %arg6[%dma_wait3A_941, %dma_wait3A_942, %dma_wait3A_943] : memref<2x32x128xf32, #tpu.memory_space<vmem>> -> memref<1x1x128xf32, #tpu.memory_space<vmem>>
          %dma_wait3A_945 = tpu.memref_squeeze %dma_wait3A_944 : memref<1x1x128xf32, #tpu.memory_space<vmem>> -> memref<128xf32, #tpu.memory_space<vmem>>
          %dma_wait3A_946 = arith.constant 0 : i32
          %dma_wait3A_947 = tpu.memref_slice %arg4[%dma_wait3A_939, %dma_wait3A_940, %dma_wait3A_946] : memref<640x32x128xf32, #tpu.memory_space<hbm>> -> memref<1x1x128xf32, #tpu.memory_space<hbm>>
          %dma_wait3A_948 = tpu.memref_squeeze %dma_wait3A_947 : memref<1x1x128xf32, #tpu.memory_space<hbm>> -> memref<128xf32, #tpu.memory_space<hbm>>
          %dma_wait3A_949 = arith.constant 0 : i32
          %dma_wait3A_950 = tpu.memref_slice %arg6[%dma_wait3A_941, %dma_wait3A_942, %dma_wait3A_949] : memref<2x32x128xf32, #tpu.memory_space<vmem>> -> memref<1x1x128xf32, #tpu.memory_space<vmem>>
          %dma_wait3A_951 = tpu.memref_squeeze %dma_wait3A_950 : memref<1x1x128xf32, #tpu.memory_space<vmem>> -> memref<128xf32, #tpu.memory_space<vmem>>
          %dma_wait3A_952 = arith.constant 0 : i32
          %dma_wait3A_953 = tpu.memref_slice %arg4[%dma_wait3A_939, %dma_wait3A_940, %dma_wait3A_952] : memref<640x32x128xf32, #tpu.memory_space<hbm>> -> memref<1x1x128xf32, #tpu.memory_space<hbm>>
          %dma_wait3A_954 = tpu.memref_squeeze %dma_wait3A_953 : memref<1x1x128xf32, #tpu.memory_space<hbm>> -> memref<128xf32, #tpu.memory_space<hbm>>
          tpu.wait_dma2 semaphore(%arg9 : memref<!tpu.dma_semaphore, #tpu.memory_space<semaphore_mem>>) src(%dma_wait3A_954 : memref<128xf32, #tpu.memory_space<hbm>>) dst(%dma_wait3A_951 : memref<128xf32, #tpu.memory_space<vmem>>)
          %dma_wait3A_955 = arith.constant 0 : i32
          %dma_wait3A_956 = arith.constant 0 : i32
          %dma_wait3A_957 = arith.constant 0 : i32
          %dma_wait3A_958 = arith.constant 0 : i32
          %dma_wait3A_959 = arith.constant 0 : i32
          %dma_wait3A_960 = tpu.memref_slice %arg6[%dma_wait3A_957, %dma_wait3A_958, %dma_wait3A_959] : memref<2x32x128xf32, #tpu.memory_space<vmem>> -> memref<1x1x128xf32, #tpu.memory_space<vmem>>
          %dma_wait3A_961 = tpu.memref_squeeze %dma_wait3A_960 : memref<1x1x128xf32, #tpu.memory_space<vmem>> -> memref<128xf32, #tpu.memory_space<vmem>>
          %dma_wait3A_962 = arith.constant 0 : i32
          %dma_wait3A_963 = tpu.memref_slice %arg4[%dma_wait3A_955, %dma_wait3A_956, %dma_wait3A_962] : memref<640x32x128xf32, #tpu.memory_space<hbm>> -> memref<1x1x128xf32, #tpu.memory_space<hbm>>
          %dma_wait3A_964 = tpu.memref_squeeze %dma_wait3A_963 : memref<1x1x128xf32, #tpu.memory_space<hbm>> -> memref<128xf32, #tpu.memory_space<hbm>>
          %dma_wait3A_965 = arith.constant 0 : i32
          %dma_wait3A_966 = tpu.memref_slice %arg6[%dma_wait3A_957, %dma_wait3A_958, %dma_wait3A_965] : memref<2x32x128xf32, #tpu.memory_space<vmem>> -> memref<1x1x128xf32, #tpu.memory_space<vmem>>
          %dma_wait3A_967 = tpu.memref_squeeze %dma_wait3A_966 : memref<1x1x128xf32, #tpu.memory_space<vmem>> -> memref<128xf32, #tpu.memory_space<vmem>>
          %dma_wait3A_968 = arith.constant 0 : i32
          %dma_wait3A_969 = tpu.memref_slice %arg4[%dma_wait3A_955, %dma_wait3A_956, %dma_wait3A_968] : memref<640x32x128xf32, #tpu.memory_space<hbm>> -> memref<1x1x128xf32, #tpu.memory_space<hbm>>
          %dma_wait3A_970 = tpu.memref_squeeze %dma_wait3A_969 : memref<1x1x128xf32, #tpu.memory_space<hbm>> -> memref<128xf32, #tpu.memory_space<hbm>>
          tpu.wait_dma2 semaphore(%arg9 : memref<!tpu.dma_semaphore, #tpu.memory_space<semaphore_mem>>) src(%dma_wait3A_970 : memref<128xf32, #tpu.memory_space<hbm>>) dst(%dma_wait3A_967 : memref<128xf32, #tpu.memory_space<vmem>>)
          %dma_wait3A_971 = arith.constant 0 : i32
          %dma_wait3A_972 = arith.constant 0 : i32
          %dma_wait3A_973 = arith.constant 0 : i32
          %dma_wait3A_974 = arith.constant 0 : i32
          %dma_wait3A_975 = arith.constant 0 : i32
          %dma_wait3A_976 = tpu.memref_slice %arg6[%dma_wait3A_973, %dma_wait3A_974, %dma_wait3A_975] : memref<2x32x128xf32, #tpu.memory_space<vmem>> -> memref<1x1x128xf32, #tpu.memory_space<vmem>>
          %dma_wait3A_977 = tpu.memref_squeeze %dma_wait3A_976 : memref<1x1x128xf32, #tpu.memory_space<vmem>> -> memref<128xf32, #tpu.memory_space<vmem>>
          %dma_wait3A_978 = arith.constant 0 : i32
          %dma_wait3A_979 = tpu.memref_slice %arg4[%dma_wait3A_971, %dma_wait3A_972, %dma_wait3A_978] : memref<640x32x128xf32, #tpu.memory_space<hbm>> -> memref<1x1x128xf32, #tpu.memory_space<hbm>>
          %dma_wait3A_980 = tpu.memref_squeeze %dma_wait3A_979 : memref<1x1x128xf32, #tpu.memory_space<hbm>> -> memref<128xf32, #tpu.memory_space<hbm>>
          %dma_wait3A_981 = arith.constant 0 : i32
          %dma_wait3A_982 = tpu.memref_slice %arg6[%dma_wait3A_973, %dma_wait3A_974, %dma_wait3A_981] : memref<2x32x128xf32, #tpu.memory_space<vmem>> -> memref<1x1x128xf32, #tpu.memory_space<vmem>>
          %dma_wait3A_983 = tpu.memref_squeeze %dma_wait3A_982 : memref<1x1x128xf32, #tpu.memory_space<vmem>> -> memref<128xf32, #tpu.memory_space<vmem>>
          %dma_wait3A_984 = arith.constant 0 : i32
          %dma_wait3A_985 = tpu.memref_slice %arg4[%dma_wait3A_971, %dma_wait3A_972, %dma_wait3A_984] : memref<640x32x128xf32, #tpu.memory_space<hbm>> -> memref<1x1x128xf32, #tpu.memory_space<hbm>>
          %dma_wait3A_986 = tpu.memref_squeeze %dma_wait3A_985 : memref<1x1x128xf32, #tpu.memory_space<hbm>> -> memref<128xf32, #tpu.memory_space<hbm>>
          tpu.wait_dma2 semaphore(%arg9 : memref<!tpu.dma_semaphore, #tpu.memory_space<semaphore_mem>>) src(%dma_wait3A_986 : memref<128xf32, #tpu.memory_space<hbm>>) dst(%dma_wait3A_983 : memref<128xf32, #tpu.memory_space<vmem>>)
          %dma_wait3A_987 = arith.constant 0 : i32
          %dma_wait3A_988 = arith.constant 0 : i32
          %dma_wait3A_989 = arith.constant 0 : i32
          %dma_wait3A_990 = arith.constant 0 : i32
          %dma_wait3A_991 = arith.constant 0 : i32
          %dma_wait3A_992 = tpu.memref_slice %arg6[%dma_wait3A_989, %dma_wait3A_990, %dma_wait3A_991] : memref<2x32x128xf32, #tpu.memory_space<vmem>> -> memref<1x1x128xf32, #tpu.memory_space<vmem>>
          %dma_wait3A_993 = tpu.memref_squeeze %dma_wait3A_992 : memref<1x1x128xf32, #tpu.memory_space<vmem>> -> memref<128xf32, #tpu.memory_space<vmem>>
          %dma_wait3A_994 = arith.constant 0 : i32
          %dma_wait3A_995 = tpu.memref_slice %arg4[%dma_wait3A_987, %dma_wait3A_988, %dma_wait3A_994] : memref<640x32x128xf32, #tpu.memory_space<hbm>> -> memref<1x1x128xf32, #tpu.memory_space<hbm>>
          %dma_wait3A_996 = tpu.memref_squeeze %dma_wait3A_995 : memref<1x1x128xf32, #tpu.memory_space<hbm>> -> memref<128xf32, #tpu.memory_space<hbm>>
          %dma_wait3A_997 = arith.constant 0 : i32
          %dma_wait3A_998 = tpu.memref_slice %arg6[%dma_wait3A_989, %dma_wait3A_990, %dma_wait3A_997] : memref<2x32x128xf32, #tpu.memory_space<vmem>> -> memref<1x1x128xf32, #tpu.memory_space<vmem>>
          %dma_wait3A_999 = tpu.memref_squeeze %dma_wait3A_998 : memref<1x1x128xf32, #tpu.memory_space<vmem>> -> memref<128xf32, #tpu.memory_space<vmem>>
          %dma_wait3A_1000 = arith.constant 0 : i32
          %dma_wait3A_1001 = tpu.memref_slice %arg4[%dma_wait3A_987, %dma_wait3A_988, %dma_wait3A_1000] : memref<640x32x128xf32, #tpu.memory_space<hbm>> -> memref<1x1x128xf32, #tpu.memory_space<hbm>>
          %dma_wait3A_1002 = tpu.memref_squeeze %dma_wait3A_1001 : memref<1x1x128xf32, #tpu.memory_space<hbm>> -> memref<128xf32, #tpu.memory_space<hbm>>
          tpu.wait_dma2 semaphore(%arg9 : memref<!tpu.dma_semaphore, #tpu.memory_space<semaphore_mem>>) src(%dma_wait3A_1002 : memref<128xf32, #tpu.memory_space<hbm>>) dst(%dma_wait3A_999 : memref<128xf32, #tpu.memory_space<vmem>>)
          %dma_wait3A_1003 = arith.constant 0 : i32
          %dma_wait3A_1004 = arith.constant 0 : i32
          %dma_wait3A_1005 = arith.constant 0 : i32
          %dma_wait3A_1006 = arith.constant 0 : i32
          %dma_wait3A_1007 = arith.constant 0 : i32
          %dma_wait3A_1008 = tpu.memref_slice %arg6[%dma_wait3A_1005, %dma_wait3A_1006, %dma_wait3A_1007] : memref<2x32x128xf32, #tpu.memory_space<vmem>> -> memref<1x1x128xf32, #tpu.memory_space<vmem>>
          %dma_wait3A_1009 = tpu.memref_squeeze %dma_wait3A_1008 : memref<1x1x128xf32, #tpu.memory_space<vmem>> -> memref<128xf32, #tpu.memory_space<vmem>>
          %dma_wait3A_1010 = arith.constant 0 : i32
          %dma_wait3A_1011 = tpu.memref_slice %arg4[%dma_wait3A_1003, %dma_wait3A_1004, %dma_wait3A_1010] : memref<640x32x128xf32, #tpu.memory_space<hbm>> -> memref<1x1x128xf32, #tpu.memory_space<hbm>>
          %dma_wait3A_1012 = tpu.memref_squeeze %dma_wait3A_1011 : memref<1x1x128xf32, #tpu.memory_space<hbm>> -> memref<128xf32, #tpu.memory_space<hbm>>
          %dma_wait3A_1013 = arith.constant 0 : i32
          %dma_wait3A_1014 = tpu.memref_slice %arg6[%dma_wait3A_1005, %dma_wait3A_1006, %dma_wait3A_1013] : memref<2x32x128xf32, #tpu.memory_space<vmem>> -> memref<1x1x128xf32, #tpu.memory_space<vmem>>
          %dma_wait3A_1015 = tpu.memref_squeeze %dma_wait3A_1014 : memref<1x1x128xf32, #tpu.memory_space<vmem>> -> memref<128xf32, #tpu.memory_space<vmem>>
          %dma_wait3A_1016 = arith.constant 0 : i32
          %dma_wait3A_1017 = tpu.memref_slice %arg4[%dma_wait3A_1003, %dma_wait3A_1004, %dma_wait3A_1016] : memref<640x32x128xf32, #tpu.memory_space<hbm>> -> memref<1x1x128xf32, #tpu.memory_space<hbm>>
          %dma_wait3A_1018 = tpu.memref_squeeze %dma_wait3A_1017 : memref<1x1x128xf32, #tpu.memory_space<hbm>> -> memref<128xf32, #tpu.memory_space<hbm>>
          tpu.wait_dma2 semaphore(%arg9 : memref<!tpu.dma_semaphore, #tpu.memory_space<semaphore_mem>>) src(%dma_wait3A_1018 : memref<128xf32, #tpu.memory_space<hbm>>) dst(%dma_wait3A_1015 : memref<128xf32, #tpu.memory_space<vmem>>)
          %dma_wait3A_1019 = arith.constant 0 : i32
          %dma_wait3A_1020 = arith.constant 0 : i32
          %dma_wait3A_1021 = arith.constant 0 : i32
          %dma_wait3A_1022 = arith.constant 0 : i32
          %dma_wait3A_1023 = arith.constant 0 : i32
          %dma_wait3A_1024 = tpu.memref_slice %arg6[%dma_wait3A_1021, %dma_wait3A_1022, %dma_wait3A_1023] : memref<2x32x128xf32, #tpu.memory_space<vmem>> -> memref<1x1x128xf32, #tpu.memory_space<vmem>>
          %dma_wait3A_1025 = tpu.memref_squeeze %dma_wait3A_1024 : memref<1x1x128xf32, #tpu.memory_space<vmem>> -> memref<128xf32, #tpu.memory_space<vmem>>
          %dma_wait3A_1026 = arith.constant 0 : i32
          %dma_wait3A_1027 = tpu.memref_slice %arg4[%dma_wait3A_1019, %dma_wait3A_1020, %dma_wait3A_1026] : memref<640x32x128xf32, #tpu.memory_space<hbm>> -> memref<1x1x128xf32, #tpu.memory_space<hbm>>
          %dma_wait3A_1028 = tpu.memref_squeeze %dma_wait3A_1027 : memref<1x1x128xf32, #tpu.memory_space<hbm>> -> memref<128xf32, #tpu.memory_space<hbm>>
          %dma_wait3A_1029 = arith.constant 0 : i32
          %dma_wait3A_1030 = tpu.memref_slice %arg6[%dma_wait3A_1021, %dma_wait3A_1022, %dma_wait3A_1029] : memref<2x32x128xf32, #tpu.memory_space<vmem>> -> memref<1x1x128xf32, #tpu.memory_space<vmem>>
          %dma_wait3A_1031 = tpu.memref_squeeze %dma_wait3A_1030 : memref<1x1x128xf32, #tpu.memory_space<vmem>> -> memref<128xf32, #tpu.memory_space<vmem>>
          %dma_wait3A_1032 = arith.constant 0 : i32
          %dma_wait3A_1033 = tpu.memref_slice %arg4[%dma_wait3A_1019, %dma_wait3A_1020, %dma_wait3A_1032] : memref<640x32x128xf32, #tpu.memory_space<hbm>> -> memref<1x1x128xf32, #tpu.memory_space<hbm>>
          %dma_wait3A_1034 = tpu.memref_squeeze %dma_wait3A_1033 : memref<1x1x128xf32, #tpu.memory_space<hbm>> -> memref<128xf32, #tpu.memory_space<hbm>>
          tpu.wait_dma2 semaphore(%arg9 : memref<!tpu.dma_semaphore, #tpu.memory_space<semaphore_mem>>) src(%dma_wait3A_1034 : memref<128xf32, #tpu.memory_space<hbm>>) dst(%dma_wait3A_1031 : memref<128xf32, #tpu.memory_space<vmem>>)
          %dma_wait3A_1035 = arith.constant 0 : i32
          %dma_wait3A_1036 = arith.constant 0 : i32
          %dma_wait3A_1037 = arith.constant 0 : i32
          %dma_wait3A_1038 = arith.constant 0 : i32
          %dma_wait3A_1039 = arith.constant 0 : i32
          %dma_wait3A_1040 = tpu.memref_slice %arg6[%dma_wait3A_1037, %dma_wait3A_1038, %dma_wait3A_1039] : memref<2x32x128xf32, #tpu.memory_space<vmem>> -> memref<1x1x128xf32, #tpu.memory_space<vmem>>
          %dma_wait3A_1041 = tpu.memref_squeeze %dma_wait3A_1040 : memref<1x1x128xf32, #tpu.memory_space<vmem>> -> memref<128xf32, #tpu.memory_space<vmem>>
          %dma_wait3A_1042 = arith.constant 0 : i32
          %dma_wait3A_1043 = tpu.memref_slice %arg4[%dma_wait3A_1035, %dma_wait3A_1036, %dma_wait3A_1042] : memref<640x32x128xf32, #tpu.memory_space<hbm>> -> memref<1x1x128xf32, #tpu.memory_space<hbm>>
          %dma_wait3A_1044 = tpu.memref_squeeze %dma_wait3A_1043 : memref<1x1x128xf32, #tpu.memory_space<hbm>> -> memref<128xf32, #tpu.memory_space<hbm>>
          %dma_wait3A_1045 = arith.constant 0 : i32
          %dma_wait3A_1046 = tpu.memref_slice %arg6[%dma_wait3A_1037, %dma_wait3A_1038, %dma_wait3A_1045] : memref<2x32x128xf32, #tpu.memory_space<vmem>> -> memref<1x1x128xf32, #tpu.memory_space<vmem>>
          %dma_wait3A_1047 = tpu.memref_squeeze %dma_wait3A_1046 : memref<1x1x128xf32, #tpu.memory_space<vmem>> -> memref<128xf32, #tpu.memory_space<vmem>>
          %dma_wait3A_1048 = arith.constant 0 : i32
          %dma_wait3A_1049 = tpu.memref_slice %arg4[%dma_wait3A_1035, %dma_wait3A_1036, %dma_wait3A_1048] : memref<640x32x128xf32, #tpu.memory_space<hbm>> -> memref<1x1x128xf32, #tpu.memory_space<hbm>>
          %dma_wait3A_1050 = tpu.memref_squeeze %dma_wait3A_1049 : memref<1x1x128xf32, #tpu.memory_space<hbm>> -> memref<128xf32, #tpu.memory_space<hbm>>
          tpu.wait_dma2 semaphore(%arg9 : memref<!tpu.dma_semaphore, #tpu.memory_space<semaphore_mem>>) src(%dma_wait3A_1050 : memref<128xf32, #tpu.memory_space<hbm>>) dst(%dma_wait3A_1047 : memref<128xf32, #tpu.memory_space<vmem>>)
          %dma_wait3A_1051 = arith.constant 0 : i32
          %dma_wait3A_1052 = arith.constant 0 : i32
          %dma_wait3A_1053 = arith.constant 0 : i32
          %dma_wait3A_1054 = arith.constant 0 : i32
          %dma_wait3A_1055 = arith.constant 0 : i32
          %dma_wait3A_1056 = tpu.memref_slice %arg6[%dma_wait3A_1053, %dma_wait3A_1054, %dma_wait3A_1055] : memref<2x32x128xf32, #tpu.memory_space<vmem>> -> memref<1x1x128xf32, #tpu.memory_space<vmem>>
          %dma_wait3A_1057 = tpu.memref_squeeze %dma_wait3A_1056 : memref<1x1x128xf32, #tpu.memory_space<vmem>> -> memref<128xf32, #tpu.memory_space<vmem>>
          %dma_wait3A_1058 = arith.constant 0 : i32
          %dma_wait3A_1059 = tpu.memref_slice %arg4[%dma_wait3A_1051, %dma_wait3A_1052, %dma_wait3A_1058] : memref<640x32x128xf32, #tpu.memory_space<hbm>> -> memref<1x1x128xf32, #tpu.memory_space<hbm>>
          %dma_wait3A_1060 = tpu.memref_squeeze %dma_wait3A_1059 : memref<1x1x128xf32, #tpu.memory_space<hbm>> -> memref<128xf32, #tpu.memory_space<hbm>>
          %dma_wait3A_1061 = arith.constant 0 : i32
          %dma_wait3A_1062 = tpu.memref_slice %arg6[%dma_wait3A_1053, %dma_wait3A_1054, %dma_wait3A_1061] : memref<2x32x128xf32, #tpu.memory_space<vmem>> -> memref<1x1x128xf32, #tpu.memory_space<vmem>>
          %dma_wait3A_1063 = tpu.memref_squeeze %dma_wait3A_1062 : memref<1x1x128xf32, #tpu.memory_space<vmem>> -> memref<128xf32, #tpu.memory_space<vmem>>
          %dma_wait3A_1064 = arith.constant 0 : i32
          %dma_wait3A_1065 = tpu.memref_slice %arg4[%dma_wait3A_1051, %dma_wait3A_1052, %dma_wait3A_1064] : memref<640x32x128xf32, #tpu.memory_space<hbm>> -> memref<1x1x128xf32, #tpu.memory_space<hbm>>
          %dma_wait3A_1066 = tpu.memref_squeeze %dma_wait3A_1065 : memref<1x1x128xf32, #tpu.memory_space<hbm>> -> memref<128xf32, #tpu.memory_space<hbm>>
          tpu.wait_dma2 semaphore(%arg9 : memref<!tpu.dma_semaphore, #tpu.memory_space<semaphore_mem>>) src(%dma_wait3A_1066 : memref<128xf32, #tpu.memory_space<hbm>>) dst(%dma_wait3A_1063 : memref<128xf32, #tpu.memory_space<vmem>>)
          %dma_wait3A_1067 = arith.constant 0 : i32
          %dma_wait3A_1068 = arith.constant 0 : i32
          %dma_wait3A_1069 = arith.constant 0 : i32
          %dma_wait3A_1070 = arith.constant 0 : i32
          %dma_wait3A_1071 = arith.constant 0 : i32
          %dma_wait3A_1072 = tpu.memref_slice %arg6[%dma_wait3A_1069, %dma_wait3A_1070, %dma_wait3A_1071] : memref<2x32x128xf32, #tpu.memory_space<vmem>> -> memref<1x1x128xf32, #tpu.memory_space<vmem>>
          %dma_wait3A_1073 = tpu.memref_squeeze %dma_wait3A_1072 : memref<1x1x128xf32, #tpu.memory_space<vmem>> -> memref<128xf32, #tpu.memory_space<vmem>>
          %dma_wait3A_1074 = arith.constant 0 : i32
          %dma_wait3A_1075 = tpu.memref_slice %arg4[%dma_wait3A_1067, %dma_wait3A_1068, %dma_wait3A_1074] : memref<640x32x128xf32, #tpu.memory_space<hbm>> -> memref<1x1x128xf32, #tpu.memory_space<hbm>>
          %dma_wait3A_1076 = tpu.memref_squeeze %dma_wait3A_1075 : memref<1x1x128xf32, #tpu.memory_space<hbm>> -> memref<128xf32, #tpu.memory_space<hbm>>
          %dma_wait3A_1077 = arith.constant 0 : i32
          %dma_wait3A_1078 = tpu.memref_slice %arg6[%dma_wait3A_1069, %dma_wait3A_1070, %dma_wait3A_1077] : memref<2x32x128xf32, #tpu.memory_space<vmem>> -> memref<1x1x128xf32, #tpu.memory_space<vmem>>
          %dma_wait3A_1079 = tpu.memref_squeeze %dma_wait3A_1078 : memref<1x1x128xf32, #tpu.memory_space<vmem>> -> memref<128xf32, #tpu.memory_space<vmem>>
          %dma_wait3A_1080 = arith.constant 0 : i32
          %dma_wait3A_1081 = tpu.memref_slice %arg4[%dma_wait3A_1067, %dma_wait3A_1068, %dma_wait3A_1080] : memref<640x32x128xf32, #tpu.memory_space<hbm>> -> memref<1x1x128xf32, #tpu.memory_space<hbm>>
          %dma_wait3A_1082 = tpu.memref_squeeze %dma_wait3A_1081 : memref<1x1x128xf32, #tpu.memory_space<hbm>> -> memref<128xf32, #tpu.memory_space<hbm>>
          tpu.wait_dma2 semaphore(%arg9 : memref<!tpu.dma_semaphore, #tpu.memory_space<semaphore_mem>>) src(%dma_wait3A_1082 : memref<128xf32, #tpu.memory_space<hbm>>) dst(%dma_wait3A_1079 : memref<128xf32, #tpu.memory_space<vmem>>)
          %dma_wait3A_1083 = arith.constant 0 : i32
          %dma_wait3A_1084 = arith.constant 0 : i32
          %dma_wait3A_1085 = arith.constant 0 : i32
          %dma_wait3A_1086 = arith.constant 0 : i32
          %dma_wait3A_1087 = arith.constant 0 : i32
          %dma_wait3A_1088 = tpu.memref_slice %arg6[%dma_wait3A_1085, %dma_wait3A_1086, %dma_wait3A_1087] : memref<2x32x128xf32, #tpu.memory_space<vmem>> -> memref<1x1x128xf32, #tpu.memory_space<vmem>>
          %dma_wait3A_1089 = tpu.memref_squeeze %dma_wait3A_1088 : memref<1x1x128xf32, #tpu.memory_space<vmem>> -> memref<128xf32, #tpu.memory_space<vmem>>
          %dma_wait3A_1090 = arith.constant 0 : i32
          %dma_wait3A_1091 = tpu.memref_slice %arg4[%dma_wait3A_1083, %dma_wait3A_1084, %dma_wait3A_1090] : memref<640x32x128xf32, #tpu.memory_space<hbm>> -> memref<1x1x128xf32, #tpu.memory_space<hbm>>
          %dma_wait3A_1092 = tpu.memref_squeeze %dma_wait3A_1091 : memref<1x1x128xf32, #tpu.memory_space<hbm>> -> memref<128xf32, #tpu.memory_space<hbm>>
          %dma_wait3A_1093 = arith.constant 0 : i32
          %dma_wait3A_1094 = tpu.memref_slice %arg6[%dma_wait3A_1085, %dma_wait3A_1086, %dma_wait3A_1093] : memref<2x32x128xf32, #tpu.memory_space<vmem>> -> memref<1x1x128xf32, #tpu.memory_space<vmem>>
          %dma_wait3A_1095 = tpu.memref_squeeze %dma_wait3A_1094 : memref<1x1x128xf32, #tpu.memory_space<vmem>> -> memref<128xf32, #tpu.memory_space<vmem>>
          %dma_wait3A_1096 = arith.constant 0 : i32
          %dma_wait3A_1097 = tpu.memref_slice %arg4[%dma_wait3A_1083, %dma_wait3A_1084, %dma_wait3A_1096] : memref<640x32x128xf32, #tpu.memory_space<hbm>> -> memref<1x1x128xf32, #tpu.memory_space<hbm>>
          %dma_wait3A_1098 = tpu.memref_squeeze %dma_wait3A_1097 : memref<1x1x128xf32, #tpu.memory_space<hbm>> -> memref<128xf32, #tpu.memory_space<hbm>>
          tpu.wait_dma2 semaphore(%arg9 : memref<!tpu.dma_semaphore, #tpu.memory_space<semaphore_mem>>) src(%dma_wait3A_1098 : memref<128xf32, #tpu.memory_space<hbm>>) dst(%dma_wait3A_1095 : memref<128xf32, #tpu.memory_space<vmem>>)
          %dma_wait3A_1099 = arith.constant 0 : i32
          %dma_wait3A_1100 = arith.constant 0 : i32
          %dma_wait3A_1101 = arith.constant 0 : i32
          %dma_wait3A_1102 = arith.constant 0 : i32
          %dma_wait3A_1103 = arith.constant 0 : i32
          %dma_wait3A_1104 = tpu.memref_slice %arg6[%dma_wait3A_1101, %dma_wait3A_1102, %dma_wait3A_1103] : memref<2x32x128xf32, #tpu.memory_space<vmem>> -> memref<1x1x128xf32, #tpu.memory_space<vmem>>
          %dma_wait3A_1105 = tpu.memref_squeeze %dma_wait3A_1104 : memref<1x1x128xf32, #tpu.memory_space<vmem>> -> memref<128xf32, #tpu.memory_space<vmem>>
          %dma_wait3A_1106 = arith.constant 0 : i32
          %dma_wait3A_1107 = tpu.memref_slice %arg4[%dma_wait3A_1099, %dma_wait3A_1100, %dma_wait3A_1106] : memref<640x32x128xf32, #tpu.memory_space<hbm>> -> memref<1x1x128xf32, #tpu.memory_space<hbm>>
          %dma_wait3A_1108 = tpu.memref_squeeze %dma_wait3A_1107 : memref<1x1x128xf32, #tpu.memory_space<hbm>> -> memref<128xf32, #tpu.memory_space<hbm>>
          %dma_wait3A_1109 = arith.constant 0 : i32
          %dma_wait3A_1110 = tpu.memref_slice %arg6[%dma_wait3A_1101, %dma_wait3A_1102, %dma_wait3A_1109] : memref<2x32x128xf32, #tpu.memory_space<vmem>> -> memref<1x1x128xf32, #tpu.memory_space<vmem>>
          %dma_wait3A_1111 = tpu.memref_squeeze %dma_wait3A_1110 : memref<1x1x128xf32, #tpu.memory_space<vmem>> -> memref<128xf32, #tpu.memory_space<vmem>>
          %dma_wait3A_1112 = arith.constant 0 : i32
          %dma_wait3A_1113 = tpu.memref_slice %arg4[%dma_wait3A_1099, %dma_wait3A_1100, %dma_wait3A_1112] : memref<640x32x128xf32, #tpu.memory_space<hbm>> -> memref<1x1x128xf32, #tpu.memory_space<hbm>>
          %dma_wait3A_1114 = tpu.memref_squeeze %dma_wait3A_1113 : memref<1x1x128xf32, #tpu.memory_space<hbm>> -> memref<128xf32, #tpu.memory_space<hbm>>
          tpu.wait_dma2 semaphore(%arg9 : memref<!tpu.dma_semaphore, #tpu.memory_space<semaphore_mem>>) src(%dma_wait3A_1114 : memref<128xf32, #tpu.memory_space<hbm>>) dst(%dma_wait3A_1111 : memref<128xf32, #tpu.memory_space<vmem>>)
          %dma_wait3A_1115 = arith.constant 0 : i32
          %dma_wait3A_1116 = arith.constant 0 : i32
          %dma_wait3A_1117 = arith.constant 0 : i32
          %dma_wait3A_1118 = arith.constant 0 : i32
          %dma_wait3A_1119 = arith.constant 0 : i32
          %dma_wait3A_1120 = tpu.memref_slice %arg6[%dma_wait3A_1117, %dma_wait3A_1118, %dma_wait3A_1119] : memref<2x32x128xf32, #tpu.memory_space<vmem>> -> memref<1x1x128xf32, #tpu.memory_space<vmem>>
          %dma_wait3A_1121 = tpu.memref_squeeze %dma_wait3A_1120 : memref<1x1x128xf32, #tpu.memory_space<vmem>> -> memref<128xf32, #tpu.memory_space<vmem>>
          %dma_wait3A_1122 = arith.constant 0 : i32
          %dma_wait3A_1123 = tpu.memref_slice %arg4[%dma_wait3A_1115, %dma_wait3A_1116, %dma_wait3A_1122] : memref<640x32x128xf32, #tpu.memory_space<hbm>> -> memref<1x1x128xf32, #tpu.memory_space<hbm>>
          %dma_wait3A_1124 = tpu.memref_squeeze %dma_wait3A_1123 : memref<1x1x128xf32, #tpu.memory_space<hbm>> -> memref<128xf32, #tpu.memory_space<hbm>>
          %dma_wait3A_1125 = arith.constant 0 : i32
          %dma_wait3A_1126 = tpu.memref_slice %arg6[%dma_wait3A_1117, %dma_wait3A_1118, %dma_wait3A_1125] : memref<2x32x128xf32, #tpu.memory_space<vmem>> -> memref<1x1x128xf32, #tpu.memory_space<vmem>>
          %dma_wait3A_1127 = tpu.memref_squeeze %dma_wait3A_1126 : memref<1x1x128xf32, #tpu.memory_space<vmem>> -> memref<128xf32, #tpu.memory_space<vmem>>
          %dma_wait3A_1128 = arith.constant 0 : i32
          %dma_wait3A_1129 = tpu.memref_slice %arg4[%dma_wait3A_1115, %dma_wait3A_1116, %dma_wait3A_1128] : memref<640x32x128xf32, #tpu.memory_space<hbm>> -> memref<1x1x128xf32, #tpu.memory_space<hbm>>
          %dma_wait3A_1130 = tpu.memref_squeeze %dma_wait3A_1129 : memref<1x1x128xf32, #tpu.memory_space<hbm>> -> memref<128xf32, #tpu.memory_space<hbm>>
          tpu.wait_dma2 semaphore(%arg9 : memref<!tpu.dma_semaphore, #tpu.memory_space<semaphore_mem>>) src(%dma_wait3A_1130 : memref<128xf32, #tpu.memory_space<hbm>>) dst(%dma_wait3A_1127 : memref<128xf32, #tpu.memory_space<vmem>>)
          %dma_wait3A_1131 = arith.constant 0 : i32
          %dma_wait3A_1132 = arith.constant 0 : i32
          %dma_wait3A_1133 = arith.constant 0 : i32
          %dma_wait3A_1134 = arith.constant 0 : i32
          %dma_wait3A_1135 = arith.constant 0 : i32
          %dma_wait3A_1136 = tpu.memref_slice %arg6[%dma_wait3A_1133, %dma_wait3A_1134, %dma_wait3A_1135] : memref<2x32x128xf32, #tpu.memory_space<vmem>> -> memref<1x1x128xf32, #tpu.memory_space<vmem>>
          %dma_wait3A_1137 = tpu.memref_squeeze %dma_wait3A_1136 : memref<1x1x128xf32, #tpu.memory_space<vmem>> -> memref<128xf32, #tpu.memory_space<vmem>>
          %dma_wait3A_1138 = arith.constant 0 : i32
          %dma_wait3A_1139 = tpu.memref_slice %arg4[%dma_wait3A_1131, %dma_wait3A_1132, %dma_wait3A_1138] : memref<640x32x128xf32, #tpu.memory_space<hbm>> -> memref<1x1x128xf32, #tpu.memory_space<hbm>>
          %dma_wait3A_1140 = tpu.memref_squeeze %dma_wait3A_1139 : memref<1x1x128xf32, #tpu.memory_space<hbm>> -> memref<128xf32, #tpu.memory_space<hbm>>
          %dma_wait3A_1141 = arith.constant 0 : i32
          %dma_wait3A_1142 = tpu.memref_slice %arg6[%dma_wait3A_1133, %dma_wait3A_1134, %dma_wait3A_1141] : memref<2x32x128xf32, #tpu.memory_space<vmem>> -> memref<1x1x128xf32, #tpu.memory_space<vmem>>
          %dma_wait3A_1143 = tpu.memref_squeeze %dma_wait3A_1142 : memref<1x1x128xf32, #tpu.memory_space<vmem>> -> memref<128xf32, #tpu.memory_space<vmem>>
          %dma_wait3A_1144 = arith.constant 0 : i32
          %dma_wait3A_1145 = tpu.memref_slice %arg4[%dma_wait3A_1131, %dma_wait3A_1132, %dma_wait3A_1144] : memref<640x32x128xf32, #tpu.memory_space<hbm>> -> memref<1x1x128xf32, #tpu.memory_space<hbm>>
          %dma_wait3A_1146 = tpu.memref_squeeze %dma_wait3A_1145 : memref<1x1x128xf32, #tpu.memory_space<hbm>> -> memref<128xf32, #tpu.memory_space<hbm>>
          tpu.wait_dma2 semaphore(%arg9 : memref<!tpu.dma_semaphore, #tpu.memory_space<semaphore_mem>>) src(%dma_wait3A_1146 : memref<128xf32, #tpu.memory_space<hbm>>) dst(%dma_wait3A_1143 : memref<128xf32, #tpu.memory_space<vmem>>)
          %dma_wait3A_1147 = arith.constant 0 : i32
          %dma_wait3A_1148 = arith.constant 0 : i32
          %dma_wait3A_1149 = arith.constant 0 : i32
          %dma_wait3A_1150 = arith.constant 0 : i32
          %dma_wait3A_1151 = arith.constant 0 : i32
          %dma_wait3A_1152 = tpu.memref_slice %arg6[%dma_wait3A_1149, %dma_wait3A_1150, %dma_wait3A_1151] : memref<2x32x128xf32, #tpu.memory_space<vmem>> -> memref<1x1x128xf32, #tpu.memory_space<vmem>>
          %dma_wait3A_1153 = tpu.memref_squeeze %dma_wait3A_1152 : memref<1x1x128xf32, #tpu.memory_space<vmem>> -> memref<128xf32, #tpu.memory_space<vmem>>
          %dma_wait3A_1154 = arith.constant 0 : i32
          %dma_wait3A_1155 = tpu.memref_slice %arg4[%dma_wait3A_1147, %dma_wait3A_1148, %dma_wait3A_1154] : memref<640x32x128xf32, #tpu.memory_space<hbm>> -> memref<1x1x128xf32, #tpu.memory_space<hbm>>
          %dma_wait3A_1156 = tpu.memref_squeeze %dma_wait3A_1155 : memref<1x1x128xf32, #tpu.memory_space<hbm>> -> memref<128xf32, #tpu.memory_space<hbm>>
          %dma_wait3A_1157 = arith.constant 0 : i32
          %dma_wait3A_1158 = tpu.memref_slice %arg6[%dma_wait3A_1149, %dma_wait3A_1150, %dma_wait3A_1157] : memref<2x32x128xf32, #tpu.memory_space<vmem>> -> memref<1x1x128xf32, #tpu.memory_space<vmem>>
          %dma_wait3A_1159 = tpu.memref_squeeze %dma_wait3A_1158 : memref<1x1x128xf32, #tpu.memory_space<vmem>> -> memref<128xf32, #tpu.memory_space<vmem>>
          %dma_wait3A_1160 = arith.constant 0 : i32
          %dma_wait3A_1161 = tpu.memref_slice %arg4[%dma_wait3A_1147, %dma_wait3A_1148, %dma_wait3A_1160] : memref<640x32x128xf32, #tpu.memory_space<hbm>> -> memref<1x1x128xf32, #tpu.memory_space<hbm>>
          %dma_wait3A_1162 = tpu.memref_squeeze %dma_wait3A_1161 : memref<1x1x128xf32, #tpu.memory_space<hbm>> -> memref<128xf32, #tpu.memory_space<hbm>>
          tpu.wait_dma2 semaphore(%arg9 : memref<!tpu.dma_semaphore, #tpu.memory_space<semaphore_mem>>) src(%dma_wait3A_1162 : memref<128xf32, #tpu.memory_space<hbm>>) dst(%dma_wait3A_1159 : memref<128xf32, #tpu.memory_space<vmem>>)
          %dma_wait3A_1163 = arith.constant 0 : i32
          %dma_wait3A_1164 = arith.constant 0 : i32
          %dma_wait3A_1165 = arith.constant 0 : i32
          %dma_wait3A_1166 = arith.constant 0 : i32
          %dma_wait3A_1167 = arith.constant 0 : i32
          %dma_wait3A_1168 = tpu.memref_slice %arg6[%dma_wait3A_1165, %dma_wait3A_1166, %dma_wait3A_1167] : memref<2x32x128xf32, #tpu.memory_space<vmem>> -> memref<1x1x128xf32, #tpu.memory_space<vmem>>
          %dma_wait3A_1169 = tpu.memref_squeeze %dma_wait3A_1168 : memref<1x1x128xf32, #tpu.memory_space<vmem>> -> memref<128xf32, #tpu.memory_space<vmem>>
          %dma_wait3A_1170 = arith.constant 0 : i32
          %dma_wait3A_1171 = tpu.memref_slice %arg4[%dma_wait3A_1163, %dma_wait3A_1164, %dma_wait3A_1170] : memref<640x32x128xf32, #tpu.memory_space<hbm>> -> memref<1x1x128xf32, #tpu.memory_space<hbm>>
          %dma_wait3A_1172 = tpu.memref_squeeze %dma_wait3A_1171 : memref<1x1x128xf32, #tpu.memory_space<hbm>> -> memref<128xf32, #tpu.memory_space<hbm>>
          %dma_wait3A_1173 = arith.constant 0 : i32
          %dma_wait3A_1174 = tpu.memref_slice %arg6[%dma_wait3A_1165, %dma_wait3A_1166, %dma_wait3A_1173] : memref<2x32x128xf32, #tpu.memory_space<vmem>> -> memref<1x1x128xf32, #tpu.memory_space<vmem>>
          %dma_wait3A_1175 = tpu.memref_squeeze %dma_wait3A_1174 : memref<1x1x128xf32, #tpu.memory_space<vmem>> -> memref<128xf32, #tpu.memory_space<vmem>>
          %dma_wait3A_1176 = arith.constant 0 : i32
          %dma_wait3A_1177 = tpu.memref_slice %arg4[%dma_wait3A_1163, %dma_wait3A_1164, %dma_wait3A_1176] : memref<640x32x128xf32, #tpu.memory_space<hbm>> -> memref<1x1x128xf32, #tpu.memory_space<hbm>>
          %dma_wait3A_1178 = tpu.memref_squeeze %dma_wait3A_1177 : memref<1x1x128xf32, #tpu.memory_space<hbm>> -> memref<128xf32, #tpu.memory_space<hbm>>
          tpu.wait_dma2 semaphore(%arg9 : memref<!tpu.dma_semaphore, #tpu.memory_space<semaphore_mem>>) src(%dma_wait3A_1178 : memref<128xf32, #tpu.memory_space<hbm>>) dst(%dma_wait3A_1175 : memref<128xf32, #tpu.memory_space<vmem>>)
          %dma_wait3A_1179 = arith.constant 0 : i32
          %dma_wait3A_1180 = arith.constant 0 : i32
          %dma_wait3A_1181 = arith.constant 0 : i32
          %dma_wait3A_1182 = arith.constant 0 : i32
          %dma_wait3A_1183 = arith.constant 0 : i32
          %dma_wait3A_1184 = tpu.memref_slice %arg6[%dma_wait3A_1181, %dma_wait3A_1182, %dma_wait3A_1183] : memref<2x32x128xf32, #tpu.memory_space<vmem>> -> memref<1x1x128xf32, #tpu.memory_space<vmem>>
          %dma_wait3A_1185 = tpu.memref_squeeze %dma_wait3A_1184 : memref<1x1x128xf32, #tpu.memory_space<vmem>> -> memref<128xf32, #tpu.memory_space<vmem>>
          %dma_wait3A_1186 = arith.constant 0 : i32
          %dma_wait3A_1187 = tpu.memref_slice %arg4[%dma_wait3A_1179, %dma_wait3A_1180, %dma_wait3A_1186] : memref<640x32x128xf32, #tpu.memory_space<hbm>> -> memref<1x1x128xf32, #tpu.memory_space<hbm>>
          %dma_wait3A_1188 = tpu.memref_squeeze %dma_wait3A_1187 : memref<1x1x128xf32, #tpu.memory_space<hbm>> -> memref<128xf32, #tpu.memory_space<hbm>>
          %dma_wait3A_1189 = arith.constant 0 : i32
          %dma_wait3A_1190 = tpu.memref_slice %arg6[%dma_wait3A_1181, %dma_wait3A_1182, %dma_wait3A_1189] : memref<2x32x128xf32, #tpu.memory_space<vmem>> -> memref<1x1x128xf32, #tpu.memory_space<vmem>>
          %dma_wait3A_1191 = tpu.memref_squeeze %dma_wait3A_1190 : memref<1x1x128xf32, #tpu.memory_space<vmem>> -> memref<128xf32, #tpu.memory_space<vmem>>
          %dma_wait3A_1192 = arith.constant 0 : i32
          %dma_wait3A_1193 = tpu.memref_slice %arg4[%dma_wait3A_1179, %dma_wait3A_1180, %dma_wait3A_1192] : memref<640x32x128xf32, #tpu.memory_space<hbm>> -> memref<1x1x128xf32, #tpu.memory_space<hbm>>
          %dma_wait3A_1194 = tpu.memref_squeeze %dma_wait3A_1193 : memref<1x1x128xf32, #tpu.memory_space<hbm>> -> memref<128xf32, #tpu.memory_space<hbm>>
          tpu.wait_dma2 semaphore(%arg9 : memref<!tpu.dma_semaphore, #tpu.memory_space<semaphore_mem>>) src(%dma_wait3A_1194 : memref<128xf32, #tpu.memory_space<hbm>>) dst(%dma_wait3A_1191 : memref<128xf32, #tpu.memory_space<vmem>>)
          %dma_wait3A_1195 = arith.constant 0 : i32
          %dma_wait3A_1196 = arith.constant 0 : i32
          %dma_wait3A_1197 = arith.constant 0 : i32
          %dma_wait3A_1198 = arith.constant 0 : i32
          %dma_wait3A_1199 = arith.constant 0 : i32
          %dma_wait3A_1200 = tpu.memref_slice %arg6[%dma_wait3A_1197, %dma_wait3A_1198, %dma_wait3A_1199] : memref<2x32x128xf32, #tpu.memory_space<vmem>> -> memref<1x1x128xf32, #tpu.memory_space<vmem>>
          %dma_wait3A_1201 = tpu.memref_squeeze %dma_wait3A_1200 : memref<1x1x128xf32, #tpu.memory_space<vmem>> -> memref<128xf32, #tpu.memory_space<vmem>>
          %dma_wait3A_1202 = arith.constant 0 : i32
          %dma_wait3A_1203 = tpu.memref_slice %arg4[%dma_wait3A_1195, %dma_wait3A_1196, %dma_wait3A_1202] : memref<640x32x128xf32, #tpu.memory_space<hbm>> -> memref<1x1x128xf32, #tpu.memory_space<hbm>>
          %dma_wait3A_1204 = tpu.memref_squeeze %dma_wait3A_1203 : memref<1x1x128xf32, #tpu.memory_space<hbm>> -> memref<128xf32, #tpu.memory_space<hbm>>
          %dma_wait3A_1205 = arith.constant 0 : i32
          %dma_wait3A_1206 = tpu.memref_slice %arg6[%dma_wait3A_1197, %dma_wait3A_1198, %dma_wait3A_1205] : memref<2x32x128xf32, #tpu.memory_space<vmem>> -> memref<1x1x128xf32, #tpu.memory_space<vmem>>
          %dma_wait3A_1207 = tpu.memref_squeeze %dma_wait3A_1206 : memref<1x1x128xf32, #tpu.memory_space<vmem>> -> memref<128xf32, #tpu.memory_space<vmem>>
          %dma_wait3A_1208 = arith.constant 0 : i32
          %dma_wait3A_1209 = tpu.memref_slice %arg4[%dma_wait3A_1195, %dma_wait3A_1196, %dma_wait3A_1208] : memref<640x32x128xf32, #tpu.memory_space<hbm>> -> memref<1x1x128xf32, #tpu.memory_space<hbm>>
          %dma_wait3A_1210 = tpu.memref_squeeze %dma_wait3A_1209 : memref<1x1x128xf32, #tpu.memory_space<hbm>> -> memref<128xf32, #tpu.memory_space<hbm>>
          tpu.wait_dma2 semaphore(%arg9 : memref<!tpu.dma_semaphore, #tpu.memory_space<semaphore_mem>>) src(%dma_wait3A_1210 : memref<128xf32, #tpu.memory_space<hbm>>) dst(%dma_wait3A_1207 : memref<128xf32, #tpu.memory_space<vmem>>)
          %sub3A = arith.constant 1 : i32
          %sub3A_1211 = arith.subi %scan3A_589, %sub3A : i32
          %mul3A_1212 = arith.constant 32 : i32
          %mul3A_1213 = arith.muli %sub3A_1211, %mul3A_1212 : i32
          %add3A_1214 = arith.addi %mul3A_1213, %add3A : i32
          %jit3A_1215 = arith.constant 2 : i32
          %eq3A_1216 = arith.constant 0 : i32
          %eq3A_1217 = arith.cmpi eq, %jit3A_1215, %eq3A_1216 : i32
          %jit3A_1218 = arith.constant 1 : i32
          %select_n3A_1219 = arith.select %eq3A_1217, %jit3A_1218, %jit3A_1215 : i32
          %rem3A_1220 = arith.remsi %sub3A_1211, %select_n3A_1219 : i32
          %ne3A_1221 = arith.constant 0 : i32
          %ne3A_1222 = arith.cmpi ne, %rem3A_1220, %ne3A_1221 : i32
          %lt3A_1223 = arith.constant 0 : i32
          %lt3A_1224 = arith.cmpi slt, %rem3A_1220, %lt3A_1223 : i32
          %lt3A_1225 = arith.constant 0 : i32
          %lt3A_1226 = arith.cmpi slt, %select_n3A_1219, %lt3A_1225 : i32
          %ne3A_1227 = arith.xori %lt3A_1224, %lt3A_1226 : i1
          %and3A_1228 = arith.andi %ne3A_1227, %ne3A_1222 : i1
          %add3A_1229 = arith.addi %rem3A_1220, %select_n3A_1219 : i32
          %select_n3A_1230 = arith.select %and3A_1228, %add3A_1229, %rem3A_1220 : i32
          %dma_start3A_1231 = arith.constant 0 : i32
          %dma_start3A_1232 = arith.constant 0 : i32
          %dma_start3A_1233 = tpu.memref_slice %arg6[%select_n3A_1230, %dma_start3A_1231, %dma_start3A_1232] : memref<2x32x128xf32, #tpu.memory_space<vmem>> -> memref<1x32x128xf32, #tpu.memory_space<vmem>>
          %dma_start3A_1234 = tpu.memref_squeeze %dma_start3A_1233 : memref<1x32x128xf32, #tpu.memory_space<vmem>> -> memref<32x128xf32, #tpu.memory_space<vmem>>
          %dma_start3A_1235 = arith.constant 0 : i32
          %dma_start3A_1236 = arith.constant 0 : i32
          %dma_start3A_1237 = tpu.memref_slice %arg4[%add3A_1214, %dma_start3A_1235, %dma_start3A_1236] : memref<640x32x128xf32, #tpu.memory_space<hbm>> -> memref<1x32x128xf32, #tpu.memory_space<hbm>>
          %dma_start3A_1238 = tpu.memref_squeeze %dma_start3A_1237 : memref<1x32x128xf32, #tpu.memory_space<hbm>> -> memref<32x128xf32, #tpu.memory_space<hbm>>
          %dma_start3A_1239 = arith.constant 0 : i32
          %dma_start3A_1240 = arith.constant 0 : i32
          %dma_start3A_1241 = tpu.memref_slice %arg4[%add3A_1214, %dma_start3A_1239, %dma_start3A_1240] : memref<640x32x128xf32, #tpu.memory_space<hbm>> -> memref<1x32x128xf32, #tpu.memory_space<hbm>>
          %dma_start3A_1242 = tpu.memref_squeeze %dma_start3A_1241 : memref<1x32x128xf32, #tpu.memory_space<hbm>> -> memref<32x128xf32, #tpu.memory_space<hbm>>
          %dma_start3A_1243 = arith.constant 0 : i32
          %dma_start3A_1244 = arith.constant 0 : i32
          %dma_start3A_1245 = tpu.memref_slice %arg6[%select_n3A_1230, %dma_start3A_1243, %dma_start3A_1244] : memref<2x32x128xf32, #tpu.memory_space<vmem>> -> memref<1x32x128xf32, #tpu.memory_space<vmem>>
          %dma_start3A_1246 = tpu.memref_squeeze %dma_start3A_1245 : memref<1x32x128xf32, #tpu.memory_space<vmem>> -> memref<32x128xf32, #tpu.memory_space<vmem>>
          tpu.enqueue_dma source(%dma_start3A_1246 : memref<32x128xf32, #tpu.memory_space<vmem>>) target(%dma_start3A_1242 : memref<32x128xf32, #tpu.memory_space<hbm>>) target_semaphore(%arg11 : memref<!tpu.dma_semaphore, #tpu.memory_space<semaphore_mem>>)
        } else {
        }
      } else {
      }
      %dma_wait3A_592 = arith.constant 0 : i32
      %dma_wait3A_593 = arith.constant 0 : i32
      %dma_wait3A_594 = arith.constant 0 : i32
      %dma_wait3A_595 = arith.constant 0 : i32
      %dma_wait3A_596 = tpu.memref_slice %arg5[%dma_wait3A_593, %dma_wait3A_594, %dma_wait3A_595] : memref<2x32x128xi32, #tpu.memory_space<vmem>> -> memref<1x32x128xi32, #tpu.memory_space<vmem>>
      %dma_wait3A_597 = tpu.memref_squeeze %dma_wait3A_596 : memref<1x32x128xi32, #tpu.memory_space<vmem>> -> memref<32x128xi32, #tpu.memory_space<vmem>>
      %dma_wait3A_598 = arith.constant 0 : i32
      %dma_wait3A_599 = arith.constant 0 : i32
      %dma_wait3A_600 = tpu.memref_slice %arg2[%dma_wait3A_592, %dma_wait3A_598, %dma_wait3A_599] : memref<20x32x128xi32, #tpu.memory_space<hbm>> -> memref<1x32x128xi32, #tpu.memory_space<hbm>>
      %dma_wait3A_601 = tpu.memref_squeeze %dma_wait3A_600 : memref<1x32x128xi32, #tpu.memory_space<hbm>> -> memref<32x128xi32, #tpu.memory_space<hbm>>
      %dma_wait3A_602 = arith.constant 0 : i32
      %dma_wait3A_603 = arith.constant 0 : i32
      %dma_wait3A_604 = tpu.memref_slice %arg5[%dma_wait3A_593, %dma_wait3A_602, %dma_wait3A_603] : memref<2x32x128xi32, #tpu.memory_space<vmem>> -> memref<1x32x128xi32, #tpu.memory_space<vmem>>
      %dma_wait3A_605 = tpu.memref_squeeze %dma_wait3A_604 : memref<1x32x128xi32, #tpu.memory_space<vmem>> -> memref<32x128xi32, #tpu.memory_space<vmem>>
      %dma_wait3A_606 = arith.constant 0 : i32
      %dma_wait3A_607 = arith.constant 0 : i32
      %dma_wait3A_608 = tpu.memref_slice %arg2[%dma_wait3A_592, %dma_wait3A_606, %dma_wait3A_607] : memref<20x32x128xi32, #tpu.memory_space<hbm>> -> memref<1x32x128xi32, #tpu.memory_space<hbm>>
      %dma_wait3A_609 = tpu.memref_squeeze %dma_wait3A_608 : memref<1x32x128xi32, #tpu.memory_space<hbm>> -> memref<32x128xi32, #tpu.memory_space<hbm>>
      tpu.wait_dma2 semaphore(%arg7 : memref<!tpu.dma_semaphore, #tpu.memory_space<semaphore_mem>>) src(%dma_wait3A_609 : memref<32x128xi32, #tpu.memory_space<hbm>>) dst(%dma_wait3A_605 : memref<32x128xi32, #tpu.memory_space<vmem>>)
      %add3A_610 = arith.constant 1 : i32
      %add3A_611 = arith.addi %scan3A_589, %add3A_610 : i32
      %lt3A = arith.constant 20 : i32
      %lt3A_612 = arith.cmpi slt, %add3A_611, %lt3A : i32
      %convert_element_type3A_613 = arith.extui %lt3A_612 : i1 to i32
      %cond3A_614 = arith.constant 0 : i32
      %cond3A_615 = arith.cmpi ne, %convert_element_type3A_613, %cond3A_614 : i32
      scf.if %cond3A_615 {
        %add3A_657 = arith.constant 1 : i32
        %add3A_658 = arith.addi %scan3A_589, %add3A_657 : i32
        %jit3A_659 = arith.constant 2 : i32
        %eq3A_660 = arith.constant 0 : i32
        %eq3A_661 = arith.cmpi eq, %jit3A_659, %eq3A_660 : i32
        %jit3A_662 = arith.constant 1 : i32
        %select_n3A_663 = arith.select %eq3A_661, %jit3A_662, %jit3A_659 : i32
        %rem3A_664 = arith.remsi %add3A_658, %select_n3A_663 : i32
        %ne3A_665 = arith.constant 0 : i32
        %ne3A_666 = arith.cmpi ne, %rem3A_664, %ne3A_665 : i32
        %lt3A_667 = arith.constant 0 : i32
        %lt3A_668 = arith.cmpi slt, %rem3A_664, %lt3A_667 : i32
        %lt3A_669 = arith.constant 0 : i32
        %lt3A_670 = arith.cmpi slt, %select_n3A_663, %lt3A_669 : i32
        %ne3A_671 = arith.xori %lt3A_668, %lt3A_670 : i1
        %and3A_672 = arith.andi %ne3A_671, %ne3A_666 : i1
        %add3A_673 = arith.addi %rem3A_664, %select_n3A_663 : i32
        %select_n3A_674 = arith.select %and3A_672, %add3A_673, %rem3A_664 : i32
        %dma_start3A_675 = arith.constant 0 : i32
        %dma_start3A_676 = arith.constant 0 : i32
        %dma_start3A_677 = tpu.memref_slice %arg5[%select_n3A_674, %dma_start3A_675, %dma_start3A_676] : memref<2x32x128xi32, #tpu.memory_space<vmem>> -> memref<1x32x128xi32, #tpu.memory_space<vmem>>
        %dma_start3A_678 = tpu.memref_squeeze %dma_start3A_677 : memref<1x32x128xi32, #tpu.memory_space<vmem>> -> memref<32x128xi32, #tpu.memory_space<vmem>>
        %dma_start3A_679 = arith.constant 0 : i32
        %dma_start3A_680 = arith.constant 0 : i32
        %dma_start3A_681 = tpu.memref_slice %arg2[%add3A_658, %dma_start3A_679, %dma_start3A_680] : memref<20x32x128xi32, #tpu.memory_space<hbm>> -> memref<1x32x128xi32, #tpu.memory_space<hbm>>
        %dma_start3A_682 = tpu.memref_squeeze %dma_start3A_681 : memref<1x32x128xi32, #tpu.memory_space<hbm>> -> memref<32x128xi32, #tpu.memory_space<hbm>>
        %dma_start3A_683 = arith.constant 0 : i32
        %dma_start3A_684 = arith.constant 0 : i32
        %dma_start3A_685 = tpu.memref_slice %arg5[%select_n3A_674, %dma_start3A_683, %dma_start3A_684] : memref<2x32x128xi32, #tpu.memory_space<vmem>> -> memref<1x32x128xi32, #tpu.memory_space<vmem>>
        %dma_start3A_686 = tpu.memref_squeeze %dma_start3A_685 : memref<1x32x128xi32, #tpu.memory_space<vmem>> -> memref<32x128xi32, #tpu.memory_space<vmem>>
        %dma_start3A_687 = arith.constant 0 : i32
        %dma_start3A_688 = arith.constant 0 : i32
        %dma_start3A_689 = tpu.memref_slice %arg2[%add3A_658, %dma_start3A_687, %dma_start3A_688] : memref<20x32x128xi32, #tpu.memory_space<hbm>> -> memref<1x32x128xi32, #tpu.memory_space<hbm>>
        %dma_start3A_690 = tpu.memref_squeeze %dma_start3A_689 : memref<1x32x128xi32, #tpu.memory_space<hbm>> -> memref<32x128xi32, #tpu.memory_space<hbm>>
        tpu.enqueue_dma source(%dma_start3A_690 : memref<32x128xi32, #tpu.memory_space<hbm>>) target(%dma_start3A_686 : memref<32x128xi32, #tpu.memory_space<vmem>>) target_semaphore(%arg7 : memref<!tpu.dma_semaphore, #tpu.memory_space<semaphore_mem>>)
      } else {
      }
      %ge3A_616 = arith.constant 2 : i32
      %ge3A_617 = arith.cmpi sge, %scan3A_589, %ge3A_616 : i32
      %convert_element_type3A_618 = arith.extui %ge3A_617 : i1 to i32
      %cond3A_619 = arith.constant 0 : i32
      %cond3A_620 = arith.cmpi ne, %convert_element_type3A_618, %cond3A_619 : i32
      scf.if %cond3A_620 {
        %jit3A_657 = arith.constant 2 : i32
        %eq3A_658 = arith.constant 0 : i32
        %eq3A_659 = arith.cmpi eq, %jit3A_657, %eq3A_658 : i32
        %jit3A_660 = arith.constant 1 : i32
        %select_n3A_661 = arith.select %eq3A_659, %jit3A_660, %jit3A_657 : i32
        %rem3A_662 = arith.remsi %scan3A_589, %select_n3A_661 : i32
        %ne3A_663 = arith.constant 0 : i32
        %ne3A_664 = arith.cmpi ne, %rem3A_662, %ne3A_663 : i32
        %lt3A_665 = arith.constant 0 : i32
        %lt3A_666 = arith.cmpi slt, %rem3A_662, %lt3A_665 : i32
        %lt3A_667 = arith.constant 0 : i32
        %lt3A_668 = arith.cmpi slt, %select_n3A_661, %lt3A_667 : i32
        %ne3A_669 = arith.xori %lt3A_666, %lt3A_668 : i1
        %and3A_670 = arith.andi %ne3A_669, %ne3A_664 : i1
        %add3A_671 = arith.addi %rem3A_662, %select_n3A_661 : i32
        %select_n3A_672 = arith.select %and3A_670, %add3A_671, %rem3A_662 : i32
        %eq3A_673 = arith.constant 0 : i32
        %eq3A_674 = arith.cmpi eq, %select_n3A_672, %eq3A_673 : i32
        %convert_element_type3A_675 = arith.extui %eq3A_674 : i1 to i32
        %cond3A_676 = arith.constant 0 : i32
        %cond3A_677 = arith.cmpi ne, %convert_element_type3A_675, %cond3A_676 : i32
        scf.if %cond3A_677 {
          %dma_wait3A_699 = arith.constant 0 : i32
          %dma_wait3A_700 = arith.constant 0 : i32
          %dma_wait3A_701 = arith.constant 0 : i32
          %dma_wait3A_702 = arith.constant 0 : i32
          %dma_wait3A_703 = tpu.memref_slice %arg6[%dma_wait3A_700, %dma_wait3A_701, %dma_wait3A_702] : memref<2x32x128xf32, #tpu.memory_space<vmem>> -> memref<1x32x128xf32, #tpu.memory_space<vmem>>
          %dma_wait3A_704 = tpu.memref_squeeze %dma_wait3A_703 : memref<1x32x128xf32, #tpu.memory_space<vmem>> -> memref<32x128xf32, #tpu.memory_space<vmem>>
          %dma_wait3A_705 = arith.constant 0 : i32
          %dma_wait3A_706 = arith.constant 0 : i32
          %dma_wait3A_707 = tpu.memref_slice %arg4[%dma_wait3A_699, %dma_wait3A_705, %dma_wait3A_706] : memref<640x32x128xf32, #tpu.memory_space<hbm>> -> memref<1x32x128xf32, #tpu.memory_space<hbm>>
          %dma_wait3A_708 = tpu.memref_squeeze %dma_wait3A_707 : memref<1x32x128xf32, #tpu.memory_space<hbm>> -> memref<32x128xf32, #tpu.memory_space<hbm>>
          %dma_wait3A_709 = arith.constant 0 : i32
          %dma_wait3A_710 = arith.constant 0 : i32
          %dma_wait3A_711 = tpu.memref_slice %arg6[%dma_wait3A_700, %dma_wait3A_709, %dma_wait3A_710] : memref<2x32x128xf32, #tpu.memory_space<vmem>> -> memref<1x32x128xf32, #tpu.memory_space<vmem>>
          %dma_wait3A_712 = tpu.memref_squeeze %dma_wait3A_711 : memref<1x32x128xf32, #tpu.memory_space<vmem>> -> memref<32x128xf32, #tpu.memory_space<vmem>>
          %dma_wait3A_713 = arith.constant 0 : i32
          %dma_wait3A_714 = arith.constant 0 : i32
          %dma_wait3A_715 = tpu.memref_slice %arg4[%dma_wait3A_699, %dma_wait3A_713, %dma_wait3A_714] : memref<640x32x128xf32, #tpu.memory_space<hbm>> -> memref<1x32x128xf32, #tpu.memory_space<hbm>>
          %dma_wait3A_716 = tpu.memref_squeeze %dma_wait3A_715 : memref<1x32x128xf32, #tpu.memory_space<hbm>> -> memref<32x128xf32, #tpu.memory_space<hbm>>
          tpu.wait_dma2 semaphore(%arg10 : memref<!tpu.dma_semaphore, #tpu.memory_space<semaphore_mem>>) src(%dma_wait3A_716 : memref<32x128xf32, #tpu.memory_space<hbm>>) dst(%dma_wait3A_712 : memref<32x128xf32, #tpu.memory_space<vmem>>)
        } else {
        }
        %jit3A_678 = arith.constant 2 : i32
        %eq3A_679 = arith.constant 0 : i32
        %eq3A_680 = arith.cmpi eq, %jit3A_678, %eq3A_679 : i32
        %jit3A_681 = arith.constant 1 : i32
        %select_n3A_682 = arith.select %eq3A_680, %jit3A_681, %jit3A_678 : i32
        %rem3A_683 = arith.remsi %scan3A_589, %select_n3A_682 : i32
        %ne3A_684 = arith.constant 0 : i32
        %ne3A_685 = arith.cmpi ne, %rem3A_683, %ne3A_684 : i32
        %lt3A_686 = arith.constant 0 : i32
        %lt3A_687 = arith.cmpi slt, %rem3A_683, %lt3A_686 : i32
        %lt3A_688 = arith.constant 0 : i32
        %lt3A_689 = arith.cmpi slt, %select_n3A_682, %lt3A_688 : i32
        %ne3A_690 = arith.xori %lt3A_687, %lt3A_689 : i1
        %and3A_691 = arith.andi %ne3A_690, %ne3A_685 : i1
        %add3A_692 = arith.addi %rem3A_683, %select_n3A_682 : i32
        %select_n3A_693 = arith.select %and3A_691, %add3A_692, %rem3A_683 : i32
        %eq3A_694 = arith.constant 1 : i32
        %eq3A_695 = arith.cmpi eq, %select_n3A_693, %eq3A_694 : i32
        %convert_element_type3A_696 = arith.extui %eq3A_695 : i1 to i32
        %cond3A_697 = arith.constant 0 : i32
        %cond3A_698 = arith.cmpi ne, %convert_element_type3A_696, %cond3A_697 : i32
        scf.if %cond3A_698 {
          %dma_wait3A_699 = arith.constant 0 : i32
          %dma_wait3A_700 = arith.constant 0 : i32
          %dma_wait3A_701 = arith.constant 0 : i32
          %dma_wait3A_702 = arith.constant 0 : i32
          %dma_wait3A_703 = tpu.memref_slice %arg6[%dma_wait3A_700, %dma_wait3A_701, %dma_wait3A_702] : memref<2x32x128xf32, #tpu.memory_space<vmem>> -> memref<1x32x128xf32, #tpu.memory_space<vmem>>
          %dma_wait3A_704 = tpu.memref_squeeze %dma_wait3A_703 : memref<1x32x128xf32, #tpu.memory_space<vmem>> -> memref<32x128xf32, #tpu.memory_space<vmem>>
          %dma_wait3A_705 = arith.constant 0 : i32
          %dma_wait3A_706 = arith.constant 0 : i32
          %dma_wait3A_707 = tpu.memref_slice %arg4[%dma_wait3A_699, %dma_wait3A_705, %dma_wait3A_706] : memref<640x32x128xf32, #tpu.memory_space<hbm>> -> memref<1x32x128xf32, #tpu.memory_space<hbm>>
          %dma_wait3A_708 = tpu.memref_squeeze %dma_wait3A_707 : memref<1x32x128xf32, #tpu.memory_space<hbm>> -> memref<32x128xf32, #tpu.memory_space<hbm>>
          %dma_wait3A_709 = arith.constant 0 : i32
          %dma_wait3A_710 = arith.constant 0 : i32
          %dma_wait3A_711 = tpu.memref_slice %arg6[%dma_wait3A_700, %dma_wait3A_709, %dma_wait3A_710] : memref<2x32x128xf32, #tpu.memory_space<vmem>> -> memref<1x32x128xf32, #tpu.memory_space<vmem>>
          %dma_wait3A_712 = tpu.memref_squeeze %dma_wait3A_711 : memref<1x32x128xf32, #tpu.memory_space<vmem>> -> memref<32x128xf32, #tpu.memory_space<vmem>>
          %dma_wait3A_713 = arith.constant 0 : i32
          %dma_wait3A_714 = arith.constant 0 : i32
          %dma_wait3A_715 = tpu.memref_slice %arg4[%dma_wait3A_699, %dma_wait3A_713, %dma_wait3A_714] : memref<640x32x128xf32, #tpu.memory_space<hbm>> -> memref<1x32x128xf32, #tpu.memory_space<hbm>>
          %dma_wait3A_716 = tpu.memref_squeeze %dma_wait3A_715 : memref<1x32x128xf32, #tpu.memory_space<hbm>> -> memref<32x128xf32, #tpu.memory_space<hbm>>
          tpu.wait_dma2 semaphore(%arg11 : memref<!tpu.dma_semaphore, #tpu.memory_space<semaphore_mem>>) src(%dma_wait3A_716 : memref<32x128xf32, #tpu.memory_space<hbm>>) dst(%dma_wait3A_712 : memref<32x128xf32, #tpu.memory_space<vmem>>)
        } else {
        }
      } else {
      }
      %jit3A = arith.constant 2 : i32
      %eq3A = arith.constant 0 : i32
      %eq3A_621 = arith.cmpi eq, %jit3A, %eq3A : i32
      %jit3A_622 = arith.constant 1 : i32
      %select_n3A = arith.select %eq3A_621, %jit3A_622, %jit3A : i32
      %rem3A = arith.remsi %scan3A_589, %select_n3A : i32
      %ne3A = arith.constant 0 : i32
      %ne3A_623 = arith.cmpi ne, %rem3A, %ne3A : i32
      %lt3A_624 = arith.constant 0 : i32
      %lt3A_625 = arith.cmpi slt, %rem3A, %lt3A_624 : i32
      %lt3A_626 = arith.constant 0 : i32
      %lt3A_627 = arith.cmpi slt, %select_n3A, %lt3A_626 : i32
      %ne3A_628 = arith.xori %lt3A_625, %lt3A_627 : i1
      %and3A = arith.andi %ne3A_628, %ne3A_623 : i1
      %add3A_629 = arith.addi %rem3A, %select_n3A : i32
      %select_n3A_630 = arith.select %and3A, %add3A_629, %rem3A : i32
      %eq3A_631 = arith.constant 0 : i32
      %eq3A_632 = arith.cmpi eq, %select_n3A_630, %eq3A_631 : i32
      %convert_element_type3A_633 = arith.extui %eq3A_632 : i1 to i32
      %cond3A_634 = arith.constant 0 : i32
      %cond3A_635 = arith.cmpi ne, %convert_element_type3A_633, %cond3A_634 : i32
      scf.if %cond3A_635 {
        %mul3A_657 = arith.constant 32 : i32
        %mul3A_658 = arith.muli %scan3A_589, %mul3A_657 : i32
        %add3A_659 = arith.addi %mul3A_658, %add3A : i32
        %jit3A_660 = arith.constant 2 : i32
        %eq3A_661 = arith.constant 0 : i32
        %eq3A_662 = arith.cmpi eq, %jit3A_660, %eq3A_661 : i32
        %jit3A_663 = arith.constant 1 : i32
        %select_n3A_664 = arith.select %eq3A_662, %jit3A_663, %jit3A_660 : i32
        %rem3A_665 = arith.remsi %scan3A_589, %select_n3A_664 : i32
        %ne3A_666 = arith.constant 0 : i32
        %ne3A_667 = arith.cmpi ne, %rem3A_665, %ne3A_666 : i32
        %lt3A_668 = arith.constant 0 : i32
        %lt3A_669 = arith.cmpi slt, %rem3A_665, %lt3A_668 : i32
        %lt3A_670 = arith.constant 0 : i32
        %lt3A_671 = arith.cmpi slt, %select_n3A_664, %lt3A_670 : i32
        %ne3A_672 = arith.xori %lt3A_669, %lt3A_671 : i1
        %and3A_673 = arith.andi %ne3A_672, %ne3A_667 : i1
        %add3A_674 = arith.addi %rem3A_665, %select_n3A_664 : i32
        %select_n3A_675 = arith.select %and3A_673, %add3A_674, %rem3A_665 : i32
        %jit3A_676 = arith.constant 2 : i32
        %eq3A_677 = arith.constant 0 : i32
        %eq3A_678 = arith.cmpi eq, %jit3A_676, %eq3A_677 : i32
        %jit3A_679 = arith.constant 1 : i32
        %select_n3A_680 = arith.select %eq3A_678, %jit3A_679, %jit3A_676 : i32
        %rem3A_681 = arith.remsi %scan3A_589, %select_n3A_680 : i32
        %ne3A_682 = arith.constant 0 : i32
        %ne3A_683 = arith.cmpi ne, %rem3A_681, %ne3A_682 : i32
        %lt3A_684 = arith.constant 0 : i32
        %lt3A_685 = arith.cmpi slt, %rem3A_681, %lt3A_684 : i32
        %lt3A_686 = arith.constant 0 : i32
        %lt3A_687 = arith.cmpi slt, %select_n3A_680, %lt3A_686 : i32
        %ne3A_688 = arith.xori %lt3A_685, %lt3A_687 : i1
        %and3A_689 = arith.andi %ne3A_688, %ne3A_683 : i1
        %add3A_690 = arith.addi %rem3A_681, %select_n3A_680 : i32
        %select_n3A_691 = arith.select %and3A_689, %add3A_690, %rem3A_681 : i32
        %dma_start3A_692 = arith.constant 0 : i32
        %dma_start3A_693 = arith.constant 0 : i32
        %dma_start3A_694 = arith.constant 0 : i32
        %dma_start3A_695 = tpu.memref_slice %arg6[%select_n3A_691, %dma_start3A_693, %dma_start3A_694] : memref<2x32x128xf32, #tpu.memory_space<vmem>> -> memref<1x1x128xf32, #tpu.memory_space<vmem>>
        %dma_start3A_696 = tpu.memref_squeeze %dma_start3A_695 : memref<1x1x128xf32, #tpu.memory_space<vmem>> -> memref<128xf32, #tpu.memory_space<vmem>>
        %dma_start3A_697 = arith.constant 0 : i32
        %dma_start3A_698 = tpu.memref_slice %arg5[%select_n3A_675, %dma_start3A_692, %dma_start3A_697] : memref<2x32x128xi32, #tpu.memory_space<vmem>> -> memref<1x1x128xi32, #tpu.memory_space<vmem>>
        %dma_start3A_699 = tpu.memref_squeeze %dma_start3A_698 : memref<1x1x128xi32, #tpu.memory_space<vmem>> -> memref<128xi32, #tpu.memory_space<vmem>>
        %dma_start3A_700 = arith.constant 0 : i32
        %dma_start3A_701 = tpu.memref_slice %arg3[%add3A_659, %dma_start3A_700] : memref<640x100000xf32, #tpu.memory_space<hbm>> -> memref<1x100000xf32, #tpu.memory_space<hbm>>
        %dma_start3A_702 = tpu.memref_squeeze %dma_start3A_701 : memref<1x100000xf32, #tpu.memory_space<hbm>> -> memref<100000xf32, #tpu.memory_space<hbm>>
        %dma_start3A_703 = arith.constant 0 : i32
        %dma_start3A_704 = tpu.memref_slice %dma_start3A_702[%dma_start3A_703] : memref<100000xf32, #tpu.memory_space<hbm>> -> memref<100000xf32, #tpu.memory_space<hbm>>
        tpu.enqueue_indirect_dma source(%dma_start3A_704 : memref<100000xf32, #tpu.memory_space<hbm>>) target(%dma_start3A_696 : memref<128xf32, #tpu.memory_space<vmem>>) offsets(%dma_start3A_699 : memref<128xi32, #tpu.memory_space<vmem>>) semaphore(%arg8 : memref<!tpu.dma_semaphore, #tpu.memory_space<semaphore_mem>>)
        %jit3A_705 = arith.constant 2 : i32
        %eq3A_706 = arith.constant 0 : i32
        %eq3A_707 = arith.cmpi eq, %jit3A_705, %eq3A_706 : i32
        %jit3A_708 = arith.constant 1 : i32
        %select_n3A_709 = arith.select %eq3A_707, %jit3A_708, %jit3A_705 : i32
        %rem3A_710 = arith.remsi %scan3A_589, %select_n3A_709 : i32
        %ne3A_711 = arith.constant 0 : i32
        %ne3A_712 = arith.cmpi ne, %rem3A_710, %ne3A_711 : i32
        %lt3A_713 = arith.constant 0 : i32
        %lt3A_714 = arith.cmpi slt, %rem3A_710, %lt3A_713 : i32
        %lt3A_715 = arith.constant 0 : i32
        %lt3A_716 = arith.cmpi slt, %select_n3A_709, %lt3A_715 : i32
        %ne3A_717 = arith.xori %lt3A_714, %lt3A_716 : i1
        %and3A_718 = arith.andi %ne3A_717, %ne3A_712 : i1
        %add3A_719 = arith.addi %rem3A_710, %select_n3A_709 : i32
        %select_n3A_720 = arith.select %and3A_718, %add3A_719, %rem3A_710 : i32
        %jit3A_721 = arith.constant 2 : i32
        %eq3A_722 = arith.constant 0 : i32
        %eq3A_723 = arith.cmpi eq, %jit3A_721, %eq3A_722 : i32
        %jit3A_724 = arith.constant 1 : i32
        %select_n3A_725 = arith.select %eq3A_723, %jit3A_724, %jit3A_721 : i32
        %rem3A_726 = arith.remsi %scan3A_589, %select_n3A_725 : i32
        %ne3A_727 = arith.constant 0 : i32
        %ne3A_728 = arith.cmpi ne, %rem3A_726, %ne3A_727 : i32
        %lt3A_729 = arith.constant 0 : i32
        %lt3A_730 = arith.cmpi slt, %rem3A_726, %lt3A_729 : i32
        %lt3A_731 = arith.constant 0 : i32
        %lt3A_732 = arith.cmpi slt, %select_n3A_725, %lt3A_731 : i32
        %ne3A_733 = arith.xori %lt3A_730, %lt3A_732 : i1
        %and3A_734 = arith.andi %ne3A_733, %ne3A_728 : i1
        %add3A_735 = arith.addi %rem3A_726, %select_n3A_725 : i32
        %select_n3A_736 = arith.select %and3A_734, %add3A_735, %rem3A_726 : i32
        %dma_start3A_737 = arith.constant 1 : i32
        %dma_start3A_738 = arith.constant 1 : i32
        %dma_start3A_739 = arith.constant 0 : i32
        %dma_start3A_740 = tpu.memref_slice %arg6[%select_n3A_736, %dma_start3A_738, %dma_start3A_739] : memref<2x32x128xf32, #tpu.memory_space<vmem>> -> memref<1x1x128xf32, #tpu.memory_space<vmem>>
        %dma_start3A_741 = tpu.memref_squeeze %dma_start3A_740 : memref<1x1x128xf32, #tpu.memory_space<vmem>> -> memref<128xf32, #tpu.memory_space<vmem>>
        %dma_start3A_742 = arith.constant 0 : i32
        %dma_start3A_743 = tpu.memref_slice %arg5[%select_n3A_720, %dma_start3A_737, %dma_start3A_742] : memref<2x32x128xi32, #tpu.memory_space<vmem>> -> memref<1x1x128xi32, #tpu.memory_space<vmem>>
        %dma_start3A_744 = tpu.memref_squeeze %dma_start3A_743 : memref<1x1x128xi32, #tpu.memory_space<vmem>> -> memref<128xi32, #tpu.memory_space<vmem>>
        %dma_start3A_745 = arith.constant 0 : i32
        %dma_start3A_746 = tpu.memref_slice %arg3[%add3A_659, %dma_start3A_745] : memref<640x100000xf32, #tpu.memory_space<hbm>> -> memref<1x100000xf32, #tpu.memory_space<hbm>>
        %dma_start3A_747 = tpu.memref_squeeze %dma_start3A_746 : memref<1x100000xf32, #tpu.memory_space<hbm>> -> memref<100000xf32, #tpu.memory_space<hbm>>
        %dma_start3A_748 = arith.constant 0 : i32
        %dma_start3A_749 = tpu.memref_slice %dma_start3A_747[%dma_start3A_748] : memref<100000xf32, #tpu.memory_space<hbm>> -> memref<100000xf32, #tpu.memory_space<hbm>>
        tpu.enqueue_indirect_dma source(%dma_start3A_749 : memref<100000xf32, #tpu.memory_space<hbm>>) target(%dma_start3A_741 : memref<128xf32, #tpu.memory_space<vmem>>) offsets(%dma_start3A_744 : memref<128xi32, #tpu.memory_space<vmem>>) semaphore(%arg8 : memref<!tpu.dma_semaphore, #tpu.memory_space<semaphore_mem>>)
        %jit3A_750 = arith.constant 2 : i32
        %eq3A_751 = arith.constant 0 : i32
        %eq3A_752 = arith.cmpi eq, %jit3A_750, %eq3A_751 : i32
        %jit3A_753 = arith.constant 1 : i32
        %select_n3A_754 = arith.select %eq3A_752, %jit3A_753, %jit3A_750 : i32
        %rem3A_755 = arith.remsi %scan3A_589, %select_n3A_754 : i32
        %ne3A_756 = arith.constant 0 : i32
        %ne3A_757 = arith.cmpi ne, %rem3A_755, %ne3A_756 : i32
        %lt3A_758 = arith.constant 0 : i32
        %lt3A_759 = arith.cmpi slt, %rem3A_755, %lt3A_758 : i32
        %lt3A_760 = arith.constant 0 : i32
        %lt3A_761 = arith.cmpi slt, %select_n3A_754, %lt3A_760 : i32
        %ne3A_762 = arith.xori %lt3A_759, %lt3A_761 : i1
        %and3A_763 = arith.andi %ne3A_762, %ne3A_757 : i1
        %add3A_764 = arith.addi %rem3A_755, %select_n3A_754 : i32
        %select_n3A_765 = arith.select %and3A_763, %add3A_764, %rem3A_755 : i32
        %jit3A_766 = arith.constant 2 : i32
        %eq3A_767 = arith.constant 0 : i32
        %eq3A_768 = arith.cmpi eq, %jit3A_766, %eq3A_767 : i32
        %jit3A_769 = arith.constant 1 : i32
        %select_n3A_770 = arith.select %eq3A_768, %jit3A_769, %jit3A_766 : i32
        %rem3A_771 = arith.remsi %scan3A_589, %select_n3A_770 : i32
        %ne3A_772 = arith.constant 0 : i32
        %ne3A_773 = arith.cmpi ne, %rem3A_771, %ne3A_772 : i32
        %lt3A_774 = arith.constant 0 : i32
        %lt3A_775 = arith.cmpi slt, %rem3A_771, %lt3A_774 : i32
        %lt3A_776 = arith.constant 0 : i32
        %lt3A_777 = arith.cmpi slt, %select_n3A_770, %lt3A_776 : i32
        %ne3A_778 = arith.xori %lt3A_775, %lt3A_777 : i1
        %and3A_779 = arith.andi %ne3A_778, %ne3A_773 : i1
        %add3A_780 = arith.addi %rem3A_771, %select_n3A_770 : i32
        %select_n3A_781 = arith.select %and3A_779, %add3A_780, %rem3A_771 : i32
        %dma_start3A_782 = arith.constant 2 : i32
        %dma_start3A_783 = arith.constant 2 : i32
        %dma_start3A_784 = arith.constant 0 : i32
        %dma_start3A_785 = tpu.memref_slice %arg6[%select_n3A_781, %dma_start3A_783, %dma_start3A_784] : memref<2x32x128xf32, #tpu.memory_space<vmem>> -> memref<1x1x128xf32, #tpu.memory_space<vmem>>
        %dma_start3A_786 = tpu.memref_squeeze %dma_start3A_785 : memref<1x1x128xf32, #tpu.memory_space<vmem>> -> memref<128xf32, #tpu.memory_space<vmem>>
        %dma_start3A_787 = arith.constant 0 : i32
        %dma_start3A_788 = tpu.memref_slice %arg5[%select_n3A_765, %dma_start3A_782, %dma_start3A_787] : memref<2x32x128xi32, #tpu.memory_space<vmem>> -> memref<1x1x128xi32, #tpu.memory_space<vmem>>
        %dma_start3A_789 = tpu.memref_squeeze %dma_start3A_788 : memref<1x1x128xi32, #tpu.memory_space<vmem>> -> memref<128xi32, #tpu.memory_space<vmem>>
        %dma_start3A_790 = arith.constant 0 : i32
        %dma_start3A_791 = tpu.memref_slice %arg3[%add3A_659, %dma_start3A_790] : memref<640x100000xf32, #tpu.memory_space<hbm>> -> memref<1x100000xf32, #tpu.memory_space<hbm>>
        %dma_start3A_792 = tpu.memref_squeeze %dma_start3A_791 : memref<1x100000xf32, #tpu.memory_space<hbm>> -> memref<100000xf32, #tpu.memory_space<hbm>>
        %dma_start3A_793 = arith.constant 0 : i32
        %dma_start3A_794 = tpu.memref_slice %dma_start3A_792[%dma_start3A_793] : memref<100000xf32, #tpu.memory_space<hbm>> -> memref<100000xf32, #tpu.memory_space<hbm>>
        tpu.enqueue_indirect_dma source(%dma_start3A_794 : memref<100000xf32, #tpu.memory_space<hbm>>) target(%dma_start3A_786 : memref<128xf32, #tpu.memory_space<vmem>>) offsets(%dma_start3A_789 : memref<128xi32, #tpu.memory_space<vmem>>) semaphore(%arg8 : memref<!tpu.dma_semaphore, #tpu.memory_space<semaphore_mem>>)
        %jit3A_795 = arith.constant 2 : i32
        %eq3A_796 = arith.constant 0 : i32
        %eq3A_797 = arith.cmpi eq, %jit3A_795, %eq3A_796 : i32
        %jit3A_798 = arith.constant 1 : i32
        %select_n3A_799 = arith.select %eq3A_797, %jit3A_798, %jit3A_795 : i32
        %rem3A_800 = arith.remsi %scan3A_589, %select_n3A_799 : i32
        %ne3A_801 = arith.constant 0 : i32
        %ne3A_802 = arith.cmpi ne, %rem3A_800, %ne3A_801 : i32
        %lt3A_803 = arith.constant 0 : i32
        %lt3A_804 = arith.cmpi slt, %rem3A_800, %lt3A_803 : i32
        %lt3A_805 = arith.constant 0 : i32
        %lt3A_806 = arith.cmpi slt, %select_n3A_799, %lt3A_805 : i32
        %ne3A_807 = arith.xori %lt3A_804, %lt3A_806 : i1
        %and3A_808 = arith.andi %ne3A_807, %ne3A_802 : i1
        %add3A_809 = arith.addi %rem3A_800, %select_n3A_799 : i32
        %select_n3A_810 = arith.select %and3A_808, %add3A_809, %rem3A_800 : i32
        %jit3A_811 = arith.constant 2 : i32
        %eq3A_812 = arith.constant 0 : i32
        %eq3A_813 = arith.cmpi eq, %jit3A_811, %eq3A_812 : i32
        %jit3A_814 = arith.constant 1 : i32
        %select_n3A_815 = arith.select %eq3A_813, %jit3A_814, %jit3A_811 : i32
        %rem3A_816 = arith.remsi %scan3A_589, %select_n3A_815 : i32
        %ne3A_817 = arith.constant 0 : i32
        %ne3A_818 = arith.cmpi ne, %rem3A_816, %ne3A_817 : i32
        %lt3A_819 = arith.constant 0 : i32
        %lt3A_820 = arith.cmpi slt, %rem3A_816, %lt3A_819 : i32
        %lt3A_821 = arith.constant 0 : i32
        %lt3A_822 = arith.cmpi slt, %select_n3A_815, %lt3A_821 : i32
        %ne3A_823 = arith.xori %lt3A_820, %lt3A_822 : i1
        %and3A_824 = arith.andi %ne3A_823, %ne3A_818 : i1
        %add3A_825 = arith.addi %rem3A_816, %select_n3A_815 : i32
        %select_n3A_826 = arith.select %and3A_824, %add3A_825, %rem3A_816 : i32
        %dma_start3A_827 = arith.constant 3 : i32
        %dma_start3A_828 = arith.constant 3 : i32
        %dma_start3A_829 = arith.constant 0 : i32
        %dma_start3A_830 = tpu.memref_slice %arg6[%select_n3A_826, %dma_start3A_828, %dma_start3A_829] : memref<2x32x128xf32, #tpu.memory_space<vmem>> -> memref<1x1x128xf32, #tpu.memory_space<vmem>>
        %dma_start3A_831 = tpu.memref_squeeze %dma_start3A_830 : memref<1x1x128xf32, #tpu.memory_space<vmem>> -> memref<128xf32, #tpu.memory_space<vmem>>
        %dma_start3A_832 = arith.constant 0 : i32
        %dma_start3A_833 = tpu.memref_slice %arg5[%select_n3A_810, %dma_start3A_827, %dma_start3A_832] : memref<2x32x128xi32, #tpu.memory_space<vmem>> -> memref<1x1x128xi32, #tpu.memory_space<vmem>>
        %dma_start3A_834 = tpu.memref_squeeze %dma_start3A_833 : memref<1x1x128xi32, #tpu.memory_space<vmem>> -> memref<128xi32, #tpu.memory_space<vmem>>
        %dma_start3A_835 = arith.constant 0 : i32
        %dma_start3A_836 = tpu.memref_slice %arg3[%add3A_659, %dma_start3A_835] : memref<640x100000xf32, #tpu.memory_space<hbm>> -> memref<1x100000xf32, #tpu.memory_space<hbm>>
        %dma_start3A_837 = tpu.memref_squeeze %dma_start3A_836 : memref<1x100000xf32, #tpu.memory_space<hbm>> -> memref<100000xf32, #tpu.memory_space<hbm>>
        %dma_start3A_838 = arith.constant 0 : i32
        %dma_start3A_839 = tpu.memref_slice %dma_start3A_837[%dma_start3A_838] : memref<100000xf32, #tpu.memory_space<hbm>> -> memref<100000xf32, #tpu.memory_space<hbm>>
        tpu.enqueue_indirect_dma source(%dma_start3A_839 : memref<100000xf32, #tpu.memory_space<hbm>>) target(%dma_start3A_831 : memref<128xf32, #tpu.memory_space<vmem>>) offsets(%dma_start3A_834 : memref<128xi32, #tpu.memory_space<vmem>>) semaphore(%arg8 : memref<!tpu.dma_semaphore, #tpu.memory_space<semaphore_mem>>)
        %jit3A_840 = arith.constant 2 : i32
        %eq3A_841 = arith.constant 0 : i32
        %eq3A_842 = arith.cmpi eq, %jit3A_840, %eq3A_841 : i32
        %jit3A_843 = arith.constant 1 : i32
        %select_n3A_844 = arith.select %eq3A_842, %jit3A_843, %jit3A_840 : i32
        %rem3A_845 = arith.remsi %scan3A_589, %select_n3A_844 : i32
        %ne3A_846 = arith.constant 0 : i32
        %ne3A_847 = arith.cmpi ne, %rem3A_845, %ne3A_846 : i32
        %lt3A_848 = arith.constant 0 : i32
        %lt3A_849 = arith.cmpi slt, %rem3A_845, %lt3A_848 : i32
        %lt3A_850 = arith.constant 0 : i32
        %lt3A_851 = arith.cmpi slt, %select_n3A_844, %lt3A_850 : i32
        %ne3A_852 = arith.xori %lt3A_849, %lt3A_851 : i1
        %and3A_853 = arith.andi %ne3A_852, %ne3A_847 : i1
        %add3A_854 = arith.addi %rem3A_845, %select_n3A_844 : i32
        %select_n3A_855 = arith.select %and3A_853, %add3A_854, %rem3A_845 : i32
        %jit3A_856 = arith.constant 2 : i32
        %eq3A_857 = arith.constant 0 : i32
        %eq3A_858 = arith.cmpi eq, %jit3A_856, %eq3A_857 : i32
        %jit3A_859 = arith.constant 1 : i32
        %select_n3A_860 = arith.select %eq3A_858, %jit3A_859, %jit3A_856 : i32
        %rem3A_861 = arith.remsi %scan3A_589, %select_n3A_860 : i32
        %ne3A_862 = arith.constant 0 : i32
        %ne3A_863 = arith.cmpi ne, %rem3A_861, %ne3A_862 : i32
        %lt3A_864 = arith.constant 0 : i32
        %lt3A_865 = arith.cmpi slt, %rem3A_861, %lt3A_864 : i32
        %lt3A_866 = arith.constant 0 : i32
        %lt3A_867 = arith.cmpi slt, %select_n3A_860, %lt3A_866 : i32
        %ne3A_868 = arith.xori %lt3A_865, %lt3A_867 : i1
        %and3A_869 = arith.andi %ne3A_868, %ne3A_863 : i1
        %add3A_870 = arith.addi %rem3A_861, %select_n3A_860 : i32
        %select_n3A_871 = arith.select %and3A_869, %add3A_870, %rem3A_861 : i32
        %dma_start3A_872 = arith.constant 4 : i32
        %dma_start3A_873 = arith.constant 4 : i32
        %dma_start3A_874 = arith.constant 0 : i32
        %dma_start3A_875 = tpu.memref_slice %arg6[%select_n3A_871, %dma_start3A_873, %dma_start3A_874] : memref<2x32x128xf32, #tpu.memory_space<vmem>> -> memref<1x1x128xf32, #tpu.memory_space<vmem>>
        %dma_start3A_876 = tpu.memref_squeeze %dma_start3A_875 : memref<1x1x128xf32, #tpu.memory_space<vmem>> -> memref<128xf32, #tpu.memory_space<vmem>>
        %dma_start3A_877 = arith.constant 0 : i32
        %dma_start3A_878 = tpu.memref_slice %arg5[%select_n3A_855, %dma_start3A_872, %dma_start3A_877] : memref<2x32x128xi32, #tpu.memory_space<vmem>> -> memref<1x1x128xi32, #tpu.memory_space<vmem>>
        %dma_start3A_879 = tpu.memref_squeeze %dma_start3A_878 : memref<1x1x128xi32, #tpu.memory_space<vmem>> -> memref<128xi32, #tpu.memory_space<vmem>>
        %dma_start3A_880 = arith.constant 0 : i32
        %dma_start3A_881 = tpu.memref_slice %arg3[%add3A_659, %dma_start3A_880] : memref<640x100000xf32, #tpu.memory_space<hbm>> -> memref<1x100000xf32, #tpu.memory_space<hbm>>
        %dma_start3A_882 = tpu.memref_squeeze %dma_start3A_881 : memref<1x100000xf32, #tpu.memory_space<hbm>> -> memref<100000xf32, #tpu.memory_space<hbm>>
        %dma_start3A_883 = arith.constant 0 : i32
        %dma_start3A_884 = tpu.memref_slice %dma_start3A_882[%dma_start3A_883] : memref<100000xf32, #tpu.memory_space<hbm>> -> memref<100000xf32, #tpu.memory_space<hbm>>
        tpu.enqueue_indirect_dma source(%dma_start3A_884 : memref<100000xf32, #tpu.memory_space<hbm>>) target(%dma_start3A_876 : memref<128xf32, #tpu.memory_space<vmem>>) offsets(%dma_start3A_879 : memref<128xi32, #tpu.memory_space<vmem>>) semaphore(%arg8 : memref<!tpu.dma_semaphore, #tpu.memory_space<semaphore_mem>>)
        %jit3A_885 = arith.constant 2 : i32
        %eq3A_886 = arith.constant 0 : i32
        %eq3A_887 = arith.cmpi eq, %jit3A_885, %eq3A_886 : i32
        %jit3A_888 = arith.constant 1 : i32
        %select_n3A_889 = arith.select %eq3A_887, %jit3A_888, %jit3A_885 : i32
        %rem3A_890 = arith.remsi %scan3A_589, %select_n3A_889 : i32
        %ne3A_891 = arith.constant 0 : i32
        %ne3A_892 = arith.cmpi ne, %rem3A_890, %ne3A_891 : i32
        %lt3A_893 = arith.constant 0 : i32
        %lt3A_894 = arith.cmpi slt, %rem3A_890, %lt3A_893 : i32
        %lt3A_895 = arith.constant 0 : i32
        %lt3A_896 = arith.cmpi slt, %select_n3A_889, %lt3A_895 : i32
        %ne3A_897 = arith.xori %lt3A_894, %lt3A_896 : i1
        %and3A_898 = arith.andi %ne3A_897, %ne3A_892 : i1
        %add3A_899 = arith.addi %rem3A_890, %select_n3A_889 : i32
        %select_n3A_900 = arith.select %and3A_898, %add3A_899, %rem3A_890 : i32
        %jit3A_901 = arith.constant 2 : i32
        %eq3A_902 = arith.constant 0 : i32
        %eq3A_903 = arith.cmpi eq, %jit3A_901, %eq3A_902 : i32
        %jit3A_904 = arith.constant 1 : i32
        %select_n3A_905 = arith.select %eq3A_903, %jit3A_904, %jit3A_901 : i32
        %rem3A_906 = arith.remsi %scan3A_589, %select_n3A_905 : i32
        %ne3A_907 = arith.constant 0 : i32
        %ne3A_908 = arith.cmpi ne, %rem3A_906, %ne3A_907 : i32
        %lt3A_909 = arith.constant 0 : i32
        %lt3A_910 = arith.cmpi slt, %rem3A_906, %lt3A_909 : i32
        %lt3A_911 = arith.constant 0 : i32
        %lt3A_912 = arith.cmpi slt, %select_n3A_905, %lt3A_911 : i32
        %ne3A_913 = arith.xori %lt3A_910, %lt3A_912 : i1
        %and3A_914 = arith.andi %ne3A_913, %ne3A_908 : i1
        %add3A_915 = arith.addi %rem3A_906, %select_n3A_905 : i32
        %select_n3A_916 = arith.select %and3A_914, %add3A_915, %rem3A_906 : i32
        %dma_start3A_917 = arith.constant 5 : i32
        %dma_start3A_918 = arith.constant 5 : i32
        %dma_start3A_919 = arith.constant 0 : i32
        %dma_start3A_920 = tpu.memref_slice %arg6[%select_n3A_916, %dma_start3A_918, %dma_start3A_919] : memref<2x32x128xf32, #tpu.memory_space<vmem>> -> memref<1x1x128xf32, #tpu.memory_space<vmem>>
        %dma_start3A_921 = tpu.memref_squeeze %dma_start3A_920 : memref<1x1x128xf32, #tpu.memory_space<vmem>> -> memref<128xf32, #tpu.memory_space<vmem>>
        %dma_start3A_922 = arith.constant 0 : i32
        %dma_start3A_923 = tpu.memref_slice %arg5[%select_n3A_900, %dma_start3A_917, %dma_start3A_922] : memref<2x32x128xi32, #tpu.memory_space<vmem>> -> memref<1x1x128xi32, #tpu.memory_space<vmem>>
        %dma_start3A_924 = tpu.memref_squeeze %dma_start3A_923 : memref<1x1x128xi32, #tpu.memory_space<vmem>> -> memref<128xi32, #tpu.memory_space<vmem>>
        %dma_start3A_925 = arith.constant 0 : i32
        %dma_start3A_926 = tpu.memref_slice %arg3[%add3A_659, %dma_start3A_925] : memref<640x100000xf32, #tpu.memory_space<hbm>> -> memref<1x100000xf32, #tpu.memory_space<hbm>>
        %dma_start3A_927 = tpu.memref_squeeze %dma_start3A_926 : memref<1x100000xf32, #tpu.memory_space<hbm>> -> memref<100000xf32, #tpu.memory_space<hbm>>
        %dma_start3A_928 = arith.constant 0 : i32
        %dma_start3A_929 = tpu.memref_slice %dma_start3A_927[%dma_start3A_928] : memref<100000xf32, #tpu.memory_space<hbm>> -> memref<100000xf32, #tpu.memory_space<hbm>>
        tpu.enqueue_indirect_dma source(%dma_start3A_929 : memref<100000xf32, #tpu.memory_space<hbm>>) target(%dma_start3A_921 : memref<128xf32, #tpu.memory_space<vmem>>) offsets(%dma_start3A_924 : memref<128xi32, #tpu.memory_space<vmem>>) semaphore(%arg8 : memref<!tpu.dma_semaphore, #tpu.memory_space<semaphore_mem>>)
        %jit3A_930 = arith.constant 2 : i32
        %eq3A_931 = arith.constant 0 : i32
        %eq3A_932 = arith.cmpi eq, %jit3A_930, %eq3A_931 : i32
        %jit3A_933 = arith.constant 1 : i32
        %select_n3A_934 = arith.select %eq3A_932, %jit3A_933, %jit3A_930 : i32
        %rem3A_935 = arith.remsi %scan3A_589, %select_n3A_934 : i32
        %ne3A_936 = arith.constant 0 : i32
        %ne3A_937 = arith.cmpi ne, %rem3A_935, %ne3A_936 : i32
        %lt3A_938 = arith.constant 0 : i32
        %lt3A_939 = arith.cmpi slt, %rem3A_935, %lt3A_938 : i32
        %lt3A_940 = arith.constant 0 : i32
        %lt3A_941 = arith.cmpi slt, %select_n3A_934, %lt3A_940 : i32
        %ne3A_942 = arith.xori %lt3A_939, %lt3A_941 : i1
        %and3A_943 = arith.andi %ne3A_942, %ne3A_937 : i1
        %add3A_944 = arith.addi %rem3A_935, %select_n3A_934 : i32
        %select_n3A_945 = arith.select %and3A_943, %add3A_944, %rem3A_935 : i32
        %jit3A_946 = arith.constant 2 : i32
        %eq3A_947 = arith.constant 0 : i32
        %eq3A_948 = arith.cmpi eq, %jit3A_946, %eq3A_947 : i32
        %jit3A_949 = arith.constant 1 : i32
        %select_n3A_950 = arith.select %eq3A_948, %jit3A_949, %jit3A_946 : i32
        %rem3A_951 = arith.remsi %scan3A_589, %select_n3A_950 : i32
        %ne3A_952 = arith.constant 0 : i32
        %ne3A_953 = arith.cmpi ne, %rem3A_951, %ne3A_952 : i32
        %lt3A_954 = arith.constant 0 : i32
        %lt3A_955 = arith.cmpi slt, %rem3A_951, %lt3A_954 : i32
        %lt3A_956 = arith.constant 0 : i32
        %lt3A_957 = arith.cmpi slt, %select_n3A_950, %lt3A_956 : i32
        %ne3A_958 = arith.xori %lt3A_955, %lt3A_957 : i1
        %and3A_959 = arith.andi %ne3A_958, %ne3A_953 : i1
        %add3A_960 = arith.addi %rem3A_951, %select_n3A_950 : i32
        %select_n3A_961 = arith.select %and3A_959, %add3A_960, %rem3A_951 : i32
        %dma_start3A_962 = arith.constant 6 : i32
        %dma_start3A_963 = arith.constant 6 : i32
        %dma_start3A_964 = arith.constant 0 : i32
        %dma_start3A_965 = tpu.memref_slice %arg6[%select_n3A_961, %dma_start3A_963, %dma_start3A_964] : memref<2x32x128xf32, #tpu.memory_space<vmem>> -> memref<1x1x128xf32, #tpu.memory_space<vmem>>
        %dma_start3A_966 = tpu.memref_squeeze %dma_start3A_965 : memref<1x1x128xf32, #tpu.memory_space<vmem>> -> memref<128xf32, #tpu.memory_space<vmem>>
        %dma_start3A_967 = arith.constant 0 : i32
        %dma_start3A_968 = tpu.memref_slice %arg5[%select_n3A_945, %dma_start3A_962, %dma_start3A_967] : memref<2x32x128xi32, #tpu.memory_space<vmem>> -> memref<1x1x128xi32, #tpu.memory_space<vmem>>
        %dma_start3A_969 = tpu.memref_squeeze %dma_start3A_968 : memref<1x1x128xi32, #tpu.memory_space<vmem>> -> memref<128xi32, #tpu.memory_space<vmem>>
        %dma_start3A_970 = arith.constant 0 : i32
        %dma_start3A_971 = tpu.memref_slice %arg3[%add3A_659, %dma_start3A_970] : memref<640x100000xf32, #tpu.memory_space<hbm>> -> memref<1x100000xf32, #tpu.memory_space<hbm>>
        %dma_start3A_972 = tpu.memref_squeeze %dma_start3A_971 : memref<1x100000xf32, #tpu.memory_space<hbm>> -> memref<100000xf32, #tpu.memory_space<hbm>>
        %dma_start3A_973 = arith.constant 0 : i32
        %dma_start3A_974 = tpu.memref_slice %dma_start3A_972[%dma_start3A_973] : memref<100000xf32, #tpu.memory_space<hbm>> -> memref<100000xf32, #tpu.memory_space<hbm>>
        tpu.enqueue_indirect_dma source(%dma_start3A_974 : memref<100000xf32, #tpu.memory_space<hbm>>) target(%dma_start3A_966 : memref<128xf32, #tpu.memory_space<vmem>>) offsets(%dma_start3A_969 : memref<128xi32, #tpu.memory_space<vmem>>) semaphore(%arg8 : memref<!tpu.dma_semaphore, #tpu.memory_space<semaphore_mem>>)
        %jit3A_975 = arith.constant 2 : i32
        %eq3A_976 = arith.constant 0 : i32
        %eq3A_977 = arith.cmpi eq, %jit3A_975, %eq3A_976 : i32
        %jit3A_978 = arith.constant 1 : i32
        %select_n3A_979 = arith.select %eq3A_977, %jit3A_978, %jit3A_975 : i32
        %rem3A_980 = arith.remsi %scan3A_589, %select_n3A_979 : i32
        %ne3A_981 = arith.constant 0 : i32
        %ne3A_982 = arith.cmpi ne, %rem3A_980, %ne3A_981 : i32
        %lt3A_983 = arith.constant 0 : i32
        %lt3A_984 = arith.cmpi slt, %rem3A_980, %lt3A_983 : i32
        %lt3A_985 = arith.constant 0 : i32
        %lt3A_986 = arith.cmpi slt, %select_n3A_979, %lt3A_985 : i32
        %ne3A_987 = arith.xori %lt3A_984, %lt3A_986 : i1
        %and3A_988 = arith.andi %ne3A_987, %ne3A_982 : i1
        %add3A_989 = arith.addi %rem3A_980, %select_n3A_979 : i32
        %select_n3A_990 = arith.select %and3A_988, %add3A_989, %rem3A_980 : i32
        %jit3A_991 = arith.constant 2 : i32
        %eq3A_992 = arith.constant 0 : i32
        %eq3A_993 = arith.cmpi eq, %jit3A_991, %eq3A_992 : i32
        %jit3A_994 = arith.constant 1 : i32
        %select_n3A_995 = arith.select %eq3A_993, %jit3A_994, %jit3A_991 : i32
        %rem3A_996 = arith.remsi %scan3A_589, %select_n3A_995 : i32
        %ne3A_997 = arith.constant 0 : i32
        %ne3A_998 = arith.cmpi ne, %rem3A_996, %ne3A_997 : i32
        %lt3A_999 = arith.constant 0 : i32
        %lt3A_1000 = arith.cmpi slt, %rem3A_996, %lt3A_999 : i32
        %lt3A_1001 = arith.constant 0 : i32
        %lt3A_1002 = arith.cmpi slt, %select_n3A_995, %lt3A_1001 : i32
        %ne3A_1003 = arith.xori %lt3A_1000, %lt3A_1002 : i1
        %and3A_1004 = arith.andi %ne3A_1003, %ne3A_998 : i1
        %add3A_1005 = arith.addi %rem3A_996, %select_n3A_995 : i32
        %select_n3A_1006 = arith.select %and3A_1004, %add3A_1005, %rem3A_996 : i32
        %dma_start3A_1007 = arith.constant 7 : i32
        %dma_start3A_1008 = arith.constant 7 : i32
        %dma_start3A_1009 = arith.constant 0 : i32
        %dma_start3A_1010 = tpu.memref_slice %arg6[%select_n3A_1006, %dma_start3A_1008, %dma_start3A_1009] : memref<2x32x128xf32, #tpu.memory_space<vmem>> -> memref<1x1x128xf32, #tpu.memory_space<vmem>>
        %dma_start3A_1011 = tpu.memref_squeeze %dma_start3A_1010 : memref<1x1x128xf32, #tpu.memory_space<vmem>> -> memref<128xf32, #tpu.memory_space<vmem>>
        %dma_start3A_1012 = arith.constant 0 : i32
        %dma_start3A_1013 = tpu.memref_slice %arg5[%select_n3A_990, %dma_start3A_1007, %dma_start3A_1012] : memref<2x32x128xi32, #tpu.memory_space<vmem>> -> memref<1x1x128xi32, #tpu.memory_space<vmem>>
        %dma_start3A_1014 = tpu.memref_squeeze %dma_start3A_1013 : memref<1x1x128xi32, #tpu.memory_space<vmem>> -> memref<128xi32, #tpu.memory_space<vmem>>
        %dma_start3A_1015 = arith.constant 0 : i32
        %dma_start3A_1016 = tpu.memref_slice %arg3[%add3A_659, %dma_start3A_1015] : memref<640x100000xf32, #tpu.memory_space<hbm>> -> memref<1x100000xf32, #tpu.memory_space<hbm>>
        %dma_start3A_1017 = tpu.memref_squeeze %dma_start3A_1016 : memref<1x100000xf32, #tpu.memory_space<hbm>> -> memref<100000xf32, #tpu.memory_space<hbm>>
        %dma_start3A_1018 = arith.constant 0 : i32
        %dma_start3A_1019 = tpu.memref_slice %dma_start3A_1017[%dma_start3A_1018] : memref<100000xf32, #tpu.memory_space<hbm>> -> memref<100000xf32, #tpu.memory_space<hbm>>
        tpu.enqueue_indirect_dma source(%dma_start3A_1019 : memref<100000xf32, #tpu.memory_space<hbm>>) target(%dma_start3A_1011 : memref<128xf32, #tpu.memory_space<vmem>>) offsets(%dma_start3A_1014 : memref<128xi32, #tpu.memory_space<vmem>>) semaphore(%arg8 : memref<!tpu.dma_semaphore, #tpu.memory_space<semaphore_mem>>)
        %jit3A_1020 = arith.constant 2 : i32
        %eq3A_1021 = arith.constant 0 : i32
        %eq3A_1022 = arith.cmpi eq, %jit3A_1020, %eq3A_1021 : i32
        %jit3A_1023 = arith.constant 1 : i32
        %select_n3A_1024 = arith.select %eq3A_1022, %jit3A_1023, %jit3A_1020 : i32
        %rem3A_1025 = arith.remsi %scan3A_589, %select_n3A_1024 : i32
        %ne3A_1026 = arith.constant 0 : i32
        %ne3A_1027 = arith.cmpi ne, %rem3A_1025, %ne3A_1026 : i32
        %lt3A_1028 = arith.constant 0 : i32
        %lt3A_1029 = arith.cmpi slt, %rem3A_1025, %lt3A_1028 : i32
        %lt3A_1030 = arith.constant 0 : i32
        %lt3A_1031 = arith.cmpi slt, %select_n3A_1024, %lt3A_1030 : i32
        %ne3A_1032 = arith.xori %lt3A_1029, %lt3A_1031 : i1
        %and3A_1033 = arith.andi %ne3A_1032, %ne3A_1027 : i1
        %add3A_1034 = arith.addi %rem3A_1025, %select_n3A_1024 : i32
        %select_n3A_1035 = arith.select %and3A_1033, %add3A_1034, %rem3A_1025 : i32
        %jit3A_1036 = arith.constant 2 : i32
        %eq3A_1037 = arith.constant 0 : i32
        %eq3A_1038 = arith.cmpi eq, %jit3A_1036, %eq3A_1037 : i32
        %jit3A_1039 = arith.constant 1 : i32
        %select_n3A_1040 = arith.select %eq3A_1038, %jit3A_1039, %jit3A_1036 : i32
        %rem3A_1041 = arith.remsi %scan3A_589, %select_n3A_1040 : i32
        %ne3A_1042 = arith.constant 0 : i32
        %ne3A_1043 = arith.cmpi ne, %rem3A_1041, %ne3A_1042 : i32
        %lt3A_1044 = arith.constant 0 : i32
        %lt3A_1045 = arith.cmpi slt, %rem3A_1041, %lt3A_1044 : i32
        %lt3A_1046 = arith.constant 0 : i32
        %lt3A_1047 = arith.cmpi slt, %select_n3A_1040, %lt3A_1046 : i32
        %ne3A_1048 = arith.xori %lt3A_1045, %lt3A_1047 : i1
        %and3A_1049 = arith.andi %ne3A_1048, %ne3A_1043 : i1
        %add3A_1050 = arith.addi %rem3A_1041, %select_n3A_1040 : i32
        %select_n3A_1051 = arith.select %and3A_1049, %add3A_1050, %rem3A_1041 : i32
        %dma_start3A_1052 = arith.constant 8 : i32
        %dma_start3A_1053 = arith.constant 8 : i32
        %dma_start3A_1054 = arith.constant 0 : i32
        %dma_start3A_1055 = tpu.memref_slice %arg6[%select_n3A_1051, %dma_start3A_1053, %dma_start3A_1054] : memref<2x32x128xf32, #tpu.memory_space<vmem>> -> memref<1x1x128xf32, #tpu.memory_space<vmem>>
        %dma_start3A_1056 = tpu.memref_squeeze %dma_start3A_1055 : memref<1x1x128xf32, #tpu.memory_space<vmem>> -> memref<128xf32, #tpu.memory_space<vmem>>
        %dma_start3A_1057 = arith.constant 0 : i32
        %dma_start3A_1058 = tpu.memref_slice %arg5[%select_n3A_1035, %dma_start3A_1052, %dma_start3A_1057] : memref<2x32x128xi32, #tpu.memory_space<vmem>> -> memref<1x1x128xi32, #tpu.memory_space<vmem>>
        %dma_start3A_1059 = tpu.memref_squeeze %dma_start3A_1058 : memref<1x1x128xi32, #tpu.memory_space<vmem>> -> memref<128xi32, #tpu.memory_space<vmem>>
        %dma_start3A_1060 = arith.constant 0 : i32
        %dma_start3A_1061 = tpu.memref_slice %arg3[%add3A_659, %dma_start3A_1060] : memref<640x100000xf32, #tpu.memory_space<hbm>> -> memref<1x100000xf32, #tpu.memory_space<hbm>>
        %dma_start3A_1062 = tpu.memref_squeeze %dma_start3A_1061 : memref<1x100000xf32, #tpu.memory_space<hbm>> -> memref<100000xf32, #tpu.memory_space<hbm>>
        %dma_start3A_1063 = arith.constant 0 : i32
        %dma_start3A_1064 = tpu.memref_slice %dma_start3A_1062[%dma_start3A_1063] : memref<100000xf32, #tpu.memory_space<hbm>> -> memref<100000xf32, #tpu.memory_space<hbm>>
        tpu.enqueue_indirect_dma source(%dma_start3A_1064 : memref<100000xf32, #tpu.memory_space<hbm>>) target(%dma_start3A_1056 : memref<128xf32, #tpu.memory_space<vmem>>) offsets(%dma_start3A_1059 : memref<128xi32, #tpu.memory_space<vmem>>) semaphore(%arg8 : memref<!tpu.dma_semaphore, #tpu.memory_space<semaphore_mem>>)
        %jit3A_1065 = arith.constant 2 : i32
        %eq3A_1066 = arith.constant 0 : i32
        %eq3A_1067 = arith.cmpi eq, %jit3A_1065, %eq3A_1066 : i32
        %jit3A_1068 = arith.constant 1 : i32
        %select_n3A_1069 = arith.select %eq3A_1067, %jit3A_1068, %jit3A_1065 : i32
        %rem3A_1070 = arith.remsi %scan3A_589, %select_n3A_1069 : i32
        %ne3A_1071 = arith.constant 0 : i32
        %ne3A_1072 = arith.cmpi ne, %rem3A_1070, %ne3A_1071 : i32
        %lt3A_1073 = arith.constant 0 : i32
        %lt3A_1074 = arith.cmpi slt, %rem3A_1070, %lt3A_1073 : i32
        %lt3A_1075 = arith.constant 0 : i32
        %lt3A_1076 = arith.cmpi slt, %select_n3A_1069, %lt3A_1075 : i32
        %ne3A_1077 = arith.xori %lt3A_1074, %lt3A_1076 : i1
        %and3A_1078 = arith.andi %ne3A_1077, %ne3A_1072 : i1
        %add3A_1079 = arith.addi %rem3A_1070, %select_n3A_1069 : i32
        %select_n3A_1080 = arith.select %and3A_1078, %add3A_1079, %rem3A_1070 : i32
        %jit3A_1081 = arith.constant 2 : i32
        %eq3A_1082 = arith.constant 0 : i32
        %eq3A_1083 = arith.cmpi eq, %jit3A_1081, %eq3A_1082 : i32
        %jit3A_1084 = arith.constant 1 : i32
        %select_n3A_1085 = arith.select %eq3A_1083, %jit3A_1084, %jit3A_1081 : i32
        %rem3A_1086 = arith.remsi %scan3A_589, %select_n3A_1085 : i32
        %ne3A_1087 = arith.constant 0 : i32
        %ne3A_1088 = arith.cmpi ne, %rem3A_1086, %ne3A_1087 : i32
        %lt3A_1089 = arith.constant 0 : i32
        %lt3A_1090 = arith.cmpi slt, %rem3A_1086, %lt3A_1089 : i32
        %lt3A_1091 = arith.constant 0 : i32
        %lt3A_1092 = arith.cmpi slt, %select_n3A_1085, %lt3A_1091 : i32
        %ne3A_1093 = arith.xori %lt3A_1090, %lt3A_1092 : i1
        %and3A_1094 = arith.andi %ne3A_1093, %ne3A_1088 : i1
        %add3A_1095 = arith.addi %rem3A_1086, %select_n3A_1085 : i32
        %select_n3A_1096 = arith.select %and3A_1094, %add3A_1095, %rem3A_1086 : i32
        %dma_start3A_1097 = arith.constant 9 : i32
        %dma_start3A_1098 = arith.constant 9 : i32
        %dma_start3A_1099 = arith.constant 0 : i32
        %dma_start3A_1100 = tpu.memref_slice %arg6[%select_n3A_1096, %dma_start3A_1098, %dma_start3A_1099] : memref<2x32x128xf32, #tpu.memory_space<vmem>> -> memref<1x1x128xf32, #tpu.memory_space<vmem>>
        %dma_start3A_1101 = tpu.memref_squeeze %dma_start3A_1100 : memref<1x1x128xf32, #tpu.memory_space<vmem>> -> memref<128xf32, #tpu.memory_space<vmem>>
        %dma_start3A_1102 = arith.constant 0 : i32
        %dma_start3A_1103 = tpu.memref_slice %arg5[%select_n3A_1080, %dma_start3A_1097, %dma_start3A_1102] : memref<2x32x128xi32, #tpu.memory_space<vmem>> -> memref<1x1x128xi32, #tpu.memory_space<vmem>>
        %dma_start3A_1104 = tpu.memref_squeeze %dma_start3A_1103 : memref<1x1x128xi32, #tpu.memory_space<vmem>> -> memref<128xi32, #tpu.memory_space<vmem>>
        %dma_start3A_1105 = arith.constant 0 : i32
        %dma_start3A_1106 = tpu.memref_slice %arg3[%add3A_659, %dma_start3A_1105] : memref<640x100000xf32, #tpu.memory_space<hbm>> -> memref<1x100000xf32, #tpu.memory_space<hbm>>
        %dma_start3A_1107 = tpu.memref_squeeze %dma_start3A_1106 : memref<1x100000xf32, #tpu.memory_space<hbm>> -> memref<100000xf32, #tpu.memory_space<hbm>>
        %dma_start3A_1108 = arith.constant 0 : i32
        %dma_start3A_1109 = tpu.memref_slice %dma_start3A_1107[%dma_start3A_1108] : memref<100000xf32, #tpu.memory_space<hbm>> -> memref<100000xf32, #tpu.memory_space<hbm>>
        tpu.enqueue_indirect_dma source(%dma_start3A_1109 : memref<100000xf32, #tpu.memory_space<hbm>>) target(%dma_start3A_1101 : memref<128xf32, #tpu.memory_space<vmem>>) offsets(%dma_start3A_1104 : memref<128xi32, #tpu.memory_space<vmem>>) semaphore(%arg8 : memref<!tpu.dma_semaphore, #tpu.memory_space<semaphore_mem>>)
        %jit3A_1110 = arith.constant 2 : i32
        %eq3A_1111 = arith.constant 0 : i32
        %eq3A_1112 = arith.cmpi eq, %jit3A_1110, %eq3A_1111 : i32
        %jit3A_1113 = arith.constant 1 : i32
        %select_n3A_1114 = arith.select %eq3A_1112, %jit3A_1113, %jit3A_1110 : i32
        %rem3A_1115 = arith.remsi %scan3A_589, %select_n3A_1114 : i32
        %ne3A_1116 = arith.constant 0 : i32
        %ne3A_1117 = arith.cmpi ne, %rem3A_1115, %ne3A_1116 : i32
        %lt3A_1118 = arith.constant 0 : i32
        %lt3A_1119 = arith.cmpi slt, %rem3A_1115, %lt3A_1118 : i32
        %lt3A_1120 = arith.constant 0 : i32
        %lt3A_1121 = arith.cmpi slt, %select_n3A_1114, %lt3A_1120 : i32
        %ne3A_1122 = arith.xori %lt3A_1119, %lt3A_1121 : i1
        %and3A_1123 = arith.andi %ne3A_1122, %ne3A_1117 : i1
        %add3A_1124 = arith.addi %rem3A_1115, %select_n3A_1114 : i32
        %select_n3A_1125 = arith.select %and3A_1123, %add3A_1124, %rem3A_1115 : i32
        %jit3A_1126 = arith.constant 2 : i32
        %eq3A_1127 = arith.constant 0 : i32
        %eq3A_1128 = arith.cmpi eq, %jit3A_1126, %eq3A_1127 : i32
        %jit3A_1129 = arith.constant 1 : i32
        %select_n3A_1130 = arith.select %eq3A_1128, %jit3A_1129, %jit3A_1126 : i32
        %rem3A_1131 = arith.remsi %scan3A_589, %select_n3A_1130 : i32
        %ne3A_1132 = arith.constant 0 : i32
        %ne3A_1133 = arith.cmpi ne, %rem3A_1131, %ne3A_1132 : i32
        %lt3A_1134 = arith.constant 0 : i32
        %lt3A_1135 = arith.cmpi slt, %rem3A_1131, %lt3A_1134 : i32
        %lt3A_1136 = arith.constant 0 : i32
        %lt3A_1137 = arith.cmpi slt, %select_n3A_1130, %lt3A_1136 : i32
        %ne3A_1138 = arith.xori %lt3A_1135, %lt3A_1137 : i1
        %and3A_1139 = arith.andi %ne3A_1138, %ne3A_1133 : i1
        %add3A_1140 = arith.addi %rem3A_1131, %select_n3A_1130 : i32
        %select_n3A_1141 = arith.select %and3A_1139, %add3A_1140, %rem3A_1131 : i32
        %dma_start3A_1142 = arith.constant 10 : i32
        %dma_start3A_1143 = arith.constant 10 : i32
        %dma_start3A_1144 = arith.constant 0 : i32
        %dma_start3A_1145 = tpu.memref_slice %arg6[%select_n3A_1141, %dma_start3A_1143, %dma_start3A_1144] : memref<2x32x128xf32, #tpu.memory_space<vmem>> -> memref<1x1x128xf32, #tpu.memory_space<vmem>>
        %dma_start3A_1146 = tpu.memref_squeeze %dma_start3A_1145 : memref<1x1x128xf32, #tpu.memory_space<vmem>> -> memref<128xf32, #tpu.memory_space<vmem>>
        %dma_start3A_1147 = arith.constant 0 : i32
        %dma_start3A_1148 = tpu.memref_slice %arg5[%select_n3A_1125, %dma_start3A_1142, %dma_start3A_1147] : memref<2x32x128xi32, #tpu.memory_space<vmem>> -> memref<1x1x128xi32, #tpu.memory_space<vmem>>
        %dma_start3A_1149 = tpu.memref_squeeze %dma_start3A_1148 : memref<1x1x128xi32, #tpu.memory_space<vmem>> -> memref<128xi32, #tpu.memory_space<vmem>>
        %dma_start3A_1150 = arith.constant 0 : i32
        %dma_start3A_1151 = tpu.memref_slice %arg3[%add3A_659, %dma_start3A_1150] : memref<640x100000xf32, #tpu.memory_space<hbm>> -> memref<1x100000xf32, #tpu.memory_space<hbm>>
        %dma_start3A_1152 = tpu.memref_squeeze %dma_start3A_1151 : memref<1x100000xf32, #tpu.memory_space<hbm>> -> memref<100000xf32, #tpu.memory_space<hbm>>
        %dma_start3A_1153 = arith.constant 0 : i32
        %dma_start3A_1154 = tpu.memref_slice %dma_start3A_1152[%dma_start3A_1153] : memref<100000xf32, #tpu.memory_space<hbm>> -> memref<100000xf32, #tpu.memory_space<hbm>>
        tpu.enqueue_indirect_dma source(%dma_start3A_1154 : memref<100000xf32, #tpu.memory_space<hbm>>) target(%dma_start3A_1146 : memref<128xf32, #tpu.memory_space<vmem>>) offsets(%dma_start3A_1149 : memref<128xi32, #tpu.memory_space<vmem>>) semaphore(%arg8 : memref<!tpu.dma_semaphore, #tpu.memory_space<semaphore_mem>>)
        %jit3A_1155 = arith.constant 2 : i32
        %eq3A_1156 = arith.constant 0 : i32
        %eq3A_1157 = arith.cmpi eq, %jit3A_1155, %eq3A_1156 : i32
        %jit3A_1158 = arith.constant 1 : i32
        %select_n3A_1159 = arith.select %eq3A_1157, %jit3A_1158, %jit3A_1155 : i32
        %rem3A_1160 = arith.remsi %scan3A_589, %select_n3A_1159 : i32
        %ne3A_1161 = arith.constant 0 : i32
        %ne3A_1162 = arith.cmpi ne, %rem3A_1160, %ne3A_1161 : i32
        %lt3A_1163 = arith.constant 0 : i32
        %lt3A_1164 = arith.cmpi slt, %rem3A_1160, %lt3A_1163 : i32
        %lt3A_1165 = arith.constant 0 : i32
        %lt3A_1166 = arith.cmpi slt, %select_n3A_1159, %lt3A_1165 : i32
        %ne3A_1167 = arith.xori %lt3A_1164, %lt3A_1166 : i1
        %and3A_1168 = arith.andi %ne3A_1167, %ne3A_1162 : i1
        %add3A_1169 = arith.addi %rem3A_1160, %select_n3A_1159 : i32
        %select_n3A_1170 = arith.select %and3A_1168, %add3A_1169, %rem3A_1160 : i32
        %jit3A_1171 = arith.constant 2 : i32
        %eq3A_1172 = arith.constant 0 : i32
        %eq3A_1173 = arith.cmpi eq, %jit3A_1171, %eq3A_1172 : i32
        %jit3A_1174 = arith.constant 1 : i32
        %select_n3A_1175 = arith.select %eq3A_1173, %jit3A_1174, %jit3A_1171 : i32
        %rem3A_1176 = arith.remsi %scan3A_589, %select_n3A_1175 : i32
        %ne3A_1177 = arith.constant 0 : i32
        %ne3A_1178 = arith.cmpi ne, %rem3A_1176, %ne3A_1177 : i32
        %lt3A_1179 = arith.constant 0 : i32
        %lt3A_1180 = arith.cmpi slt, %rem3A_1176, %lt3A_1179 : i32
        %lt3A_1181 = arith.constant 0 : i32
        %lt3A_1182 = arith.cmpi slt, %select_n3A_1175, %lt3A_1181 : i32
        %ne3A_1183 = arith.xori %lt3A_1180, %lt3A_1182 : i1
        %and3A_1184 = arith.andi %ne3A_1183, %ne3A_1178 : i1
        %add3A_1185 = arith.addi %rem3A_1176, %select_n3A_1175 : i32
        %select_n3A_1186 = arith.select %and3A_1184, %add3A_1185, %rem3A_1176 : i32
        %dma_start3A_1187 = arith.constant 11 : i32
        %dma_start3A_1188 = arith.constant 11 : i32
        %dma_start3A_1189 = arith.constant 0 : i32
        %dma_start3A_1190 = tpu.memref_slice %arg6[%select_n3A_1186, %dma_start3A_1188, %dma_start3A_1189] : memref<2x32x128xf32, #tpu.memory_space<vmem>> -> memref<1x1x128xf32, #tpu.memory_space<vmem>>
        %dma_start3A_1191 = tpu.memref_squeeze %dma_start3A_1190 : memref<1x1x128xf32, #tpu.memory_space<vmem>> -> memref<128xf32, #tpu.memory_space<vmem>>
        %dma_start3A_1192 = arith.constant 0 : i32
        %dma_start3A_1193 = tpu.memref_slice %arg5[%select_n3A_1170, %dma_start3A_1187, %dma_start3A_1192] : memref<2x32x128xi32, #tpu.memory_space<vmem>> -> memref<1x1x128xi32, #tpu.memory_space<vmem>>
        %dma_start3A_1194 = tpu.memref_squeeze %dma_start3A_1193 : memref<1x1x128xi32, #tpu.memory_space<vmem>> -> memref<128xi32, #tpu.memory_space<vmem>>
        %dma_start3A_1195 = arith.constant 0 : i32
        %dma_start3A_1196 = tpu.memref_slice %arg3[%add3A_659, %dma_start3A_1195] : memref<640x100000xf32, #tpu.memory_space<hbm>> -> memref<1x100000xf32, #tpu.memory_space<hbm>>
        %dma_start3A_1197 = tpu.memref_squeeze %dma_start3A_1196 : memref<1x100000xf32, #tpu.memory_space<hbm>> -> memref<100000xf32, #tpu.memory_space<hbm>>
        %dma_start3A_1198 = arith.constant 0 : i32
        %dma_start3A_1199 = tpu.memref_slice %dma_start3A_1197[%dma_start3A_1198] : memref<100000xf32, #tpu.memory_space<hbm>> -> memref<100000xf32, #tpu.memory_space<hbm>>
        tpu.enqueue_indirect_dma source(%dma_start3A_1199 : memref<100000xf32, #tpu.memory_space<hbm>>) target(%dma_start3A_1191 : memref<128xf32, #tpu.memory_space<vmem>>) offsets(%dma_start3A_1194 : memref<128xi32, #tpu.memory_space<vmem>>) semaphore(%arg8 : memref<!tpu.dma_semaphore, #tpu.memory_space<semaphore_mem>>)
        %jit3A_1200 = arith.constant 2 : i32
        %eq3A_1201 = arith.constant 0 : i32
        %eq3A_1202 = arith.cmpi eq, %jit3A_1200, %eq3A_1201 : i32
        %jit3A_1203 = arith.constant 1 : i32
        %select_n3A_1204 = arith.select %eq3A_1202, %jit3A_1203, %jit3A_1200 : i32
        %rem3A_1205 = arith.remsi %scan3A_589, %select_n3A_1204 : i32
        %ne3A_1206 = arith.constant 0 : i32
        %ne3A_1207 = arith.cmpi ne, %rem3A_1205, %ne3A_1206 : i32
        %lt3A_1208 = arith.constant 0 : i32
        %lt3A_1209 = arith.cmpi slt, %rem3A_1205, %lt3A_1208 : i32
        %lt3A_1210 = arith.constant 0 : i32
        %lt3A_1211 = arith.cmpi slt, %select_n3A_1204, %lt3A_1210 : i32
        %ne3A_1212 = arith.xori %lt3A_1209, %lt3A_1211 : i1
        %and3A_1213 = arith.andi %ne3A_1212, %ne3A_1207 : i1
        %add3A_1214 = arith.addi %rem3A_1205, %select_n3A_1204 : i32
        %select_n3A_1215 = arith.select %and3A_1213, %add3A_1214, %rem3A_1205 : i32
        %jit3A_1216 = arith.constant 2 : i32
        %eq3A_1217 = arith.constant 0 : i32
        %eq3A_1218 = arith.cmpi eq, %jit3A_1216, %eq3A_1217 : i32
        %jit3A_1219 = arith.constant 1 : i32
        %select_n3A_1220 = arith.select %eq3A_1218, %jit3A_1219, %jit3A_1216 : i32
        %rem3A_1221 = arith.remsi %scan3A_589, %select_n3A_1220 : i32
        %ne3A_1222 = arith.constant 0 : i32
        %ne3A_1223 = arith.cmpi ne, %rem3A_1221, %ne3A_1222 : i32
        %lt3A_1224 = arith.constant 0 : i32
        %lt3A_1225 = arith.cmpi slt, %rem3A_1221, %lt3A_1224 : i32
        %lt3A_1226 = arith.constant 0 : i32
        %lt3A_1227 = arith.cmpi slt, %select_n3A_1220, %lt3A_1226 : i32
        %ne3A_1228 = arith.xori %lt3A_1225, %lt3A_1227 : i1
        %and3A_1229 = arith.andi %ne3A_1228, %ne3A_1223 : i1
        %add3A_1230 = arith.addi %rem3A_1221, %select_n3A_1220 : i32
        %select_n3A_1231 = arith.select %and3A_1229, %add3A_1230, %rem3A_1221 : i32
        %dma_start3A_1232 = arith.constant 12 : i32
        %dma_start3A_1233 = arith.constant 12 : i32
        %dma_start3A_1234 = arith.constant 0 : i32
        %dma_start3A_1235 = tpu.memref_slice %arg6[%select_n3A_1231, %dma_start3A_1233, %dma_start3A_1234] : memref<2x32x128xf32, #tpu.memory_space<vmem>> -> memref<1x1x128xf32, #tpu.memory_space<vmem>>
        %dma_start3A_1236 = tpu.memref_squeeze %dma_start3A_1235 : memref<1x1x128xf32, #tpu.memory_space<vmem>> -> memref<128xf32, #tpu.memory_space<vmem>>
        %dma_start3A_1237 = arith.constant 0 : i32
        %dma_start3A_1238 = tpu.memref_slice %arg5[%select_n3A_1215, %dma_start3A_1232, %dma_start3A_1237] : memref<2x32x128xi32, #tpu.memory_space<vmem>> -> memref<1x1x128xi32, #tpu.memory_space<vmem>>
        %dma_start3A_1239 = tpu.memref_squeeze %dma_start3A_1238 : memref<1x1x128xi32, #tpu.memory_space<vmem>> -> memref<128xi32, #tpu.memory_space<vmem>>
        %dma_start3A_1240 = arith.constant 0 : i32
        %dma_start3A_1241 = tpu.memref_slice %arg3[%add3A_659, %dma_start3A_1240] : memref<640x100000xf32, #tpu.memory_space<hbm>> -> memref<1x100000xf32, #tpu.memory_space<hbm>>
        %dma_start3A_1242 = tpu.memref_squeeze %dma_start3A_1241 : memref<1x100000xf32, #tpu.memory_space<hbm>> -> memref<100000xf32, #tpu.memory_space<hbm>>
        %dma_start3A_1243 = arith.constant 0 : i32
        %dma_start3A_1244 = tpu.memref_slice %dma_start3A_1242[%dma_start3A_1243] : memref<100000xf32, #tpu.memory_space<hbm>> -> memref<100000xf32, #tpu.memory_space<hbm>>
        tpu.enqueue_indirect_dma source(%dma_start3A_1244 : memref<100000xf32, #tpu.memory_space<hbm>>) target(%dma_start3A_1236 : memref<128xf32, #tpu.memory_space<vmem>>) offsets(%dma_start3A_1239 : memref<128xi32, #tpu.memory_space<vmem>>) semaphore(%arg8 : memref<!tpu.dma_semaphore, #tpu.memory_space<semaphore_mem>>)
        %jit3A_1245 = arith.constant 2 : i32
        %eq3A_1246 = arith.constant 0 : i32
        %eq3A_1247 = arith.cmpi eq, %jit3A_1245, %eq3A_1246 : i32
        %jit3A_1248 = arith.constant 1 : i32
        %select_n3A_1249 = arith.select %eq3A_1247, %jit3A_1248, %jit3A_1245 : i32
        %rem3A_1250 = arith.remsi %scan3A_589, %select_n3A_1249 : i32
        %ne3A_1251 = arith.constant 0 : i32
        %ne3A_1252 = arith.cmpi ne, %rem3A_1250, %ne3A_1251 : i32
        %lt3A_1253 = arith.constant 0 : i32
        %lt3A_1254 = arith.cmpi slt, %rem3A_1250, %lt3A_1253 : i32
        %lt3A_1255 = arith.constant 0 : i32
        %lt3A_1256 = arith.cmpi slt, %select_n3A_1249, %lt3A_1255 : i32
        %ne3A_1257 = arith.xori %lt3A_1254, %lt3A_1256 : i1
        %and3A_1258 = arith.andi %ne3A_1257, %ne3A_1252 : i1
        %add3A_1259 = arith.addi %rem3A_1250, %select_n3A_1249 : i32
        %select_n3A_1260 = arith.select %and3A_1258, %add3A_1259, %rem3A_1250 : i32
        %jit3A_1261 = arith.constant 2 : i32
        %eq3A_1262 = arith.constant 0 : i32
        %eq3A_1263 = arith.cmpi eq, %jit3A_1261, %eq3A_1262 : i32
        %jit3A_1264 = arith.constant 1 : i32
        %select_n3A_1265 = arith.select %eq3A_1263, %jit3A_1264, %jit3A_1261 : i32
        %rem3A_1266 = arith.remsi %scan3A_589, %select_n3A_1265 : i32
        %ne3A_1267 = arith.constant 0 : i32
        %ne3A_1268 = arith.cmpi ne, %rem3A_1266, %ne3A_1267 : i32
        %lt3A_1269 = arith.constant 0 : i32
        %lt3A_1270 = arith.cmpi slt, %rem3A_1266, %lt3A_1269 : i32
        %lt3A_1271 = arith.constant 0 : i32
        %lt3A_1272 = arith.cmpi slt, %select_n3A_1265, %lt3A_1271 : i32
        %ne3A_1273 = arith.xori %lt3A_1270, %lt3A_1272 : i1
        %and3A_1274 = arith.andi %ne3A_1273, %ne3A_1268 : i1
        %add3A_1275 = arith.addi %rem3A_1266, %select_n3A_1265 : i32
        %select_n3A_1276 = arith.select %and3A_1274, %add3A_1275, %rem3A_1266 : i32
        %dma_start3A_1277 = arith.constant 13 : i32
        %dma_start3A_1278 = arith.constant 13 : i32
        %dma_start3A_1279 = arith.constant 0 : i32
        %dma_start3A_1280 = tpu.memref_slice %arg6[%select_n3A_1276, %dma_start3A_1278, %dma_start3A_1279] : memref<2x32x128xf32, #tpu.memory_space<vmem>> -> memref<1x1x128xf32, #tpu.memory_space<vmem>>
        %dma_start3A_1281 = tpu.memref_squeeze %dma_start3A_1280 : memref<1x1x128xf32, #tpu.memory_space<vmem>> -> memref<128xf32, #tpu.memory_space<vmem>>
        %dma_start3A_1282 = arith.constant 0 : i32
        %dma_start3A_1283 = tpu.memref_slice %arg5[%select_n3A_1260, %dma_start3A_1277, %dma_start3A_1282] : memref<2x32x128xi32, #tpu.memory_space<vmem>> -> memref<1x1x128xi32, #tpu.memory_space<vmem>>
        %dma_start3A_1284 = tpu.memref_squeeze %dma_start3A_1283 : memref<1x1x128xi32, #tpu.memory_space<vmem>> -> memref<128xi32, #tpu.memory_space<vmem>>
        %dma_start3A_1285 = arith.constant 0 : i32
        %dma_start3A_1286 = tpu.memref_slice %arg3[%add3A_659, %dma_start3A_1285] : memref<640x100000xf32, #tpu.memory_space<hbm>> -> memref<1x100000xf32, #tpu.memory_space<hbm>>
        %dma_start3A_1287 = tpu.memref_squeeze %dma_start3A_1286 : memref<1x100000xf32, #tpu.memory_space<hbm>> -> memref<100000xf32, #tpu.memory_space<hbm>>
        %dma_start3A_1288 = arith.constant 0 : i32
        %dma_start3A_1289 = tpu.memref_slice %dma_start3A_1287[%dma_start3A_1288] : memref<100000xf32, #tpu.memory_space<hbm>> -> memref<100000xf32, #tpu.memory_space<hbm>>
        tpu.enqueue_indirect_dma source(%dma_start3A_1289 : memref<100000xf32, #tpu.memory_space<hbm>>) target(%dma_start3A_1281 : memref<128xf32, #tpu.memory_space<vmem>>) offsets(%dma_start3A_1284 : memref<128xi32, #tpu.memory_space<vmem>>) semaphore(%arg8 : memref<!tpu.dma_semaphore, #tpu.memory_space<semaphore_mem>>)
        %jit3A_1290 = arith.constant 2 : i32
        %eq3A_1291 = arith.constant 0 : i32
        %eq3A_1292 = arith.cmpi eq, %jit3A_1290, %eq3A_1291 : i32
        %jit3A_1293 = arith.constant 1 : i32
        %select_n3A_1294 = arith.select %eq3A_1292, %jit3A_1293, %jit3A_1290 : i32
        %rem3A_1295 = arith.remsi %scan3A_589, %select_n3A_1294 : i32
        %ne3A_1296 = arith.constant 0 : i32
        %ne3A_1297 = arith.cmpi ne, %rem3A_1295, %ne3A_1296 : i32
        %lt3A_1298 = arith.constant 0 : i32
        %lt3A_1299 = arith.cmpi slt, %rem3A_1295, %lt3A_1298 : i32
        %lt3A_1300 = arith.constant 0 : i32
        %lt3A_1301 = arith.cmpi slt, %select_n3A_1294, %lt3A_1300 : i32
        %ne3A_1302 = arith.xori %lt3A_1299, %lt3A_1301 : i1
        %and3A_1303 = arith.andi %ne3A_1302, %ne3A_1297 : i1
        %add3A_1304 = arith.addi %rem3A_1295, %select_n3A_1294 : i32
        %select_n3A_1305 = arith.select %and3A_1303, %add3A_1304, %rem3A_1295 : i32
        %jit3A_1306 = arith.constant 2 : i32
        %eq3A_1307 = arith.constant 0 : i32
        %eq3A_1308 = arith.cmpi eq, %jit3A_1306, %eq3A_1307 : i32
        %jit3A_1309 = arith.constant 1 : i32
        %select_n3A_1310 = arith.select %eq3A_1308, %jit3A_1309, %jit3A_1306 : i32
        %rem3A_1311 = arith.remsi %scan3A_589, %select_n3A_1310 : i32
        %ne3A_1312 = arith.constant 0 : i32
        %ne3A_1313 = arith.cmpi ne, %rem3A_1311, %ne3A_1312 : i32
        %lt3A_1314 = arith.constant 0 : i32
        %lt3A_1315 = arith.cmpi slt, %rem3A_1311, %lt3A_1314 : i32
        %lt3A_1316 = arith.constant 0 : i32
        %lt3A_1317 = arith.cmpi slt, %select_n3A_1310, %lt3A_1316 : i32
        %ne3A_1318 = arith.xori %lt3A_1315, %lt3A_1317 : i1
        %and3A_1319 = arith.andi %ne3A_1318, %ne3A_1313 : i1
        %add3A_1320 = arith.addi %rem3A_1311, %select_n3A_1310 : i32
        %select_n3A_1321 = arith.select %and3A_1319, %add3A_1320, %rem3A_1311 : i32
        %dma_start3A_1322 = arith.constant 14 : i32
        %dma_start3A_1323 = arith.constant 14 : i32
        %dma_start3A_1324 = arith.constant 0 : i32
        %dma_start3A_1325 = tpu.memref_slice %arg6[%select_n3A_1321, %dma_start3A_1323, %dma_start3A_1324] : memref<2x32x128xf32, #tpu.memory_space<vmem>> -> memref<1x1x128xf32, #tpu.memory_space<vmem>>
        %dma_start3A_1326 = tpu.memref_squeeze %dma_start3A_1325 : memref<1x1x128xf32, #tpu.memory_space<vmem>> -> memref<128xf32, #tpu.memory_space<vmem>>
        %dma_start3A_1327 = arith.constant 0 : i32
        %dma_start3A_1328 = tpu.memref_slice %arg5[%select_n3A_1305, %dma_start3A_1322, %dma_start3A_1327] : memref<2x32x128xi32, #tpu.memory_space<vmem>> -> memref<1x1x128xi32, #tpu.memory_space<vmem>>
        %dma_start3A_1329 = tpu.memref_squeeze %dma_start3A_1328 : memref<1x1x128xi32, #tpu.memory_space<vmem>> -> memref<128xi32, #tpu.memory_space<vmem>>
        %dma_start3A_1330 = arith.constant 0 : i32
        %dma_start3A_1331 = tpu.memref_slice %arg3[%add3A_659, %dma_start3A_1330] : memref<640x100000xf32, #tpu.memory_space<hbm>> -> memref<1x100000xf32, #tpu.memory_space<hbm>>
        %dma_start3A_1332 = tpu.memref_squeeze %dma_start3A_1331 : memref<1x100000xf32, #tpu.memory_space<hbm>> -> memref<100000xf32, #tpu.memory_space<hbm>>
        %dma_start3A_1333 = arith.constant 0 : i32
        %dma_start3A_1334 = tpu.memref_slice %dma_start3A_1332[%dma_start3A_1333] : memref<100000xf32, #tpu.memory_space<hbm>> -> memref<100000xf32, #tpu.memory_space<hbm>>
        tpu.enqueue_indirect_dma source(%dma_start3A_1334 : memref<100000xf32, #tpu.memory_space<hbm>>) target(%dma_start3A_1326 : memref<128xf32, #tpu.memory_space<vmem>>) offsets(%dma_start3A_1329 : memref<128xi32, #tpu.memory_space<vmem>>) semaphore(%arg8 : memref<!tpu.dma_semaphore, #tpu.memory_space<semaphore_mem>>)
        %jit3A_1335 = arith.constant 2 : i32
        %eq3A_1336 = arith.constant 0 : i32
        %eq3A_1337 = arith.cmpi eq, %jit3A_1335, %eq3A_1336 : i32
        %jit3A_1338 = arith.constant 1 : i32
        %select_n3A_1339 = arith.select %eq3A_1337, %jit3A_1338, %jit3A_1335 : i32
        %rem3A_1340 = arith.remsi %scan3A_589, %select_n3A_1339 : i32
        %ne3A_1341 = arith.constant 0 : i32
        %ne3A_1342 = arith.cmpi ne, %rem3A_1340, %ne3A_1341 : i32
        %lt3A_1343 = arith.constant 0 : i32
        %lt3A_1344 = arith.cmpi slt, %rem3A_1340, %lt3A_1343 : i32
        %lt3A_1345 = arith.constant 0 : i32
        %lt3A_1346 = arith.cmpi slt, %select_n3A_1339, %lt3A_1345 : i32
        %ne3A_1347 = arith.xori %lt3A_1344, %lt3A_1346 : i1
        %and3A_1348 = arith.andi %ne3A_1347, %ne3A_1342 : i1
        %add3A_1349 = arith.addi %rem3A_1340, %select_n3A_1339 : i32
        %select_n3A_1350 = arith.select %and3A_1348, %add3A_1349, %rem3A_1340 : i32
        %jit3A_1351 = arith.constant 2 : i32
        %eq3A_1352 = arith.constant 0 : i32
        %eq3A_1353 = arith.cmpi eq, %jit3A_1351, %eq3A_1352 : i32
        %jit3A_1354 = arith.constant 1 : i32
        %select_n3A_1355 = arith.select %eq3A_1353, %jit3A_1354, %jit3A_1351 : i32
        %rem3A_1356 = arith.remsi %scan3A_589, %select_n3A_1355 : i32
        %ne3A_1357 = arith.constant 0 : i32
        %ne3A_1358 = arith.cmpi ne, %rem3A_1356, %ne3A_1357 : i32
        %lt3A_1359 = arith.constant 0 : i32
        %lt3A_1360 = arith.cmpi slt, %rem3A_1356, %lt3A_1359 : i32
        %lt3A_1361 = arith.constant 0 : i32
        %lt3A_1362 = arith.cmpi slt, %select_n3A_1355, %lt3A_1361 : i32
        %ne3A_1363 = arith.xori %lt3A_1360, %lt3A_1362 : i1
        %and3A_1364 = arith.andi %ne3A_1363, %ne3A_1358 : i1
        %add3A_1365 = arith.addi %rem3A_1356, %select_n3A_1355 : i32
        %select_n3A_1366 = arith.select %and3A_1364, %add3A_1365, %rem3A_1356 : i32
        %dma_start3A_1367 = arith.constant 15 : i32
        %dma_start3A_1368 = arith.constant 15 : i32
        %dma_start3A_1369 = arith.constant 0 : i32
        %dma_start3A_1370 = tpu.memref_slice %arg6[%select_n3A_1366, %dma_start3A_1368, %dma_start3A_1369] : memref<2x32x128xf32, #tpu.memory_space<vmem>> -> memref<1x1x128xf32, #tpu.memory_space<vmem>>
        %dma_start3A_1371 = tpu.memref_squeeze %dma_start3A_1370 : memref<1x1x128xf32, #tpu.memory_space<vmem>> -> memref<128xf32, #tpu.memory_space<vmem>>
        %dma_start3A_1372 = arith.constant 0 : i32
        %dma_start3A_1373 = tpu.memref_slice %arg5[%select_n3A_1350, %dma_start3A_1367, %dma_start3A_1372] : memref<2x32x128xi32, #tpu.memory_space<vmem>> -> memref<1x1x128xi32, #tpu.memory_space<vmem>>
        %dma_start3A_1374 = tpu.memref_squeeze %dma_start3A_1373 : memref<1x1x128xi32, #tpu.memory_space<vmem>> -> memref<128xi32, #tpu.memory_space<vmem>>
        %dma_start3A_1375 = arith.constant 0 : i32
        %dma_start3A_1376 = tpu.memref_slice %arg3[%add3A_659, %dma_start3A_1375] : memref<640x100000xf32, #tpu.memory_space<hbm>> -> memref<1x100000xf32, #tpu.memory_space<hbm>>
        %dma_start3A_1377 = tpu.memref_squeeze %dma_start3A_1376 : memref<1x100000xf32, #tpu.memory_space<hbm>> -> memref<100000xf32, #tpu.memory_space<hbm>>
        %dma_start3A_1378 = arith.constant 0 : i32
        %dma_start3A_1379 = tpu.memref_slice %dma_start3A_1377[%dma_start3A_1378] : memref<100000xf32, #tpu.memory_space<hbm>> -> memref<100000xf32, #tpu.memory_space<hbm>>
        tpu.enqueue_indirect_dma source(%dma_start3A_1379 : memref<100000xf32, #tpu.memory_space<hbm>>) target(%dma_start3A_1371 : memref<128xf32, #tpu.memory_space<vmem>>) offsets(%dma_start3A_1374 : memref<128xi32, #tpu.memory_space<vmem>>) semaphore(%arg8 : memref<!tpu.dma_semaphore, #tpu.memory_space<semaphore_mem>>)
        %jit3A_1380 = arith.constant 2 : i32
        %eq3A_1381 = arith.constant 0 : i32
        %eq3A_1382 = arith.cmpi eq, %jit3A_1380, %eq3A_1381 : i32
        %jit3A_1383 = arith.constant 1 : i32
        %select_n3A_1384 = arith.select %eq3A_1382, %jit3A_1383, %jit3A_1380 : i32
        %rem3A_1385 = arith.remsi %scan3A_589, %select_n3A_1384 : i32
        %ne3A_1386 = arith.constant 0 : i32
        %ne3A_1387 = arith.cmpi ne, %rem3A_1385, %ne3A_1386 : i32
        %lt3A_1388 = arith.constant 0 : i32
        %lt3A_1389 = arith.cmpi slt, %rem3A_1385, %lt3A_1388 : i32
        %lt3A_1390 = arith.constant 0 : i32
        %lt3A_1391 = arith.cmpi slt, %select_n3A_1384, %lt3A_1390 : i32
        %ne3A_1392 = arith.xori %lt3A_1389, %lt3A_1391 : i1
        %and3A_1393 = arith.andi %ne3A_1392, %ne3A_1387 : i1
        %add3A_1394 = arith.addi %rem3A_1385, %select_n3A_1384 : i32
        %select_n3A_1395 = arith.select %and3A_1393, %add3A_1394, %rem3A_1385 : i32
        %jit3A_1396 = arith.constant 2 : i32
        %eq3A_1397 = arith.constant 0 : i32
        %eq3A_1398 = arith.cmpi eq, %jit3A_1396, %eq3A_1397 : i32
        %jit3A_1399 = arith.constant 1 : i32
        %select_n3A_1400 = arith.select %eq3A_1398, %jit3A_1399, %jit3A_1396 : i32
        %rem3A_1401 = arith.remsi %scan3A_589, %select_n3A_1400 : i32
        %ne3A_1402 = arith.constant 0 : i32
        %ne3A_1403 = arith.cmpi ne, %rem3A_1401, %ne3A_1402 : i32
        %lt3A_1404 = arith.constant 0 : i32
        %lt3A_1405 = arith.cmpi slt, %rem3A_1401, %lt3A_1404 : i32
        %lt3A_1406 = arith.constant 0 : i32
        %lt3A_1407 = arith.cmpi slt, %select_n3A_1400, %lt3A_1406 : i32
        %ne3A_1408 = arith.xori %lt3A_1405, %lt3A_1407 : i1
        %and3A_1409 = arith.andi %ne3A_1408, %ne3A_1403 : i1
        %add3A_1410 = arith.addi %rem3A_1401, %select_n3A_1400 : i32
        %select_n3A_1411 = arith.select %and3A_1409, %add3A_1410, %rem3A_1401 : i32
        %dma_start3A_1412 = arith.constant 16 : i32
        %dma_start3A_1413 = arith.constant 16 : i32
        %dma_start3A_1414 = arith.constant 0 : i32
        %dma_start3A_1415 = tpu.memref_slice %arg6[%select_n3A_1411, %dma_start3A_1413, %dma_start3A_1414] : memref<2x32x128xf32, #tpu.memory_space<vmem>> -> memref<1x1x128xf32, #tpu.memory_space<vmem>>
        %dma_start3A_1416 = tpu.memref_squeeze %dma_start3A_1415 : memref<1x1x128xf32, #tpu.memory_space<vmem>> -> memref<128xf32, #tpu.memory_space<vmem>>
        %dma_start3A_1417 = arith.constant 0 : i32
        %dma_start3A_1418 = tpu.memref_slice %arg5[%select_n3A_1395, %dma_start3A_1412, %dma_start3A_1417] : memref<2x32x128xi32, #tpu.memory_space<vmem>> -> memref<1x1x128xi32, #tpu.memory_space<vmem>>
        %dma_start3A_1419 = tpu.memref_squeeze %dma_start3A_1418 : memref<1x1x128xi32, #tpu.memory_space<vmem>> -> memref<128xi32, #tpu.memory_space<vmem>>
        %dma_start3A_1420 = arith.constant 0 : i32
        %dma_start3A_1421 = tpu.memref_slice %arg3[%add3A_659, %dma_start3A_1420] : memref<640x100000xf32, #tpu.memory_space<hbm>> -> memref<1x100000xf32, #tpu.memory_space<hbm>>
        %dma_start3A_1422 = tpu.memref_squeeze %dma_start3A_1421 : memref<1x100000xf32, #tpu.memory_space<hbm>> -> memref<100000xf32, #tpu.memory_space<hbm>>
        %dma_start3A_1423 = arith.constant 0 : i32
        %dma_start3A_1424 = tpu.memref_slice %dma_start3A_1422[%dma_start3A_1423] : memref<100000xf32, #tpu.memory_space<hbm>> -> memref<100000xf32, #tpu.memory_space<hbm>>
        tpu.enqueue_indirect_dma source(%dma_start3A_1424 : memref<100000xf32, #tpu.memory_space<hbm>>) target(%dma_start3A_1416 : memref<128xf32, #tpu.memory_space<vmem>>) offsets(%dma_start3A_1419 : memref<128xi32, #tpu.memory_space<vmem>>) semaphore(%arg8 : memref<!tpu.dma_semaphore, #tpu.memory_space<semaphore_mem>>)
        %jit3A_1425 = arith.constant 2 : i32
        %eq3A_1426 = arith.constant 0 : i32
        %eq3A_1427 = arith.cmpi eq, %jit3A_1425, %eq3A_1426 : i32
        %jit3A_1428 = arith.constant 1 : i32
        %select_n3A_1429 = arith.select %eq3A_1427, %jit3A_1428, %jit3A_1425 : i32
        %rem3A_1430 = arith.remsi %scan3A_589, %select_n3A_1429 : i32
        %ne3A_1431 = arith.constant 0 : i32
        %ne3A_1432 = arith.cmpi ne, %rem3A_1430, %ne3A_1431 : i32
        %lt3A_1433 = arith.constant 0 : i32
        %lt3A_1434 = arith.cmpi slt, %rem3A_1430, %lt3A_1433 : i32
        %lt3A_1435 = arith.constant 0 : i32
        %lt3A_1436 = arith.cmpi slt, %select_n3A_1429, %lt3A_1435 : i32
        %ne3A_1437 = arith.xori %lt3A_1434, %lt3A_1436 : i1
        %and3A_1438 = arith.andi %ne3A_1437, %ne3A_1432 : i1
        %add3A_1439 = arith.addi %rem3A_1430, %select_n3A_1429 : i32
        %select_n3A_1440 = arith.select %and3A_1438, %add3A_1439, %rem3A_1430 : i32
        %jit3A_1441 = arith.constant 2 : i32
        %eq3A_1442 = arith.constant 0 : i32
        %eq3A_1443 = arith.cmpi eq, %jit3A_1441, %eq3A_1442 : i32
        %jit3A_1444 = arith.constant 1 : i32
        %select_n3A_1445 = arith.select %eq3A_1443, %jit3A_1444, %jit3A_1441 : i32
        %rem3A_1446 = arith.remsi %scan3A_589, %select_n3A_1445 : i32
        %ne3A_1447 = arith.constant 0 : i32
        %ne3A_1448 = arith.cmpi ne, %rem3A_1446, %ne3A_1447 : i32
        %lt3A_1449 = arith.constant 0 : i32
        %lt3A_1450 = arith.cmpi slt, %rem3A_1446, %lt3A_1449 : i32
        %lt3A_1451 = arith.constant 0 : i32
        %lt3A_1452 = arith.cmpi slt, %select_n3A_1445, %lt3A_1451 : i32
        %ne3A_1453 = arith.xori %lt3A_1450, %lt3A_1452 : i1
        %and3A_1454 = arith.andi %ne3A_1453, %ne3A_1448 : i1
        %add3A_1455 = arith.addi %rem3A_1446, %select_n3A_1445 : i32
        %select_n3A_1456 = arith.select %and3A_1454, %add3A_1455, %rem3A_1446 : i32
        %dma_start3A_1457 = arith.constant 17 : i32
        %dma_start3A_1458 = arith.constant 17 : i32
        %dma_start3A_1459 = arith.constant 0 : i32
        %dma_start3A_1460 = tpu.memref_slice %arg6[%select_n3A_1456, %dma_start3A_1458, %dma_start3A_1459] : memref<2x32x128xf32, #tpu.memory_space<vmem>> -> memref<1x1x128xf32, #tpu.memory_space<vmem>>
        %dma_start3A_1461 = tpu.memref_squeeze %dma_start3A_1460 : memref<1x1x128xf32, #tpu.memory_space<vmem>> -> memref<128xf32, #tpu.memory_space<vmem>>
        %dma_start3A_1462 = arith.constant 0 : i32
        %dma_start3A_1463 = tpu.memref_slice %arg5[%select_n3A_1440, %dma_start3A_1457, %dma_start3A_1462] : memref<2x32x128xi32, #tpu.memory_space<vmem>> -> memref<1x1x128xi32, #tpu.memory_space<vmem>>
        %dma_start3A_1464 = tpu.memref_squeeze %dma_start3A_1463 : memref<1x1x128xi32, #tpu.memory_space<vmem>> -> memref<128xi32, #tpu.memory_space<vmem>>
        %dma_start3A_1465 = arith.constant 0 : i32
        %dma_start3A_1466 = tpu.memref_slice %arg3[%add3A_659, %dma_start3A_1465] : memref<640x100000xf32, #tpu.memory_space<hbm>> -> memref<1x100000xf32, #tpu.memory_space<hbm>>
        %dma_start3A_1467 = tpu.memref_squeeze %dma_start3A_1466 : memref<1x100000xf32, #tpu.memory_space<hbm>> -> memref<100000xf32, #tpu.memory_space<hbm>>
        %dma_start3A_1468 = arith.constant 0 : i32
        %dma_start3A_1469 = tpu.memref_slice %dma_start3A_1467[%dma_start3A_1468] : memref<100000xf32, #tpu.memory_space<hbm>> -> memref<100000xf32, #tpu.memory_space<hbm>>
        tpu.enqueue_indirect_dma source(%dma_start3A_1469 : memref<100000xf32, #tpu.memory_space<hbm>>) target(%dma_start3A_1461 : memref<128xf32, #tpu.memory_space<vmem>>) offsets(%dma_start3A_1464 : memref<128xi32, #tpu.memory_space<vmem>>) semaphore(%arg8 : memref<!tpu.dma_semaphore, #tpu.memory_space<semaphore_mem>>)
        %jit3A_1470 = arith.constant 2 : i32
        %eq3A_1471 = arith.constant 0 : i32
        %eq3A_1472 = arith.cmpi eq, %jit3A_1470, %eq3A_1471 : i32
        %jit3A_1473 = arith.constant 1 : i32
        %select_n3A_1474 = arith.select %eq3A_1472, %jit3A_1473, %jit3A_1470 : i32
        %rem3A_1475 = arith.remsi %scan3A_589, %select_n3A_1474 : i32
        %ne3A_1476 = arith.constant 0 : i32
        %ne3A_1477 = arith.cmpi ne, %rem3A_1475, %ne3A_1476 : i32
        %lt3A_1478 = arith.constant 0 : i32
        %lt3A_1479 = arith.cmpi slt, %rem3A_1475, %lt3A_1478 : i32
        %lt3A_1480 = arith.constant 0 : i32
        %lt3A_1481 = arith.cmpi slt, %select_n3A_1474, %lt3A_1480 : i32
        %ne3A_1482 = arith.xori %lt3A_1479, %lt3A_1481 : i1
        %and3A_1483 = arith.andi %ne3A_1482, %ne3A_1477 : i1
        %add3A_1484 = arith.addi %rem3A_1475, %select_n3A_1474 : i32
        %select_n3A_1485 = arith.select %and3A_1483, %add3A_1484, %rem3A_1475 : i32
        %jit3A_1486 = arith.constant 2 : i32
        %eq3A_1487 = arith.constant 0 : i32
        %eq3A_1488 = arith.cmpi eq, %jit3A_1486, %eq3A_1487 : i32
        %jit3A_1489 = arith.constant 1 : i32
        %select_n3A_1490 = arith.select %eq3A_1488, %jit3A_1489, %jit3A_1486 : i32
        %rem3A_1491 = arith.remsi %scan3A_589, %select_n3A_1490 : i32
        %ne3A_1492 = arith.constant 0 : i32
        %ne3A_1493 = arith.cmpi ne, %rem3A_1491, %ne3A_1492 : i32
        %lt3A_1494 = arith.constant 0 : i32
        %lt3A_1495 = arith.cmpi slt, %rem3A_1491, %lt3A_1494 : i32
        %lt3A_1496 = arith.constant 0 : i32
        %lt3A_1497 = arith.cmpi slt, %select_n3A_1490, %lt3A_1496 : i32
        %ne3A_1498 = arith.xori %lt3A_1495, %lt3A_1497 : i1
        %and3A_1499 = arith.andi %ne3A_1498, %ne3A_1493 : i1
        %add3A_1500 = arith.addi %rem3A_1491, %select_n3A_1490 : i32
        %select_n3A_1501 = arith.select %and3A_1499, %add3A_1500, %rem3A_1491 : i32
        %dma_start3A_1502 = arith.constant 18 : i32
        %dma_start3A_1503 = arith.constant 18 : i32
        %dma_start3A_1504 = arith.constant 0 : i32
        %dma_start3A_1505 = tpu.memref_slice %arg6[%select_n3A_1501, %dma_start3A_1503, %dma_start3A_1504] : memref<2x32x128xf32, #tpu.memory_space<vmem>> -> memref<1x1x128xf32, #tpu.memory_space<vmem>>
        %dma_start3A_1506 = tpu.memref_squeeze %dma_start3A_1505 : memref<1x1x128xf32, #tpu.memory_space<vmem>> -> memref<128xf32, #tpu.memory_space<vmem>>
        %dma_start3A_1507 = arith.constant 0 : i32
        %dma_start3A_1508 = tpu.memref_slice %arg5[%select_n3A_1485, %dma_start3A_1502, %dma_start3A_1507] : memref<2x32x128xi32, #tpu.memory_space<vmem>> -> memref<1x1x128xi32, #tpu.memory_space<vmem>>
        %dma_start3A_1509 = tpu.memref_squeeze %dma_start3A_1508 : memref<1x1x128xi32, #tpu.memory_space<vmem>> -> memref<128xi32, #tpu.memory_space<vmem>>
        %dma_start3A_1510 = arith.constant 0 : i32
        %dma_start3A_1511 = tpu.memref_slice %arg3[%add3A_659, %dma_start3A_1510] : memref<640x100000xf32, #tpu.memory_space<hbm>> -> memref<1x100000xf32, #tpu.memory_space<hbm>>
        %dma_start3A_1512 = tpu.memref_squeeze %dma_start3A_1511 : memref<1x100000xf32, #tpu.memory_space<hbm>> -> memref<100000xf32, #tpu.memory_space<hbm>>
        %dma_start3A_1513 = arith.constant 0 : i32
        %dma_start3A_1514 = tpu.memref_slice %dma_start3A_1512[%dma_start3A_1513] : memref<100000xf32, #tpu.memory_space<hbm>> -> memref<100000xf32, #tpu.memory_space<hbm>>
        tpu.enqueue_indirect_dma source(%dma_start3A_1514 : memref<100000xf32, #tpu.memory_space<hbm>>) target(%dma_start3A_1506 : memref<128xf32, #tpu.memory_space<vmem>>) offsets(%dma_start3A_1509 : memref<128xi32, #tpu.memory_space<vmem>>) semaphore(%arg8 : memref<!tpu.dma_semaphore, #tpu.memory_space<semaphore_mem>>)
        %jit3A_1515 = arith.constant 2 : i32
        %eq3A_1516 = arith.constant 0 : i32
        %eq3A_1517 = arith.cmpi eq, %jit3A_1515, %eq3A_1516 : i32
        %jit3A_1518 = arith.constant 1 : i32
        %select_n3A_1519 = arith.select %eq3A_1517, %jit3A_1518, %jit3A_1515 : i32
        %rem3A_1520 = arith.remsi %scan3A_589, %select_n3A_1519 : i32
        %ne3A_1521 = arith.constant 0 : i32
        %ne3A_1522 = arith.cmpi ne, %rem3A_1520, %ne3A_1521 : i32
        %lt3A_1523 = arith.constant 0 : i32
        %lt3A_1524 = arith.cmpi slt, %rem3A_1520, %lt3A_1523 : i32
        %lt3A_1525 = arith.constant 0 : i32
        %lt3A_1526 = arith.cmpi slt, %select_n3A_1519, %lt3A_1525 : i32
        %ne3A_1527 = arith.xori %lt3A_1524, %lt3A_1526 : i1
        %and3A_1528 = arith.andi %ne3A_1527, %ne3A_1522 : i1
        %add3A_1529 = arith.addi %rem3A_1520, %select_n3A_1519 : i32
        %select_n3A_1530 = arith.select %and3A_1528, %add3A_1529, %rem3A_1520 : i32
        %jit3A_1531 = arith.constant 2 : i32
        %eq3A_1532 = arith.constant 0 : i32
        %eq3A_1533 = arith.cmpi eq, %jit3A_1531, %eq3A_1532 : i32
        %jit3A_1534 = arith.constant 1 : i32
        %select_n3A_1535 = arith.select %eq3A_1533, %jit3A_1534, %jit3A_1531 : i32
        %rem3A_1536 = arith.remsi %scan3A_589, %select_n3A_1535 : i32
        %ne3A_1537 = arith.constant 0 : i32
        %ne3A_1538 = arith.cmpi ne, %rem3A_1536, %ne3A_1537 : i32
        %lt3A_1539 = arith.constant 0 : i32
        %lt3A_1540 = arith.cmpi slt, %rem3A_1536, %lt3A_1539 : i32
        %lt3A_1541 = arith.constant 0 : i32
        %lt3A_1542 = arith.cmpi slt, %select_n3A_1535, %lt3A_1541 : i32
        %ne3A_1543 = arith.xori %lt3A_1540, %lt3A_1542 : i1
        %and3A_1544 = arith.andi %ne3A_1543, %ne3A_1538 : i1
        %add3A_1545 = arith.addi %rem3A_1536, %select_n3A_1535 : i32
        %select_n3A_1546 = arith.select %and3A_1544, %add3A_1545, %rem3A_1536 : i32
        %dma_start3A_1547 = arith.constant 19 : i32
        %dma_start3A_1548 = arith.constant 19 : i32
        %dma_start3A_1549 = arith.constant 0 : i32
        %dma_start3A_1550 = tpu.memref_slice %arg6[%select_n3A_1546, %dma_start3A_1548, %dma_start3A_1549] : memref<2x32x128xf32, #tpu.memory_space<vmem>> -> memref<1x1x128xf32, #tpu.memory_space<vmem>>
        %dma_start3A_1551 = tpu.memref_squeeze %dma_start3A_1550 : memref<1x1x128xf32, #tpu.memory_space<vmem>> -> memref<128xf32, #tpu.memory_space<vmem>>
        %dma_start3A_1552 = arith.constant 0 : i32
        %dma_start3A_1553 = tpu.memref_slice %arg5[%select_n3A_1530, %dma_start3A_1547, %dma_start3A_1552] : memref<2x32x128xi32, #tpu.memory_space<vmem>> -> memref<1x1x128xi32, #tpu.memory_space<vmem>>
        %dma_start3A_1554 = tpu.memref_squeeze %dma_start3A_1553 : memref<1x1x128xi32, #tpu.memory_space<vmem>> -> memref<128xi32, #tpu.memory_space<vmem>>
        %dma_start3A_1555 = arith.constant 0 : i32
        %dma_start3A_1556 = tpu.memref_slice %arg3[%add3A_659, %dma_start3A_1555] : memref<640x100000xf32, #tpu.memory_space<hbm>> -> memref<1x100000xf32, #tpu.memory_space<hbm>>
        %dma_start3A_1557 = tpu.memref_squeeze %dma_start3A_1556 : memref<1x100000xf32, #tpu.memory_space<hbm>> -> memref<100000xf32, #tpu.memory_space<hbm>>
        %dma_start3A_1558 = arith.constant 0 : i32
        %dma_start3A_1559 = tpu.memref_slice %dma_start3A_1557[%dma_start3A_1558] : memref<100000xf32, #tpu.memory_space<hbm>> -> memref<100000xf32, #tpu.memory_space<hbm>>
        tpu.enqueue_indirect_dma source(%dma_start3A_1559 : memref<100000xf32, #tpu.memory_space<hbm>>) target(%dma_start3A_1551 : memref<128xf32, #tpu.memory_space<vmem>>) offsets(%dma_start3A_1554 : memref<128xi32, #tpu.memory_space<vmem>>) semaphore(%arg8 : memref<!tpu.dma_semaphore, #tpu.memory_space<semaphore_mem>>)
        %jit3A_1560 = arith.constant 2 : i32
        %eq3A_1561 = arith.constant 0 : i32
        %eq3A_1562 = arith.cmpi eq, %jit3A_1560, %eq3A_1561 : i32
        %jit3A_1563 = arith.constant 1 : i32
        %select_n3A_1564 = arith.select %eq3A_1562, %jit3A_1563, %jit3A_1560 : i32
        %rem3A_1565 = arith.remsi %scan3A_589, %select_n3A_1564 : i32
        %ne3A_1566 = arith.constant 0 : i32
        %ne3A_1567 = arith.cmpi ne, %rem3A_1565, %ne3A_1566 : i32
        %lt3A_1568 = arith.constant 0 : i32
        %lt3A_1569 = arith.cmpi slt, %rem3A_1565, %lt3A_1568 : i32
        %lt3A_1570 = arith.constant 0 : i32
        %lt3A_1571 = arith.cmpi slt, %select_n3A_1564, %lt3A_1570 : i32
        %ne3A_1572 = arith.xori %lt3A_1569, %lt3A_1571 : i1
        %and3A_1573 = arith.andi %ne3A_1572, %ne3A_1567 : i1
        %add3A_1574 = arith.addi %rem3A_1565, %select_n3A_1564 : i32
        %select_n3A_1575 = arith.select %and3A_1573, %add3A_1574, %rem3A_1565 : i32
        %jit3A_1576 = arith.constant 2 : i32
        %eq3A_1577 = arith.constant 0 : i32
        %eq3A_1578 = arith.cmpi eq, %jit3A_1576, %eq3A_1577 : i32
        %jit3A_1579 = arith.constant 1 : i32
        %select_n3A_1580 = arith.select %eq3A_1578, %jit3A_1579, %jit3A_1576 : i32
        %rem3A_1581 = arith.remsi %scan3A_589, %select_n3A_1580 : i32
        %ne3A_1582 = arith.constant 0 : i32
        %ne3A_1583 = arith.cmpi ne, %rem3A_1581, %ne3A_1582 : i32
        %lt3A_1584 = arith.constant 0 : i32
        %lt3A_1585 = arith.cmpi slt, %rem3A_1581, %lt3A_1584 : i32
        %lt3A_1586 = arith.constant 0 : i32
        %lt3A_1587 = arith.cmpi slt, %select_n3A_1580, %lt3A_1586 : i32
        %ne3A_1588 = arith.xori %lt3A_1585, %lt3A_1587 : i1
        %and3A_1589 = arith.andi %ne3A_1588, %ne3A_1583 : i1
        %add3A_1590 = arith.addi %rem3A_1581, %select_n3A_1580 : i32
        %select_n3A_1591 = arith.select %and3A_1589, %add3A_1590, %rem3A_1581 : i32
        %dma_start3A_1592 = arith.constant 20 : i32
        %dma_start3A_1593 = arith.constant 20 : i32
        %dma_start3A_1594 = arith.constant 0 : i32
        %dma_start3A_1595 = tpu.memref_slice %arg6[%select_n3A_1591, %dma_start3A_1593, %dma_start3A_1594] : memref<2x32x128xf32, #tpu.memory_space<vmem>> -> memref<1x1x128xf32, #tpu.memory_space<vmem>>
        %dma_start3A_1596 = tpu.memref_squeeze %dma_start3A_1595 : memref<1x1x128xf32, #tpu.memory_space<vmem>> -> memref<128xf32, #tpu.memory_space<vmem>>
        %dma_start3A_1597 = arith.constant 0 : i32
        %dma_start3A_1598 = tpu.memref_slice %arg5[%select_n3A_1575, %dma_start3A_1592, %dma_start3A_1597] : memref<2x32x128xi32, #tpu.memory_space<vmem>> -> memref<1x1x128xi32, #tpu.memory_space<vmem>>
        %dma_start3A_1599 = tpu.memref_squeeze %dma_start3A_1598 : memref<1x1x128xi32, #tpu.memory_space<vmem>> -> memref<128xi32, #tpu.memory_space<vmem>>
        %dma_start3A_1600 = arith.constant 0 : i32
        %dma_start3A_1601 = tpu.memref_slice %arg3[%add3A_659, %dma_start3A_1600] : memref<640x100000xf32, #tpu.memory_space<hbm>> -> memref<1x100000xf32, #tpu.memory_space<hbm>>
        %dma_start3A_1602 = tpu.memref_squeeze %dma_start3A_1601 : memref<1x100000xf32, #tpu.memory_space<hbm>> -> memref<100000xf32, #tpu.memory_space<hbm>>
        %dma_start3A_1603 = arith.constant 0 : i32
        %dma_start3A_1604 = tpu.memref_slice %dma_start3A_1602[%dma_start3A_1603] : memref<100000xf32, #tpu.memory_space<hbm>> -> memref<100000xf32, #tpu.memory_space<hbm>>
        tpu.enqueue_indirect_dma source(%dma_start3A_1604 : memref<100000xf32, #tpu.memory_space<hbm>>) target(%dma_start3A_1596 : memref<128xf32, #tpu.memory_space<vmem>>) offsets(%dma_start3A_1599 : memref<128xi32, #tpu.memory_space<vmem>>) semaphore(%arg8 : memref<!tpu.dma_semaphore, #tpu.memory_space<semaphore_mem>>)
        %jit3A_1605 = arith.constant 2 : i32
        %eq3A_1606 = arith.constant 0 : i32
        %eq3A_1607 = arith.cmpi eq, %jit3A_1605, %eq3A_1606 : i32
        %jit3A_1608 = arith.constant 1 : i32
        %select_n3A_1609 = arith.select %eq3A_1607, %jit3A_1608, %jit3A_1605 : i32
        %rem3A_1610 = arith.remsi %scan3A_589, %select_n3A_1609 : i32
        %ne3A_1611 = arith.constant 0 : i32
        %ne3A_1612 = arith.cmpi ne, %rem3A_1610, %ne3A_1611 : i32
        %lt3A_1613 = arith.constant 0 : i32
        %lt3A_1614 = arith.cmpi slt, %rem3A_1610, %lt3A_1613 : i32
        %lt3A_1615 = arith.constant 0 : i32
        %lt3A_1616 = arith.cmpi slt, %select_n3A_1609, %lt3A_1615 : i32
        %ne3A_1617 = arith.xori %lt3A_1614, %lt3A_1616 : i1
        %and3A_1618 = arith.andi %ne3A_1617, %ne3A_1612 : i1
        %add3A_1619 = arith.addi %rem3A_1610, %select_n3A_1609 : i32
        %select_n3A_1620 = arith.select %and3A_1618, %add3A_1619, %rem3A_1610 : i32
        %jit3A_1621 = arith.constant 2 : i32
        %eq3A_1622 = arith.constant 0 : i32
        %eq3A_1623 = arith.cmpi eq, %jit3A_1621, %eq3A_1622 : i32
        %jit3A_1624 = arith.constant 1 : i32
        %select_n3A_1625 = arith.select %eq3A_1623, %jit3A_1624, %jit3A_1621 : i32
        %rem3A_1626 = arith.remsi %scan3A_589, %select_n3A_1625 : i32
        %ne3A_1627 = arith.constant 0 : i32
        %ne3A_1628 = arith.cmpi ne, %rem3A_1626, %ne3A_1627 : i32
        %lt3A_1629 = arith.constant 0 : i32
        %lt3A_1630 = arith.cmpi slt, %rem3A_1626, %lt3A_1629 : i32
        %lt3A_1631 = arith.constant 0 : i32
        %lt3A_1632 = arith.cmpi slt, %select_n3A_1625, %lt3A_1631 : i32
        %ne3A_1633 = arith.xori %lt3A_1630, %lt3A_1632 : i1
        %and3A_1634 = arith.andi %ne3A_1633, %ne3A_1628 : i1
        %add3A_1635 = arith.addi %rem3A_1626, %select_n3A_1625 : i32
        %select_n3A_1636 = arith.select %and3A_1634, %add3A_1635, %rem3A_1626 : i32
        %dma_start3A_1637 = arith.constant 21 : i32
        %dma_start3A_1638 = arith.constant 21 : i32
        %dma_start3A_1639 = arith.constant 0 : i32
        %dma_start3A_1640 = tpu.memref_slice %arg6[%select_n3A_1636, %dma_start3A_1638, %dma_start3A_1639] : memref<2x32x128xf32, #tpu.memory_space<vmem>> -> memref<1x1x128xf32, #tpu.memory_space<vmem>>
        %dma_start3A_1641 = tpu.memref_squeeze %dma_start3A_1640 : memref<1x1x128xf32, #tpu.memory_space<vmem>> -> memref<128xf32, #tpu.memory_space<vmem>>
        %dma_start3A_1642 = arith.constant 0 : i32
        %dma_start3A_1643 = tpu.memref_slice %arg5[%select_n3A_1620, %dma_start3A_1637, %dma_start3A_1642] : memref<2x32x128xi32, #tpu.memory_space<vmem>> -> memref<1x1x128xi32, #tpu.memory_space<vmem>>
        %dma_start3A_1644 = tpu.memref_squeeze %dma_start3A_1643 : memref<1x1x128xi32, #tpu.memory_space<vmem>> -> memref<128xi32, #tpu.memory_space<vmem>>
        %dma_start3A_1645 = arith.constant 0 : i32
        %dma_start3A_1646 = tpu.memref_slice %arg3[%add3A_659, %dma_start3A_1645] : memref<640x100000xf32, #tpu.memory_space<hbm>> -> memref<1x100000xf32, #tpu.memory_space<hbm>>
        %dma_start3A_1647 = tpu.memref_squeeze %dma_start3A_1646 : memref<1x100000xf32, #tpu.memory_space<hbm>> -> memref<100000xf32, #tpu.memory_space<hbm>>
        %dma_start3A_1648 = arith.constant 0 : i32
        %dma_start3A_1649 = tpu.memref_slice %dma_start3A_1647[%dma_start3A_1648] : memref<100000xf32, #tpu.memory_space<hbm>> -> memref<100000xf32, #tpu.memory_space<hbm>>
        tpu.enqueue_indirect_dma source(%dma_start3A_1649 : memref<100000xf32, #tpu.memory_space<hbm>>) target(%dma_start3A_1641 : memref<128xf32, #tpu.memory_space<vmem>>) offsets(%dma_start3A_1644 : memref<128xi32, #tpu.memory_space<vmem>>) semaphore(%arg8 : memref<!tpu.dma_semaphore, #tpu.memory_space<semaphore_mem>>)
        %jit3A_1650 = arith.constant 2 : i32
        %eq3A_1651 = arith.constant 0 : i32
        %eq3A_1652 = arith.cmpi eq, %jit3A_1650, %eq3A_1651 : i32
        %jit3A_1653 = arith.constant 1 : i32
        %select_n3A_1654 = arith.select %eq3A_1652, %jit3A_1653, %jit3A_1650 : i32
        %rem3A_1655 = arith.remsi %scan3A_589, %select_n3A_1654 : i32
        %ne3A_1656 = arith.constant 0 : i32
        %ne3A_1657 = arith.cmpi ne, %rem3A_1655, %ne3A_1656 : i32
        %lt3A_1658 = arith.constant 0 : i32
        %lt3A_1659 = arith.cmpi slt, %rem3A_1655, %lt3A_1658 : i32
        %lt3A_1660 = arith.constant 0 : i32
        %lt3A_1661 = arith.cmpi slt, %select_n3A_1654, %lt3A_1660 : i32
        %ne3A_1662 = arith.xori %lt3A_1659, %lt3A_1661 : i1
        %and3A_1663 = arith.andi %ne3A_1662, %ne3A_1657 : i1
        %add3A_1664 = arith.addi %rem3A_1655, %select_n3A_1654 : i32
        %select_n3A_1665 = arith.select %and3A_1663, %add3A_1664, %rem3A_1655 : i32
        %jit3A_1666 = arith.constant 2 : i32
        %eq3A_1667 = arith.constant 0 : i32
        %eq3A_1668 = arith.cmpi eq, %jit3A_1666, %eq3A_1667 : i32
        %jit3A_1669 = arith.constant 1 : i32
        %select_n3A_1670 = arith.select %eq3A_1668, %jit3A_1669, %jit3A_1666 : i32
        %rem3A_1671 = arith.remsi %scan3A_589, %select_n3A_1670 : i32
        %ne3A_1672 = arith.constant 0 : i32
        %ne3A_1673 = arith.cmpi ne, %rem3A_1671, %ne3A_1672 : i32
        %lt3A_1674 = arith.constant 0 : i32
        %lt3A_1675 = arith.cmpi slt, %rem3A_1671, %lt3A_1674 : i32
        %lt3A_1676 = arith.constant 0 : i32
        %lt3A_1677 = arith.cmpi slt, %select_n3A_1670, %lt3A_1676 : i32
        %ne3A_1678 = arith.xori %lt3A_1675, %lt3A_1677 : i1
        %and3A_1679 = arith.andi %ne3A_1678, %ne3A_1673 : i1
        %add3A_1680 = arith.addi %rem3A_1671, %select_n3A_1670 : i32
        %select_n3A_1681 = arith.select %and3A_1679, %add3A_1680, %rem3A_1671 : i32
        %dma_start3A_1682 = arith.constant 22 : i32
        %dma_start3A_1683 = arith.constant 22 : i32
        %dma_start3A_1684 = arith.constant 0 : i32
        %dma_start3A_1685 = tpu.memref_slice %arg6[%select_n3A_1681, %dma_start3A_1683, %dma_start3A_1684] : memref<2x32x128xf32, #tpu.memory_space<vmem>> -> memref<1x1x128xf32, #tpu.memory_space<vmem>>
        %dma_start3A_1686 = tpu.memref_squeeze %dma_start3A_1685 : memref<1x1x128xf32, #tpu.memory_space<vmem>> -> memref<128xf32, #tpu.memory_space<vmem>>
        %dma_start3A_1687 = arith.constant 0 : i32
        %dma_start3A_1688 = tpu.memref_slice %arg5[%select_n3A_1665, %dma_start3A_1682, %dma_start3A_1687] : memref<2x32x128xi32, #tpu.memory_space<vmem>> -> memref<1x1x128xi32, #tpu.memory_space<vmem>>
        %dma_start3A_1689 = tpu.memref_squeeze %dma_start3A_1688 : memref<1x1x128xi32, #tpu.memory_space<vmem>> -> memref<128xi32, #tpu.memory_space<vmem>>
        %dma_start3A_1690 = arith.constant 0 : i32
        %dma_start3A_1691 = tpu.memref_slice %arg3[%add3A_659, %dma_start3A_1690] : memref<640x100000xf32, #tpu.memory_space<hbm>> -> memref<1x100000xf32, #tpu.memory_space<hbm>>
        %dma_start3A_1692 = tpu.memref_squeeze %dma_start3A_1691 : memref<1x100000xf32, #tpu.memory_space<hbm>> -> memref<100000xf32, #tpu.memory_space<hbm>>
        %dma_start3A_1693 = arith.constant 0 : i32
        %dma_start3A_1694 = tpu.memref_slice %dma_start3A_1692[%dma_start3A_1693] : memref<100000xf32, #tpu.memory_space<hbm>> -> memref<100000xf32, #tpu.memory_space<hbm>>
        tpu.enqueue_indirect_dma source(%dma_start3A_1694 : memref<100000xf32, #tpu.memory_space<hbm>>) target(%dma_start3A_1686 : memref<128xf32, #tpu.memory_space<vmem>>) offsets(%dma_start3A_1689 : memref<128xi32, #tpu.memory_space<vmem>>) semaphore(%arg8 : memref<!tpu.dma_semaphore, #tpu.memory_space<semaphore_mem>>)
        %jit3A_1695 = arith.constant 2 : i32
        %eq3A_1696 = arith.constant 0 : i32
        %eq3A_1697 = arith.cmpi eq, %jit3A_1695, %eq3A_1696 : i32
        %jit3A_1698 = arith.constant 1 : i32
        %select_n3A_1699 = arith.select %eq3A_1697, %jit3A_1698, %jit3A_1695 : i32
        %rem3A_1700 = arith.remsi %scan3A_589, %select_n3A_1699 : i32
        %ne3A_1701 = arith.constant 0 : i32
        %ne3A_1702 = arith.cmpi ne, %rem3A_1700, %ne3A_1701 : i32
        %lt3A_1703 = arith.constant 0 : i32
        %lt3A_1704 = arith.cmpi slt, %rem3A_1700, %lt3A_1703 : i32
        %lt3A_1705 = arith.constant 0 : i32
        %lt3A_1706 = arith.cmpi slt, %select_n3A_1699, %lt3A_1705 : i32
        %ne3A_1707 = arith.xori %lt3A_1704, %lt3A_1706 : i1
        %and3A_1708 = arith.andi %ne3A_1707, %ne3A_1702 : i1
        %add3A_1709 = arith.addi %rem3A_1700, %select_n3A_1699 : i32
        %select_n3A_1710 = arith.select %and3A_1708, %add3A_1709, %rem3A_1700 : i32
        %jit3A_1711 = arith.constant 2 : i32
        %eq3A_1712 = arith.constant 0 : i32
        %eq3A_1713 = arith.cmpi eq, %jit3A_1711, %eq3A_1712 : i32
        %jit3A_1714 = arith.constant 1 : i32
        %select_n3A_1715 = arith.select %eq3A_1713, %jit3A_1714, %jit3A_1711 : i32
        %rem3A_1716 = arith.remsi %scan3A_589, %select_n3A_1715 : i32
        %ne3A_1717 = arith.constant 0 : i32
        %ne3A_1718 = arith.cmpi ne, %rem3A_1716, %ne3A_1717 : i32
        %lt3A_1719 = arith.constant 0 : i32
        %lt3A_1720 = arith.cmpi slt, %rem3A_1716, %lt3A_1719 : i32
        %lt3A_1721 = arith.constant 0 : i32
        %lt3A_1722 = arith.cmpi slt, %select_n3A_1715, %lt3A_1721 : i32
        %ne3A_1723 = arith.xori %lt3A_1720, %lt3A_1722 : i1
        %and3A_1724 = arith.andi %ne3A_1723, %ne3A_1718 : i1
        %add3A_1725 = arith.addi %rem3A_1716, %select_n3A_1715 : i32
        %select_n3A_1726 = arith.select %and3A_1724, %add3A_1725, %rem3A_1716 : i32
        %dma_start3A_1727 = arith.constant 23 : i32
        %dma_start3A_1728 = arith.constant 23 : i32
        %dma_start3A_1729 = arith.constant 0 : i32
        %dma_start3A_1730 = tpu.memref_slice %arg6[%select_n3A_1726, %dma_start3A_1728, %dma_start3A_1729] : memref<2x32x128xf32, #tpu.memory_space<vmem>> -> memref<1x1x128xf32, #tpu.memory_space<vmem>>
        %dma_start3A_1731 = tpu.memref_squeeze %dma_start3A_1730 : memref<1x1x128xf32, #tpu.memory_space<vmem>> -> memref<128xf32, #tpu.memory_space<vmem>>
        %dma_start3A_1732 = arith.constant 0 : i32
        %dma_start3A_1733 = tpu.memref_slice %arg5[%select_n3A_1710, %dma_start3A_1727, %dma_start3A_1732] : memref<2x32x128xi32, #tpu.memory_space<vmem>> -> memref<1x1x128xi32, #tpu.memory_space<vmem>>
        %dma_start3A_1734 = tpu.memref_squeeze %dma_start3A_1733 : memref<1x1x128xi32, #tpu.memory_space<vmem>> -> memref<128xi32, #tpu.memory_space<vmem>>
        %dma_start3A_1735 = arith.constant 0 : i32
        %dma_start3A_1736 = tpu.memref_slice %arg3[%add3A_659, %dma_start3A_1735] : memref<640x100000xf32, #tpu.memory_space<hbm>> -> memref<1x100000xf32, #tpu.memory_space<hbm>>
        %dma_start3A_1737 = tpu.memref_squeeze %dma_start3A_1736 : memref<1x100000xf32, #tpu.memory_space<hbm>> -> memref<100000xf32, #tpu.memory_space<hbm>>
        %dma_start3A_1738 = arith.constant 0 : i32
        %dma_start3A_1739 = tpu.memref_slice %dma_start3A_1737[%dma_start3A_1738] : memref<100000xf32, #tpu.memory_space<hbm>> -> memref<100000xf32, #tpu.memory_space<hbm>>
        tpu.enqueue_indirect_dma source(%dma_start3A_1739 : memref<100000xf32, #tpu.memory_space<hbm>>) target(%dma_start3A_1731 : memref<128xf32, #tpu.memory_space<vmem>>) offsets(%dma_start3A_1734 : memref<128xi32, #tpu.memory_space<vmem>>) semaphore(%arg8 : memref<!tpu.dma_semaphore, #tpu.memory_space<semaphore_mem>>)
        %jit3A_1740 = arith.constant 2 : i32
        %eq3A_1741 = arith.constant 0 : i32
        %eq3A_1742 = arith.cmpi eq, %jit3A_1740, %eq3A_1741 : i32
        %jit3A_1743 = arith.constant 1 : i32
        %select_n3A_1744 = arith.select %eq3A_1742, %jit3A_1743, %jit3A_1740 : i32
        %rem3A_1745 = arith.remsi %scan3A_589, %select_n3A_1744 : i32
        %ne3A_1746 = arith.constant 0 : i32
        %ne3A_1747 = arith.cmpi ne, %rem3A_1745, %ne3A_1746 : i32
        %lt3A_1748 = arith.constant 0 : i32
        %lt3A_1749 = arith.cmpi slt, %rem3A_1745, %lt3A_1748 : i32
        %lt3A_1750 = arith.constant 0 : i32
        %lt3A_1751 = arith.cmpi slt, %select_n3A_1744, %lt3A_1750 : i32
        %ne3A_1752 = arith.xori %lt3A_1749, %lt3A_1751 : i1
        %and3A_1753 = arith.andi %ne3A_1752, %ne3A_1747 : i1
        %add3A_1754 = arith.addi %rem3A_1745, %select_n3A_1744 : i32
        %select_n3A_1755 = arith.select %and3A_1753, %add3A_1754, %rem3A_1745 : i32
        %jit3A_1756 = arith.constant 2 : i32
        %eq3A_1757 = arith.constant 0 : i32
        %eq3A_1758 = arith.cmpi eq, %jit3A_1756, %eq3A_1757 : i32
        %jit3A_1759 = arith.constant 1 : i32
        %select_n3A_1760 = arith.select %eq3A_1758, %jit3A_1759, %jit3A_1756 : i32
        %rem3A_1761 = arith.remsi %scan3A_589, %select_n3A_1760 : i32
        %ne3A_1762 = arith.constant 0 : i32
        %ne3A_1763 = arith.cmpi ne, %rem3A_1761, %ne3A_1762 : i32
        %lt3A_1764 = arith.constant 0 : i32
        %lt3A_1765 = arith.cmpi slt, %rem3A_1761, %lt3A_1764 : i32
        %lt3A_1766 = arith.constant 0 : i32
        %lt3A_1767 = arith.cmpi slt, %select_n3A_1760, %lt3A_1766 : i32
        %ne3A_1768 = arith.xori %lt3A_1765, %lt3A_1767 : i1
        %and3A_1769 = arith.andi %ne3A_1768, %ne3A_1763 : i1
        %add3A_1770 = arith.addi %rem3A_1761, %select_n3A_1760 : i32
        %select_n3A_1771 = arith.select %and3A_1769, %add3A_1770, %rem3A_1761 : i32
        %dma_start3A_1772 = arith.constant 24 : i32
        %dma_start3A_1773 = arith.constant 24 : i32
        %dma_start3A_1774 = arith.constant 0 : i32
        %dma_start3A_1775 = tpu.memref_slice %arg6[%select_n3A_1771, %dma_start3A_1773, %dma_start3A_1774] : memref<2x32x128xf32, #tpu.memory_space<vmem>> -> memref<1x1x128xf32, #tpu.memory_space<vmem>>
        %dma_start3A_1776 = tpu.memref_squeeze %dma_start3A_1775 : memref<1x1x128xf32, #tpu.memory_space<vmem>> -> memref<128xf32, #tpu.memory_space<vmem>>
        %dma_start3A_1777 = arith.constant 0 : i32
        %dma_start3A_1778 = tpu.memref_slice %arg5[%select_n3A_1755, %dma_start3A_1772, %dma_start3A_1777] : memref<2x32x128xi32, #tpu.memory_space<vmem>> -> memref<1x1x128xi32, #tpu.memory_space<vmem>>
        %dma_start3A_1779 = tpu.memref_squeeze %dma_start3A_1778 : memref<1x1x128xi32, #tpu.memory_space<vmem>> -> memref<128xi32, #tpu.memory_space<vmem>>
        %dma_start3A_1780 = arith.constant 0 : i32
        %dma_start3A_1781 = tpu.memref_slice %arg3[%add3A_659, %dma_start3A_1780] : memref<640x100000xf32, #tpu.memory_space<hbm>> -> memref<1x100000xf32, #tpu.memory_space<hbm>>
        %dma_start3A_1782 = tpu.memref_squeeze %dma_start3A_1781 : memref<1x100000xf32, #tpu.memory_space<hbm>> -> memref<100000xf32, #tpu.memory_space<hbm>>
        %dma_start3A_1783 = arith.constant 0 : i32
        %dma_start3A_1784 = tpu.memref_slice %dma_start3A_1782[%dma_start3A_1783] : memref<100000xf32, #tpu.memory_space<hbm>> -> memref<100000xf32, #tpu.memory_space<hbm>>
        tpu.enqueue_indirect_dma source(%dma_start3A_1784 : memref<100000xf32, #tpu.memory_space<hbm>>) target(%dma_start3A_1776 : memref<128xf32, #tpu.memory_space<vmem>>) offsets(%dma_start3A_1779 : memref<128xi32, #tpu.memory_space<vmem>>) semaphore(%arg8 : memref<!tpu.dma_semaphore, #tpu.memory_space<semaphore_mem>>)
        %jit3A_1785 = arith.constant 2 : i32
        %eq3A_1786 = arith.constant 0 : i32
        %eq3A_1787 = arith.cmpi eq, %jit3A_1785, %eq3A_1786 : i32
        %jit3A_1788 = arith.constant 1 : i32
        %select_n3A_1789 = arith.select %eq3A_1787, %jit3A_1788, %jit3A_1785 : i32
        %rem3A_1790 = arith.remsi %scan3A_589, %select_n3A_1789 : i32
        %ne3A_1791 = arith.constant 0 : i32
        %ne3A_1792 = arith.cmpi ne, %rem3A_1790, %ne3A_1791 : i32
        %lt3A_1793 = arith.constant 0 : i32
        %lt3A_1794 = arith.cmpi slt, %rem3A_1790, %lt3A_1793 : i32
        %lt3A_1795 = arith.constant 0 : i32
        %lt3A_1796 = arith.cmpi slt, %select_n3A_1789, %lt3A_1795 : i32
        %ne3A_1797 = arith.xori %lt3A_1794, %lt3A_1796 : i1
        %and3A_1798 = arith.andi %ne3A_1797, %ne3A_1792 : i1
        %add3A_1799 = arith.addi %rem3A_1790, %select_n3A_1789 : i32
        %select_n3A_1800 = arith.select %and3A_1798, %add3A_1799, %rem3A_1790 : i32
        %jit3A_1801 = arith.constant 2 : i32
        %eq3A_1802 = arith.constant 0 : i32
        %eq3A_1803 = arith.cmpi eq, %jit3A_1801, %eq3A_1802 : i32
        %jit3A_1804 = arith.constant 1 : i32
        %select_n3A_1805 = arith.select %eq3A_1803, %jit3A_1804, %jit3A_1801 : i32
        %rem3A_1806 = arith.remsi %scan3A_589, %select_n3A_1805 : i32
        %ne3A_1807 = arith.constant 0 : i32
        %ne3A_1808 = arith.cmpi ne, %rem3A_1806, %ne3A_1807 : i32
        %lt3A_1809 = arith.constant 0 : i32
        %lt3A_1810 = arith.cmpi slt, %rem3A_1806, %lt3A_1809 : i32
        %lt3A_1811 = arith.constant 0 : i32
        %lt3A_1812 = arith.cmpi slt, %select_n3A_1805, %lt3A_1811 : i32
        %ne3A_1813 = arith.xori %lt3A_1810, %lt3A_1812 : i1
        %and3A_1814 = arith.andi %ne3A_1813, %ne3A_1808 : i1
        %add3A_1815 = arith.addi %rem3A_1806, %select_n3A_1805 : i32
        %select_n3A_1816 = arith.select %and3A_1814, %add3A_1815, %rem3A_1806 : i32
        %dma_start3A_1817 = arith.constant 25 : i32
        %dma_start3A_1818 = arith.constant 25 : i32
        %dma_start3A_1819 = arith.constant 0 : i32
        %dma_start3A_1820 = tpu.memref_slice %arg6[%select_n3A_1816, %dma_start3A_1818, %dma_start3A_1819] : memref<2x32x128xf32, #tpu.memory_space<vmem>> -> memref<1x1x128xf32, #tpu.memory_space<vmem>>
        %dma_start3A_1821 = tpu.memref_squeeze %dma_start3A_1820 : memref<1x1x128xf32, #tpu.memory_space<vmem>> -> memref<128xf32, #tpu.memory_space<vmem>>
        %dma_start3A_1822 = arith.constant 0 : i32
        %dma_start3A_1823 = tpu.memref_slice %arg5[%select_n3A_1800, %dma_start3A_1817, %dma_start3A_1822] : memref<2x32x128xi32, #tpu.memory_space<vmem>> -> memref<1x1x128xi32, #tpu.memory_space<vmem>>
        %dma_start3A_1824 = tpu.memref_squeeze %dma_start3A_1823 : memref<1x1x128xi32, #tpu.memory_space<vmem>> -> memref<128xi32, #tpu.memory_space<vmem>>
        %dma_start3A_1825 = arith.constant 0 : i32
        %dma_start3A_1826 = tpu.memref_slice %arg3[%add3A_659, %dma_start3A_1825] : memref<640x100000xf32, #tpu.memory_space<hbm>> -> memref<1x100000xf32, #tpu.memory_space<hbm>>
        %dma_start3A_1827 = tpu.memref_squeeze %dma_start3A_1826 : memref<1x100000xf32, #tpu.memory_space<hbm>> -> memref<100000xf32, #tpu.memory_space<hbm>>
        %dma_start3A_1828 = arith.constant 0 : i32
        %dma_start3A_1829 = tpu.memref_slice %dma_start3A_1827[%dma_start3A_1828] : memref<100000xf32, #tpu.memory_space<hbm>> -> memref<100000xf32, #tpu.memory_space<hbm>>
        tpu.enqueue_indirect_dma source(%dma_start3A_1829 : memref<100000xf32, #tpu.memory_space<hbm>>) target(%dma_start3A_1821 : memref<128xf32, #tpu.memory_space<vmem>>) offsets(%dma_start3A_1824 : memref<128xi32, #tpu.memory_space<vmem>>) semaphore(%arg8 : memref<!tpu.dma_semaphore, #tpu.memory_space<semaphore_mem>>)
        %jit3A_1830 = arith.constant 2 : i32
        %eq3A_1831 = arith.constant 0 : i32
        %eq3A_1832 = arith.cmpi eq, %jit3A_1830, %eq3A_1831 : i32
        %jit3A_1833 = arith.constant 1 : i32
        %select_n3A_1834 = arith.select %eq3A_1832, %jit3A_1833, %jit3A_1830 : i32
        %rem3A_1835 = arith.remsi %scan3A_589, %select_n3A_1834 : i32
        %ne3A_1836 = arith.constant 0 : i32
        %ne3A_1837 = arith.cmpi ne, %rem3A_1835, %ne3A_1836 : i32
        %lt3A_1838 = arith.constant 0 : i32
        %lt3A_1839 = arith.cmpi slt, %rem3A_1835, %lt3A_1838 : i32
        %lt3A_1840 = arith.constant 0 : i32
        %lt3A_1841 = arith.cmpi slt, %select_n3A_1834, %lt3A_1840 : i32
        %ne3A_1842 = arith.xori %lt3A_1839, %lt3A_1841 : i1
        %and3A_1843 = arith.andi %ne3A_1842, %ne3A_1837 : i1
        %add3A_1844 = arith.addi %rem3A_1835, %select_n3A_1834 : i32
        %select_n3A_1845 = arith.select %and3A_1843, %add3A_1844, %rem3A_1835 : i32
        %jit3A_1846 = arith.constant 2 : i32
        %eq3A_1847 = arith.constant 0 : i32
        %eq3A_1848 = arith.cmpi eq, %jit3A_1846, %eq3A_1847 : i32
        %jit3A_1849 = arith.constant 1 : i32
        %select_n3A_1850 = arith.select %eq3A_1848, %jit3A_1849, %jit3A_1846 : i32
        %rem3A_1851 = arith.remsi %scan3A_589, %select_n3A_1850 : i32
        %ne3A_1852 = arith.constant 0 : i32
        %ne3A_1853 = arith.cmpi ne, %rem3A_1851, %ne3A_1852 : i32
        %lt3A_1854 = arith.constant 0 : i32
        %lt3A_1855 = arith.cmpi slt, %rem3A_1851, %lt3A_1854 : i32
        %lt3A_1856 = arith.constant 0 : i32
        %lt3A_1857 = arith.cmpi slt, %select_n3A_1850, %lt3A_1856 : i32
        %ne3A_1858 = arith.xori %lt3A_1855, %lt3A_1857 : i1
        %and3A_1859 = arith.andi %ne3A_1858, %ne3A_1853 : i1
        %add3A_1860 = arith.addi %rem3A_1851, %select_n3A_1850 : i32
        %select_n3A_1861 = arith.select %and3A_1859, %add3A_1860, %rem3A_1851 : i32
        %dma_start3A_1862 = arith.constant 26 : i32
        %dma_start3A_1863 = arith.constant 26 : i32
        %dma_start3A_1864 = arith.constant 0 : i32
        %dma_start3A_1865 = tpu.memref_slice %arg6[%select_n3A_1861, %dma_start3A_1863, %dma_start3A_1864] : memref<2x32x128xf32, #tpu.memory_space<vmem>> -> memref<1x1x128xf32, #tpu.memory_space<vmem>>
        %dma_start3A_1866 = tpu.memref_squeeze %dma_start3A_1865 : memref<1x1x128xf32, #tpu.memory_space<vmem>> -> memref<128xf32, #tpu.memory_space<vmem>>
        %dma_start3A_1867 = arith.constant 0 : i32
        %dma_start3A_1868 = tpu.memref_slice %arg5[%select_n3A_1845, %dma_start3A_1862, %dma_start3A_1867] : memref<2x32x128xi32, #tpu.memory_space<vmem>> -> memref<1x1x128xi32, #tpu.memory_space<vmem>>
        %dma_start3A_1869 = tpu.memref_squeeze %dma_start3A_1868 : memref<1x1x128xi32, #tpu.memory_space<vmem>> -> memref<128xi32, #tpu.memory_space<vmem>>
        %dma_start3A_1870 = arith.constant 0 : i32
        %dma_start3A_1871 = tpu.memref_slice %arg3[%add3A_659, %dma_start3A_1870] : memref<640x100000xf32, #tpu.memory_space<hbm>> -> memref<1x100000xf32, #tpu.memory_space<hbm>>
        %dma_start3A_1872 = tpu.memref_squeeze %dma_start3A_1871 : memref<1x100000xf32, #tpu.memory_space<hbm>> -> memref<100000xf32, #tpu.memory_space<hbm>>
        %dma_start3A_1873 = arith.constant 0 : i32
        %dma_start3A_1874 = tpu.memref_slice %dma_start3A_1872[%dma_start3A_1873] : memref<100000xf32, #tpu.memory_space<hbm>> -> memref<100000xf32, #tpu.memory_space<hbm>>
        tpu.enqueue_indirect_dma source(%dma_start3A_1874 : memref<100000xf32, #tpu.memory_space<hbm>>) target(%dma_start3A_1866 : memref<128xf32, #tpu.memory_space<vmem>>) offsets(%dma_start3A_1869 : memref<128xi32, #tpu.memory_space<vmem>>) semaphore(%arg8 : memref<!tpu.dma_semaphore, #tpu.memory_space<semaphore_mem>>)
        %jit3A_1875 = arith.constant 2 : i32
        %eq3A_1876 = arith.constant 0 : i32
        %eq3A_1877 = arith.cmpi eq, %jit3A_1875, %eq3A_1876 : i32
        %jit3A_1878 = arith.constant 1 : i32
        %select_n3A_1879 = arith.select %eq3A_1877, %jit3A_1878, %jit3A_1875 : i32
        %rem3A_1880 = arith.remsi %scan3A_589, %select_n3A_1879 : i32
        %ne3A_1881 = arith.constant 0 : i32
        %ne3A_1882 = arith.cmpi ne, %rem3A_1880, %ne3A_1881 : i32
        %lt3A_1883 = arith.constant 0 : i32
        %lt3A_1884 = arith.cmpi slt, %rem3A_1880, %lt3A_1883 : i32
        %lt3A_1885 = arith.constant 0 : i32
        %lt3A_1886 = arith.cmpi slt, %select_n3A_1879, %lt3A_1885 : i32
        %ne3A_1887 = arith.xori %lt3A_1884, %lt3A_1886 : i1
        %and3A_1888 = arith.andi %ne3A_1887, %ne3A_1882 : i1
        %add3A_1889 = arith.addi %rem3A_1880, %select_n3A_1879 : i32
        %select_n3A_1890 = arith.select %and3A_1888, %add3A_1889, %rem3A_1880 : i32
        %jit3A_1891 = arith.constant 2 : i32
        %eq3A_1892 = arith.constant 0 : i32
        %eq3A_1893 = arith.cmpi eq, %jit3A_1891, %eq3A_1892 : i32
        %jit3A_1894 = arith.constant 1 : i32
        %select_n3A_1895 = arith.select %eq3A_1893, %jit3A_1894, %jit3A_1891 : i32
        %rem3A_1896 = arith.remsi %scan3A_589, %select_n3A_1895 : i32
        %ne3A_1897 = arith.constant 0 : i32
        %ne3A_1898 = arith.cmpi ne, %rem3A_1896, %ne3A_1897 : i32
        %lt3A_1899 = arith.constant 0 : i32
        %lt3A_1900 = arith.cmpi slt, %rem3A_1896, %lt3A_1899 : i32
        %lt3A_1901 = arith.constant 0 : i32
        %lt3A_1902 = arith.cmpi slt, %select_n3A_1895, %lt3A_1901 : i32
        %ne3A_1903 = arith.xori %lt3A_1900, %lt3A_1902 : i1
        %and3A_1904 = arith.andi %ne3A_1903, %ne3A_1898 : i1
        %add3A_1905 = arith.addi %rem3A_1896, %select_n3A_1895 : i32
        %select_n3A_1906 = arith.select %and3A_1904, %add3A_1905, %rem3A_1896 : i32
        %dma_start3A_1907 = arith.constant 27 : i32
        %dma_start3A_1908 = arith.constant 27 : i32
        %dma_start3A_1909 = arith.constant 0 : i32
        %dma_start3A_1910 = tpu.memref_slice %arg6[%select_n3A_1906, %dma_start3A_1908, %dma_start3A_1909] : memref<2x32x128xf32, #tpu.memory_space<vmem>> -> memref<1x1x128xf32, #tpu.memory_space<vmem>>
        %dma_start3A_1911 = tpu.memref_squeeze %dma_start3A_1910 : memref<1x1x128xf32, #tpu.memory_space<vmem>> -> memref<128xf32, #tpu.memory_space<vmem>>
        %dma_start3A_1912 = arith.constant 0 : i32
        %dma_start3A_1913 = tpu.memref_slice %arg5[%select_n3A_1890, %dma_start3A_1907, %dma_start3A_1912] : memref<2x32x128xi32, #tpu.memory_space<vmem>> -> memref<1x1x128xi32, #tpu.memory_space<vmem>>
        %dma_start3A_1914 = tpu.memref_squeeze %dma_start3A_1913 : memref<1x1x128xi32, #tpu.memory_space<vmem>> -> memref<128xi32, #tpu.memory_space<vmem>>
        %dma_start3A_1915 = arith.constant 0 : i32
        %dma_start3A_1916 = tpu.memref_slice %arg3[%add3A_659, %dma_start3A_1915] : memref<640x100000xf32, #tpu.memory_space<hbm>> -> memref<1x100000xf32, #tpu.memory_space<hbm>>
        %dma_start3A_1917 = tpu.memref_squeeze %dma_start3A_1916 : memref<1x100000xf32, #tpu.memory_space<hbm>> -> memref<100000xf32, #tpu.memory_space<hbm>>
        %dma_start3A_1918 = arith.constant 0 : i32
        %dma_start3A_1919 = tpu.memref_slice %dma_start3A_1917[%dma_start3A_1918] : memref<100000xf32, #tpu.memory_space<hbm>> -> memref<100000xf32, #tpu.memory_space<hbm>>
        tpu.enqueue_indirect_dma source(%dma_start3A_1919 : memref<100000xf32, #tpu.memory_space<hbm>>) target(%dma_start3A_1911 : memref<128xf32, #tpu.memory_space<vmem>>) offsets(%dma_start3A_1914 : memref<128xi32, #tpu.memory_space<vmem>>) semaphore(%arg8 : memref<!tpu.dma_semaphore, #tpu.memory_space<semaphore_mem>>)
        %jit3A_1920 = arith.constant 2 : i32
        %eq3A_1921 = arith.constant 0 : i32
        %eq3A_1922 = arith.cmpi eq, %jit3A_1920, %eq3A_1921 : i32
        %jit3A_1923 = arith.constant 1 : i32
        %select_n3A_1924 = arith.select %eq3A_1922, %jit3A_1923, %jit3A_1920 : i32
        %rem3A_1925 = arith.remsi %scan3A_589, %select_n3A_1924 : i32
        %ne3A_1926 = arith.constant 0 : i32
        %ne3A_1927 = arith.cmpi ne, %rem3A_1925, %ne3A_1926 : i32
        %lt3A_1928 = arith.constant 0 : i32
        %lt3A_1929 = arith.cmpi slt, %rem3A_1925, %lt3A_1928 : i32
        %lt3A_1930 = arith.constant 0 : i32
        %lt3A_1931 = arith.cmpi slt, %select_n3A_1924, %lt3A_1930 : i32
        %ne3A_1932 = arith.xori %lt3A_1929, %lt3A_1931 : i1
        %and3A_1933 = arith.andi %ne3A_1932, %ne3A_1927 : i1
        %add3A_1934 = arith.addi %rem3A_1925, %select_n3A_1924 : i32
        %select_n3A_1935 = arith.select %and3A_1933, %add3A_1934, %rem3A_1925 : i32
        %jit3A_1936 = arith.constant 2 : i32
        %eq3A_1937 = arith.constant 0 : i32
        %eq3A_1938 = arith.cmpi eq, %jit3A_1936, %eq3A_1937 : i32
        %jit3A_1939 = arith.constant 1 : i32
        %select_n3A_1940 = arith.select %eq3A_1938, %jit3A_1939, %jit3A_1936 : i32
        %rem3A_1941 = arith.remsi %scan3A_589, %select_n3A_1940 : i32
        %ne3A_1942 = arith.constant 0 : i32
        %ne3A_1943 = arith.cmpi ne, %rem3A_1941, %ne3A_1942 : i32
        %lt3A_1944 = arith.constant 0 : i32
        %lt3A_1945 = arith.cmpi slt, %rem3A_1941, %lt3A_1944 : i32
        %lt3A_1946 = arith.constant 0 : i32
        %lt3A_1947 = arith.cmpi slt, %select_n3A_1940, %lt3A_1946 : i32
        %ne3A_1948 = arith.xori %lt3A_1945, %lt3A_1947 : i1
        %and3A_1949 = arith.andi %ne3A_1948, %ne3A_1943 : i1
        %add3A_1950 = arith.addi %rem3A_1941, %select_n3A_1940 : i32
        %select_n3A_1951 = arith.select %and3A_1949, %add3A_1950, %rem3A_1941 : i32
        %dma_start3A_1952 = arith.constant 28 : i32
        %dma_start3A_1953 = arith.constant 28 : i32
        %dma_start3A_1954 = arith.constant 0 : i32
        %dma_start3A_1955 = tpu.memref_slice %arg6[%select_n3A_1951, %dma_start3A_1953, %dma_start3A_1954] : memref<2x32x128xf32, #tpu.memory_space<vmem>> -> memref<1x1x128xf32, #tpu.memory_space<vmem>>
        %dma_start3A_1956 = tpu.memref_squeeze %dma_start3A_1955 : memref<1x1x128xf32, #tpu.memory_space<vmem>> -> memref<128xf32, #tpu.memory_space<vmem>>
        %dma_start3A_1957 = arith.constant 0 : i32
        %dma_start3A_1958 = tpu.memref_slice %arg5[%select_n3A_1935, %dma_start3A_1952, %dma_start3A_1957] : memref<2x32x128xi32, #tpu.memory_space<vmem>> -> memref<1x1x128xi32, #tpu.memory_space<vmem>>
        %dma_start3A_1959 = tpu.memref_squeeze %dma_start3A_1958 : memref<1x1x128xi32, #tpu.memory_space<vmem>> -> memref<128xi32, #tpu.memory_space<vmem>>
        %dma_start3A_1960 = arith.constant 0 : i32
        %dma_start3A_1961 = tpu.memref_slice %arg3[%add3A_659, %dma_start3A_1960] : memref<640x100000xf32, #tpu.memory_space<hbm>> -> memref<1x100000xf32, #tpu.memory_space<hbm>>
        %dma_start3A_1962 = tpu.memref_squeeze %dma_start3A_1961 : memref<1x100000xf32, #tpu.memory_space<hbm>> -> memref<100000xf32, #tpu.memory_space<hbm>>
        %dma_start3A_1963 = arith.constant 0 : i32
        %dma_start3A_1964 = tpu.memref_slice %dma_start3A_1962[%dma_start3A_1963] : memref<100000xf32, #tpu.memory_space<hbm>> -> memref<100000xf32, #tpu.memory_space<hbm>>
        tpu.enqueue_indirect_dma source(%dma_start3A_1964 : memref<100000xf32, #tpu.memory_space<hbm>>) target(%dma_start3A_1956 : memref<128xf32, #tpu.memory_space<vmem>>) offsets(%dma_start3A_1959 : memref<128xi32, #tpu.memory_space<vmem>>) semaphore(%arg8 : memref<!tpu.dma_semaphore, #tpu.memory_space<semaphore_mem>>)
        %jit3A_1965 = arith.constant 2 : i32
        %eq3A_1966 = arith.constant 0 : i32
        %eq3A_1967 = arith.cmpi eq, %jit3A_1965, %eq3A_1966 : i32
        %jit3A_1968 = arith.constant 1 : i32
        %select_n3A_1969 = arith.select %eq3A_1967, %jit3A_1968, %jit3A_1965 : i32
        %rem3A_1970 = arith.remsi %scan3A_589, %select_n3A_1969 : i32
        %ne3A_1971 = arith.constant 0 : i32
        %ne3A_1972 = arith.cmpi ne, %rem3A_1970, %ne3A_1971 : i32
        %lt3A_1973 = arith.constant 0 : i32
        %lt3A_1974 = arith.cmpi slt, %rem3A_1970, %lt3A_1973 : i32
        %lt3A_1975 = arith.constant 0 : i32
        %lt3A_1976 = arith.cmpi slt, %select_n3A_1969, %lt3A_1975 : i32
        %ne3A_1977 = arith.xori %lt3A_1974, %lt3A_1976 : i1
        %and3A_1978 = arith.andi %ne3A_1977, %ne3A_1972 : i1
        %add3A_1979 = arith.addi %rem3A_1970, %select_n3A_1969 : i32
        %select_n3A_1980 = arith.select %and3A_1978, %add3A_1979, %rem3A_1970 : i32
        %jit3A_1981 = arith.constant 2 : i32
        %eq3A_1982 = arith.constant 0 : i32
        %eq3A_1983 = arith.cmpi eq, %jit3A_1981, %eq3A_1982 : i32
        %jit3A_1984 = arith.constant 1 : i32
        %select_n3A_1985 = arith.select %eq3A_1983, %jit3A_1984, %jit3A_1981 : i32
        %rem3A_1986 = arith.remsi %scan3A_589, %select_n3A_1985 : i32
        %ne3A_1987 = arith.constant 0 : i32
        %ne3A_1988 = arith.cmpi ne, %rem3A_1986, %ne3A_1987 : i32
        %lt3A_1989 = arith.constant 0 : i32
        %lt3A_1990 = arith.cmpi slt, %rem3A_1986, %lt3A_1989 : i32
        %lt3A_1991 = arith.constant 0 : i32
        %lt3A_1992 = arith.cmpi slt, %select_n3A_1985, %lt3A_1991 : i32
        %ne3A_1993 = arith.xori %lt3A_1990, %lt3A_1992 : i1
        %and3A_1994 = arith.andi %ne3A_1993, %ne3A_1988 : i1
        %add3A_1995 = arith.addi %rem3A_1986, %select_n3A_1985 : i32
        %select_n3A_1996 = arith.select %and3A_1994, %add3A_1995, %rem3A_1986 : i32
        %dma_start3A_1997 = arith.constant 29 : i32
        %dma_start3A_1998 = arith.constant 29 : i32
        %dma_start3A_1999 = arith.constant 0 : i32
        %dma_start3A_2000 = tpu.memref_slice %arg6[%select_n3A_1996, %dma_start3A_1998, %dma_start3A_1999] : memref<2x32x128xf32, #tpu.memory_space<vmem>> -> memref<1x1x128xf32, #tpu.memory_space<vmem>>
        %dma_start3A_2001 = tpu.memref_squeeze %dma_start3A_2000 : memref<1x1x128xf32, #tpu.memory_space<vmem>> -> memref<128xf32, #tpu.memory_space<vmem>>
        %dma_start3A_2002 = arith.constant 0 : i32
        %dma_start3A_2003 = tpu.memref_slice %arg5[%select_n3A_1980, %dma_start3A_1997, %dma_start3A_2002] : memref<2x32x128xi32, #tpu.memory_space<vmem>> -> memref<1x1x128xi32, #tpu.memory_space<vmem>>
        %dma_start3A_2004 = tpu.memref_squeeze %dma_start3A_2003 : memref<1x1x128xi32, #tpu.memory_space<vmem>> -> memref<128xi32, #tpu.memory_space<vmem>>
        %dma_start3A_2005 = arith.constant 0 : i32
        %dma_start3A_2006 = tpu.memref_slice %arg3[%add3A_659, %dma_start3A_2005] : memref<640x100000xf32, #tpu.memory_space<hbm>> -> memref<1x100000xf32, #tpu.memory_space<hbm>>
        %dma_start3A_2007 = tpu.memref_squeeze %dma_start3A_2006 : memref<1x100000xf32, #tpu.memory_space<hbm>> -> memref<100000xf32, #tpu.memory_space<hbm>>
        %dma_start3A_2008 = arith.constant 0 : i32
        %dma_start3A_2009 = tpu.memref_slice %dma_start3A_2007[%dma_start3A_2008] : memref<100000xf32, #tpu.memory_space<hbm>> -> memref<100000xf32, #tpu.memory_space<hbm>>
        tpu.enqueue_indirect_dma source(%dma_start3A_2009 : memref<100000xf32, #tpu.memory_space<hbm>>) target(%dma_start3A_2001 : memref<128xf32, #tpu.memory_space<vmem>>) offsets(%dma_start3A_2004 : memref<128xi32, #tpu.memory_space<vmem>>) semaphore(%arg8 : memref<!tpu.dma_semaphore, #tpu.memory_space<semaphore_mem>>)
        %jit3A_2010 = arith.constant 2 : i32
        %eq3A_2011 = arith.constant 0 : i32
        %eq3A_2012 = arith.cmpi eq, %jit3A_2010, %eq3A_2011 : i32
        %jit3A_2013 = arith.constant 1 : i32
        %select_n3A_2014 = arith.select %eq3A_2012, %jit3A_2013, %jit3A_2010 : i32
        %rem3A_2015 = arith.remsi %scan3A_589, %select_n3A_2014 : i32
        %ne3A_2016 = arith.constant 0 : i32
        %ne3A_2017 = arith.cmpi ne, %rem3A_2015, %ne3A_2016 : i32
        %lt3A_2018 = arith.constant 0 : i32
        %lt3A_2019 = arith.cmpi slt, %rem3A_2015, %lt3A_2018 : i32
        %lt3A_2020 = arith.constant 0 : i32
        %lt3A_2021 = arith.cmpi slt, %select_n3A_2014, %lt3A_2020 : i32
        %ne3A_2022 = arith.xori %lt3A_2019, %lt3A_2021 : i1
        %and3A_2023 = arith.andi %ne3A_2022, %ne3A_2017 : i1
        %add3A_2024 = arith.addi %rem3A_2015, %select_n3A_2014 : i32
        %select_n3A_2025 = arith.select %and3A_2023, %add3A_2024, %rem3A_2015 : i32
        %jit3A_2026 = arith.constant 2 : i32
        %eq3A_2027 = arith.constant 0 : i32
        %eq3A_2028 = arith.cmpi eq, %jit3A_2026, %eq3A_2027 : i32
        %jit3A_2029 = arith.constant 1 : i32
        %select_n3A_2030 = arith.select %eq3A_2028, %jit3A_2029, %jit3A_2026 : i32
        %rem3A_2031 = arith.remsi %scan3A_589, %select_n3A_2030 : i32
        %ne3A_2032 = arith.constant 0 : i32
        %ne3A_2033 = arith.cmpi ne, %rem3A_2031, %ne3A_2032 : i32
        %lt3A_2034 = arith.constant 0 : i32
        %lt3A_2035 = arith.cmpi slt, %rem3A_2031, %lt3A_2034 : i32
        %lt3A_2036 = arith.constant 0 : i32
        %lt3A_2037 = arith.cmpi slt, %select_n3A_2030, %lt3A_2036 : i32
        %ne3A_2038 = arith.xori %lt3A_2035, %lt3A_2037 : i1
        %and3A_2039 = arith.andi %ne3A_2038, %ne3A_2033 : i1
        %add3A_2040 = arith.addi %rem3A_2031, %select_n3A_2030 : i32
        %select_n3A_2041 = arith.select %and3A_2039, %add3A_2040, %rem3A_2031 : i32
        %dma_start3A_2042 = arith.constant 30 : i32
        %dma_start3A_2043 = arith.constant 30 : i32
        %dma_start3A_2044 = arith.constant 0 : i32
        %dma_start3A_2045 = tpu.memref_slice %arg6[%select_n3A_2041, %dma_start3A_2043, %dma_start3A_2044] : memref<2x32x128xf32, #tpu.memory_space<vmem>> -> memref<1x1x128xf32, #tpu.memory_space<vmem>>
        %dma_start3A_2046 = tpu.memref_squeeze %dma_start3A_2045 : memref<1x1x128xf32, #tpu.memory_space<vmem>> -> memref<128xf32, #tpu.memory_space<vmem>>
        %dma_start3A_2047 = arith.constant 0 : i32
        %dma_start3A_2048 = tpu.memref_slice %arg5[%select_n3A_2025, %dma_start3A_2042, %dma_start3A_2047] : memref<2x32x128xi32, #tpu.memory_space<vmem>> -> memref<1x1x128xi32, #tpu.memory_space<vmem>>
        %dma_start3A_2049 = tpu.memref_squeeze %dma_start3A_2048 : memref<1x1x128xi32, #tpu.memory_space<vmem>> -> memref<128xi32, #tpu.memory_space<vmem>>
        %dma_start3A_2050 = arith.constant 0 : i32
        %dma_start3A_2051 = tpu.memref_slice %arg3[%add3A_659, %dma_start3A_2050] : memref<640x100000xf32, #tpu.memory_space<hbm>> -> memref<1x100000xf32, #tpu.memory_space<hbm>>
        %dma_start3A_2052 = tpu.memref_squeeze %dma_start3A_2051 : memref<1x100000xf32, #tpu.memory_space<hbm>> -> memref<100000xf32, #tpu.memory_space<hbm>>
        %dma_start3A_2053 = arith.constant 0 : i32
        %dma_start3A_2054 = tpu.memref_slice %dma_start3A_2052[%dma_start3A_2053] : memref<100000xf32, #tpu.memory_space<hbm>> -> memref<100000xf32, #tpu.memory_space<hbm>>
        tpu.enqueue_indirect_dma source(%dma_start3A_2054 : memref<100000xf32, #tpu.memory_space<hbm>>) target(%dma_start3A_2046 : memref<128xf32, #tpu.memory_space<vmem>>) offsets(%dma_start3A_2049 : memref<128xi32, #tpu.memory_space<vmem>>) semaphore(%arg8 : memref<!tpu.dma_semaphore, #tpu.memory_space<semaphore_mem>>)
        %jit3A_2055 = arith.constant 2 : i32
        %eq3A_2056 = arith.constant 0 : i32
        %eq3A_2057 = arith.cmpi eq, %jit3A_2055, %eq3A_2056 : i32
        %jit3A_2058 = arith.constant 1 : i32
        %select_n3A_2059 = arith.select %eq3A_2057, %jit3A_2058, %jit3A_2055 : i32
        %rem3A_2060 = arith.remsi %scan3A_589, %select_n3A_2059 : i32
        %ne3A_2061 = arith.constant 0 : i32
        %ne3A_2062 = arith.cmpi ne, %rem3A_2060, %ne3A_2061 : i32
        %lt3A_2063 = arith.constant 0 : i32
        %lt3A_2064 = arith.cmpi slt, %rem3A_2060, %lt3A_2063 : i32
        %lt3A_2065 = arith.constant 0 : i32
        %lt3A_2066 = arith.cmpi slt, %select_n3A_2059, %lt3A_2065 : i32
        %ne3A_2067 = arith.xori %lt3A_2064, %lt3A_2066 : i1
        %and3A_2068 = arith.andi %ne3A_2067, %ne3A_2062 : i1
        %add3A_2069 = arith.addi %rem3A_2060, %select_n3A_2059 : i32
        %select_n3A_2070 = arith.select %and3A_2068, %add3A_2069, %rem3A_2060 : i32
        %jit3A_2071 = arith.constant 2 : i32
        %eq3A_2072 = arith.constant 0 : i32
        %eq3A_2073 = arith.cmpi eq, %jit3A_2071, %eq3A_2072 : i32
        %jit3A_2074 = arith.constant 1 : i32
        %select_n3A_2075 = arith.select %eq3A_2073, %jit3A_2074, %jit3A_2071 : i32
        %rem3A_2076 = arith.remsi %scan3A_589, %select_n3A_2075 : i32
        %ne3A_2077 = arith.constant 0 : i32
        %ne3A_2078 = arith.cmpi ne, %rem3A_2076, %ne3A_2077 : i32
        %lt3A_2079 = arith.constant 0 : i32
        %lt3A_2080 = arith.cmpi slt, %rem3A_2076, %lt3A_2079 : i32
        %lt3A_2081 = arith.constant 0 : i32
        %lt3A_2082 = arith.cmpi slt, %select_n3A_2075, %lt3A_2081 : i32
        %ne3A_2083 = arith.xori %lt3A_2080, %lt3A_2082 : i1
        %and3A_2084 = arith.andi %ne3A_2083, %ne3A_2078 : i1
        %add3A_2085 = arith.addi %rem3A_2076, %select_n3A_2075 : i32
        %select_n3A_2086 = arith.select %and3A_2084, %add3A_2085, %rem3A_2076 : i32
        %dma_start3A_2087 = arith.constant 31 : i32
        %dma_start3A_2088 = arith.constant 31 : i32
        %dma_start3A_2089 = arith.constant 0 : i32
        %dma_start3A_2090 = tpu.memref_slice %arg6[%select_n3A_2086, %dma_start3A_2088, %dma_start3A_2089] : memref<2x32x128xf32, #tpu.memory_space<vmem>> -> memref<1x1x128xf32, #tpu.memory_space<vmem>>
        %dma_start3A_2091 = tpu.memref_squeeze %dma_start3A_2090 : memref<1x1x128xf32, #tpu.memory_space<vmem>> -> memref<128xf32, #tpu.memory_space<vmem>>
        %dma_start3A_2092 = arith.constant 0 : i32
        %dma_start3A_2093 = tpu.memref_slice %arg5[%select_n3A_2070, %dma_start3A_2087, %dma_start3A_2092] : memref<2x32x128xi32, #tpu.memory_space<vmem>> -> memref<1x1x128xi32, #tpu.memory_space<vmem>>
        %dma_start3A_2094 = tpu.memref_squeeze %dma_start3A_2093 : memref<1x1x128xi32, #tpu.memory_space<vmem>> -> memref<128xi32, #tpu.memory_space<vmem>>
        %dma_start3A_2095 = arith.constant 0 : i32
        %dma_start3A_2096 = tpu.memref_slice %arg3[%add3A_659, %dma_start3A_2095] : memref<640x100000xf32, #tpu.memory_space<hbm>> -> memref<1x100000xf32, #tpu.memory_space<hbm>>
        %dma_start3A_2097 = tpu.memref_squeeze %dma_start3A_2096 : memref<1x100000xf32, #tpu.memory_space<hbm>> -> memref<100000xf32, #tpu.memory_space<hbm>>
        %dma_start3A_2098 = arith.constant 0 : i32
        %dma_start3A_2099 = tpu.memref_slice %dma_start3A_2097[%dma_start3A_2098] : memref<100000xf32, #tpu.memory_space<hbm>> -> memref<100000xf32, #tpu.memory_space<hbm>>
        tpu.enqueue_indirect_dma source(%dma_start3A_2099 : memref<100000xf32, #tpu.memory_space<hbm>>) target(%dma_start3A_2091 : memref<128xf32, #tpu.memory_space<vmem>>) offsets(%dma_start3A_2094 : memref<128xi32, #tpu.memory_space<vmem>>) semaphore(%arg8 : memref<!tpu.dma_semaphore, #tpu.memory_space<semaphore_mem>>)
      } else {
      }
      %jit3A_636 = arith.constant 2 : i32
      %eq3A_637 = arith.constant 0 : i32
      %eq3A_638 = arith.cmpi eq, %jit3A_636, %eq3A_637 : i32
      %jit3A_639 = arith.constant 1 : i32
      %select_n3A_640 = arith.select %eq3A_638, %jit3A_639, %jit3A_636 : i32
      %rem3A_641 = arith.remsi %scan3A_589, %select_n3A_640 : i32
      %ne3A_642 = arith.constant 0 : i32
      %ne3A_643 = arith.cmpi ne, %rem3A_641, %ne3A_642 : i32
      %lt3A_644 = arith.constant 0 : i32
      %lt3A_645 = arith.cmpi slt, %rem3A_641, %lt3A_644 : i32
      %lt3A_646 = arith.constant 0 : i32
      %lt3A_647 = arith.cmpi slt, %select_n3A_640, %lt3A_646 : i32
      %ne3A_648 = arith.xori %lt3A_645, %lt3A_647 : i1
      %and3A_649 = arith.andi %ne3A_648, %ne3A_643 : i1
      %add3A_650 = arith.addi %rem3A_641, %select_n3A_640 : i32
      %select_n3A_651 = arith.select %and3A_649, %add3A_650, %rem3A_641 : i32
      %eq3A_652 = arith.constant 1 : i32
      %eq3A_653 = arith.cmpi eq, %select_n3A_651, %eq3A_652 : i32
      %convert_element_type3A_654 = arith.extui %eq3A_653 : i1 to i32
      %cond3A_655 = arith.constant 0 : i32
      %cond3A_656 = arith.cmpi ne, %convert_element_type3A_654, %cond3A_655 : i32
      scf.if %cond3A_656 {
        %mul3A_657 = arith.constant 32 : i32
        %mul3A_658 = arith.muli %scan3A_589, %mul3A_657 : i32
        %add3A_659 = arith.addi %mul3A_658, %add3A : i32
        %jit3A_660 = arith.constant 2 : i32
        %eq3A_661 = arith.constant 0 : i32
        %eq3A_662 = arith.cmpi eq, %jit3A_660, %eq3A_661 : i32
        %jit3A_663 = arith.constant 1 : i32
        %select_n3A_664 = arith.select %eq3A_662, %jit3A_663, %jit3A_660 : i32
        %rem3A_665 = arith.remsi %scan3A_589, %select_n3A_664 : i32
        %ne3A_666 = arith.constant 0 : i32
        %ne3A_667 = arith.cmpi ne, %rem3A_665, %ne3A_666 : i32
        %lt3A_668 = arith.constant 0 : i32
        %lt3A_669 = arith.cmpi slt, %rem3A_665, %lt3A_668 : i32
        %lt3A_670 = arith.constant 0 : i32
        %lt3A_671 = arith.cmpi slt, %select_n3A_664, %lt3A_670 : i32
        %ne3A_672 = arith.xori %lt3A_669, %lt3A_671 : i1
        %and3A_673 = arith.andi %ne3A_672, %ne3A_667 : i1
        %add3A_674 = arith.addi %rem3A_665, %select_n3A_664 : i32
        %select_n3A_675 = arith.select %and3A_673, %add3A_674, %rem3A_665 : i32
        %jit3A_676 = arith.constant 2 : i32
        %eq3A_677 = arith.constant 0 : i32
        %eq3A_678 = arith.cmpi eq, %jit3A_676, %eq3A_677 : i32
        %jit3A_679 = arith.constant 1 : i32
        %select_n3A_680 = arith.select %eq3A_678, %jit3A_679, %jit3A_676 : i32
        %rem3A_681 = arith.remsi %scan3A_589, %select_n3A_680 : i32
        %ne3A_682 = arith.constant 0 : i32
        %ne3A_683 = arith.cmpi ne, %rem3A_681, %ne3A_682 : i32
        %lt3A_684 = arith.constant 0 : i32
        %lt3A_685 = arith.cmpi slt, %rem3A_681, %lt3A_684 : i32
        %lt3A_686 = arith.constant 0 : i32
        %lt3A_687 = arith.cmpi slt, %select_n3A_680, %lt3A_686 : i32
        %ne3A_688 = arith.xori %lt3A_685, %lt3A_687 : i1
        %and3A_689 = arith.andi %ne3A_688, %ne3A_683 : i1
        %add3A_690 = arith.addi %rem3A_681, %select_n3A_680 : i32
        %select_n3A_691 = arith.select %and3A_689, %add3A_690, %rem3A_681 : i32
        %dma_start3A_692 = arith.constant 0 : i32
        %dma_start3A_693 = arith.constant 0 : i32
        %dma_start3A_694 = arith.constant 0 : i32
        %dma_start3A_695 = tpu.memref_slice %arg6[%select_n3A_691, %dma_start3A_693, %dma_start3A_694] : memref<2x32x128xf32, #tpu.memory_space<vmem>> -> memref<1x1x128xf32, #tpu.memory_space<vmem>>
        %dma_start3A_696 = tpu.memref_squeeze %dma_start3A_695 : memref<1x1x128xf32, #tpu.memory_space<vmem>> -> memref<128xf32, #tpu.memory_space<vmem>>
        %dma_start3A_697 = arith.constant 0 : i32
        %dma_start3A_698 = tpu.memref_slice %arg5[%select_n3A_675, %dma_start3A_692, %dma_start3A_697] : memref<2x32x128xi32, #tpu.memory_space<vmem>> -> memref<1x1x128xi32, #tpu.memory_space<vmem>>
        %dma_start3A_699 = tpu.memref_squeeze %dma_start3A_698 : memref<1x1x128xi32, #tpu.memory_space<vmem>> -> memref<128xi32, #tpu.memory_space<vmem>>
        %dma_start3A_700 = arith.constant 0 : i32
        %dma_start3A_701 = tpu.memref_slice %arg3[%add3A_659, %dma_start3A_700] : memref<640x100000xf32, #tpu.memory_space<hbm>> -> memref<1x100000xf32, #tpu.memory_space<hbm>>
        %dma_start3A_702 = tpu.memref_squeeze %dma_start3A_701 : memref<1x100000xf32, #tpu.memory_space<hbm>> -> memref<100000xf32, #tpu.memory_space<hbm>>
        %dma_start3A_703 = arith.constant 0 : i32
        %dma_start3A_704 = tpu.memref_slice %dma_start3A_702[%dma_start3A_703] : memref<100000xf32, #tpu.memory_space<hbm>> -> memref<100000xf32, #tpu.memory_space<hbm>>
        tpu.enqueue_indirect_dma source(%dma_start3A_704 : memref<100000xf32, #tpu.memory_space<hbm>>) target(%dma_start3A_696 : memref<128xf32, #tpu.memory_space<vmem>>) offsets(%dma_start3A_699 : memref<128xi32, #tpu.memory_space<vmem>>) semaphore(%arg9 : memref<!tpu.dma_semaphore, #tpu.memory_space<semaphore_mem>>)
        %jit3A_705 = arith.constant 2 : i32
        %eq3A_706 = arith.constant 0 : i32
        %eq3A_707 = arith.cmpi eq, %jit3A_705, %eq3A_706 : i32
        %jit3A_708 = arith.constant 1 : i32
        %select_n3A_709 = arith.select %eq3A_707, %jit3A_708, %jit3A_705 : i32
        %rem3A_710 = arith.remsi %scan3A_589, %select_n3A_709 : i32
        %ne3A_711 = arith.constant 0 : i32
        %ne3A_712 = arith.cmpi ne, %rem3A_710, %ne3A_711 : i32
        %lt3A_713 = arith.constant 0 : i32
        %lt3A_714 = arith.cmpi slt, %rem3A_710, %lt3A_713 : i32
        %lt3A_715 = arith.constant 0 : i32
        %lt3A_716 = arith.cmpi slt, %select_n3A_709, %lt3A_715 : i32
        %ne3A_717 = arith.xori %lt3A_714, %lt3A_716 : i1
        %and3A_718 = arith.andi %ne3A_717, %ne3A_712 : i1
        %add3A_719 = arith.addi %rem3A_710, %select_n3A_709 : i32
        %select_n3A_720 = arith.select %and3A_718, %add3A_719, %rem3A_710 : i32
        %jit3A_721 = arith.constant 2 : i32
        %eq3A_722 = arith.constant 0 : i32
        %eq3A_723 = arith.cmpi eq, %jit3A_721, %eq3A_722 : i32
        %jit3A_724 = arith.constant 1 : i32
        %select_n3A_725 = arith.select %eq3A_723, %jit3A_724, %jit3A_721 : i32
        %rem3A_726 = arith.remsi %scan3A_589, %select_n3A_725 : i32
        %ne3A_727 = arith.constant 0 : i32
        %ne3A_728 = arith.cmpi ne, %rem3A_726, %ne3A_727 : i32
        %lt3A_729 = arith.constant 0 : i32
        %lt3A_730 = arith.cmpi slt, %rem3A_726, %lt3A_729 : i32
        %lt3A_731 = arith.constant 0 : i32
        %lt3A_732 = arith.cmpi slt, %select_n3A_725, %lt3A_731 : i32
        %ne3A_733 = arith.xori %lt3A_730, %lt3A_732 : i1
        %and3A_734 = arith.andi %ne3A_733, %ne3A_728 : i1
        %add3A_735 = arith.addi %rem3A_726, %select_n3A_725 : i32
        %select_n3A_736 = arith.select %and3A_734, %add3A_735, %rem3A_726 : i32
        %dma_start3A_737 = arith.constant 1 : i32
        %dma_start3A_738 = arith.constant 1 : i32
        %dma_start3A_739 = arith.constant 0 : i32
        %dma_start3A_740 = tpu.memref_slice %arg6[%select_n3A_736, %dma_start3A_738, %dma_start3A_739] : memref<2x32x128xf32, #tpu.memory_space<vmem>> -> memref<1x1x128xf32, #tpu.memory_space<vmem>>
        %dma_start3A_741 = tpu.memref_squeeze %dma_start3A_740 : memref<1x1x128xf32, #tpu.memory_space<vmem>> -> memref<128xf32, #tpu.memory_space<vmem>>
        %dma_start3A_742 = arith.constant 0 : i32
        %dma_start3A_743 = tpu.memref_slice %arg5[%select_n3A_720, %dma_start3A_737, %dma_start3A_742] : memref<2x32x128xi32, #tpu.memory_space<vmem>> -> memref<1x1x128xi32, #tpu.memory_space<vmem>>
        %dma_start3A_744 = tpu.memref_squeeze %dma_start3A_743 : memref<1x1x128xi32, #tpu.memory_space<vmem>> -> memref<128xi32, #tpu.memory_space<vmem>>
        %dma_start3A_745 = arith.constant 0 : i32
        %dma_start3A_746 = tpu.memref_slice %arg3[%add3A_659, %dma_start3A_745] : memref<640x100000xf32, #tpu.memory_space<hbm>> -> memref<1x100000xf32, #tpu.memory_space<hbm>>
        %dma_start3A_747 = tpu.memref_squeeze %dma_start3A_746 : memref<1x100000xf32, #tpu.memory_space<hbm>> -> memref<100000xf32, #tpu.memory_space<hbm>>
        %dma_start3A_748 = arith.constant 0 : i32
        %dma_start3A_749 = tpu.memref_slice %dma_start3A_747[%dma_start3A_748] : memref<100000xf32, #tpu.memory_space<hbm>> -> memref<100000xf32, #tpu.memory_space<hbm>>
        tpu.enqueue_indirect_dma source(%dma_start3A_749 : memref<100000xf32, #tpu.memory_space<hbm>>) target(%dma_start3A_741 : memref<128xf32, #tpu.memory_space<vmem>>) offsets(%dma_start3A_744 : memref<128xi32, #tpu.memory_space<vmem>>) semaphore(%arg9 : memref<!tpu.dma_semaphore, #tpu.memory_space<semaphore_mem>>)
        %jit3A_750 = arith.constant 2 : i32
        %eq3A_751 = arith.constant 0 : i32
        %eq3A_752 = arith.cmpi eq, %jit3A_750, %eq3A_751 : i32
        %jit3A_753 = arith.constant 1 : i32
        %select_n3A_754 = arith.select %eq3A_752, %jit3A_753, %jit3A_750 : i32
        %rem3A_755 = arith.remsi %scan3A_589, %select_n3A_754 : i32
        %ne3A_756 = arith.constant 0 : i32
        %ne3A_757 = arith.cmpi ne, %rem3A_755, %ne3A_756 : i32
        %lt3A_758 = arith.constant 0 : i32
        %lt3A_759 = arith.cmpi slt, %rem3A_755, %lt3A_758 : i32
        %lt3A_760 = arith.constant 0 : i32
        %lt3A_761 = arith.cmpi slt, %select_n3A_754, %lt3A_760 : i32
        %ne3A_762 = arith.xori %lt3A_759, %lt3A_761 : i1
        %and3A_763 = arith.andi %ne3A_762, %ne3A_757 : i1
        %add3A_764 = arith.addi %rem3A_755, %select_n3A_754 : i32
        %select_n3A_765 = arith.select %and3A_763, %add3A_764, %rem3A_755 : i32
        %jit3A_766 = arith.constant 2 : i32
        %eq3A_767 = arith.constant 0 : i32
        %eq3A_768 = arith.cmpi eq, %jit3A_766, %eq3A_767 : i32
        %jit3A_769 = arith.constant 1 : i32
        %select_n3A_770 = arith.select %eq3A_768, %jit3A_769, %jit3A_766 : i32
        %rem3A_771 = arith.remsi %scan3A_589, %select_n3A_770 : i32
        %ne3A_772 = arith.constant 0 : i32
        %ne3A_773 = arith.cmpi ne, %rem3A_771, %ne3A_772 : i32
        %lt3A_774 = arith.constant 0 : i32
        %lt3A_775 = arith.cmpi slt, %rem3A_771, %lt3A_774 : i32
        %lt3A_776 = arith.constant 0 : i32
        %lt3A_777 = arith.cmpi slt, %select_n3A_770, %lt3A_776 : i32
        %ne3A_778 = arith.xori %lt3A_775, %lt3A_777 : i1
        %and3A_779 = arith.andi %ne3A_778, %ne3A_773 : i1
        %add3A_780 = arith.addi %rem3A_771, %select_n3A_770 : i32
        %select_n3A_781 = arith.select %and3A_779, %add3A_780, %rem3A_771 : i32
        %dma_start3A_782 = arith.constant 2 : i32
        %dma_start3A_783 = arith.constant 2 : i32
        %dma_start3A_784 = arith.constant 0 : i32
        %dma_start3A_785 = tpu.memref_slice %arg6[%select_n3A_781, %dma_start3A_783, %dma_start3A_784] : memref<2x32x128xf32, #tpu.memory_space<vmem>> -> memref<1x1x128xf32, #tpu.memory_space<vmem>>
        %dma_start3A_786 = tpu.memref_squeeze %dma_start3A_785 : memref<1x1x128xf32, #tpu.memory_space<vmem>> -> memref<128xf32, #tpu.memory_space<vmem>>
        %dma_start3A_787 = arith.constant 0 : i32
        %dma_start3A_788 = tpu.memref_slice %arg5[%select_n3A_765, %dma_start3A_782, %dma_start3A_787] : memref<2x32x128xi32, #tpu.memory_space<vmem>> -> memref<1x1x128xi32, #tpu.memory_space<vmem>>
        %dma_start3A_789 = tpu.memref_squeeze %dma_start3A_788 : memref<1x1x128xi32, #tpu.memory_space<vmem>> -> memref<128xi32, #tpu.memory_space<vmem>>
        %dma_start3A_790 = arith.constant 0 : i32
        %dma_start3A_791 = tpu.memref_slice %arg3[%add3A_659, %dma_start3A_790] : memref<640x100000xf32, #tpu.memory_space<hbm>> -> memref<1x100000xf32, #tpu.memory_space<hbm>>
        %dma_start3A_792 = tpu.memref_squeeze %dma_start3A_791 : memref<1x100000xf32, #tpu.memory_space<hbm>> -> memref<100000xf32, #tpu.memory_space<hbm>>
        %dma_start3A_793 = arith.constant 0 : i32
        %dma_start3A_794 = tpu.memref_slice %dma_start3A_792[%dma_start3A_793] : memref<100000xf32, #tpu.memory_space<hbm>> -> memref<100000xf32, #tpu.memory_space<hbm>>
        tpu.enqueue_indirect_dma source(%dma_start3A_794 : memref<100000xf32, #tpu.memory_space<hbm>>) target(%dma_start3A_786 : memref<128xf32, #tpu.memory_space<vmem>>) offsets(%dma_start3A_789 : memref<128xi32, #tpu.memory_space<vmem>>) semaphore(%arg9 : memref<!tpu.dma_semaphore, #tpu.memory_space<semaphore_mem>>)
        %jit3A_795 = arith.constant 2 : i32
        %eq3A_796 = arith.constant 0 : i32
        %eq3A_797 = arith.cmpi eq, %jit3A_795, %eq3A_796 : i32
        %jit3A_798 = arith.constant 1 : i32
        %select_n3A_799 = arith.select %eq3A_797, %jit3A_798, %jit3A_795 : i32
        %rem3A_800 = arith.remsi %scan3A_589, %select_n3A_799 : i32
        %ne3A_801 = arith.constant 0 : i32
        %ne3A_802 = arith.cmpi ne, %rem3A_800, %ne3A_801 : i32
        %lt3A_803 = arith.constant 0 : i32
        %lt3A_804 = arith.cmpi slt, %rem3A_800, %lt3A_803 : i32
        %lt3A_805 = arith.constant 0 : i32
        %lt3A_806 = arith.cmpi slt, %select_n3A_799, %lt3A_805 : i32
        %ne3A_807 = arith.xori %lt3A_804, %lt3A_806 : i1
        %and3A_808 = arith.andi %ne3A_807, %ne3A_802 : i1
        %add3A_809 = arith.addi %rem3A_800, %select_n3A_799 : i32
        %select_n3A_810 = arith.select %and3A_808, %add3A_809, %rem3A_800 : i32
        %jit3A_811 = arith.constant 2 : i32
        %eq3A_812 = arith.constant 0 : i32
        %eq3A_813 = arith.cmpi eq, %jit3A_811, %eq3A_812 : i32
        %jit3A_814 = arith.constant 1 : i32
        %select_n3A_815 = arith.select %eq3A_813, %jit3A_814, %jit3A_811 : i32
        %rem3A_816 = arith.remsi %scan3A_589, %select_n3A_815 : i32
        %ne3A_817 = arith.constant 0 : i32
        %ne3A_818 = arith.cmpi ne, %rem3A_816, %ne3A_817 : i32
        %lt3A_819 = arith.constant 0 : i32
        %lt3A_820 = arith.cmpi slt, %rem3A_816, %lt3A_819 : i32
        %lt3A_821 = arith.constant 0 : i32
        %lt3A_822 = arith.cmpi slt, %select_n3A_815, %lt3A_821 : i32
        %ne3A_823 = arith.xori %lt3A_820, %lt3A_822 : i1
        %and3A_824 = arith.andi %ne3A_823, %ne3A_818 : i1
        %add3A_825 = arith.addi %rem3A_816, %select_n3A_815 : i32
        %select_n3A_826 = arith.select %and3A_824, %add3A_825, %rem3A_816 : i32
        %dma_start3A_827 = arith.constant 3 : i32
        %dma_start3A_828 = arith.constant 3 : i32
        %dma_start3A_829 = arith.constant 0 : i32
        %dma_start3A_830 = tpu.memref_slice %arg6[%select_n3A_826, %dma_start3A_828, %dma_start3A_829] : memref<2x32x128xf32, #tpu.memory_space<vmem>> -> memref<1x1x128xf32, #tpu.memory_space<vmem>>
        %dma_start3A_831 = tpu.memref_squeeze %dma_start3A_830 : memref<1x1x128xf32, #tpu.memory_space<vmem>> -> memref<128xf32, #tpu.memory_space<vmem>>
        %dma_start3A_832 = arith.constant 0 : i32
        %dma_start3A_833 = tpu.memref_slice %arg5[%select_n3A_810, %dma_start3A_827, %dma_start3A_832] : memref<2x32x128xi32, #tpu.memory_space<vmem>> -> memref<1x1x128xi32, #tpu.memory_space<vmem>>
        %dma_start3A_834 = tpu.memref_squeeze %dma_start3A_833 : memref<1x1x128xi32, #tpu.memory_space<vmem>> -> memref<128xi32, #tpu.memory_space<vmem>>
        %dma_start3A_835 = arith.constant 0 : i32
        %dma_start3A_836 = tpu.memref_slice %arg3[%add3A_659, %dma_start3A_835] : memref<640x100000xf32, #tpu.memory_space<hbm>> -> memref<1x100000xf32, #tpu.memory_space<hbm>>
        %dma_start3A_837 = tpu.memref_squeeze %dma_start3A_836 : memref<1x100000xf32, #tpu.memory_space<hbm>> -> memref<100000xf32, #tpu.memory_space<hbm>>
        %dma_start3A_838 = arith.constant 0 : i32
        %dma_start3A_839 = tpu.memref_slice %dma_start3A_837[%dma_start3A_838] : memref<100000xf32, #tpu.memory_space<hbm>> -> memref<100000xf32, #tpu.memory_space<hbm>>
        tpu.enqueue_indirect_dma source(%dma_start3A_839 : memref<100000xf32, #tpu.memory_space<hbm>>) target(%dma_start3A_831 : memref<128xf32, #tpu.memory_space<vmem>>) offsets(%dma_start3A_834 : memref<128xi32, #tpu.memory_space<vmem>>) semaphore(%arg9 : memref<!tpu.dma_semaphore, #tpu.memory_space<semaphore_mem>>)
        %jit3A_840 = arith.constant 2 : i32
        %eq3A_841 = arith.constant 0 : i32
        %eq3A_842 = arith.cmpi eq, %jit3A_840, %eq3A_841 : i32
        %jit3A_843 = arith.constant 1 : i32
        %select_n3A_844 = arith.select %eq3A_842, %jit3A_843, %jit3A_840 : i32
        %rem3A_845 = arith.remsi %scan3A_589, %select_n3A_844 : i32
        %ne3A_846 = arith.constant 0 : i32
        %ne3A_847 = arith.cmpi ne, %rem3A_845, %ne3A_846 : i32
        %lt3A_848 = arith.constant 0 : i32
        %lt3A_849 = arith.cmpi slt, %rem3A_845, %lt3A_848 : i32
        %lt3A_850 = arith.constant 0 : i32
        %lt3A_851 = arith.cmpi slt, %select_n3A_844, %lt3A_850 : i32
        %ne3A_852 = arith.xori %lt3A_849, %lt3A_851 : i1
        %and3A_853 = arith.andi %ne3A_852, %ne3A_847 : i1
        %add3A_854 = arith.addi %rem3A_845, %select_n3A_844 : i32
        %select_n3A_855 = arith.select %and3A_853, %add3A_854, %rem3A_845 : i32
        %jit3A_856 = arith.constant 2 : i32
        %eq3A_857 = arith.constant 0 : i32
        %eq3A_858 = arith.cmpi eq, %jit3A_856, %eq3A_857 : i32
        %jit3A_859 = arith.constant 1 : i32
        %select_n3A_860 = arith.select %eq3A_858, %jit3A_859, %jit3A_856 : i32
        %rem3A_861 = arith.remsi %scan3A_589, %select_n3A_860 : i32
        %ne3A_862 = arith.constant 0 : i32
        %ne3A_863 = arith.cmpi ne, %rem3A_861, %ne3A_862 : i32
        %lt3A_864 = arith.constant 0 : i32
        %lt3A_865 = arith.cmpi slt, %rem3A_861, %lt3A_864 : i32
        %lt3A_866 = arith.constant 0 : i32
        %lt3A_867 = arith.cmpi slt, %select_n3A_860, %lt3A_866 : i32
        %ne3A_868 = arith.xori %lt3A_865, %lt3A_867 : i1
        %and3A_869 = arith.andi %ne3A_868, %ne3A_863 : i1
        %add3A_870 = arith.addi %rem3A_861, %select_n3A_860 : i32
        %select_n3A_871 = arith.select %and3A_869, %add3A_870, %rem3A_861 : i32
        %dma_start3A_872 = arith.constant 4 : i32
        %dma_start3A_873 = arith.constant 4 : i32
        %dma_start3A_874 = arith.constant 0 : i32
        %dma_start3A_875 = tpu.memref_slice %arg6[%select_n3A_871, %dma_start3A_873, %dma_start3A_874] : memref<2x32x128xf32, #tpu.memory_space<vmem>> -> memref<1x1x128xf32, #tpu.memory_space<vmem>>
        %dma_start3A_876 = tpu.memref_squeeze %dma_start3A_875 : memref<1x1x128xf32, #tpu.memory_space<vmem>> -> memref<128xf32, #tpu.memory_space<vmem>>
        %dma_start3A_877 = arith.constant 0 : i32
        %dma_start3A_878 = tpu.memref_slice %arg5[%select_n3A_855, %dma_start3A_872, %dma_start3A_877] : memref<2x32x128xi32, #tpu.memory_space<vmem>> -> memref<1x1x128xi32, #tpu.memory_space<vmem>>
        %dma_start3A_879 = tpu.memref_squeeze %dma_start3A_878 : memref<1x1x128xi32, #tpu.memory_space<vmem>> -> memref<128xi32, #tpu.memory_space<vmem>>
        %dma_start3A_880 = arith.constant 0 : i32
        %dma_start3A_881 = tpu.memref_slice %arg3[%add3A_659, %dma_start3A_880] : memref<640x100000xf32, #tpu.memory_space<hbm>> -> memref<1x100000xf32, #tpu.memory_space<hbm>>
        %dma_start3A_882 = tpu.memref_squeeze %dma_start3A_881 : memref<1x100000xf32, #tpu.memory_space<hbm>> -> memref<100000xf32, #tpu.memory_space<hbm>>
        %dma_start3A_883 = arith.constant 0 : i32
        %dma_start3A_884 = tpu.memref_slice %dma_start3A_882[%dma_start3A_883] : memref<100000xf32, #tpu.memory_space<hbm>> -> memref<100000xf32, #tpu.memory_space<hbm>>
        tpu.enqueue_indirect_dma source(%dma_start3A_884 : memref<100000xf32, #tpu.memory_space<hbm>>) target(%dma_start3A_876 : memref<128xf32, #tpu.memory_space<vmem>>) offsets(%dma_start3A_879 : memref<128xi32, #tpu.memory_space<vmem>>) semaphore(%arg9 : memref<!tpu.dma_semaphore, #tpu.memory_space<semaphore_mem>>)
        %jit3A_885 = arith.constant 2 : i32
        %eq3A_886 = arith.constant 0 : i32
        %eq3A_887 = arith.cmpi eq, %jit3A_885, %eq3A_886 : i32
        %jit3A_888 = arith.constant 1 : i32
        %select_n3A_889 = arith.select %eq3A_887, %jit3A_888, %jit3A_885 : i32
        %rem3A_890 = arith.remsi %scan3A_589, %select_n3A_889 : i32
        %ne3A_891 = arith.constant 0 : i32
        %ne3A_892 = arith.cmpi ne, %rem3A_890, %ne3A_891 : i32
        %lt3A_893 = arith.constant 0 : i32
        %lt3A_894 = arith.cmpi slt, %rem3A_890, %lt3A_893 : i32
        %lt3A_895 = arith.constant 0 : i32
        %lt3A_896 = arith.cmpi slt, %select_n3A_889, %lt3A_895 : i32
        %ne3A_897 = arith.xori %lt3A_894, %lt3A_896 : i1
        %and3A_898 = arith.andi %ne3A_897, %ne3A_892 : i1
        %add3A_899 = arith.addi %rem3A_890, %select_n3A_889 : i32
        %select_n3A_900 = arith.select %and3A_898, %add3A_899, %rem3A_890 : i32
        %jit3A_901 = arith.constant 2 : i32
        %eq3A_902 = arith.constant 0 : i32
        %eq3A_903 = arith.cmpi eq, %jit3A_901, %eq3A_902 : i32
        %jit3A_904 = arith.constant 1 : i32
        %select_n3A_905 = arith.select %eq3A_903, %jit3A_904, %jit3A_901 : i32
        %rem3A_906 = arith.remsi %scan3A_589, %select_n3A_905 : i32
        %ne3A_907 = arith.constant 0 : i32
        %ne3A_908 = arith.cmpi ne, %rem3A_906, %ne3A_907 : i32
        %lt3A_909 = arith.constant 0 : i32
        %lt3A_910 = arith.cmpi slt, %rem3A_906, %lt3A_909 : i32
        %lt3A_911 = arith.constant 0 : i32
        %lt3A_912 = arith.cmpi slt, %select_n3A_905, %lt3A_911 : i32
        %ne3A_913 = arith.xori %lt3A_910, %lt3A_912 : i1
        %and3A_914 = arith.andi %ne3A_913, %ne3A_908 : i1
        %add3A_915 = arith.addi %rem3A_906, %select_n3A_905 : i32
        %select_n3A_916 = arith.select %and3A_914, %add3A_915, %rem3A_906 : i32
        %dma_start3A_917 = arith.constant 5 : i32
        %dma_start3A_918 = arith.constant 5 : i32
        %dma_start3A_919 = arith.constant 0 : i32
        %dma_start3A_920 = tpu.memref_slice %arg6[%select_n3A_916, %dma_start3A_918, %dma_start3A_919] : memref<2x32x128xf32, #tpu.memory_space<vmem>> -> memref<1x1x128xf32, #tpu.memory_space<vmem>>
        %dma_start3A_921 = tpu.memref_squeeze %dma_start3A_920 : memref<1x1x128xf32, #tpu.memory_space<vmem>> -> memref<128xf32, #tpu.memory_space<vmem>>
        %dma_start3A_922 = arith.constant 0 : i32
        %dma_start3A_923 = tpu.memref_slice %arg5[%select_n3A_900, %dma_start3A_917, %dma_start3A_922] : memref<2x32x128xi32, #tpu.memory_space<vmem>> -> memref<1x1x128xi32, #tpu.memory_space<vmem>>
        %dma_start3A_924 = tpu.memref_squeeze %dma_start3A_923 : memref<1x1x128xi32, #tpu.memory_space<vmem>> -> memref<128xi32, #tpu.memory_space<vmem>>
        %dma_start3A_925 = arith.constant 0 : i32
        %dma_start3A_926 = tpu.memref_slice %arg3[%add3A_659, %dma_start3A_925] : memref<640x100000xf32, #tpu.memory_space<hbm>> -> memref<1x100000xf32, #tpu.memory_space<hbm>>
        %dma_start3A_927 = tpu.memref_squeeze %dma_start3A_926 : memref<1x100000xf32, #tpu.memory_space<hbm>> -> memref<100000xf32, #tpu.memory_space<hbm>>
        %dma_start3A_928 = arith.constant 0 : i32
        %dma_start3A_929 = tpu.memref_slice %dma_start3A_927[%dma_start3A_928] : memref<100000xf32, #tpu.memory_space<hbm>> -> memref<100000xf32, #tpu.memory_space<hbm>>
        tpu.enqueue_indirect_dma source(%dma_start3A_929 : memref<100000xf32, #tpu.memory_space<hbm>>) target(%dma_start3A_921 : memref<128xf32, #tpu.memory_space<vmem>>) offsets(%dma_start3A_924 : memref<128xi32, #tpu.memory_space<vmem>>) semaphore(%arg9 : memref<!tpu.dma_semaphore, #tpu.memory_space<semaphore_mem>>)
        %jit3A_930 = arith.constant 2 : i32
        %eq3A_931 = arith.constant 0 : i32
        %eq3A_932 = arith.cmpi eq, %jit3A_930, %eq3A_931 : i32
        %jit3A_933 = arith.constant 1 : i32
        %select_n3A_934 = arith.select %eq3A_932, %jit3A_933, %jit3A_930 : i32
        %rem3A_935 = arith.remsi %scan3A_589, %select_n3A_934 : i32
        %ne3A_936 = arith.constant 0 : i32
        %ne3A_937 = arith.cmpi ne, %rem3A_935, %ne3A_936 : i32
        %lt3A_938 = arith.constant 0 : i32
        %lt3A_939 = arith.cmpi slt, %rem3A_935, %lt3A_938 : i32
        %lt3A_940 = arith.constant 0 : i32
        %lt3A_941 = arith.cmpi slt, %select_n3A_934, %lt3A_940 : i32
        %ne3A_942 = arith.xori %lt3A_939, %lt3A_941 : i1
        %and3A_943 = arith.andi %ne3A_942, %ne3A_937 : i1
        %add3A_944 = arith.addi %rem3A_935, %select_n3A_934 : i32
        %select_n3A_945 = arith.select %and3A_943, %add3A_944, %rem3A_935 : i32
        %jit3A_946 = arith.constant 2 : i32
        %eq3A_947 = arith.constant 0 : i32
        %eq3A_948 = arith.cmpi eq, %jit3A_946, %eq3A_947 : i32
        %jit3A_949 = arith.constant 1 : i32
        %select_n3A_950 = arith.select %eq3A_948, %jit3A_949, %jit3A_946 : i32
        %rem3A_951 = arith.remsi %scan3A_589, %select_n3A_950 : i32
        %ne3A_952 = arith.constant 0 : i32
        %ne3A_953 = arith.cmpi ne, %rem3A_951, %ne3A_952 : i32
        %lt3A_954 = arith.constant 0 : i32
        %lt3A_955 = arith.cmpi slt, %rem3A_951, %lt3A_954 : i32
        %lt3A_956 = arith.constant 0 : i32
        %lt3A_957 = arith.cmpi slt, %select_n3A_950, %lt3A_956 : i32
        %ne3A_958 = arith.xori %lt3A_955, %lt3A_957 : i1
        %and3A_959 = arith.andi %ne3A_958, %ne3A_953 : i1
        %add3A_960 = arith.addi %rem3A_951, %select_n3A_950 : i32
        %select_n3A_961 = arith.select %and3A_959, %add3A_960, %rem3A_951 : i32
        %dma_start3A_962 = arith.constant 6 : i32
        %dma_start3A_963 = arith.constant 6 : i32
        %dma_start3A_964 = arith.constant 0 : i32
        %dma_start3A_965 = tpu.memref_slice %arg6[%select_n3A_961, %dma_start3A_963, %dma_start3A_964] : memref<2x32x128xf32, #tpu.memory_space<vmem>> -> memref<1x1x128xf32, #tpu.memory_space<vmem>>
        %dma_start3A_966 = tpu.memref_squeeze %dma_start3A_965 : memref<1x1x128xf32, #tpu.memory_space<vmem>> -> memref<128xf32, #tpu.memory_space<vmem>>
        %dma_start3A_967 = arith.constant 0 : i32
        %dma_start3A_968 = tpu.memref_slice %arg5[%select_n3A_945, %dma_start3A_962, %dma_start3A_967] : memref<2x32x128xi32, #tpu.memory_space<vmem>> -> memref<1x1x128xi32, #tpu.memory_space<vmem>>
        %dma_start3A_969 = tpu.memref_squeeze %dma_start3A_968 : memref<1x1x128xi32, #tpu.memory_space<vmem>> -> memref<128xi32, #tpu.memory_space<vmem>>
        %dma_start3A_970 = arith.constant 0 : i32
        %dma_start3A_971 = tpu.memref_slice %arg3[%add3A_659, %dma_start3A_970] : memref<640x100000xf32, #tpu.memory_space<hbm>> -> memref<1x100000xf32, #tpu.memory_space<hbm>>
        %dma_start3A_972 = tpu.memref_squeeze %dma_start3A_971 : memref<1x100000xf32, #tpu.memory_space<hbm>> -> memref<100000xf32, #tpu.memory_space<hbm>>
        %dma_start3A_973 = arith.constant 0 : i32
        %dma_start3A_974 = tpu.memref_slice %dma_start3A_972[%dma_start3A_973] : memref<100000xf32, #tpu.memory_space<hbm>> -> memref<100000xf32, #tpu.memory_space<hbm>>
        tpu.enqueue_indirect_dma source(%dma_start3A_974 : memref<100000xf32, #tpu.memory_space<hbm>>) target(%dma_start3A_966 : memref<128xf32, #tpu.memory_space<vmem>>) offsets(%dma_start3A_969 : memref<128xi32, #tpu.memory_space<vmem>>) semaphore(%arg9 : memref<!tpu.dma_semaphore, #tpu.memory_space<semaphore_mem>>)
        %jit3A_975 = arith.constant 2 : i32
        %eq3A_976 = arith.constant 0 : i32
        %eq3A_977 = arith.cmpi eq, %jit3A_975, %eq3A_976 : i32
        %jit3A_978 = arith.constant 1 : i32
        %select_n3A_979 = arith.select %eq3A_977, %jit3A_978, %jit3A_975 : i32
        %rem3A_980 = arith.remsi %scan3A_589, %select_n3A_979 : i32
        %ne3A_981 = arith.constant 0 : i32
        %ne3A_982 = arith.cmpi ne, %rem3A_980, %ne3A_981 : i32
        %lt3A_983 = arith.constant 0 : i32
        %lt3A_984 = arith.cmpi slt, %rem3A_980, %lt3A_983 : i32
        %lt3A_985 = arith.constant 0 : i32
        %lt3A_986 = arith.cmpi slt, %select_n3A_979, %lt3A_985 : i32
        %ne3A_987 = arith.xori %lt3A_984, %lt3A_986 : i1
        %and3A_988 = arith.andi %ne3A_987, %ne3A_982 : i1
        %add3A_989 = arith.addi %rem3A_980, %select_n3A_979 : i32
        %select_n3A_990 = arith.select %and3A_988, %add3A_989, %rem3A_980 : i32
        %jit3A_991 = arith.constant 2 : i32
        %eq3A_992 = arith.constant 0 : i32
        %eq3A_993 = arith.cmpi eq, %jit3A_991, %eq3A_992 : i32
        %jit3A_994 = arith.constant 1 : i32
        %select_n3A_995 = arith.select %eq3A_993, %jit3A_994, %jit3A_991 : i32
        %rem3A_996 = arith.remsi %scan3A_589, %select_n3A_995 : i32
        %ne3A_997 = arith.constant 0 : i32
        %ne3A_998 = arith.cmpi ne, %rem3A_996, %ne3A_997 : i32
        %lt3A_999 = arith.constant 0 : i32
        %lt3A_1000 = arith.cmpi slt, %rem3A_996, %lt3A_999 : i32
        %lt3A_1001 = arith.constant 0 : i32
        %lt3A_1002 = arith.cmpi slt, %select_n3A_995, %lt3A_1001 : i32
        %ne3A_1003 = arith.xori %lt3A_1000, %lt3A_1002 : i1
        %and3A_1004 = arith.andi %ne3A_1003, %ne3A_998 : i1
        %add3A_1005 = arith.addi %rem3A_996, %select_n3A_995 : i32
        %select_n3A_1006 = arith.select %and3A_1004, %add3A_1005, %rem3A_996 : i32
        %dma_start3A_1007 = arith.constant 7 : i32
        %dma_start3A_1008 = arith.constant 7 : i32
        %dma_start3A_1009 = arith.constant 0 : i32
        %dma_start3A_1010 = tpu.memref_slice %arg6[%select_n3A_1006, %dma_start3A_1008, %dma_start3A_1009] : memref<2x32x128xf32, #tpu.memory_space<vmem>> -> memref<1x1x128xf32, #tpu.memory_space<vmem>>
        %dma_start3A_1011 = tpu.memref_squeeze %dma_start3A_1010 : memref<1x1x128xf32, #tpu.memory_space<vmem>> -> memref<128xf32, #tpu.memory_space<vmem>>
        %dma_start3A_1012 = arith.constant 0 : i32
        %dma_start3A_1013 = tpu.memref_slice %arg5[%select_n3A_990, %dma_start3A_1007, %dma_start3A_1012] : memref<2x32x128xi32, #tpu.memory_space<vmem>> -> memref<1x1x128xi32, #tpu.memory_space<vmem>>
        %dma_start3A_1014 = tpu.memref_squeeze %dma_start3A_1013 : memref<1x1x128xi32, #tpu.memory_space<vmem>> -> memref<128xi32, #tpu.memory_space<vmem>>
        %dma_start3A_1015 = arith.constant 0 : i32
        %dma_start3A_1016 = tpu.memref_slice %arg3[%add3A_659, %dma_start3A_1015] : memref<640x100000xf32, #tpu.memory_space<hbm>> -> memref<1x100000xf32, #tpu.memory_space<hbm>>
        %dma_start3A_1017 = tpu.memref_squeeze %dma_start3A_1016 : memref<1x100000xf32, #tpu.memory_space<hbm>> -> memref<100000xf32, #tpu.memory_space<hbm>>
        %dma_start3A_1018 = arith.constant 0 : i32
        %dma_start3A_1019 = tpu.memref_slice %dma_start3A_1017[%dma_start3A_1018] : memref<100000xf32, #tpu.memory_space<hbm>> -> memref<100000xf32, #tpu.memory_space<hbm>>
        tpu.enqueue_indirect_dma source(%dma_start3A_1019 : memref<100000xf32, #tpu.memory_space<hbm>>) target(%dma_start3A_1011 : memref<128xf32, #tpu.memory_space<vmem>>) offsets(%dma_start3A_1014 : memref<128xi32, #tpu.memory_space<vmem>>) semaphore(%arg9 : memref<!tpu.dma_semaphore, #tpu.memory_space<semaphore_mem>>)
        %jit3A_1020 = arith.constant 2 : i32
        %eq3A_1021 = arith.constant 0 : i32
        %eq3A_1022 = arith.cmpi eq, %jit3A_1020, %eq3A_1021 : i32
        %jit3A_1023 = arith.constant 1 : i32
        %select_n3A_1024 = arith.select %eq3A_1022, %jit3A_1023, %jit3A_1020 : i32
        %rem3A_1025 = arith.remsi %scan3A_589, %select_n3A_1024 : i32
        %ne3A_1026 = arith.constant 0 : i32
        %ne3A_1027 = arith.cmpi ne, %rem3A_1025, %ne3A_1026 : i32
        %lt3A_1028 = arith.constant 0 : i32
        %lt3A_1029 = arith.cmpi slt, %rem3A_1025, %lt3A_1028 : i32
        %lt3A_1030 = arith.constant 0 : i32
        %lt3A_1031 = arith.cmpi slt, %select_n3A_1024, %lt3A_1030 : i32
        %ne3A_1032 = arith.xori %lt3A_1029, %lt3A_1031 : i1
        %and3A_1033 = arith.andi %ne3A_1032, %ne3A_1027 : i1
        %add3A_1034 = arith.addi %rem3A_1025, %select_n3A_1024 : i32
        %select_n3A_1035 = arith.select %and3A_1033, %add3A_1034, %rem3A_1025 : i32
        %jit3A_1036 = arith.constant 2 : i32
        %eq3A_1037 = arith.constant 0 : i32
        %eq3A_1038 = arith.cmpi eq, %jit3A_1036, %eq3A_1037 : i32
        %jit3A_1039 = arith.constant 1 : i32
        %select_n3A_1040 = arith.select %eq3A_1038, %jit3A_1039, %jit3A_1036 : i32
        %rem3A_1041 = arith.remsi %scan3A_589, %select_n3A_1040 : i32
        %ne3A_1042 = arith.constant 0 : i32
        %ne3A_1043 = arith.cmpi ne, %rem3A_1041, %ne3A_1042 : i32
        %lt3A_1044 = arith.constant 0 : i32
        %lt3A_1045 = arith.cmpi slt, %rem3A_1041, %lt3A_1044 : i32
        %lt3A_1046 = arith.constant 0 : i32
        %lt3A_1047 = arith.cmpi slt, %select_n3A_1040, %lt3A_1046 : i32
        %ne3A_1048 = arith.xori %lt3A_1045, %lt3A_1047 : i1
        %and3A_1049 = arith.andi %ne3A_1048, %ne3A_1043 : i1
        %add3A_1050 = arith.addi %rem3A_1041, %select_n3A_1040 : i32
        %select_n3A_1051 = arith.select %and3A_1049, %add3A_1050, %rem3A_1041 : i32
        %dma_start3A_1052 = arith.constant 8 : i32
        %dma_start3A_1053 = arith.constant 8 : i32
        %dma_start3A_1054 = arith.constant 0 : i32
        %dma_start3A_1055 = tpu.memref_slice %arg6[%select_n3A_1051, %dma_start3A_1053, %dma_start3A_1054] : memref<2x32x128xf32, #tpu.memory_space<vmem>> -> memref<1x1x128xf32, #tpu.memory_space<vmem>>
        %dma_start3A_1056 = tpu.memref_squeeze %dma_start3A_1055 : memref<1x1x128xf32, #tpu.memory_space<vmem>> -> memref<128xf32, #tpu.memory_space<vmem>>
        %dma_start3A_1057 = arith.constant 0 : i32
        %dma_start3A_1058 = tpu.memref_slice %arg5[%select_n3A_1035, %dma_start3A_1052, %dma_start3A_1057] : memref<2x32x128xi32, #tpu.memory_space<vmem>> -> memref<1x1x128xi32, #tpu.memory_space<vmem>>
        %dma_start3A_1059 = tpu.memref_squeeze %dma_start3A_1058 : memref<1x1x128xi32, #tpu.memory_space<vmem>> -> memref<128xi32, #tpu.memory_space<vmem>>
        %dma_start3A_1060 = arith.constant 0 : i32
        %dma_start3A_1061 = tpu.memref_slice %arg3[%add3A_659, %dma_start3A_1060] : memref<640x100000xf32, #tpu.memory_space<hbm>> -> memref<1x100000xf32, #tpu.memory_space<hbm>>
        %dma_start3A_1062 = tpu.memref_squeeze %dma_start3A_1061 : memref<1x100000xf32, #tpu.memory_space<hbm>> -> memref<100000xf32, #tpu.memory_space<hbm>>
        %dma_start3A_1063 = arith.constant 0 : i32
        %dma_start3A_1064 = tpu.memref_slice %dma_start3A_1062[%dma_start3A_1063] : memref<100000xf32, #tpu.memory_space<hbm>> -> memref<100000xf32, #tpu.memory_space<hbm>>
        tpu.enqueue_indirect_dma source(%dma_start3A_1064 : memref<100000xf32, #tpu.memory_space<hbm>>) target(%dma_start3A_1056 : memref<128xf32, #tpu.memory_space<vmem>>) offsets(%dma_start3A_1059 : memref<128xi32, #tpu.memory_space<vmem>>) semaphore(%arg9 : memref<!tpu.dma_semaphore, #tpu.memory_space<semaphore_mem>>)
        %jit3A_1065 = arith.constant 2 : i32
        %eq3A_1066 = arith.constant 0 : i32
        %eq3A_1067 = arith.cmpi eq, %jit3A_1065, %eq3A_1066 : i32
        %jit3A_1068 = arith.constant 1 : i32
        %select_n3A_1069 = arith.select %eq3A_1067, %jit3A_1068, %jit3A_1065 : i32
        %rem3A_1070 = arith.remsi %scan3A_589, %select_n3A_1069 : i32
        %ne3A_1071 = arith.constant 0 : i32
        %ne3A_1072 = arith.cmpi ne, %rem3A_1070, %ne3A_1071 : i32
        %lt3A_1073 = arith.constant 0 : i32
        %lt3A_1074 = arith.cmpi slt, %rem3A_1070, %lt3A_1073 : i32
        %lt3A_1075 = arith.constant 0 : i32
        %lt3A_1076 = arith.cmpi slt, %select_n3A_1069, %lt3A_1075 : i32
        %ne3A_1077 = arith.xori %lt3A_1074, %lt3A_1076 : i1
        %and3A_1078 = arith.andi %ne3A_1077, %ne3A_1072 : i1
        %add3A_1079 = arith.addi %rem3A_1070, %select_n3A_1069 : i32
        %select_n3A_1080 = arith.select %and3A_1078, %add3A_1079, %rem3A_1070 : i32
        %jit3A_1081 = arith.constant 2 : i32
        %eq3A_1082 = arith.constant 0 : i32
        %eq3A_1083 = arith.cmpi eq, %jit3A_1081, %eq3A_1082 : i32
        %jit3A_1084 = arith.constant 1 : i32
        %select_n3A_1085 = arith.select %eq3A_1083, %jit3A_1084, %jit3A_1081 : i32
        %rem3A_1086 = arith.remsi %scan3A_589, %select_n3A_1085 : i32
        %ne3A_1087 = arith.constant 0 : i32
        %ne3A_1088 = arith.cmpi ne, %rem3A_1086, %ne3A_1087 : i32
        %lt3A_1089 = arith.constant 0 : i32
        %lt3A_1090 = arith.cmpi slt, %rem3A_1086, %lt3A_1089 : i32
        %lt3A_1091 = arith.constant 0 : i32
        %lt3A_1092 = arith.cmpi slt, %select_n3A_1085, %lt3A_1091 : i32
        %ne3A_1093 = arith.xori %lt3A_1090, %lt3A_1092 : i1
        %and3A_1094 = arith.andi %ne3A_1093, %ne3A_1088 : i1
        %add3A_1095 = arith.addi %rem3A_1086, %select_n3A_1085 : i32
        %select_n3A_1096 = arith.select %and3A_1094, %add3A_1095, %rem3A_1086 : i32
        %dma_start3A_1097 = arith.constant 9 : i32
        %dma_start3A_1098 = arith.constant 9 : i32
        %dma_start3A_1099 = arith.constant 0 : i32
        %dma_start3A_1100 = tpu.memref_slice %arg6[%select_n3A_1096, %dma_start3A_1098, %dma_start3A_1099] : memref<2x32x128xf32, #tpu.memory_space<vmem>> -> memref<1x1x128xf32, #tpu.memory_space<vmem>>
        %dma_start3A_1101 = tpu.memref_squeeze %dma_start3A_1100 : memref<1x1x128xf32, #tpu.memory_space<vmem>> -> memref<128xf32, #tpu.memory_space<vmem>>
        %dma_start3A_1102 = arith.constant 0 : i32
        %dma_start3A_1103 = tpu.memref_slice %arg5[%select_n3A_1080, %dma_start3A_1097, %dma_start3A_1102] : memref<2x32x128xi32, #tpu.memory_space<vmem>> -> memref<1x1x128xi32, #tpu.memory_space<vmem>>
        %dma_start3A_1104 = tpu.memref_squeeze %dma_start3A_1103 : memref<1x1x128xi32, #tpu.memory_space<vmem>> -> memref<128xi32, #tpu.memory_space<vmem>>
        %dma_start3A_1105 = arith.constant 0 : i32
        %dma_start3A_1106 = tpu.memref_slice %arg3[%add3A_659, %dma_start3A_1105] : memref<640x100000xf32, #tpu.memory_space<hbm>> -> memref<1x100000xf32, #tpu.memory_space<hbm>>
        %dma_start3A_1107 = tpu.memref_squeeze %dma_start3A_1106 : memref<1x100000xf32, #tpu.memory_space<hbm>> -> memref<100000xf32, #tpu.memory_space<hbm>>
        %dma_start3A_1108 = arith.constant 0 : i32
        %dma_start3A_1109 = tpu.memref_slice %dma_start3A_1107[%dma_start3A_1108] : memref<100000xf32, #tpu.memory_space<hbm>> -> memref<100000xf32, #tpu.memory_space<hbm>>
        tpu.enqueue_indirect_dma source(%dma_start3A_1109 : memref<100000xf32, #tpu.memory_space<hbm>>) target(%dma_start3A_1101 : memref<128xf32, #tpu.memory_space<vmem>>) offsets(%dma_start3A_1104 : memref<128xi32, #tpu.memory_space<vmem>>) semaphore(%arg9 : memref<!tpu.dma_semaphore, #tpu.memory_space<semaphore_mem>>)
        %jit3A_1110 = arith.constant 2 : i32
        %eq3A_1111 = arith.constant 0 : i32
        %eq3A_1112 = arith.cmpi eq, %jit3A_1110, %eq3A_1111 : i32
        %jit3A_1113 = arith.constant 1 : i32
        %select_n3A_1114 = arith.select %eq3A_1112, %jit3A_1113, %jit3A_1110 : i32
        %rem3A_1115 = arith.remsi %scan3A_589, %select_n3A_1114 : i32
        %ne3A_1116 = arith.constant 0 : i32
        %ne3A_1117 = arith.cmpi ne, %rem3A_1115, %ne3A_1116 : i32
        %lt3A_1118 = arith.constant 0 : i32
        %lt3A_1119 = arith.cmpi slt, %rem3A_1115, %lt3A_1118 : i32
        %lt3A_1120 = arith.constant 0 : i32
        %lt3A_1121 = arith.cmpi slt, %select_n3A_1114, %lt3A_1120 : i32
        %ne3A_1122 = arith.xori %lt3A_1119, %lt3A_1121 : i1
        %and3A_1123 = arith.andi %ne3A_1122, %ne3A_1117 : i1
        %add3A_1124 = arith.addi %rem3A_1115, %select_n3A_1114 : i32
        %select_n3A_1125 = arith.select %and3A_1123, %add3A_1124, %rem3A_1115 : i32
        %jit3A_1126 = arith.constant 2 : i32
        %eq3A_1127 = arith.constant 0 : i32
        %eq3A_1128 = arith.cmpi eq, %jit3A_1126, %eq3A_1127 : i32
        %jit3A_1129 = arith.constant 1 : i32
        %select_n3A_1130 = arith.select %eq3A_1128, %jit3A_1129, %jit3A_1126 : i32
        %rem3A_1131 = arith.remsi %scan3A_589, %select_n3A_1130 : i32
        %ne3A_1132 = arith.constant 0 : i32
        %ne3A_1133 = arith.cmpi ne, %rem3A_1131, %ne3A_1132 : i32
        %lt3A_1134 = arith.constant 0 : i32
        %lt3A_1135 = arith.cmpi slt, %rem3A_1131, %lt3A_1134 : i32
        %lt3A_1136 = arith.constant 0 : i32
        %lt3A_1137 = arith.cmpi slt, %select_n3A_1130, %lt3A_1136 : i32
        %ne3A_1138 = arith.xori %lt3A_1135, %lt3A_1137 : i1
        %and3A_1139 = arith.andi %ne3A_1138, %ne3A_1133 : i1
        %add3A_1140 = arith.addi %rem3A_1131, %select_n3A_1130 : i32
        %select_n3A_1141 = arith.select %and3A_1139, %add3A_1140, %rem3A_1131 : i32
        %dma_start3A_1142 = arith.constant 10 : i32
        %dma_start3A_1143 = arith.constant 10 : i32
        %dma_start3A_1144 = arith.constant 0 : i32
        %dma_start3A_1145 = tpu.memref_slice %arg6[%select_n3A_1141, %dma_start3A_1143, %dma_start3A_1144] : memref<2x32x128xf32, #tpu.memory_space<vmem>> -> memref<1x1x128xf32, #tpu.memory_space<vmem>>
        %dma_start3A_1146 = tpu.memref_squeeze %dma_start3A_1145 : memref<1x1x128xf32, #tpu.memory_space<vmem>> -> memref<128xf32, #tpu.memory_space<vmem>>
        %dma_start3A_1147 = arith.constant 0 : i32
        %dma_start3A_1148 = tpu.memref_slice %arg5[%select_n3A_1125, %dma_start3A_1142, %dma_start3A_1147] : memref<2x32x128xi32, #tpu.memory_space<vmem>> -> memref<1x1x128xi32, #tpu.memory_space<vmem>>
        %dma_start3A_1149 = tpu.memref_squeeze %dma_start3A_1148 : memref<1x1x128xi32, #tpu.memory_space<vmem>> -> memref<128xi32, #tpu.memory_space<vmem>>
        %dma_start3A_1150 = arith.constant 0 : i32
        %dma_start3A_1151 = tpu.memref_slice %arg3[%add3A_659, %dma_start3A_1150] : memref<640x100000xf32, #tpu.memory_space<hbm>> -> memref<1x100000xf32, #tpu.memory_space<hbm>>
        %dma_start3A_1152 = tpu.memref_squeeze %dma_start3A_1151 : memref<1x100000xf32, #tpu.memory_space<hbm>> -> memref<100000xf32, #tpu.memory_space<hbm>>
        %dma_start3A_1153 = arith.constant 0 : i32
        %dma_start3A_1154 = tpu.memref_slice %dma_start3A_1152[%dma_start3A_1153] : memref<100000xf32, #tpu.memory_space<hbm>> -> memref<100000xf32, #tpu.memory_space<hbm>>
        tpu.enqueue_indirect_dma source(%dma_start3A_1154 : memref<100000xf32, #tpu.memory_space<hbm>>) target(%dma_start3A_1146 : memref<128xf32, #tpu.memory_space<vmem>>) offsets(%dma_start3A_1149 : memref<128xi32, #tpu.memory_space<vmem>>) semaphore(%arg9 : memref<!tpu.dma_semaphore, #tpu.memory_space<semaphore_mem>>)
        %jit3A_1155 = arith.constant 2 : i32
        %eq3A_1156 = arith.constant 0 : i32
        %eq3A_1157 = arith.cmpi eq, %jit3A_1155, %eq3A_1156 : i32
        %jit3A_1158 = arith.constant 1 : i32
        %select_n3A_1159 = arith.select %eq3A_1157, %jit3A_1158, %jit3A_1155 : i32
        %rem3A_1160 = arith.remsi %scan3A_589, %select_n3A_1159 : i32
        %ne3A_1161 = arith.constant 0 : i32
        %ne3A_1162 = arith.cmpi ne, %rem3A_1160, %ne3A_1161 : i32
        %lt3A_1163 = arith.constant 0 : i32
        %lt3A_1164 = arith.cmpi slt, %rem3A_1160, %lt3A_1163 : i32
        %lt3A_1165 = arith.constant 0 : i32
        %lt3A_1166 = arith.cmpi slt, %select_n3A_1159, %lt3A_1165 : i32
        %ne3A_1167 = arith.xori %lt3A_1164, %lt3A_1166 : i1
        %and3A_1168 = arith.andi %ne3A_1167, %ne3A_1162 : i1
        %add3A_1169 = arith.addi %rem3A_1160, %select_n3A_1159 : i32
        %select_n3A_1170 = arith.select %and3A_1168, %add3A_1169, %rem3A_1160 : i32
        %jit3A_1171 = arith.constant 2 : i32
        %eq3A_1172 = arith.constant 0 : i32
        %eq3A_1173 = arith.cmpi eq, %jit3A_1171, %eq3A_1172 : i32
        %jit3A_1174 = arith.constant 1 : i32
        %select_n3A_1175 = arith.select %eq3A_1173, %jit3A_1174, %jit3A_1171 : i32
        %rem3A_1176 = arith.remsi %scan3A_589, %select_n3A_1175 : i32
        %ne3A_1177 = arith.constant 0 : i32
        %ne3A_1178 = arith.cmpi ne, %rem3A_1176, %ne3A_1177 : i32
        %lt3A_1179 = arith.constant 0 : i32
        %lt3A_1180 = arith.cmpi slt, %rem3A_1176, %lt3A_1179 : i32
        %lt3A_1181 = arith.constant 0 : i32
        %lt3A_1182 = arith.cmpi slt, %select_n3A_1175, %lt3A_1181 : i32
        %ne3A_1183 = arith.xori %lt3A_1180, %lt3A_1182 : i1
        %and3A_1184 = arith.andi %ne3A_1183, %ne3A_1178 : i1
        %add3A_1185 = arith.addi %rem3A_1176, %select_n3A_1175 : i32
        %select_n3A_1186 = arith.select %and3A_1184, %add3A_1185, %rem3A_1176 : i32
        %dma_start3A_1187 = arith.constant 11 : i32
        %dma_start3A_1188 = arith.constant 11 : i32
        %dma_start3A_1189 = arith.constant 0 : i32
        %dma_start3A_1190 = tpu.memref_slice %arg6[%select_n3A_1186, %dma_start3A_1188, %dma_start3A_1189] : memref<2x32x128xf32, #tpu.memory_space<vmem>> -> memref<1x1x128xf32, #tpu.memory_space<vmem>>
        %dma_start3A_1191 = tpu.memref_squeeze %dma_start3A_1190 : memref<1x1x128xf32, #tpu.memory_space<vmem>> -> memref<128xf32, #tpu.memory_space<vmem>>
        %dma_start3A_1192 = arith.constant 0 : i32
        %dma_start3A_1193 = tpu.memref_slice %arg5[%select_n3A_1170, %dma_start3A_1187, %dma_start3A_1192] : memref<2x32x128xi32, #tpu.memory_space<vmem>> -> memref<1x1x128xi32, #tpu.memory_space<vmem>>
        %dma_start3A_1194 = tpu.memref_squeeze %dma_start3A_1193 : memref<1x1x128xi32, #tpu.memory_space<vmem>> -> memref<128xi32, #tpu.memory_space<vmem>>
        %dma_start3A_1195 = arith.constant 0 : i32
        %dma_start3A_1196 = tpu.memref_slice %arg3[%add3A_659, %dma_start3A_1195] : memref<640x100000xf32, #tpu.memory_space<hbm>> -> memref<1x100000xf32, #tpu.memory_space<hbm>>
        %dma_start3A_1197 = tpu.memref_squeeze %dma_start3A_1196 : memref<1x100000xf32, #tpu.memory_space<hbm>> -> memref<100000xf32, #tpu.memory_space<hbm>>
        %dma_start3A_1198 = arith.constant 0 : i32
        %dma_start3A_1199 = tpu.memref_slice %dma_start3A_1197[%dma_start3A_1198] : memref<100000xf32, #tpu.memory_space<hbm>> -> memref<100000xf32, #tpu.memory_space<hbm>>
        tpu.enqueue_indirect_dma source(%dma_start3A_1199 : memref<100000xf32, #tpu.memory_space<hbm>>) target(%dma_start3A_1191 : memref<128xf32, #tpu.memory_space<vmem>>) offsets(%dma_start3A_1194 : memref<128xi32, #tpu.memory_space<vmem>>) semaphore(%arg9 : memref<!tpu.dma_semaphore, #tpu.memory_space<semaphore_mem>>)
        %jit3A_1200 = arith.constant 2 : i32
        %eq3A_1201 = arith.constant 0 : i32
        %eq3A_1202 = arith.cmpi eq, %jit3A_1200, %eq3A_1201 : i32
        %jit3A_1203 = arith.constant 1 : i32
        %select_n3A_1204 = arith.select %eq3A_1202, %jit3A_1203, %jit3A_1200 : i32
        %rem3A_1205 = arith.remsi %scan3A_589, %select_n3A_1204 : i32
        %ne3A_1206 = arith.constant 0 : i32
        %ne3A_1207 = arith.cmpi ne, %rem3A_1205, %ne3A_1206 : i32
        %lt3A_1208 = arith.constant 0 : i32
        %lt3A_1209 = arith.cmpi slt, %rem3A_1205, %lt3A_1208 : i32
        %lt3A_1210 = arith.constant 0 : i32
        %lt3A_1211 = arith.cmpi slt, %select_n3A_1204, %lt3A_1210 : i32
        %ne3A_1212 = arith.xori %lt3A_1209, %lt3A_1211 : i1
        %and3A_1213 = arith.andi %ne3A_1212, %ne3A_1207 : i1
        %add3A_1214 = arith.addi %rem3A_1205, %select_n3A_1204 : i32
        %select_n3A_1215 = arith.select %and3A_1213, %add3A_1214, %rem3A_1205 : i32
        %jit3A_1216 = arith.constant 2 : i32
        %eq3A_1217 = arith.constant 0 : i32
        %eq3A_1218 = arith.cmpi eq, %jit3A_1216, %eq3A_1217 : i32
        %jit3A_1219 = arith.constant 1 : i32
        %select_n3A_1220 = arith.select %eq3A_1218, %jit3A_1219, %jit3A_1216 : i32
        %rem3A_1221 = arith.remsi %scan3A_589, %select_n3A_1220 : i32
        %ne3A_1222 = arith.constant 0 : i32
        %ne3A_1223 = arith.cmpi ne, %rem3A_1221, %ne3A_1222 : i32
        %lt3A_1224 = arith.constant 0 : i32
        %lt3A_1225 = arith.cmpi slt, %rem3A_1221, %lt3A_1224 : i32
        %lt3A_1226 = arith.constant 0 : i32
        %lt3A_1227 = arith.cmpi slt, %select_n3A_1220, %lt3A_1226 : i32
        %ne3A_1228 = arith.xori %lt3A_1225, %lt3A_1227 : i1
        %and3A_1229 = arith.andi %ne3A_1228, %ne3A_1223 : i1
        %add3A_1230 = arith.addi %rem3A_1221, %select_n3A_1220 : i32
        %select_n3A_1231 = arith.select %and3A_1229, %add3A_1230, %rem3A_1221 : i32
        %dma_start3A_1232 = arith.constant 12 : i32
        %dma_start3A_1233 = arith.constant 12 : i32
        %dma_start3A_1234 = arith.constant 0 : i32
        %dma_start3A_1235 = tpu.memref_slice %arg6[%select_n3A_1231, %dma_start3A_1233, %dma_start3A_1234] : memref<2x32x128xf32, #tpu.memory_space<vmem>> -> memref<1x1x128xf32, #tpu.memory_space<vmem>>
        %dma_start3A_1236 = tpu.memref_squeeze %dma_start3A_1235 : memref<1x1x128xf32, #tpu.memory_space<vmem>> -> memref<128xf32, #tpu.memory_space<vmem>>
        %dma_start3A_1237 = arith.constant 0 : i32
        %dma_start3A_1238 = tpu.memref_slice %arg5[%select_n3A_1215, %dma_start3A_1232, %dma_start3A_1237] : memref<2x32x128xi32, #tpu.memory_space<vmem>> -> memref<1x1x128xi32, #tpu.memory_space<vmem>>
        %dma_start3A_1239 = tpu.memref_squeeze %dma_start3A_1238 : memref<1x1x128xi32, #tpu.memory_space<vmem>> -> memref<128xi32, #tpu.memory_space<vmem>>
        %dma_start3A_1240 = arith.constant 0 : i32
        %dma_start3A_1241 = tpu.memref_slice %arg3[%add3A_659, %dma_start3A_1240] : memref<640x100000xf32, #tpu.memory_space<hbm>> -> memref<1x100000xf32, #tpu.memory_space<hbm>>
        %dma_start3A_1242 = tpu.memref_squeeze %dma_start3A_1241 : memref<1x100000xf32, #tpu.memory_space<hbm>> -> memref<100000xf32, #tpu.memory_space<hbm>>
        %dma_start3A_1243 = arith.constant 0 : i32
        %dma_start3A_1244 = tpu.memref_slice %dma_start3A_1242[%dma_start3A_1243] : memref<100000xf32, #tpu.memory_space<hbm>> -> memref<100000xf32, #tpu.memory_space<hbm>>
        tpu.enqueue_indirect_dma source(%dma_start3A_1244 : memref<100000xf32, #tpu.memory_space<hbm>>) target(%dma_start3A_1236 : memref<128xf32, #tpu.memory_space<vmem>>) offsets(%dma_start3A_1239 : memref<128xi32, #tpu.memory_space<vmem>>) semaphore(%arg9 : memref<!tpu.dma_semaphore, #tpu.memory_space<semaphore_mem>>)
        %jit3A_1245 = arith.constant 2 : i32
        %eq3A_1246 = arith.constant 0 : i32
        %eq3A_1247 = arith.cmpi eq, %jit3A_1245, %eq3A_1246 : i32
        %jit3A_1248 = arith.constant 1 : i32
        %select_n3A_1249 = arith.select %eq3A_1247, %jit3A_1248, %jit3A_1245 : i32
        %rem3A_1250 = arith.remsi %scan3A_589, %select_n3A_1249 : i32
        %ne3A_1251 = arith.constant 0 : i32
        %ne3A_1252 = arith.cmpi ne, %rem3A_1250, %ne3A_1251 : i32
        %lt3A_1253 = arith.constant 0 : i32
        %lt3A_1254 = arith.cmpi slt, %rem3A_1250, %lt3A_1253 : i32
        %lt3A_1255 = arith.constant 0 : i32
        %lt3A_1256 = arith.cmpi slt, %select_n3A_1249, %lt3A_1255 : i32
        %ne3A_1257 = arith.xori %lt3A_1254, %lt3A_1256 : i1
        %and3A_1258 = arith.andi %ne3A_1257, %ne3A_1252 : i1
        %add3A_1259 = arith.addi %rem3A_1250, %select_n3A_1249 : i32
        %select_n3A_1260 = arith.select %and3A_1258, %add3A_1259, %rem3A_1250 : i32
        %jit3A_1261 = arith.constant 2 : i32
        %eq3A_1262 = arith.constant 0 : i32
        %eq3A_1263 = arith.cmpi eq, %jit3A_1261, %eq3A_1262 : i32
        %jit3A_1264 = arith.constant 1 : i32
        %select_n3A_1265 = arith.select %eq3A_1263, %jit3A_1264, %jit3A_1261 : i32
        %rem3A_1266 = arith.remsi %scan3A_589, %select_n3A_1265 : i32
        %ne3A_1267 = arith.constant 0 : i32
        %ne3A_1268 = arith.cmpi ne, %rem3A_1266, %ne3A_1267 : i32
        %lt3A_1269 = arith.constant 0 : i32
        %lt3A_1270 = arith.cmpi slt, %rem3A_1266, %lt3A_1269 : i32
        %lt3A_1271 = arith.constant 0 : i32
        %lt3A_1272 = arith.cmpi slt, %select_n3A_1265, %lt3A_1271 : i32
        %ne3A_1273 = arith.xori %lt3A_1270, %lt3A_1272 : i1
        %and3A_1274 = arith.andi %ne3A_1273, %ne3A_1268 : i1
        %add3A_1275 = arith.addi %rem3A_1266, %select_n3A_1265 : i32
        %select_n3A_1276 = arith.select %and3A_1274, %add3A_1275, %rem3A_1266 : i32
        %dma_start3A_1277 = arith.constant 13 : i32
        %dma_start3A_1278 = arith.constant 13 : i32
        %dma_start3A_1279 = arith.constant 0 : i32
        %dma_start3A_1280 = tpu.memref_slice %arg6[%select_n3A_1276, %dma_start3A_1278, %dma_start3A_1279] : memref<2x32x128xf32, #tpu.memory_space<vmem>> -> memref<1x1x128xf32, #tpu.memory_space<vmem>>
        %dma_start3A_1281 = tpu.memref_squeeze %dma_start3A_1280 : memref<1x1x128xf32, #tpu.memory_space<vmem>> -> memref<128xf32, #tpu.memory_space<vmem>>
        %dma_start3A_1282 = arith.constant 0 : i32
        %dma_start3A_1283 = tpu.memref_slice %arg5[%select_n3A_1260, %dma_start3A_1277, %dma_start3A_1282] : memref<2x32x128xi32, #tpu.memory_space<vmem>> -> memref<1x1x128xi32, #tpu.memory_space<vmem>>
        %dma_start3A_1284 = tpu.memref_squeeze %dma_start3A_1283 : memref<1x1x128xi32, #tpu.memory_space<vmem>> -> memref<128xi32, #tpu.memory_space<vmem>>
        %dma_start3A_1285 = arith.constant 0 : i32
        %dma_start3A_1286 = tpu.memref_slice %arg3[%add3A_659, %dma_start3A_1285] : memref<640x100000xf32, #tpu.memory_space<hbm>> -> memref<1x100000xf32, #tpu.memory_space<hbm>>
        %dma_start3A_1287 = tpu.memref_squeeze %dma_start3A_1286 : memref<1x100000xf32, #tpu.memory_space<hbm>> -> memref<100000xf32, #tpu.memory_space<hbm>>
        %dma_start3A_1288 = arith.constant 0 : i32
        %dma_start3A_1289 = tpu.memref_slice %dma_start3A_1287[%dma_start3A_1288] : memref<100000xf32, #tpu.memory_space<hbm>> -> memref<100000xf32, #tpu.memory_space<hbm>>
        tpu.enqueue_indirect_dma source(%dma_start3A_1289 : memref<100000xf32, #tpu.memory_space<hbm>>) target(%dma_start3A_1281 : memref<128xf32, #tpu.memory_space<vmem>>) offsets(%dma_start3A_1284 : memref<128xi32, #tpu.memory_space<vmem>>) semaphore(%arg9 : memref<!tpu.dma_semaphore, #tpu.memory_space<semaphore_mem>>)
        %jit3A_1290 = arith.constant 2 : i32
        %eq3A_1291 = arith.constant 0 : i32
        %eq3A_1292 = arith.cmpi eq, %jit3A_1290, %eq3A_1291 : i32
        %jit3A_1293 = arith.constant 1 : i32
        %select_n3A_1294 = arith.select %eq3A_1292, %jit3A_1293, %jit3A_1290 : i32
        %rem3A_1295 = arith.remsi %scan3A_589, %select_n3A_1294 : i32
        %ne3A_1296 = arith.constant 0 : i32
        %ne3A_1297 = arith.cmpi ne, %rem3A_1295, %ne3A_1296 : i32
        %lt3A_1298 = arith.constant 0 : i32
        %lt3A_1299 = arith.cmpi slt, %rem3A_1295, %lt3A_1298 : i32
        %lt3A_1300 = arith.constant 0 : i32
        %lt3A_1301 = arith.cmpi slt, %select_n3A_1294, %lt3A_1300 : i32
        %ne3A_1302 = arith.xori %lt3A_1299, %lt3A_1301 : i1
        %and3A_1303 = arith.andi %ne3A_1302, %ne3A_1297 : i1
        %add3A_1304 = arith.addi %rem3A_1295, %select_n3A_1294 : i32
        %select_n3A_1305 = arith.select %and3A_1303, %add3A_1304, %rem3A_1295 : i32
        %jit3A_1306 = arith.constant 2 : i32
        %eq3A_1307 = arith.constant 0 : i32
        %eq3A_1308 = arith.cmpi eq, %jit3A_1306, %eq3A_1307 : i32
        %jit3A_1309 = arith.constant 1 : i32
        %select_n3A_1310 = arith.select %eq3A_1308, %jit3A_1309, %jit3A_1306 : i32
        %rem3A_1311 = arith.remsi %scan3A_589, %select_n3A_1310 : i32
        %ne3A_1312 = arith.constant 0 : i32
        %ne3A_1313 = arith.cmpi ne, %rem3A_1311, %ne3A_1312 : i32
        %lt3A_1314 = arith.constant 0 : i32
        %lt3A_1315 = arith.cmpi slt, %rem3A_1311, %lt3A_1314 : i32
        %lt3A_1316 = arith.constant 0 : i32
        %lt3A_1317 = arith.cmpi slt, %select_n3A_1310, %lt3A_1316 : i32
        %ne3A_1318 = arith.xori %lt3A_1315, %lt3A_1317 : i1
        %and3A_1319 = arith.andi %ne3A_1318, %ne3A_1313 : i1
        %add3A_1320 = arith.addi %rem3A_1311, %select_n3A_1310 : i32
        %select_n3A_1321 = arith.select %and3A_1319, %add3A_1320, %rem3A_1311 : i32
        %dma_start3A_1322 = arith.constant 14 : i32
        %dma_start3A_1323 = arith.constant 14 : i32
        %dma_start3A_1324 = arith.constant 0 : i32
        %dma_start3A_1325 = tpu.memref_slice %arg6[%select_n3A_1321, %dma_start3A_1323, %dma_start3A_1324] : memref<2x32x128xf32, #tpu.memory_space<vmem>> -> memref<1x1x128xf32, #tpu.memory_space<vmem>>
        %dma_start3A_1326 = tpu.memref_squeeze %dma_start3A_1325 : memref<1x1x128xf32, #tpu.memory_space<vmem>> -> memref<128xf32, #tpu.memory_space<vmem>>
        %dma_start3A_1327 = arith.constant 0 : i32
        %dma_start3A_1328 = tpu.memref_slice %arg5[%select_n3A_1305, %dma_start3A_1322, %dma_start3A_1327] : memref<2x32x128xi32, #tpu.memory_space<vmem>> -> memref<1x1x128xi32, #tpu.memory_space<vmem>>
        %dma_start3A_1329 = tpu.memref_squeeze %dma_start3A_1328 : memref<1x1x128xi32, #tpu.memory_space<vmem>> -> memref<128xi32, #tpu.memory_space<vmem>>
        %dma_start3A_1330 = arith.constant 0 : i32
        %dma_start3A_1331 = tpu.memref_slice %arg3[%add3A_659, %dma_start3A_1330] : memref<640x100000xf32, #tpu.memory_space<hbm>> -> memref<1x100000xf32, #tpu.memory_space<hbm>>
        %dma_start3A_1332 = tpu.memref_squeeze %dma_start3A_1331 : memref<1x100000xf32, #tpu.memory_space<hbm>> -> memref<100000xf32, #tpu.memory_space<hbm>>
        %dma_start3A_1333 = arith.constant 0 : i32
        %dma_start3A_1334 = tpu.memref_slice %dma_start3A_1332[%dma_start3A_1333] : memref<100000xf32, #tpu.memory_space<hbm>> -> memref<100000xf32, #tpu.memory_space<hbm>>
        tpu.enqueue_indirect_dma source(%dma_start3A_1334 : memref<100000xf32, #tpu.memory_space<hbm>>) target(%dma_start3A_1326 : memref<128xf32, #tpu.memory_space<vmem>>) offsets(%dma_start3A_1329 : memref<128xi32, #tpu.memory_space<vmem>>) semaphore(%arg9 : memref<!tpu.dma_semaphore, #tpu.memory_space<semaphore_mem>>)
        %jit3A_1335 = arith.constant 2 : i32
        %eq3A_1336 = arith.constant 0 : i32
        %eq3A_1337 = arith.cmpi eq, %jit3A_1335, %eq3A_1336 : i32
        %jit3A_1338 = arith.constant 1 : i32
        %select_n3A_1339 = arith.select %eq3A_1337, %jit3A_1338, %jit3A_1335 : i32
        %rem3A_1340 = arith.remsi %scan3A_589, %select_n3A_1339 : i32
        %ne3A_1341 = arith.constant 0 : i32
        %ne3A_1342 = arith.cmpi ne, %rem3A_1340, %ne3A_1341 : i32
        %lt3A_1343 = arith.constant 0 : i32
        %lt3A_1344 = arith.cmpi slt, %rem3A_1340, %lt3A_1343 : i32
        %lt3A_1345 = arith.constant 0 : i32
        %lt3A_1346 = arith.cmpi slt, %select_n3A_1339, %lt3A_1345 : i32
        %ne3A_1347 = arith.xori %lt3A_1344, %lt3A_1346 : i1
        %and3A_1348 = arith.andi %ne3A_1347, %ne3A_1342 : i1
        %add3A_1349 = arith.addi %rem3A_1340, %select_n3A_1339 : i32
        %select_n3A_1350 = arith.select %and3A_1348, %add3A_1349, %rem3A_1340 : i32
        %jit3A_1351 = arith.constant 2 : i32
        %eq3A_1352 = arith.constant 0 : i32
        %eq3A_1353 = arith.cmpi eq, %jit3A_1351, %eq3A_1352 : i32
        %jit3A_1354 = arith.constant 1 : i32
        %select_n3A_1355 = arith.select %eq3A_1353, %jit3A_1354, %jit3A_1351 : i32
        %rem3A_1356 = arith.remsi %scan3A_589, %select_n3A_1355 : i32
        %ne3A_1357 = arith.constant 0 : i32
        %ne3A_1358 = arith.cmpi ne, %rem3A_1356, %ne3A_1357 : i32
        %lt3A_1359 = arith.constant 0 : i32
        %lt3A_1360 = arith.cmpi slt, %rem3A_1356, %lt3A_1359 : i32
        %lt3A_1361 = arith.constant 0 : i32
        %lt3A_1362 = arith.cmpi slt, %select_n3A_1355, %lt3A_1361 : i32
        %ne3A_1363 = arith.xori %lt3A_1360, %lt3A_1362 : i1
        %and3A_1364 = arith.andi %ne3A_1363, %ne3A_1358 : i1
        %add3A_1365 = arith.addi %rem3A_1356, %select_n3A_1355 : i32
        %select_n3A_1366 = arith.select %and3A_1364, %add3A_1365, %rem3A_1356 : i32
        %dma_start3A_1367 = arith.constant 15 : i32
        %dma_start3A_1368 = arith.constant 15 : i32
        %dma_start3A_1369 = arith.constant 0 : i32
        %dma_start3A_1370 = tpu.memref_slice %arg6[%select_n3A_1366, %dma_start3A_1368, %dma_start3A_1369] : memref<2x32x128xf32, #tpu.memory_space<vmem>> -> memref<1x1x128xf32, #tpu.memory_space<vmem>>
        %dma_start3A_1371 = tpu.memref_squeeze %dma_start3A_1370 : memref<1x1x128xf32, #tpu.memory_space<vmem>> -> memref<128xf32, #tpu.memory_space<vmem>>
        %dma_start3A_1372 = arith.constant 0 : i32
        %dma_start3A_1373 = tpu.memref_slice %arg5[%select_n3A_1350, %dma_start3A_1367, %dma_start3A_1372] : memref<2x32x128xi32, #tpu.memory_space<vmem>> -> memref<1x1x128xi32, #tpu.memory_space<vmem>>
        %dma_start3A_1374 = tpu.memref_squeeze %dma_start3A_1373 : memref<1x1x128xi32, #tpu.memory_space<vmem>> -> memref<128xi32, #tpu.memory_space<vmem>>
        %dma_start3A_1375 = arith.constant 0 : i32
        %dma_start3A_1376 = tpu.memref_slice %arg3[%add3A_659, %dma_start3A_1375] : memref<640x100000xf32, #tpu.memory_space<hbm>> -> memref<1x100000xf32, #tpu.memory_space<hbm>>
        %dma_start3A_1377 = tpu.memref_squeeze %dma_start3A_1376 : memref<1x100000xf32, #tpu.memory_space<hbm>> -> memref<100000xf32, #tpu.memory_space<hbm>>
        %dma_start3A_1378 = arith.constant 0 : i32
        %dma_start3A_1379 = tpu.memref_slice %dma_start3A_1377[%dma_start3A_1378] : memref<100000xf32, #tpu.memory_space<hbm>> -> memref<100000xf32, #tpu.memory_space<hbm>>
        tpu.enqueue_indirect_dma source(%dma_start3A_1379 : memref<100000xf32, #tpu.memory_space<hbm>>) target(%dma_start3A_1371 : memref<128xf32, #tpu.memory_space<vmem>>) offsets(%dma_start3A_1374 : memref<128xi32, #tpu.memory_space<vmem>>) semaphore(%arg9 : memref<!tpu.dma_semaphore, #tpu.memory_space<semaphore_mem>>)
        %jit3A_1380 = arith.constant 2 : i32
        %eq3A_1381 = arith.constant 0 : i32
        %eq3A_1382 = arith.cmpi eq, %jit3A_1380, %eq3A_1381 : i32
        %jit3A_1383 = arith.constant 1 : i32
        %select_n3A_1384 = arith.select %eq3A_1382, %jit3A_1383, %jit3A_1380 : i32
        %rem3A_1385 = arith.remsi %scan3A_589, %select_n3A_1384 : i32
        %ne3A_1386 = arith.constant 0 : i32
        %ne3A_1387 = arith.cmpi ne, %rem3A_1385, %ne3A_1386 : i32
        %lt3A_1388 = arith.constant 0 : i32
        %lt3A_1389 = arith.cmpi slt, %rem3A_1385, %lt3A_1388 : i32
        %lt3A_1390 = arith.constant 0 : i32
        %lt3A_1391 = arith.cmpi slt, %select_n3A_1384, %lt3A_1390 : i32
        %ne3A_1392 = arith.xori %lt3A_1389, %lt3A_1391 : i1
        %and3A_1393 = arith.andi %ne3A_1392, %ne3A_1387 : i1
        %add3A_1394 = arith.addi %rem3A_1385, %select_n3A_1384 : i32
        %select_n3A_1395 = arith.select %and3A_1393, %add3A_1394, %rem3A_1385 : i32
        %jit3A_1396 = arith.constant 2 : i32
        %eq3A_1397 = arith.constant 0 : i32
        %eq3A_1398 = arith.cmpi eq, %jit3A_1396, %eq3A_1397 : i32
        %jit3A_1399 = arith.constant 1 : i32
        %select_n3A_1400 = arith.select %eq3A_1398, %jit3A_1399, %jit3A_1396 : i32
        %rem3A_1401 = arith.remsi %scan3A_589, %select_n3A_1400 : i32
        %ne3A_1402 = arith.constant 0 : i32
        %ne3A_1403 = arith.cmpi ne, %rem3A_1401, %ne3A_1402 : i32
        %lt3A_1404 = arith.constant 0 : i32
        %lt3A_1405 = arith.cmpi slt, %rem3A_1401, %lt3A_1404 : i32
        %lt3A_1406 = arith.constant 0 : i32
        %lt3A_1407 = arith.cmpi slt, %select_n3A_1400, %lt3A_1406 : i32
        %ne3A_1408 = arith.xori %lt3A_1405, %lt3A_1407 : i1
        %and3A_1409 = arith.andi %ne3A_1408, %ne3A_1403 : i1
        %add3A_1410 = arith.addi %rem3A_1401, %select_n3A_1400 : i32
        %select_n3A_1411 = arith.select %and3A_1409, %add3A_1410, %rem3A_1401 : i32
        %dma_start3A_1412 = arith.constant 16 : i32
        %dma_start3A_1413 = arith.constant 16 : i32
        %dma_start3A_1414 = arith.constant 0 : i32
        %dma_start3A_1415 = tpu.memref_slice %arg6[%select_n3A_1411, %dma_start3A_1413, %dma_start3A_1414] : memref<2x32x128xf32, #tpu.memory_space<vmem>> -> memref<1x1x128xf32, #tpu.memory_space<vmem>>
        %dma_start3A_1416 = tpu.memref_squeeze %dma_start3A_1415 : memref<1x1x128xf32, #tpu.memory_space<vmem>> -> memref<128xf32, #tpu.memory_space<vmem>>
        %dma_start3A_1417 = arith.constant 0 : i32
        %dma_start3A_1418 = tpu.memref_slice %arg5[%select_n3A_1395, %dma_start3A_1412, %dma_start3A_1417] : memref<2x32x128xi32, #tpu.memory_space<vmem>> -> memref<1x1x128xi32, #tpu.memory_space<vmem>>
        %dma_start3A_1419 = tpu.memref_squeeze %dma_start3A_1418 : memref<1x1x128xi32, #tpu.memory_space<vmem>> -> memref<128xi32, #tpu.memory_space<vmem>>
        %dma_start3A_1420 = arith.constant 0 : i32
        %dma_start3A_1421 = tpu.memref_slice %arg3[%add3A_659, %dma_start3A_1420] : memref<640x100000xf32, #tpu.memory_space<hbm>> -> memref<1x100000xf32, #tpu.memory_space<hbm>>
        %dma_start3A_1422 = tpu.memref_squeeze %dma_start3A_1421 : memref<1x100000xf32, #tpu.memory_space<hbm>> -> memref<100000xf32, #tpu.memory_space<hbm>>
        %dma_start3A_1423 = arith.constant 0 : i32
        %dma_start3A_1424 = tpu.memref_slice %dma_start3A_1422[%dma_start3A_1423] : memref<100000xf32, #tpu.memory_space<hbm>> -> memref<100000xf32, #tpu.memory_space<hbm>>
        tpu.enqueue_indirect_dma source(%dma_start3A_1424 : memref<100000xf32, #tpu.memory_space<hbm>>) target(%dma_start3A_1416 : memref<128xf32, #tpu.memory_space<vmem>>) offsets(%dma_start3A_1419 : memref<128xi32, #tpu.memory_space<vmem>>) semaphore(%arg9 : memref<!tpu.dma_semaphore, #tpu.memory_space<semaphore_mem>>)
        %jit3A_1425 = arith.constant 2 : i32
        %eq3A_1426 = arith.constant 0 : i32
        %eq3A_1427 = arith.cmpi eq, %jit3A_1425, %eq3A_1426 : i32
        %jit3A_1428 = arith.constant 1 : i32
        %select_n3A_1429 = arith.select %eq3A_1427, %jit3A_1428, %jit3A_1425 : i32
        %rem3A_1430 = arith.remsi %scan3A_589, %select_n3A_1429 : i32
        %ne3A_1431 = arith.constant 0 : i32
        %ne3A_1432 = arith.cmpi ne, %rem3A_1430, %ne3A_1431 : i32
        %lt3A_1433 = arith.constant 0 : i32
        %lt3A_1434 = arith.cmpi slt, %rem3A_1430, %lt3A_1433 : i32
        %lt3A_1435 = arith.constant 0 : i32
        %lt3A_1436 = arith.cmpi slt, %select_n3A_1429, %lt3A_1435 : i32
        %ne3A_1437 = arith.xori %lt3A_1434, %lt3A_1436 : i1
        %and3A_1438 = arith.andi %ne3A_1437, %ne3A_1432 : i1
        %add3A_1439 = arith.addi %rem3A_1430, %select_n3A_1429 : i32
        %select_n3A_1440 = arith.select %and3A_1438, %add3A_1439, %rem3A_1430 : i32
        %jit3A_1441 = arith.constant 2 : i32
        %eq3A_1442 = arith.constant 0 : i32
        %eq3A_1443 = arith.cmpi eq, %jit3A_1441, %eq3A_1442 : i32
        %jit3A_1444 = arith.constant 1 : i32
        %select_n3A_1445 = arith.select %eq3A_1443, %jit3A_1444, %jit3A_1441 : i32
        %rem3A_1446 = arith.remsi %scan3A_589, %select_n3A_1445 : i32
        %ne3A_1447 = arith.constant 0 : i32
        %ne3A_1448 = arith.cmpi ne, %rem3A_1446, %ne3A_1447 : i32
        %lt3A_1449 = arith.constant 0 : i32
        %lt3A_1450 = arith.cmpi slt, %rem3A_1446, %lt3A_1449 : i32
        %lt3A_1451 = arith.constant 0 : i32
        %lt3A_1452 = arith.cmpi slt, %select_n3A_1445, %lt3A_1451 : i32
        %ne3A_1453 = arith.xori %lt3A_1450, %lt3A_1452 : i1
        %and3A_1454 = arith.andi %ne3A_1453, %ne3A_1448 : i1
        %add3A_1455 = arith.addi %rem3A_1446, %select_n3A_1445 : i32
        %select_n3A_1456 = arith.select %and3A_1454, %add3A_1455, %rem3A_1446 : i32
        %dma_start3A_1457 = arith.constant 17 : i32
        %dma_start3A_1458 = arith.constant 17 : i32
        %dma_start3A_1459 = arith.constant 0 : i32
        %dma_start3A_1460 = tpu.memref_slice %arg6[%select_n3A_1456, %dma_start3A_1458, %dma_start3A_1459] : memref<2x32x128xf32, #tpu.memory_space<vmem>> -> memref<1x1x128xf32, #tpu.memory_space<vmem>>
        %dma_start3A_1461 = tpu.memref_squeeze %dma_start3A_1460 : memref<1x1x128xf32, #tpu.memory_space<vmem>> -> memref<128xf32, #tpu.memory_space<vmem>>
        %dma_start3A_1462 = arith.constant 0 : i32
        %dma_start3A_1463 = tpu.memref_slice %arg5[%select_n3A_1440, %dma_start3A_1457, %dma_start3A_1462] : memref<2x32x128xi32, #tpu.memory_space<vmem>> -> memref<1x1x128xi32, #tpu.memory_space<vmem>>
        %dma_start3A_1464 = tpu.memref_squeeze %dma_start3A_1463 : memref<1x1x128xi32, #tpu.memory_space<vmem>> -> memref<128xi32, #tpu.memory_space<vmem>>
        %dma_start3A_1465 = arith.constant 0 : i32
        %dma_start3A_1466 = tpu.memref_slice %arg3[%add3A_659, %dma_start3A_1465] : memref<640x100000xf32, #tpu.memory_space<hbm>> -> memref<1x100000xf32, #tpu.memory_space<hbm>>
        %dma_start3A_1467 = tpu.memref_squeeze %dma_start3A_1466 : memref<1x100000xf32, #tpu.memory_space<hbm>> -> memref<100000xf32, #tpu.memory_space<hbm>>
        %dma_start3A_1468 = arith.constant 0 : i32
        %dma_start3A_1469 = tpu.memref_slice %dma_start3A_1467[%dma_start3A_1468] : memref<100000xf32, #tpu.memory_space<hbm>> -> memref<100000xf32, #tpu.memory_space<hbm>>
        tpu.enqueue_indirect_dma source(%dma_start3A_1469 : memref<100000xf32, #tpu.memory_space<hbm>>) target(%dma_start3A_1461 : memref<128xf32, #tpu.memory_space<vmem>>) offsets(%dma_start3A_1464 : memref<128xi32, #tpu.memory_space<vmem>>) semaphore(%arg9 : memref<!tpu.dma_semaphore, #tpu.memory_space<semaphore_mem>>)
        %jit3A_1470 = arith.constant 2 : i32
        %eq3A_1471 = arith.constant 0 : i32
        %eq3A_1472 = arith.cmpi eq, %jit3A_1470, %eq3A_1471 : i32
        %jit3A_1473 = arith.constant 1 : i32
        %select_n3A_1474 = arith.select %eq3A_1472, %jit3A_1473, %jit3A_1470 : i32
        %rem3A_1475 = arith.remsi %scan3A_589, %select_n3A_1474 : i32
        %ne3A_1476 = arith.constant 0 : i32
        %ne3A_1477 = arith.cmpi ne, %rem3A_1475, %ne3A_1476 : i32
        %lt3A_1478 = arith.constant 0 : i32
        %lt3A_1479 = arith.cmpi slt, %rem3A_1475, %lt3A_1478 : i32
        %lt3A_1480 = arith.constant 0 : i32
        %lt3A_1481 = arith.cmpi slt, %select_n3A_1474, %lt3A_1480 : i32
        %ne3A_1482 = arith.xori %lt3A_1479, %lt3A_1481 : i1
        %and3A_1483 = arith.andi %ne3A_1482, %ne3A_1477 : i1
        %add3A_1484 = arith.addi %rem3A_1475, %select_n3A_1474 : i32
        %select_n3A_1485 = arith.select %and3A_1483, %add3A_1484, %rem3A_1475 : i32
        %jit3A_1486 = arith.constant 2 : i32
        %eq3A_1487 = arith.constant 0 : i32
        %eq3A_1488 = arith.cmpi eq, %jit3A_1486, %eq3A_1487 : i32
        %jit3A_1489 = arith.constant 1 : i32
        %select_n3A_1490 = arith.select %eq3A_1488, %jit3A_1489, %jit3A_1486 : i32
        %rem3A_1491 = arith.remsi %scan3A_589, %select_n3A_1490 : i32
        %ne3A_1492 = arith.constant 0 : i32
        %ne3A_1493 = arith.cmpi ne, %rem3A_1491, %ne3A_1492 : i32
        %lt3A_1494 = arith.constant 0 : i32
        %lt3A_1495 = arith.cmpi slt, %rem3A_1491, %lt3A_1494 : i32
        %lt3A_1496 = arith.constant 0 : i32
        %lt3A_1497 = arith.cmpi slt, %select_n3A_1490, %lt3A_1496 : i32
        %ne3A_1498 = arith.xori %lt3A_1495, %lt3A_1497 : i1
        %and3A_1499 = arith.andi %ne3A_1498, %ne3A_1493 : i1
        %add3A_1500 = arith.addi %rem3A_1491, %select_n3A_1490 : i32
        %select_n3A_1501 = arith.select %and3A_1499, %add3A_1500, %rem3A_1491 : i32
        %dma_start3A_1502 = arith.constant 18 : i32
        %dma_start3A_1503 = arith.constant 18 : i32
        %dma_start3A_1504 = arith.constant 0 : i32
        %dma_start3A_1505 = tpu.memref_slice %arg6[%select_n3A_1501, %dma_start3A_1503, %dma_start3A_1504] : memref<2x32x128xf32, #tpu.memory_space<vmem>> -> memref<1x1x128xf32, #tpu.memory_space<vmem>>
        %dma_start3A_1506 = tpu.memref_squeeze %dma_start3A_1505 : memref<1x1x128xf32, #tpu.memory_space<vmem>> -> memref<128xf32, #tpu.memory_space<vmem>>
        %dma_start3A_1507 = arith.constant 0 : i32
        %dma_start3A_1508 = tpu.memref_slice %arg5[%select_n3A_1485, %dma_start3A_1502, %dma_start3A_1507] : memref<2x32x128xi32, #tpu.memory_space<vmem>> -> memref<1x1x128xi32, #tpu.memory_space<vmem>>
        %dma_start3A_1509 = tpu.memref_squeeze %dma_start3A_1508 : memref<1x1x128xi32, #tpu.memory_space<vmem>> -> memref<128xi32, #tpu.memory_space<vmem>>
        %dma_start3A_1510 = arith.constant 0 : i32
        %dma_start3A_1511 = tpu.memref_slice %arg3[%add3A_659, %dma_start3A_1510] : memref<640x100000xf32, #tpu.memory_space<hbm>> -> memref<1x100000xf32, #tpu.memory_space<hbm>>
        %dma_start3A_1512 = tpu.memref_squeeze %dma_start3A_1511 : memref<1x100000xf32, #tpu.memory_space<hbm>> -> memref<100000xf32, #tpu.memory_space<hbm>>
        %dma_start3A_1513 = arith.constant 0 : i32
        %dma_start3A_1514 = tpu.memref_slice %dma_start3A_1512[%dma_start3A_1513] : memref<100000xf32, #tpu.memory_space<hbm>> -> memref<100000xf32, #tpu.memory_space<hbm>>
        tpu.enqueue_indirect_dma source(%dma_start3A_1514 : memref<100000xf32, #tpu.memory_space<hbm>>) target(%dma_start3A_1506 : memref<128xf32, #tpu.memory_space<vmem>>) offsets(%dma_start3A_1509 : memref<128xi32, #tpu.memory_space<vmem>>) semaphore(%arg9 : memref<!tpu.dma_semaphore, #tpu.memory_space<semaphore_mem>>)
        %jit3A_1515 = arith.constant 2 : i32
        %eq3A_1516 = arith.constant 0 : i32
        %eq3A_1517 = arith.cmpi eq, %jit3A_1515, %eq3A_1516 : i32
        %jit3A_1518 = arith.constant 1 : i32
        %select_n3A_1519 = arith.select %eq3A_1517, %jit3A_1518, %jit3A_1515 : i32
        %rem3A_1520 = arith.remsi %scan3A_589, %select_n3A_1519 : i32
        %ne3A_1521 = arith.constant 0 : i32
        %ne3A_1522 = arith.cmpi ne, %rem3A_1520, %ne3A_1521 : i32
        %lt3A_1523 = arith.constant 0 : i32
        %lt3A_1524 = arith.cmpi slt, %rem3A_1520, %lt3A_1523 : i32
        %lt3A_1525 = arith.constant 0 : i32
        %lt3A_1526 = arith.cmpi slt, %select_n3A_1519, %lt3A_1525 : i32
        %ne3A_1527 = arith.xori %lt3A_1524, %lt3A_1526 : i1
        %and3A_1528 = arith.andi %ne3A_1527, %ne3A_1522 : i1
        %add3A_1529 = arith.addi %rem3A_1520, %select_n3A_1519 : i32
        %select_n3A_1530 = arith.select %and3A_1528, %add3A_1529, %rem3A_1520 : i32
        %jit3A_1531 = arith.constant 2 : i32
        %eq3A_1532 = arith.constant 0 : i32
        %eq3A_1533 = arith.cmpi eq, %jit3A_1531, %eq3A_1532 : i32
        %jit3A_1534 = arith.constant 1 : i32
        %select_n3A_1535 = arith.select %eq3A_1533, %jit3A_1534, %jit3A_1531 : i32
        %rem3A_1536 = arith.remsi %scan3A_589, %select_n3A_1535 : i32
        %ne3A_1537 = arith.constant 0 : i32
        %ne3A_1538 = arith.cmpi ne, %rem3A_1536, %ne3A_1537 : i32
        %lt3A_1539 = arith.constant 0 : i32
        %lt3A_1540 = arith.cmpi slt, %rem3A_1536, %lt3A_1539 : i32
        %lt3A_1541 = arith.constant 0 : i32
        %lt3A_1542 = arith.cmpi slt, %select_n3A_1535, %lt3A_1541 : i32
        %ne3A_1543 = arith.xori %lt3A_1540, %lt3A_1542 : i1
        %and3A_1544 = arith.andi %ne3A_1543, %ne3A_1538 : i1
        %add3A_1545 = arith.addi %rem3A_1536, %select_n3A_1535 : i32
        %select_n3A_1546 = arith.select %and3A_1544, %add3A_1545, %rem3A_1536 : i32
        %dma_start3A_1547 = arith.constant 19 : i32
        %dma_start3A_1548 = arith.constant 19 : i32
        %dma_start3A_1549 = arith.constant 0 : i32
        %dma_start3A_1550 = tpu.memref_slice %arg6[%select_n3A_1546, %dma_start3A_1548, %dma_start3A_1549] : memref<2x32x128xf32, #tpu.memory_space<vmem>> -> memref<1x1x128xf32, #tpu.memory_space<vmem>>
        %dma_start3A_1551 = tpu.memref_squeeze %dma_start3A_1550 : memref<1x1x128xf32, #tpu.memory_space<vmem>> -> memref<128xf32, #tpu.memory_space<vmem>>
        %dma_start3A_1552 = arith.constant 0 : i32
        %dma_start3A_1553 = tpu.memref_slice %arg5[%select_n3A_1530, %dma_start3A_1547, %dma_start3A_1552] : memref<2x32x128xi32, #tpu.memory_space<vmem>> -> memref<1x1x128xi32, #tpu.memory_space<vmem>>
        %dma_start3A_1554 = tpu.memref_squeeze %dma_start3A_1553 : memref<1x1x128xi32, #tpu.memory_space<vmem>> -> memref<128xi32, #tpu.memory_space<vmem>>
        %dma_start3A_1555 = arith.constant 0 : i32
        %dma_start3A_1556 = tpu.memref_slice %arg3[%add3A_659, %dma_start3A_1555] : memref<640x100000xf32, #tpu.memory_space<hbm>> -> memref<1x100000xf32, #tpu.memory_space<hbm>>
        %dma_start3A_1557 = tpu.memref_squeeze %dma_start3A_1556 : memref<1x100000xf32, #tpu.memory_space<hbm>> -> memref<100000xf32, #tpu.memory_space<hbm>>
        %dma_start3A_1558 = arith.constant 0 : i32
        %dma_start3A_1559 = tpu.memref_slice %dma_start3A_1557[%dma_start3A_1558] : memref<100000xf32, #tpu.memory_space<hbm>> -> memref<100000xf32, #tpu.memory_space<hbm>>
        tpu.enqueue_indirect_dma source(%dma_start3A_1559 : memref<100000xf32, #tpu.memory_space<hbm>>) target(%dma_start3A_1551 : memref<128xf32, #tpu.memory_space<vmem>>) offsets(%dma_start3A_1554 : memref<128xi32, #tpu.memory_space<vmem>>) semaphore(%arg9 : memref<!tpu.dma_semaphore, #tpu.memory_space<semaphore_mem>>)
        %jit3A_1560 = arith.constant 2 : i32
        %eq3A_1561 = arith.constant 0 : i32
        %eq3A_1562 = arith.cmpi eq, %jit3A_1560, %eq3A_1561 : i32
        %jit3A_1563 = arith.constant 1 : i32
        %select_n3A_1564 = arith.select %eq3A_1562, %jit3A_1563, %jit3A_1560 : i32
        %rem3A_1565 = arith.remsi %scan3A_589, %select_n3A_1564 : i32
        %ne3A_1566 = arith.constant 0 : i32
        %ne3A_1567 = arith.cmpi ne, %rem3A_1565, %ne3A_1566 : i32
        %lt3A_1568 = arith.constant 0 : i32
        %lt3A_1569 = arith.cmpi slt, %rem3A_1565, %lt3A_1568 : i32
        %lt3A_1570 = arith.constant 0 : i32
        %lt3A_1571 = arith.cmpi slt, %select_n3A_1564, %lt3A_1570 : i32
        %ne3A_1572 = arith.xori %lt3A_1569, %lt3A_1571 : i1
        %and3A_1573 = arith.andi %ne3A_1572, %ne3A_1567 : i1
        %add3A_1574 = arith.addi %rem3A_1565, %select_n3A_1564 : i32
        %select_n3A_1575 = arith.select %and3A_1573, %add3A_1574, %rem3A_1565 : i32
        %jit3A_1576 = arith.constant 2 : i32
        %eq3A_1577 = arith.constant 0 : i32
        %eq3A_1578 = arith.cmpi eq, %jit3A_1576, %eq3A_1577 : i32
        %jit3A_1579 = arith.constant 1 : i32
        %select_n3A_1580 = arith.select %eq3A_1578, %jit3A_1579, %jit3A_1576 : i32
        %rem3A_1581 = arith.remsi %scan3A_589, %select_n3A_1580 : i32
        %ne3A_1582 = arith.constant 0 : i32
        %ne3A_1583 = arith.cmpi ne, %rem3A_1581, %ne3A_1582 : i32
        %lt3A_1584 = arith.constant 0 : i32
        %lt3A_1585 = arith.cmpi slt, %rem3A_1581, %lt3A_1584 : i32
        %lt3A_1586 = arith.constant 0 : i32
        %lt3A_1587 = arith.cmpi slt, %select_n3A_1580, %lt3A_1586 : i32
        %ne3A_1588 = arith.xori %lt3A_1585, %lt3A_1587 : i1
        %and3A_1589 = arith.andi %ne3A_1588, %ne3A_1583 : i1
        %add3A_1590 = arith.addi %rem3A_1581, %select_n3A_1580 : i32
        %select_n3A_1591 = arith.select %and3A_1589, %add3A_1590, %rem3A_1581 : i32
        %dma_start3A_1592 = arith.constant 20 : i32
        %dma_start3A_1593 = arith.constant 20 : i32
        %dma_start3A_1594 = arith.constant 0 : i32
        %dma_start3A_1595 = tpu.memref_slice %arg6[%select_n3A_1591, %dma_start3A_1593, %dma_start3A_1594] : memref<2x32x128xf32, #tpu.memory_space<vmem>> -> memref<1x1x128xf32, #tpu.memory_space<vmem>>
        %dma_start3A_1596 = tpu.memref_squeeze %dma_start3A_1595 : memref<1x1x128xf32, #tpu.memory_space<vmem>> -> memref<128xf32, #tpu.memory_space<vmem>>
        %dma_start3A_1597 = arith.constant 0 : i32
        %dma_start3A_1598 = tpu.memref_slice %arg5[%select_n3A_1575, %dma_start3A_1592, %dma_start3A_1597] : memref<2x32x128xi32, #tpu.memory_space<vmem>> -> memref<1x1x128xi32, #tpu.memory_space<vmem>>
        %dma_start3A_1599 = tpu.memref_squeeze %dma_start3A_1598 : memref<1x1x128xi32, #tpu.memory_space<vmem>> -> memref<128xi32, #tpu.memory_space<vmem>>
        %dma_start3A_1600 = arith.constant 0 : i32
        %dma_start3A_1601 = tpu.memref_slice %arg3[%add3A_659, %dma_start3A_1600] : memref<640x100000xf32, #tpu.memory_space<hbm>> -> memref<1x100000xf32, #tpu.memory_space<hbm>>
        %dma_start3A_1602 = tpu.memref_squeeze %dma_start3A_1601 : memref<1x100000xf32, #tpu.memory_space<hbm>> -> memref<100000xf32, #tpu.memory_space<hbm>>
        %dma_start3A_1603 = arith.constant 0 : i32
        %dma_start3A_1604 = tpu.memref_slice %dma_start3A_1602[%dma_start3A_1603] : memref<100000xf32, #tpu.memory_space<hbm>> -> memref<100000xf32, #tpu.memory_space<hbm>>
        tpu.enqueue_indirect_dma source(%dma_start3A_1604 : memref<100000xf32, #tpu.memory_space<hbm>>) target(%dma_start3A_1596 : memref<128xf32, #tpu.memory_space<vmem>>) offsets(%dma_start3A_1599 : memref<128xi32, #tpu.memory_space<vmem>>) semaphore(%arg9 : memref<!tpu.dma_semaphore, #tpu.memory_space<semaphore_mem>>)
        %jit3A_1605 = arith.constant 2 : i32
        %eq3A_1606 = arith.constant 0 : i32
        %eq3A_1607 = arith.cmpi eq, %jit3A_1605, %eq3A_1606 : i32
        %jit3A_1608 = arith.constant 1 : i32
        %select_n3A_1609 = arith.select %eq3A_1607, %jit3A_1608, %jit3A_1605 : i32
        %rem3A_1610 = arith.remsi %scan3A_589, %select_n3A_1609 : i32
        %ne3A_1611 = arith.constant 0 : i32
        %ne3A_1612 = arith.cmpi ne, %rem3A_1610, %ne3A_1611 : i32
        %lt3A_1613 = arith.constant 0 : i32
        %lt3A_1614 = arith.cmpi slt, %rem3A_1610, %lt3A_1613 : i32
        %lt3A_1615 = arith.constant 0 : i32
        %lt3A_1616 = arith.cmpi slt, %select_n3A_1609, %lt3A_1615 : i32
        %ne3A_1617 = arith.xori %lt3A_1614, %lt3A_1616 : i1
        %and3A_1618 = arith.andi %ne3A_1617, %ne3A_1612 : i1
        %add3A_1619 = arith.addi %rem3A_1610, %select_n3A_1609 : i32
        %select_n3A_1620 = arith.select %and3A_1618, %add3A_1619, %rem3A_1610 : i32
        %jit3A_1621 = arith.constant 2 : i32
        %eq3A_1622 = arith.constant 0 : i32
        %eq3A_1623 = arith.cmpi eq, %jit3A_1621, %eq3A_1622 : i32
        %jit3A_1624 = arith.constant 1 : i32
        %select_n3A_1625 = arith.select %eq3A_1623, %jit3A_1624, %jit3A_1621 : i32
        %rem3A_1626 = arith.remsi %scan3A_589, %select_n3A_1625 : i32
        %ne3A_1627 = arith.constant 0 : i32
        %ne3A_1628 = arith.cmpi ne, %rem3A_1626, %ne3A_1627 : i32
        %lt3A_1629 = arith.constant 0 : i32
        %lt3A_1630 = arith.cmpi slt, %rem3A_1626, %lt3A_1629 : i32
        %lt3A_1631 = arith.constant 0 : i32
        %lt3A_1632 = arith.cmpi slt, %select_n3A_1625, %lt3A_1631 : i32
        %ne3A_1633 = arith.xori %lt3A_1630, %lt3A_1632 : i1
        %and3A_1634 = arith.andi %ne3A_1633, %ne3A_1628 : i1
        %add3A_1635 = arith.addi %rem3A_1626, %select_n3A_1625 : i32
        %select_n3A_1636 = arith.select %and3A_1634, %add3A_1635, %rem3A_1626 : i32
        %dma_start3A_1637 = arith.constant 21 : i32
        %dma_start3A_1638 = arith.constant 21 : i32
        %dma_start3A_1639 = arith.constant 0 : i32
        %dma_start3A_1640 = tpu.memref_slice %arg6[%select_n3A_1636, %dma_start3A_1638, %dma_start3A_1639] : memref<2x32x128xf32, #tpu.memory_space<vmem>> -> memref<1x1x128xf32, #tpu.memory_space<vmem>>
        %dma_start3A_1641 = tpu.memref_squeeze %dma_start3A_1640 : memref<1x1x128xf32, #tpu.memory_space<vmem>> -> memref<128xf32, #tpu.memory_space<vmem>>
        %dma_start3A_1642 = arith.constant 0 : i32
        %dma_start3A_1643 = tpu.memref_slice %arg5[%select_n3A_1620, %dma_start3A_1637, %dma_start3A_1642] : memref<2x32x128xi32, #tpu.memory_space<vmem>> -> memref<1x1x128xi32, #tpu.memory_space<vmem>>
        %dma_start3A_1644 = tpu.memref_squeeze %dma_start3A_1643 : memref<1x1x128xi32, #tpu.memory_space<vmem>> -> memref<128xi32, #tpu.memory_space<vmem>>
        %dma_start3A_1645 = arith.constant 0 : i32
        %dma_start3A_1646 = tpu.memref_slice %arg3[%add3A_659, %dma_start3A_1645] : memref<640x100000xf32, #tpu.memory_space<hbm>> -> memref<1x100000xf32, #tpu.memory_space<hbm>>
        %dma_start3A_1647 = tpu.memref_squeeze %dma_start3A_1646 : memref<1x100000xf32, #tpu.memory_space<hbm>> -> memref<100000xf32, #tpu.memory_space<hbm>>
        %dma_start3A_1648 = arith.constant 0 : i32
        %dma_start3A_1649 = tpu.memref_slice %dma_start3A_1647[%dma_start3A_1648] : memref<100000xf32, #tpu.memory_space<hbm>> -> memref<100000xf32, #tpu.memory_space<hbm>>
        tpu.enqueue_indirect_dma source(%dma_start3A_1649 : memref<100000xf32, #tpu.memory_space<hbm>>) target(%dma_start3A_1641 : memref<128xf32, #tpu.memory_space<vmem>>) offsets(%dma_start3A_1644 : memref<128xi32, #tpu.memory_space<vmem>>) semaphore(%arg9 : memref<!tpu.dma_semaphore, #tpu.memory_space<semaphore_mem>>)
        %jit3A_1650 = arith.constant 2 : i32
        %eq3A_1651 = arith.constant 0 : i32
        %eq3A_1652 = arith.cmpi eq, %jit3A_1650, %eq3A_1651 : i32
        %jit3A_1653 = arith.constant 1 : i32
        %select_n3A_1654 = arith.select %eq3A_1652, %jit3A_1653, %jit3A_1650 : i32
        %rem3A_1655 = arith.remsi %scan3A_589, %select_n3A_1654 : i32
        %ne3A_1656 = arith.constant 0 : i32
        %ne3A_1657 = arith.cmpi ne, %rem3A_1655, %ne3A_1656 : i32
        %lt3A_1658 = arith.constant 0 : i32
        %lt3A_1659 = arith.cmpi slt, %rem3A_1655, %lt3A_1658 : i32
        %lt3A_1660 = arith.constant 0 : i32
        %lt3A_1661 = arith.cmpi slt, %select_n3A_1654, %lt3A_1660 : i32
        %ne3A_1662 = arith.xori %lt3A_1659, %lt3A_1661 : i1
        %and3A_1663 = arith.andi %ne3A_1662, %ne3A_1657 : i1
        %add3A_1664 = arith.addi %rem3A_1655, %select_n3A_1654 : i32
        %select_n3A_1665 = arith.select %and3A_1663, %add3A_1664, %rem3A_1655 : i32
        %jit3A_1666 = arith.constant 2 : i32
        %eq3A_1667 = arith.constant 0 : i32
        %eq3A_1668 = arith.cmpi eq, %jit3A_1666, %eq3A_1667 : i32
        %jit3A_1669 = arith.constant 1 : i32
        %select_n3A_1670 = arith.select %eq3A_1668, %jit3A_1669, %jit3A_1666 : i32
        %rem3A_1671 = arith.remsi %scan3A_589, %select_n3A_1670 : i32
        %ne3A_1672 = arith.constant 0 : i32
        %ne3A_1673 = arith.cmpi ne, %rem3A_1671, %ne3A_1672 : i32
        %lt3A_1674 = arith.constant 0 : i32
        %lt3A_1675 = arith.cmpi slt, %rem3A_1671, %lt3A_1674 : i32
        %lt3A_1676 = arith.constant 0 : i32
        %lt3A_1677 = arith.cmpi slt, %select_n3A_1670, %lt3A_1676 : i32
        %ne3A_1678 = arith.xori %lt3A_1675, %lt3A_1677 : i1
        %and3A_1679 = arith.andi %ne3A_1678, %ne3A_1673 : i1
        %add3A_1680 = arith.addi %rem3A_1671, %select_n3A_1670 : i32
        %select_n3A_1681 = arith.select %and3A_1679, %add3A_1680, %rem3A_1671 : i32
        %dma_start3A_1682 = arith.constant 22 : i32
        %dma_start3A_1683 = arith.constant 22 : i32
        %dma_start3A_1684 = arith.constant 0 : i32
        %dma_start3A_1685 = tpu.memref_slice %arg6[%select_n3A_1681, %dma_start3A_1683, %dma_start3A_1684] : memref<2x32x128xf32, #tpu.memory_space<vmem>> -> memref<1x1x128xf32, #tpu.memory_space<vmem>>
        %dma_start3A_1686 = tpu.memref_squeeze %dma_start3A_1685 : memref<1x1x128xf32, #tpu.memory_space<vmem>> -> memref<128xf32, #tpu.memory_space<vmem>>
        %dma_start3A_1687 = arith.constant 0 : i32
        %dma_start3A_1688 = tpu.memref_slice %arg5[%select_n3A_1665, %dma_start3A_1682, %dma_start3A_1687] : memref<2x32x128xi32, #tpu.memory_space<vmem>> -> memref<1x1x128xi32, #tpu.memory_space<vmem>>
        %dma_start3A_1689 = tpu.memref_squeeze %dma_start3A_1688 : memref<1x1x128xi32, #tpu.memory_space<vmem>> -> memref<128xi32, #tpu.memory_space<vmem>>
        %dma_start3A_1690 = arith.constant 0 : i32
        %dma_start3A_1691 = tpu.memref_slice %arg3[%add3A_659, %dma_start3A_1690] : memref<640x100000xf32, #tpu.memory_space<hbm>> -> memref<1x100000xf32, #tpu.memory_space<hbm>>
        %dma_start3A_1692 = tpu.memref_squeeze %dma_start3A_1691 : memref<1x100000xf32, #tpu.memory_space<hbm>> -> memref<100000xf32, #tpu.memory_space<hbm>>
        %dma_start3A_1693 = arith.constant 0 : i32
        %dma_start3A_1694 = tpu.memref_slice %dma_start3A_1692[%dma_start3A_1693] : memref<100000xf32, #tpu.memory_space<hbm>> -> memref<100000xf32, #tpu.memory_space<hbm>>
        tpu.enqueue_indirect_dma source(%dma_start3A_1694 : memref<100000xf32, #tpu.memory_space<hbm>>) target(%dma_start3A_1686 : memref<128xf32, #tpu.memory_space<vmem>>) offsets(%dma_start3A_1689 : memref<128xi32, #tpu.memory_space<vmem>>) semaphore(%arg9 : memref<!tpu.dma_semaphore, #tpu.memory_space<semaphore_mem>>)
        %jit3A_1695 = arith.constant 2 : i32
        %eq3A_1696 = arith.constant 0 : i32
        %eq3A_1697 = arith.cmpi eq, %jit3A_1695, %eq3A_1696 : i32
        %jit3A_1698 = arith.constant 1 : i32
        %select_n3A_1699 = arith.select %eq3A_1697, %jit3A_1698, %jit3A_1695 : i32
        %rem3A_1700 = arith.remsi %scan3A_589, %select_n3A_1699 : i32
        %ne3A_1701 = arith.constant 0 : i32
        %ne3A_1702 = arith.cmpi ne, %rem3A_1700, %ne3A_1701 : i32
        %lt3A_1703 = arith.constant 0 : i32
        %lt3A_1704 = arith.cmpi slt, %rem3A_1700, %lt3A_1703 : i32
        %lt3A_1705 = arith.constant 0 : i32
        %lt3A_1706 = arith.cmpi slt, %select_n3A_1699, %lt3A_1705 : i32
        %ne3A_1707 = arith.xori %lt3A_1704, %lt3A_1706 : i1
        %and3A_1708 = arith.andi %ne3A_1707, %ne3A_1702 : i1
        %add3A_1709 = arith.addi %rem3A_1700, %select_n3A_1699 : i32
        %select_n3A_1710 = arith.select %and3A_1708, %add3A_1709, %rem3A_1700 : i32
        %jit3A_1711 = arith.constant 2 : i32
        %eq3A_1712 = arith.constant 0 : i32
        %eq3A_1713 = arith.cmpi eq, %jit3A_1711, %eq3A_1712 : i32
        %jit3A_1714 = arith.constant 1 : i32
        %select_n3A_1715 = arith.select %eq3A_1713, %jit3A_1714, %jit3A_1711 : i32
        %rem3A_1716 = arith.remsi %scan3A_589, %select_n3A_1715 : i32
        %ne3A_1717 = arith.constant 0 : i32
        %ne3A_1718 = arith.cmpi ne, %rem3A_1716, %ne3A_1717 : i32
        %lt3A_1719 = arith.constant 0 : i32
        %lt3A_1720 = arith.cmpi slt, %rem3A_1716, %lt3A_1719 : i32
        %lt3A_1721 = arith.constant 0 : i32
        %lt3A_1722 = arith.cmpi slt, %select_n3A_1715, %lt3A_1721 : i32
        %ne3A_1723 = arith.xori %lt3A_1720, %lt3A_1722 : i1
        %and3A_1724 = arith.andi %ne3A_1723, %ne3A_1718 : i1
        %add3A_1725 = arith.addi %rem3A_1716, %select_n3A_1715 : i32
        %select_n3A_1726 = arith.select %and3A_1724, %add3A_1725, %rem3A_1716 : i32
        %dma_start3A_1727 = arith.constant 23 : i32
        %dma_start3A_1728 = arith.constant 23 : i32
        %dma_start3A_1729 = arith.constant 0 : i32
        %dma_start3A_1730 = tpu.memref_slice %arg6[%select_n3A_1726, %dma_start3A_1728, %dma_start3A_1729] : memref<2x32x128xf32, #tpu.memory_space<vmem>> -> memref<1x1x128xf32, #tpu.memory_space<vmem>>
        %dma_start3A_1731 = tpu.memref_squeeze %dma_start3A_1730 : memref<1x1x128xf32, #tpu.memory_space<vmem>> -> memref<128xf32, #tpu.memory_space<vmem>>
        %dma_start3A_1732 = arith.constant 0 : i32
        %dma_start3A_1733 = tpu.memref_slice %arg5[%select_n3A_1710, %dma_start3A_1727, %dma_start3A_1732] : memref<2x32x128xi32, #tpu.memory_space<vmem>> -> memref<1x1x128xi32, #tpu.memory_space<vmem>>
        %dma_start3A_1734 = tpu.memref_squeeze %dma_start3A_1733 : memref<1x1x128xi32, #tpu.memory_space<vmem>> -> memref<128xi32, #tpu.memory_space<vmem>>
        %dma_start3A_1735 = arith.constant 0 : i32
        %dma_start3A_1736 = tpu.memref_slice %arg3[%add3A_659, %dma_start3A_1735] : memref<640x100000xf32, #tpu.memory_space<hbm>> -> memref<1x100000xf32, #tpu.memory_space<hbm>>
        %dma_start3A_1737 = tpu.memref_squeeze %dma_start3A_1736 : memref<1x100000xf32, #tpu.memory_space<hbm>> -> memref<100000xf32, #tpu.memory_space<hbm>>
        %dma_start3A_1738 = arith.constant 0 : i32
        %dma_start3A_1739 = tpu.memref_slice %dma_start3A_1737[%dma_start3A_1738] : memref<100000xf32, #tpu.memory_space<hbm>> -> memref<100000xf32, #tpu.memory_space<hbm>>
        tpu.enqueue_indirect_dma source(%dma_start3A_1739 : memref<100000xf32, #tpu.memory_space<hbm>>) target(%dma_start3A_1731 : memref<128xf32, #tpu.memory_space<vmem>>) offsets(%dma_start3A_1734 : memref<128xi32, #tpu.memory_space<vmem>>) semaphore(%arg9 : memref<!tpu.dma_semaphore, #tpu.memory_space<semaphore_mem>>)
        %jit3A_1740 = arith.constant 2 : i32
        %eq3A_1741 = arith.constant 0 : i32
        %eq3A_1742 = arith.cmpi eq, %jit3A_1740, %eq3A_1741 : i32
        %jit3A_1743 = arith.constant 1 : i32
        %select_n3A_1744 = arith.select %eq3A_1742, %jit3A_1743, %jit3A_1740 : i32
        %rem3A_1745 = arith.remsi %scan3A_589, %select_n3A_1744 : i32
        %ne3A_1746 = arith.constant 0 : i32
        %ne3A_1747 = arith.cmpi ne, %rem3A_1745, %ne3A_1746 : i32
        %lt3A_1748 = arith.constant 0 : i32
        %lt3A_1749 = arith.cmpi slt, %rem3A_1745, %lt3A_1748 : i32
        %lt3A_1750 = arith.constant 0 : i32
        %lt3A_1751 = arith.cmpi slt, %select_n3A_1744, %lt3A_1750 : i32
        %ne3A_1752 = arith.xori %lt3A_1749, %lt3A_1751 : i1
        %and3A_1753 = arith.andi %ne3A_1752, %ne3A_1747 : i1
        %add3A_1754 = arith.addi %rem3A_1745, %select_n3A_1744 : i32
        %select_n3A_1755 = arith.select %and3A_1753, %add3A_1754, %rem3A_1745 : i32
        %jit3A_1756 = arith.constant 2 : i32
        %eq3A_1757 = arith.constant 0 : i32
        %eq3A_1758 = arith.cmpi eq, %jit3A_1756, %eq3A_1757 : i32
        %jit3A_1759 = arith.constant 1 : i32
        %select_n3A_1760 = arith.select %eq3A_1758, %jit3A_1759, %jit3A_1756 : i32
        %rem3A_1761 = arith.remsi %scan3A_589, %select_n3A_1760 : i32
        %ne3A_1762 = arith.constant 0 : i32
        %ne3A_1763 = arith.cmpi ne, %rem3A_1761, %ne3A_1762 : i32
        %lt3A_1764 = arith.constant 0 : i32
        %lt3A_1765 = arith.cmpi slt, %rem3A_1761, %lt3A_1764 : i32
        %lt3A_1766 = arith.constant 0 : i32
        %lt3A_1767 = arith.cmpi slt, %select_n3A_1760, %lt3A_1766 : i32
        %ne3A_1768 = arith.xori %lt3A_1765, %lt3A_1767 : i1
        %and3A_1769 = arith.andi %ne3A_1768, %ne3A_1763 : i1
        %add3A_1770 = arith.addi %rem3A_1761, %select_n3A_1760 : i32
        %select_n3A_1771 = arith.select %and3A_1769, %add3A_1770, %rem3A_1761 : i32
        %dma_start3A_1772 = arith.constant 24 : i32
        %dma_start3A_1773 = arith.constant 24 : i32
        %dma_start3A_1774 = arith.constant 0 : i32
        %dma_start3A_1775 = tpu.memref_slice %arg6[%select_n3A_1771, %dma_start3A_1773, %dma_start3A_1774] : memref<2x32x128xf32, #tpu.memory_space<vmem>> -> memref<1x1x128xf32, #tpu.memory_space<vmem>>
        %dma_start3A_1776 = tpu.memref_squeeze %dma_start3A_1775 : memref<1x1x128xf32, #tpu.memory_space<vmem>> -> memref<128xf32, #tpu.memory_space<vmem>>
        %dma_start3A_1777 = arith.constant 0 : i32
        %dma_start3A_1778 = tpu.memref_slice %arg5[%select_n3A_1755, %dma_start3A_1772, %dma_start3A_1777] : memref<2x32x128xi32, #tpu.memory_space<vmem>> -> memref<1x1x128xi32, #tpu.memory_space<vmem>>
        %dma_start3A_1779 = tpu.memref_squeeze %dma_start3A_1778 : memref<1x1x128xi32, #tpu.memory_space<vmem>> -> memref<128xi32, #tpu.memory_space<vmem>>
        %dma_start3A_1780 = arith.constant 0 : i32
        %dma_start3A_1781 = tpu.memref_slice %arg3[%add3A_659, %dma_start3A_1780] : memref<640x100000xf32, #tpu.memory_space<hbm>> -> memref<1x100000xf32, #tpu.memory_space<hbm>>
        %dma_start3A_1782 = tpu.memref_squeeze %dma_start3A_1781 : memref<1x100000xf32, #tpu.memory_space<hbm>> -> memref<100000xf32, #tpu.memory_space<hbm>>
        %dma_start3A_1783 = arith.constant 0 : i32
        %dma_start3A_1784 = tpu.memref_slice %dma_start3A_1782[%dma_start3A_1783] : memref<100000xf32, #tpu.memory_space<hbm>> -> memref<100000xf32, #tpu.memory_space<hbm>>
        tpu.enqueue_indirect_dma source(%dma_start3A_1784 : memref<100000xf32, #tpu.memory_space<hbm>>) target(%dma_start3A_1776 : memref<128xf32, #tpu.memory_space<vmem>>) offsets(%dma_start3A_1779 : memref<128xi32, #tpu.memory_space<vmem>>) semaphore(%arg9 : memref<!tpu.dma_semaphore, #tpu.memory_space<semaphore_mem>>)
        %jit3A_1785 = arith.constant 2 : i32
        %eq3A_1786 = arith.constant 0 : i32
        %eq3A_1787 = arith.cmpi eq, %jit3A_1785, %eq3A_1786 : i32
        %jit3A_1788 = arith.constant 1 : i32
        %select_n3A_1789 = arith.select %eq3A_1787, %jit3A_1788, %jit3A_1785 : i32
        %rem3A_1790 = arith.remsi %scan3A_589, %select_n3A_1789 : i32
        %ne3A_1791 = arith.constant 0 : i32
        %ne3A_1792 = arith.cmpi ne, %rem3A_1790, %ne3A_1791 : i32
        %lt3A_1793 = arith.constant 0 : i32
        %lt3A_1794 = arith.cmpi slt, %rem3A_1790, %lt3A_1793 : i32
        %lt3A_1795 = arith.constant 0 : i32
        %lt3A_1796 = arith.cmpi slt, %select_n3A_1789, %lt3A_1795 : i32
        %ne3A_1797 = arith.xori %lt3A_1794, %lt3A_1796 : i1
        %and3A_1798 = arith.andi %ne3A_1797, %ne3A_1792 : i1
        %add3A_1799 = arith.addi %rem3A_1790, %select_n3A_1789 : i32
        %select_n3A_1800 = arith.select %and3A_1798, %add3A_1799, %rem3A_1790 : i32
        %jit3A_1801 = arith.constant 2 : i32
        %eq3A_1802 = arith.constant 0 : i32
        %eq3A_1803 = arith.cmpi eq, %jit3A_1801, %eq3A_1802 : i32
        %jit3A_1804 = arith.constant 1 : i32
        %select_n3A_1805 = arith.select %eq3A_1803, %jit3A_1804, %jit3A_1801 : i32
        %rem3A_1806 = arith.remsi %scan3A_589, %select_n3A_1805 : i32
        %ne3A_1807 = arith.constant 0 : i32
        %ne3A_1808 = arith.cmpi ne, %rem3A_1806, %ne3A_1807 : i32
        %lt3A_1809 = arith.constant 0 : i32
        %lt3A_1810 = arith.cmpi slt, %rem3A_1806, %lt3A_1809 : i32
        %lt3A_1811 = arith.constant 0 : i32
        %lt3A_1812 = arith.cmpi slt, %select_n3A_1805, %lt3A_1811 : i32
        %ne3A_1813 = arith.xori %lt3A_1810, %lt3A_1812 : i1
        %and3A_1814 = arith.andi %ne3A_1813, %ne3A_1808 : i1
        %add3A_1815 = arith.addi %rem3A_1806, %select_n3A_1805 : i32
        %select_n3A_1816 = arith.select %and3A_1814, %add3A_1815, %rem3A_1806 : i32
        %dma_start3A_1817 = arith.constant 25 : i32
        %dma_start3A_1818 = arith.constant 25 : i32
        %dma_start3A_1819 = arith.constant 0 : i32
        %dma_start3A_1820 = tpu.memref_slice %arg6[%select_n3A_1816, %dma_start3A_1818, %dma_start3A_1819] : memref<2x32x128xf32, #tpu.memory_space<vmem>> -> memref<1x1x128xf32, #tpu.memory_space<vmem>>
        %dma_start3A_1821 = tpu.memref_squeeze %dma_start3A_1820 : memref<1x1x128xf32, #tpu.memory_space<vmem>> -> memref<128xf32, #tpu.memory_space<vmem>>
        %dma_start3A_1822 = arith.constant 0 : i32
        %dma_start3A_1823 = tpu.memref_slice %arg5[%select_n3A_1800, %dma_start3A_1817, %dma_start3A_1822] : memref<2x32x128xi32, #tpu.memory_space<vmem>> -> memref<1x1x128xi32, #tpu.memory_space<vmem>>
        %dma_start3A_1824 = tpu.memref_squeeze %dma_start3A_1823 : memref<1x1x128xi32, #tpu.memory_space<vmem>> -> memref<128xi32, #tpu.memory_space<vmem>>
        %dma_start3A_1825 = arith.constant 0 : i32
        %dma_start3A_1826 = tpu.memref_slice %arg3[%add3A_659, %dma_start3A_1825] : memref<640x100000xf32, #tpu.memory_space<hbm>> -> memref<1x100000xf32, #tpu.memory_space<hbm>>
        %dma_start3A_1827 = tpu.memref_squeeze %dma_start3A_1826 : memref<1x100000xf32, #tpu.memory_space<hbm>> -> memref<100000xf32, #tpu.memory_space<hbm>>
        %dma_start3A_1828 = arith.constant 0 : i32
        %dma_start3A_1829 = tpu.memref_slice %dma_start3A_1827[%dma_start3A_1828] : memref<100000xf32, #tpu.memory_space<hbm>> -> memref<100000xf32, #tpu.memory_space<hbm>>
        tpu.enqueue_indirect_dma source(%dma_start3A_1829 : memref<100000xf32, #tpu.memory_space<hbm>>) target(%dma_start3A_1821 : memref<128xf32, #tpu.memory_space<vmem>>) offsets(%dma_start3A_1824 : memref<128xi32, #tpu.memory_space<vmem>>) semaphore(%arg9 : memref<!tpu.dma_semaphore, #tpu.memory_space<semaphore_mem>>)
        %jit3A_1830 = arith.constant 2 : i32
        %eq3A_1831 = arith.constant 0 : i32
        %eq3A_1832 = arith.cmpi eq, %jit3A_1830, %eq3A_1831 : i32
        %jit3A_1833 = arith.constant 1 : i32
        %select_n3A_1834 = arith.select %eq3A_1832, %jit3A_1833, %jit3A_1830 : i32
        %rem3A_1835 = arith.remsi %scan3A_589, %select_n3A_1834 : i32
        %ne3A_1836 = arith.constant 0 : i32
        %ne3A_1837 = arith.cmpi ne, %rem3A_1835, %ne3A_1836 : i32
        %lt3A_1838 = arith.constant 0 : i32
        %lt3A_1839 = arith.cmpi slt, %rem3A_1835, %lt3A_1838 : i32
        %lt3A_1840 = arith.constant 0 : i32
        %lt3A_1841 = arith.cmpi slt, %select_n3A_1834, %lt3A_1840 : i32
        %ne3A_1842 = arith.xori %lt3A_1839, %lt3A_1841 : i1
        %and3A_1843 = arith.andi %ne3A_1842, %ne3A_1837 : i1
        %add3A_1844 = arith.addi %rem3A_1835, %select_n3A_1834 : i32
        %select_n3A_1845 = arith.select %and3A_1843, %add3A_1844, %rem3A_1835 : i32
        %jit3A_1846 = arith.constant 2 : i32
        %eq3A_1847 = arith.constant 0 : i32
        %eq3A_1848 = arith.cmpi eq, %jit3A_1846, %eq3A_1847 : i32
        %jit3A_1849 = arith.constant 1 : i32
        %select_n3A_1850 = arith.select %eq3A_1848, %jit3A_1849, %jit3A_1846 : i32
        %rem3A_1851 = arith.remsi %scan3A_589, %select_n3A_1850 : i32
        %ne3A_1852 = arith.constant 0 : i32
        %ne3A_1853 = arith.cmpi ne, %rem3A_1851, %ne3A_1852 : i32
        %lt3A_1854 = arith.constant 0 : i32
        %lt3A_1855 = arith.cmpi slt, %rem3A_1851, %lt3A_1854 : i32
        %lt3A_1856 = arith.constant 0 : i32
        %lt3A_1857 = arith.cmpi slt, %select_n3A_1850, %lt3A_1856 : i32
        %ne3A_1858 = arith.xori %lt3A_1855, %lt3A_1857 : i1
        %and3A_1859 = arith.andi %ne3A_1858, %ne3A_1853 : i1
        %add3A_1860 = arith.addi %rem3A_1851, %select_n3A_1850 : i32
        %select_n3A_1861 = arith.select %and3A_1859, %add3A_1860, %rem3A_1851 : i32
        %dma_start3A_1862 = arith.constant 26 : i32
        %dma_start3A_1863 = arith.constant 26 : i32
        %dma_start3A_1864 = arith.constant 0 : i32
        %dma_start3A_1865 = tpu.memref_slice %arg6[%select_n3A_1861, %dma_start3A_1863, %dma_start3A_1864] : memref<2x32x128xf32, #tpu.memory_space<vmem>> -> memref<1x1x128xf32, #tpu.memory_space<vmem>>
        %dma_start3A_1866 = tpu.memref_squeeze %dma_start3A_1865 : memref<1x1x128xf32, #tpu.memory_space<vmem>> -> memref<128xf32, #tpu.memory_space<vmem>>
        %dma_start3A_1867 = arith.constant 0 : i32
        %dma_start3A_1868 = tpu.memref_slice %arg5[%select_n3A_1845, %dma_start3A_1862, %dma_start3A_1867] : memref<2x32x128xi32, #tpu.memory_space<vmem>> -> memref<1x1x128xi32, #tpu.memory_space<vmem>>
        %dma_start3A_1869 = tpu.memref_squeeze %dma_start3A_1868 : memref<1x1x128xi32, #tpu.memory_space<vmem>> -> memref<128xi32, #tpu.memory_space<vmem>>
        %dma_start3A_1870 = arith.constant 0 : i32
        %dma_start3A_1871 = tpu.memref_slice %arg3[%add3A_659, %dma_start3A_1870] : memref<640x100000xf32, #tpu.memory_space<hbm>> -> memref<1x100000xf32, #tpu.memory_space<hbm>>
        %dma_start3A_1872 = tpu.memref_squeeze %dma_start3A_1871 : memref<1x100000xf32, #tpu.memory_space<hbm>> -> memref<100000xf32, #tpu.memory_space<hbm>>
        %dma_start3A_1873 = arith.constant 0 : i32
        %dma_start3A_1874 = tpu.memref_slice %dma_start3A_1872[%dma_start3A_1873] : memref<100000xf32, #tpu.memory_space<hbm>> -> memref<100000xf32, #tpu.memory_space<hbm>>
        tpu.enqueue_indirect_dma source(%dma_start3A_1874 : memref<100000xf32, #tpu.memory_space<hbm>>) target(%dma_start3A_1866 : memref<128xf32, #tpu.memory_space<vmem>>) offsets(%dma_start3A_1869 : memref<128xi32, #tpu.memory_space<vmem>>) semaphore(%arg9 : memref<!tpu.dma_semaphore, #tpu.memory_space<semaphore_mem>>)
        %jit3A_1875 = arith.constant 2 : i32
        %eq3A_1876 = arith.constant 0 : i32
        %eq3A_1877 = arith.cmpi eq, %jit3A_1875, %eq3A_1876 : i32
        %jit3A_1878 = arith.constant 1 : i32
        %select_n3A_1879 = arith.select %eq3A_1877, %jit3A_1878, %jit3A_1875 : i32
        %rem3A_1880 = arith.remsi %scan3A_589, %select_n3A_1879 : i32
        %ne3A_1881 = arith.constant 0 : i32
        %ne3A_1882 = arith.cmpi ne, %rem3A_1880, %ne3A_1881 : i32
        %lt3A_1883 = arith.constant 0 : i32
        %lt3A_1884 = arith.cmpi slt, %rem3A_1880, %lt3A_1883 : i32
        %lt3A_1885 = arith.constant 0 : i32
        %lt3A_1886 = arith.cmpi slt, %select_n3A_1879, %lt3A_1885 : i32
        %ne3A_1887 = arith.xori %lt3A_1884, %lt3A_1886 : i1
        %and3A_1888 = arith.andi %ne3A_1887, %ne3A_1882 : i1
        %add3A_1889 = arith.addi %rem3A_1880, %select_n3A_1879 : i32
        %select_n3A_1890 = arith.select %and3A_1888, %add3A_1889, %rem3A_1880 : i32
        %jit3A_1891 = arith.constant 2 : i32
        %eq3A_1892 = arith.constant 0 : i32
        %eq3A_1893 = arith.cmpi eq, %jit3A_1891, %eq3A_1892 : i32
        %jit3A_1894 = arith.constant 1 : i32
        %select_n3A_1895 = arith.select %eq3A_1893, %jit3A_1894, %jit3A_1891 : i32
        %rem3A_1896 = arith.remsi %scan3A_589, %select_n3A_1895 : i32
        %ne3A_1897 = arith.constant 0 : i32
        %ne3A_1898 = arith.cmpi ne, %rem3A_1896, %ne3A_1897 : i32
        %lt3A_1899 = arith.constant 0 : i32
        %lt3A_1900 = arith.cmpi slt, %rem3A_1896, %lt3A_1899 : i32
        %lt3A_1901 = arith.constant 0 : i32
        %lt3A_1902 = arith.cmpi slt, %select_n3A_1895, %lt3A_1901 : i32
        %ne3A_1903 = arith.xori %lt3A_1900, %lt3A_1902 : i1
        %and3A_1904 = arith.andi %ne3A_1903, %ne3A_1898 : i1
        %add3A_1905 = arith.addi %rem3A_1896, %select_n3A_1895 : i32
        %select_n3A_1906 = arith.select %and3A_1904, %add3A_1905, %rem3A_1896 : i32
        %dma_start3A_1907 = arith.constant 27 : i32
        %dma_start3A_1908 = arith.constant 27 : i32
        %dma_start3A_1909 = arith.constant 0 : i32
        %dma_start3A_1910 = tpu.memref_slice %arg6[%select_n3A_1906, %dma_start3A_1908, %dma_start3A_1909] : memref<2x32x128xf32, #tpu.memory_space<vmem>> -> memref<1x1x128xf32, #tpu.memory_space<vmem>>
        %dma_start3A_1911 = tpu.memref_squeeze %dma_start3A_1910 : memref<1x1x128xf32, #tpu.memory_space<vmem>> -> memref<128xf32, #tpu.memory_space<vmem>>
        %dma_start3A_1912 = arith.constant 0 : i32
        %dma_start3A_1913 = tpu.memref_slice %arg5[%select_n3A_1890, %dma_start3A_1907, %dma_start3A_1912] : memref<2x32x128xi32, #tpu.memory_space<vmem>> -> memref<1x1x128xi32, #tpu.memory_space<vmem>>
        %dma_start3A_1914 = tpu.memref_squeeze %dma_start3A_1913 : memref<1x1x128xi32, #tpu.memory_space<vmem>> -> memref<128xi32, #tpu.memory_space<vmem>>
        %dma_start3A_1915 = arith.constant 0 : i32
        %dma_start3A_1916 = tpu.memref_slice %arg3[%add3A_659, %dma_start3A_1915] : memref<640x100000xf32, #tpu.memory_space<hbm>> -> memref<1x100000xf32, #tpu.memory_space<hbm>>
        %dma_start3A_1917 = tpu.memref_squeeze %dma_start3A_1916 : memref<1x100000xf32, #tpu.memory_space<hbm>> -> memref<100000xf32, #tpu.memory_space<hbm>>
        %dma_start3A_1918 = arith.constant 0 : i32
        %dma_start3A_1919 = tpu.memref_slice %dma_start3A_1917[%dma_start3A_1918] : memref<100000xf32, #tpu.memory_space<hbm>> -> memref<100000xf32, #tpu.memory_space<hbm>>
        tpu.enqueue_indirect_dma source(%dma_start3A_1919 : memref<100000xf32, #tpu.memory_space<hbm>>) target(%dma_start3A_1911 : memref<128xf32, #tpu.memory_space<vmem>>) offsets(%dma_start3A_1914 : memref<128xi32, #tpu.memory_space<vmem>>) semaphore(%arg9 : memref<!tpu.dma_semaphore, #tpu.memory_space<semaphore_mem>>)
        %jit3A_1920 = arith.constant 2 : i32
        %eq3A_1921 = arith.constant 0 : i32
        %eq3A_1922 = arith.cmpi eq, %jit3A_1920, %eq3A_1921 : i32
        %jit3A_1923 = arith.constant 1 : i32
        %select_n3A_1924 = arith.select %eq3A_1922, %jit3A_1923, %jit3A_1920 : i32
        %rem3A_1925 = arith.remsi %scan3A_589, %select_n3A_1924 : i32
        %ne3A_1926 = arith.constant 0 : i32
        %ne3A_1927 = arith.cmpi ne, %rem3A_1925, %ne3A_1926 : i32
        %lt3A_1928 = arith.constant 0 : i32
        %lt3A_1929 = arith.cmpi slt, %rem3A_1925, %lt3A_1928 : i32
        %lt3A_1930 = arith.constant 0 : i32
        %lt3A_1931 = arith.cmpi slt, %select_n3A_1924, %lt3A_1930 : i32
        %ne3A_1932 = arith.xori %lt3A_1929, %lt3A_1931 : i1
        %and3A_1933 = arith.andi %ne3A_1932, %ne3A_1927 : i1
        %add3A_1934 = arith.addi %rem3A_1925, %select_n3A_1924 : i32
        %select_n3A_1935 = arith.select %and3A_1933, %add3A_1934, %rem3A_1925 : i32
        %jit3A_1936 = arith.constant 2 : i32
        %eq3A_1937 = arith.constant 0 : i32
        %eq3A_1938 = arith.cmpi eq, %jit3A_1936, %eq3A_1937 : i32
        %jit3A_1939 = arith.constant 1 : i32
        %select_n3A_1940 = arith.select %eq3A_1938, %jit3A_1939, %jit3A_1936 : i32
        %rem3A_1941 = arith.remsi %scan3A_589, %select_n3A_1940 : i32
        %ne3A_1942 = arith.constant 0 : i32
        %ne3A_1943 = arith.cmpi ne, %rem3A_1941, %ne3A_1942 : i32
        %lt3A_1944 = arith.constant 0 : i32
        %lt3A_1945 = arith.cmpi slt, %rem3A_1941, %lt3A_1944 : i32
        %lt3A_1946 = arith.constant 0 : i32
        %lt3A_1947 = arith.cmpi slt, %select_n3A_1940, %lt3A_1946 : i32
        %ne3A_1948 = arith.xori %lt3A_1945, %lt3A_1947 : i1
        %and3A_1949 = arith.andi %ne3A_1948, %ne3A_1943 : i1
        %add3A_1950 = arith.addi %rem3A_1941, %select_n3A_1940 : i32
        %select_n3A_1951 = arith.select %and3A_1949, %add3A_1950, %rem3A_1941 : i32
        %dma_start3A_1952 = arith.constant 28 : i32
        %dma_start3A_1953 = arith.constant 28 : i32
        %dma_start3A_1954 = arith.constant 0 : i32
        %dma_start3A_1955 = tpu.memref_slice %arg6[%select_n3A_1951, %dma_start3A_1953, %dma_start3A_1954] : memref<2x32x128xf32, #tpu.memory_space<vmem>> -> memref<1x1x128xf32, #tpu.memory_space<vmem>>
        %dma_start3A_1956 = tpu.memref_squeeze %dma_start3A_1955 : memref<1x1x128xf32, #tpu.memory_space<vmem>> -> memref<128xf32, #tpu.memory_space<vmem>>
        %dma_start3A_1957 = arith.constant 0 : i32
        %dma_start3A_1958 = tpu.memref_slice %arg5[%select_n3A_1935, %dma_start3A_1952, %dma_start3A_1957] : memref<2x32x128xi32, #tpu.memory_space<vmem>> -> memref<1x1x128xi32, #tpu.memory_space<vmem>>
        %dma_start3A_1959 = tpu.memref_squeeze %dma_start3A_1958 : memref<1x1x128xi32, #tpu.memory_space<vmem>> -> memref<128xi32, #tpu.memory_space<vmem>>
        %dma_start3A_1960 = arith.constant 0 : i32
        %dma_start3A_1961 = tpu.memref_slice %arg3[%add3A_659, %dma_start3A_1960] : memref<640x100000xf32, #tpu.memory_space<hbm>> -> memref<1x100000xf32, #tpu.memory_space<hbm>>
        %dma_start3A_1962 = tpu.memref_squeeze %dma_start3A_1961 : memref<1x100000xf32, #tpu.memory_space<hbm>> -> memref<100000xf32, #tpu.memory_space<hbm>>
        %dma_start3A_1963 = arith.constant 0 : i32
        %dma_start3A_1964 = tpu.memref_slice %dma_start3A_1962[%dma_start3A_1963] : memref<100000xf32, #tpu.memory_space<hbm>> -> memref<100000xf32, #tpu.memory_space<hbm>>
        tpu.enqueue_indirect_dma source(%dma_start3A_1964 : memref<100000xf32, #tpu.memory_space<hbm>>) target(%dma_start3A_1956 : memref<128xf32, #tpu.memory_space<vmem>>) offsets(%dma_start3A_1959 : memref<128xi32, #tpu.memory_space<vmem>>) semaphore(%arg9 : memref<!tpu.dma_semaphore, #tpu.memory_space<semaphore_mem>>)
        %jit3A_1965 = arith.constant 2 : i32
        %eq3A_1966 = arith.constant 0 : i32
        %eq3A_1967 = arith.cmpi eq, %jit3A_1965, %eq3A_1966 : i32
        %jit3A_1968 = arith.constant 1 : i32
        %select_n3A_1969 = arith.select %eq3A_1967, %jit3A_1968, %jit3A_1965 : i32
        %rem3A_1970 = arith.remsi %scan3A_589, %select_n3A_1969 : i32
        %ne3A_1971 = arith.constant 0 : i32
        %ne3A_1972 = arith.cmpi ne, %rem3A_1970, %ne3A_1971 : i32
        %lt3A_1973 = arith.constant 0 : i32
        %lt3A_1974 = arith.cmpi slt, %rem3A_1970, %lt3A_1973 : i32
        %lt3A_1975 = arith.constant 0 : i32
        %lt3A_1976 = arith.cmpi slt, %select_n3A_1969, %lt3A_1975 : i32
        %ne3A_1977 = arith.xori %lt3A_1974, %lt3A_1976 : i1
        %and3A_1978 = arith.andi %ne3A_1977, %ne3A_1972 : i1
        %add3A_1979 = arith.addi %rem3A_1970, %select_n3A_1969 : i32
        %select_n3A_1980 = arith.select %and3A_1978, %add3A_1979, %rem3A_1970 : i32
        %jit3A_1981 = arith.constant 2 : i32
        %eq3A_1982 = arith.constant 0 : i32
        %eq3A_1983 = arith.cmpi eq, %jit3A_1981, %eq3A_1982 : i32
        %jit3A_1984 = arith.constant 1 : i32
        %select_n3A_1985 = arith.select %eq3A_1983, %jit3A_1984, %jit3A_1981 : i32
        %rem3A_1986 = arith.remsi %scan3A_589, %select_n3A_1985 : i32
        %ne3A_1987 = arith.constant 0 : i32
        %ne3A_1988 = arith.cmpi ne, %rem3A_1986, %ne3A_1987 : i32
        %lt3A_1989 = arith.constant 0 : i32
        %lt3A_1990 = arith.cmpi slt, %rem3A_1986, %lt3A_1989 : i32
        %lt3A_1991 = arith.constant 0 : i32
        %lt3A_1992 = arith.cmpi slt, %select_n3A_1985, %lt3A_1991 : i32
        %ne3A_1993 = arith.xori %lt3A_1990, %lt3A_1992 : i1
        %and3A_1994 = arith.andi %ne3A_1993, %ne3A_1988 : i1
        %add3A_1995 = arith.addi %rem3A_1986, %select_n3A_1985 : i32
        %select_n3A_1996 = arith.select %and3A_1994, %add3A_1995, %rem3A_1986 : i32
        %dma_start3A_1997 = arith.constant 29 : i32
        %dma_start3A_1998 = arith.constant 29 : i32
        %dma_start3A_1999 = arith.constant 0 : i32
        %dma_start3A_2000 = tpu.memref_slice %arg6[%select_n3A_1996, %dma_start3A_1998, %dma_start3A_1999] : memref<2x32x128xf32, #tpu.memory_space<vmem>> -> memref<1x1x128xf32, #tpu.memory_space<vmem>>
        %dma_start3A_2001 = tpu.memref_squeeze %dma_start3A_2000 : memref<1x1x128xf32, #tpu.memory_space<vmem>> -> memref<128xf32, #tpu.memory_space<vmem>>
        %dma_start3A_2002 = arith.constant 0 : i32
        %dma_start3A_2003 = tpu.memref_slice %arg5[%select_n3A_1980, %dma_start3A_1997, %dma_start3A_2002] : memref<2x32x128xi32, #tpu.memory_space<vmem>> -> memref<1x1x128xi32, #tpu.memory_space<vmem>>
        %dma_start3A_2004 = tpu.memref_squeeze %dma_start3A_2003 : memref<1x1x128xi32, #tpu.memory_space<vmem>> -> memref<128xi32, #tpu.memory_space<vmem>>
        %dma_start3A_2005 = arith.constant 0 : i32
        %dma_start3A_2006 = tpu.memref_slice %arg3[%add3A_659, %dma_start3A_2005] : memref<640x100000xf32, #tpu.memory_space<hbm>> -> memref<1x100000xf32, #tpu.memory_space<hbm>>
        %dma_start3A_2007 = tpu.memref_squeeze %dma_start3A_2006 : memref<1x100000xf32, #tpu.memory_space<hbm>> -> memref<100000xf32, #tpu.memory_space<hbm>>
        %dma_start3A_2008 = arith.constant 0 : i32
        %dma_start3A_2009 = tpu.memref_slice %dma_start3A_2007[%dma_start3A_2008] : memref<100000xf32, #tpu.memory_space<hbm>> -> memref<100000xf32, #tpu.memory_space<hbm>>
        tpu.enqueue_indirect_dma source(%dma_start3A_2009 : memref<100000xf32, #tpu.memory_space<hbm>>) target(%dma_start3A_2001 : memref<128xf32, #tpu.memory_space<vmem>>) offsets(%dma_start3A_2004 : memref<128xi32, #tpu.memory_space<vmem>>) semaphore(%arg9 : memref<!tpu.dma_semaphore, #tpu.memory_space<semaphore_mem>>)
        %jit3A_2010 = arith.constant 2 : i32
        %eq3A_2011 = arith.constant 0 : i32
        %eq3A_2012 = arith.cmpi eq, %jit3A_2010, %eq3A_2011 : i32
        %jit3A_2013 = arith.constant 1 : i32
        %select_n3A_2014 = arith.select %eq3A_2012, %jit3A_2013, %jit3A_2010 : i32
        %rem3A_2015 = arith.remsi %scan3A_589, %select_n3A_2014 : i32
        %ne3A_2016 = arith.constant 0 : i32
        %ne3A_2017 = arith.cmpi ne, %rem3A_2015, %ne3A_2016 : i32
        %lt3A_2018 = arith.constant 0 : i32
        %lt3A_2019 = arith.cmpi slt, %rem3A_2015, %lt3A_2018 : i32
        %lt3A_2020 = arith.constant 0 : i32
        %lt3A_2021 = arith.cmpi slt, %select_n3A_2014, %lt3A_2020 : i32
        %ne3A_2022 = arith.xori %lt3A_2019, %lt3A_2021 : i1
        %and3A_2023 = arith.andi %ne3A_2022, %ne3A_2017 : i1
        %add3A_2024 = arith.addi %rem3A_2015, %select_n3A_2014 : i32
        %select_n3A_2025 = arith.select %and3A_2023, %add3A_2024, %rem3A_2015 : i32
        %jit3A_2026 = arith.constant 2 : i32
        %eq3A_2027 = arith.constant 0 : i32
        %eq3A_2028 = arith.cmpi eq, %jit3A_2026, %eq3A_2027 : i32
        %jit3A_2029 = arith.constant 1 : i32
        %select_n3A_2030 = arith.select %eq3A_2028, %jit3A_2029, %jit3A_2026 : i32
        %rem3A_2031 = arith.remsi %scan3A_589, %select_n3A_2030 : i32
        %ne3A_2032 = arith.constant 0 : i32
        %ne3A_2033 = arith.cmpi ne, %rem3A_2031, %ne3A_2032 : i32
        %lt3A_2034 = arith.constant 0 : i32
        %lt3A_2035 = arith.cmpi slt, %rem3A_2031, %lt3A_2034 : i32
        %lt3A_2036 = arith.constant 0 : i32
        %lt3A_2037 = arith.cmpi slt, %select_n3A_2030, %lt3A_2036 : i32
        %ne3A_2038 = arith.xori %lt3A_2035, %lt3A_2037 : i1
        %and3A_2039 = arith.andi %ne3A_2038, %ne3A_2033 : i1
        %add3A_2040 = arith.addi %rem3A_2031, %select_n3A_2030 : i32
        %select_n3A_2041 = arith.select %and3A_2039, %add3A_2040, %rem3A_2031 : i32
        %dma_start3A_2042 = arith.constant 30 : i32
        %dma_start3A_2043 = arith.constant 30 : i32
        %dma_start3A_2044 = arith.constant 0 : i32
        %dma_start3A_2045 = tpu.memref_slice %arg6[%select_n3A_2041, %dma_start3A_2043, %dma_start3A_2044] : memref<2x32x128xf32, #tpu.memory_space<vmem>> -> memref<1x1x128xf32, #tpu.memory_space<vmem>>
        %dma_start3A_2046 = tpu.memref_squeeze %dma_start3A_2045 : memref<1x1x128xf32, #tpu.memory_space<vmem>> -> memref<128xf32, #tpu.memory_space<vmem>>
        %dma_start3A_2047 = arith.constant 0 : i32
        %dma_start3A_2048 = tpu.memref_slice %arg5[%select_n3A_2025, %dma_start3A_2042, %dma_start3A_2047] : memref<2x32x128xi32, #tpu.memory_space<vmem>> -> memref<1x1x128xi32, #tpu.memory_space<vmem>>
        %dma_start3A_2049 = tpu.memref_squeeze %dma_start3A_2048 : memref<1x1x128xi32, #tpu.memory_space<vmem>> -> memref<128xi32, #tpu.memory_space<vmem>>
        %dma_start3A_2050 = arith.constant 0 : i32
        %dma_start3A_2051 = tpu.memref_slice %arg3[%add3A_659, %dma_start3A_2050] : memref<640x100000xf32, #tpu.memory_space<hbm>> -> memref<1x100000xf32, #tpu.memory_space<hbm>>
        %dma_start3A_2052 = tpu.memref_squeeze %dma_start3A_2051 : memref<1x100000xf32, #tpu.memory_space<hbm>> -> memref<100000xf32, #tpu.memory_space<hbm>>
        %dma_start3A_2053 = arith.constant 0 : i32
        %dma_start3A_2054 = tpu.memref_slice %dma_start3A_2052[%dma_start3A_2053] : memref<100000xf32, #tpu.memory_space<hbm>> -> memref<100000xf32, #tpu.memory_space<hbm>>
        tpu.enqueue_indirect_dma source(%dma_start3A_2054 : memref<100000xf32, #tpu.memory_space<hbm>>) target(%dma_start3A_2046 : memref<128xf32, #tpu.memory_space<vmem>>) offsets(%dma_start3A_2049 : memref<128xi32, #tpu.memory_space<vmem>>) semaphore(%arg9 : memref<!tpu.dma_semaphore, #tpu.memory_space<semaphore_mem>>)
        %jit3A_2055 = arith.constant 2 : i32
        %eq3A_2056 = arith.constant 0 : i32
        %eq3A_2057 = arith.cmpi eq, %jit3A_2055, %eq3A_2056 : i32
        %jit3A_2058 = arith.constant 1 : i32
        %select_n3A_2059 = arith.select %eq3A_2057, %jit3A_2058, %jit3A_2055 : i32
        %rem3A_2060 = arith.remsi %scan3A_589, %select_n3A_2059 : i32
        %ne3A_2061 = arith.constant 0 : i32
        %ne3A_2062 = arith.cmpi ne, %rem3A_2060, %ne3A_2061 : i32
        %lt3A_2063 = arith.constant 0 : i32
        %lt3A_2064 = arith.cmpi slt, %rem3A_2060, %lt3A_2063 : i32
        %lt3A_2065 = arith.constant 0 : i32
        %lt3A_2066 = arith.cmpi slt, %select_n3A_2059, %lt3A_2065 : i32
        %ne3A_2067 = arith.xori %lt3A_2064, %lt3A_2066 : i1
        %and3A_2068 = arith.andi %ne3A_2067, %ne3A_2062 : i1
        %add3A_2069 = arith.addi %rem3A_2060, %select_n3A_2059 : i32
        %select_n3A_2070 = arith.select %and3A_2068, %add3A_2069, %rem3A_2060 : i32
        %jit3A_2071 = arith.constant 2 : i32
        %eq3A_2072 = arith.constant 0 : i32
        %eq3A_2073 = arith.cmpi eq, %jit3A_2071, %eq3A_2072 : i32
        %jit3A_2074 = arith.constant 1 : i32
        %select_n3A_2075 = arith.select %eq3A_2073, %jit3A_2074, %jit3A_2071 : i32
        %rem3A_2076 = arith.remsi %scan3A_589, %select_n3A_2075 : i32
        %ne3A_2077 = arith.constant 0 : i32
        %ne3A_2078 = arith.cmpi ne, %rem3A_2076, %ne3A_2077 : i32
        %lt3A_2079 = arith.constant 0 : i32
        %lt3A_2080 = arith.cmpi slt, %rem3A_2076, %lt3A_2079 : i32
        %lt3A_2081 = arith.constant 0 : i32
        %lt3A_2082 = arith.cmpi slt, %select_n3A_2075, %lt3A_2081 : i32
        %ne3A_2083 = arith.xori %lt3A_2080, %lt3A_2082 : i1
        %and3A_2084 = arith.andi %ne3A_2083, %ne3A_2078 : i1
        %add3A_2085 = arith.addi %rem3A_2076, %select_n3A_2075 : i32
        %select_n3A_2086 = arith.select %and3A_2084, %add3A_2085, %rem3A_2076 : i32
        %dma_start3A_2087 = arith.constant 31 : i32
        %dma_start3A_2088 = arith.constant 31 : i32
        %dma_start3A_2089 = arith.constant 0 : i32
        %dma_start3A_2090 = tpu.memref_slice %arg6[%select_n3A_2086, %dma_start3A_2088, %dma_start3A_2089] : memref<2x32x128xf32, #tpu.memory_space<vmem>> -> memref<1x1x128xf32, #tpu.memory_space<vmem>>
        %dma_start3A_2091 = tpu.memref_squeeze %dma_start3A_2090 : memref<1x1x128xf32, #tpu.memory_space<vmem>> -> memref<128xf32, #tpu.memory_space<vmem>>
        %dma_start3A_2092 = arith.constant 0 : i32
        %dma_start3A_2093 = tpu.memref_slice %arg5[%select_n3A_2070, %dma_start3A_2087, %dma_start3A_2092] : memref<2x32x128xi32, #tpu.memory_space<vmem>> -> memref<1x1x128xi32, #tpu.memory_space<vmem>>
        %dma_start3A_2094 = tpu.memref_squeeze %dma_start3A_2093 : memref<1x1x128xi32, #tpu.memory_space<vmem>> -> memref<128xi32, #tpu.memory_space<vmem>>
        %dma_start3A_2095 = arith.constant 0 : i32
        %dma_start3A_2096 = tpu.memref_slice %arg3[%add3A_659, %dma_start3A_2095] : memref<640x100000xf32, #tpu.memory_space<hbm>> -> memref<1x100000xf32, #tpu.memory_space<hbm>>
        %dma_start3A_2097 = tpu.memref_squeeze %dma_start3A_2096 : memref<1x100000xf32, #tpu.memory_space<hbm>> -> memref<100000xf32, #tpu.memory_space<hbm>>
        %dma_start3A_2098 = arith.constant 0 : i32
        %dma_start3A_2099 = tpu.memref_slice %dma_start3A_2097[%dma_start3A_2098] : memref<100000xf32, #tpu.memory_space<hbm>> -> memref<100000xf32, #tpu.memory_space<hbm>>
        tpu.enqueue_indirect_dma source(%dma_start3A_2099 : memref<100000xf32, #tpu.memory_space<hbm>>) target(%dma_start3A_2091 : memref<128xf32, #tpu.memory_space<vmem>>) offsets(%dma_start3A_2094 : memref<128xi32, #tpu.memory_space<vmem>>) semaphore(%arg9 : memref<!tpu.dma_semaphore, #tpu.memory_space<semaphore_mem>>)
      } else {
      }
    }
    %scan3A_22 = arith.constant 20 : i32
    %dma_wait3A = arith.constant 0 : i32
    %dma_wait3A_23 = arith.constant 0 : i32
    %dma_wait3A_24 = arith.constant 0 : i32
    %dma_wait3A_25 = arith.constant 0 : i32
    %dma_wait3A_26 = arith.constant 0 : i32
    %dma_wait3A_27 = tpu.memref_slice %arg6[%dma_wait3A_24, %dma_wait3A_25, %dma_wait3A_26] : memref<2x32x128xf32, #tpu.memory_space<vmem>> -> memref<1x1x128xf32, #tpu.memory_space<vmem>>
    %dma_wait3A_28 = tpu.memref_squeeze %dma_wait3A_27 : memref<1x1x128xf32, #tpu.memory_space<vmem>> -> memref<128xf32, #tpu.memory_space<vmem>>
    %dma_wait3A_29 = arith.constant 0 : i32
    %dma_wait3A_30 = tpu.memref_slice %arg4[%dma_wait3A, %dma_wait3A_23, %dma_wait3A_29] : memref<640x32x128xf32, #tpu.memory_space<hbm>> -> memref<1x1x128xf32, #tpu.memory_space<hbm>>
    %dma_wait3A_31 = tpu.memref_squeeze %dma_wait3A_30 : memref<1x1x128xf32, #tpu.memory_space<hbm>> -> memref<128xf32, #tpu.memory_space<hbm>>
    %dma_wait3A_32 = arith.constant 0 : i32
    %dma_wait3A_33 = tpu.memref_slice %arg6[%dma_wait3A_24, %dma_wait3A_25, %dma_wait3A_32] : memref<2x32x128xf32, #tpu.memory_space<vmem>> -> memref<1x1x128xf32, #tpu.memory_space<vmem>>
    %dma_wait3A_34 = tpu.memref_squeeze %dma_wait3A_33 : memref<1x1x128xf32, #tpu.memory_space<vmem>> -> memref<128xf32, #tpu.memory_space<vmem>>
    %dma_wait3A_35 = arith.constant 0 : i32
    %dma_wait3A_36 = tpu.memref_slice %arg4[%dma_wait3A, %dma_wait3A_23, %dma_wait3A_35] : memref<640x32x128xf32, #tpu.memory_space<hbm>> -> memref<1x1x128xf32, #tpu.memory_space<hbm>>
    %dma_wait3A_37 = tpu.memref_squeeze %dma_wait3A_36 : memref<1x1x128xf32, #tpu.memory_space<hbm>> -> memref<128xf32, #tpu.memory_space<hbm>>
    tpu.wait_dma2 semaphore(%arg9 : memref<!tpu.dma_semaphore, #tpu.memory_space<semaphore_mem>>) src(%dma_wait3A_37 : memref<128xf32, #tpu.memory_space<hbm>>) dst(%dma_wait3A_34 : memref<128xf32, #tpu.memory_space<vmem>>)
    %dma_wait3A_38 = arith.constant 0 : i32
    %dma_wait3A_39 = arith.constant 0 : i32
    %dma_wait3A_40 = arith.constant 0 : i32
    %dma_wait3A_41 = arith.constant 0 : i32
    %dma_wait3A_42 = arith.constant 0 : i32
    %dma_wait3A_43 = tpu.memref_slice %arg6[%dma_wait3A_40, %dma_wait3A_41, %dma_wait3A_42] : memref<2x32x128xf32, #tpu.memory_space<vmem>> -> memref<1x1x128xf32, #tpu.memory_space<vmem>>
    %dma_wait3A_44 = tpu.memref_squeeze %dma_wait3A_43 : memref<1x1x128xf32, #tpu.memory_space<vmem>> -> memref<128xf32, #tpu.memory_space<vmem>>
    %dma_wait3A_45 = arith.constant 0 : i32
    %dma_wait3A_46 = tpu.memref_slice %arg4[%dma_wait3A_38, %dma_wait3A_39, %dma_wait3A_45] : memref<640x32x128xf32, #tpu.memory_space<hbm>> -> memref<1x1x128xf32, #tpu.memory_space<hbm>>
    %dma_wait3A_47 = tpu.memref_squeeze %dma_wait3A_46 : memref<1x1x128xf32, #tpu.memory_space<hbm>> -> memref<128xf32, #tpu.memory_space<hbm>>
    %dma_wait3A_48 = arith.constant 0 : i32
    %dma_wait3A_49 = tpu.memref_slice %arg6[%dma_wait3A_40, %dma_wait3A_41, %dma_wait3A_48] : memref<2x32x128xf32, #tpu.memory_space<vmem>> -> memref<1x1x128xf32, #tpu.memory_space<vmem>>
    %dma_wait3A_50 = tpu.memref_squeeze %dma_wait3A_49 : memref<1x1x128xf32, #tpu.memory_space<vmem>> -> memref<128xf32, #tpu.memory_space<vmem>>
    %dma_wait3A_51 = arith.constant 0 : i32
    %dma_wait3A_52 = tpu.memref_slice %arg4[%dma_wait3A_38, %dma_wait3A_39, %dma_wait3A_51] : memref<640x32x128xf32, #tpu.memory_space<hbm>> -> memref<1x1x128xf32, #tpu.memory_space<hbm>>
    %dma_wait3A_53 = tpu.memref_squeeze %dma_wait3A_52 : memref<1x1x128xf32, #tpu.memory_space<hbm>> -> memref<128xf32, #tpu.memory_space<hbm>>
    tpu.wait_dma2 semaphore(%arg9 : memref<!tpu.dma_semaphore, #tpu.memory_space<semaphore_mem>>) src(%dma_wait3A_53 : memref<128xf32, #tpu.memory_space<hbm>>) dst(%dma_wait3A_50 : memref<128xf32, #tpu.memory_space<vmem>>)
    %dma_wait3A_54 = arith.constant 0 : i32
    %dma_wait3A_55 = arith.constant 0 : i32
    %dma_wait3A_56 = arith.constant 0 : i32
    %dma_wait3A_57 = arith.constant 0 : i32
    %dma_wait3A_58 = arith.constant 0 : i32
    %dma_wait3A_59 = tpu.memref_slice %arg6[%dma_wait3A_56, %dma_wait3A_57, %dma_wait3A_58] : memref<2x32x128xf32, #tpu.memory_space<vmem>> -> memref<1x1x128xf32, #tpu.memory_space<vmem>>
    %dma_wait3A_60 = tpu.memref_squeeze %dma_wait3A_59 : memref<1x1x128xf32, #tpu.memory_space<vmem>> -> memref<128xf32, #tpu.memory_space<vmem>>
    %dma_wait3A_61 = arith.constant 0 : i32
    %dma_wait3A_62 = tpu.memref_slice %arg4[%dma_wait3A_54, %dma_wait3A_55, %dma_wait3A_61] : memref<640x32x128xf32, #tpu.memory_space<hbm>> -> memref<1x1x128xf32, #tpu.memory_space<hbm>>
    %dma_wait3A_63 = tpu.memref_squeeze %dma_wait3A_62 : memref<1x1x128xf32, #tpu.memory_space<hbm>> -> memref<128xf32, #tpu.memory_space<hbm>>
    %dma_wait3A_64 = arith.constant 0 : i32
    %dma_wait3A_65 = tpu.memref_slice %arg6[%dma_wait3A_56, %dma_wait3A_57, %dma_wait3A_64] : memref<2x32x128xf32, #tpu.memory_space<vmem>> -> memref<1x1x128xf32, #tpu.memory_space<vmem>>
    %dma_wait3A_66 = tpu.memref_squeeze %dma_wait3A_65 : memref<1x1x128xf32, #tpu.memory_space<vmem>> -> memref<128xf32, #tpu.memory_space<vmem>>
    %dma_wait3A_67 = arith.constant 0 : i32
    %dma_wait3A_68 = tpu.memref_slice %arg4[%dma_wait3A_54, %dma_wait3A_55, %dma_wait3A_67] : memref<640x32x128xf32, #tpu.memory_space<hbm>> -> memref<1x1x128xf32, #tpu.memory_space<hbm>>
    %dma_wait3A_69 = tpu.memref_squeeze %dma_wait3A_68 : memref<1x1x128xf32, #tpu.memory_space<hbm>> -> memref<128xf32, #tpu.memory_space<hbm>>
    tpu.wait_dma2 semaphore(%arg9 : memref<!tpu.dma_semaphore, #tpu.memory_space<semaphore_mem>>) src(%dma_wait3A_69 : memref<128xf32, #tpu.memory_space<hbm>>) dst(%dma_wait3A_66 : memref<128xf32, #tpu.memory_space<vmem>>)
    %dma_wait3A_70 = arith.constant 0 : i32
    %dma_wait3A_71 = arith.constant 0 : i32
    %dma_wait3A_72 = arith.constant 0 : i32
    %dma_wait3A_73 = arith.constant 0 : i32
    %dma_wait3A_74 = arith.constant 0 : i32
    %dma_wait3A_75 = tpu.memref_slice %arg6[%dma_wait3A_72, %dma_wait3A_73, %dma_wait3A_74] : memref<2x32x128xf32, #tpu.memory_space<vmem>> -> memref<1x1x128xf32, #tpu.memory_space<vmem>>
    %dma_wait3A_76 = tpu.memref_squeeze %dma_wait3A_75 : memref<1x1x128xf32, #tpu.memory_space<vmem>> -> memref<128xf32, #tpu.memory_space<vmem>>
    %dma_wait3A_77 = arith.constant 0 : i32
    %dma_wait3A_78 = tpu.memref_slice %arg4[%dma_wait3A_70, %dma_wait3A_71, %dma_wait3A_77] : memref<640x32x128xf32, #tpu.memory_space<hbm>> -> memref<1x1x128xf32, #tpu.memory_space<hbm>>
    %dma_wait3A_79 = tpu.memref_squeeze %dma_wait3A_78 : memref<1x1x128xf32, #tpu.memory_space<hbm>> -> memref<128xf32, #tpu.memory_space<hbm>>
    %dma_wait3A_80 = arith.constant 0 : i32
    %dma_wait3A_81 = tpu.memref_slice %arg6[%dma_wait3A_72, %dma_wait3A_73, %dma_wait3A_80] : memref<2x32x128xf32, #tpu.memory_space<vmem>> -> memref<1x1x128xf32, #tpu.memory_space<vmem>>
    %dma_wait3A_82 = tpu.memref_squeeze %dma_wait3A_81 : memref<1x1x128xf32, #tpu.memory_space<vmem>> -> memref<128xf32, #tpu.memory_space<vmem>>
    %dma_wait3A_83 = arith.constant 0 : i32
    %dma_wait3A_84 = tpu.memref_slice %arg4[%dma_wait3A_70, %dma_wait3A_71, %dma_wait3A_83] : memref<640x32x128xf32, #tpu.memory_space<hbm>> -> memref<1x1x128xf32, #tpu.memory_space<hbm>>
    %dma_wait3A_85 = tpu.memref_squeeze %dma_wait3A_84 : memref<1x1x128xf32, #tpu.memory_space<hbm>> -> memref<128xf32, #tpu.memory_space<hbm>>
    tpu.wait_dma2 semaphore(%arg9 : memref<!tpu.dma_semaphore, #tpu.memory_space<semaphore_mem>>) src(%dma_wait3A_85 : memref<128xf32, #tpu.memory_space<hbm>>) dst(%dma_wait3A_82 : memref<128xf32, #tpu.memory_space<vmem>>)
    %dma_wait3A_86 = arith.constant 0 : i32
    %dma_wait3A_87 = arith.constant 0 : i32
    %dma_wait3A_88 = arith.constant 0 : i32
    %dma_wait3A_89 = arith.constant 0 : i32
    %dma_wait3A_90 = arith.constant 0 : i32
    %dma_wait3A_91 = tpu.memref_slice %arg6[%dma_wait3A_88, %dma_wait3A_89, %dma_wait3A_90] : memref<2x32x128xf32, #tpu.memory_space<vmem>> -> memref<1x1x128xf32, #tpu.memory_space<vmem>>
    %dma_wait3A_92 = tpu.memref_squeeze %dma_wait3A_91 : memref<1x1x128xf32, #tpu.memory_space<vmem>> -> memref<128xf32, #tpu.memory_space<vmem>>
    %dma_wait3A_93 = arith.constant 0 : i32
    %dma_wait3A_94 = tpu.memref_slice %arg4[%dma_wait3A_86, %dma_wait3A_87, %dma_wait3A_93] : memref<640x32x128xf32, #tpu.memory_space<hbm>> -> memref<1x1x128xf32, #tpu.memory_space<hbm>>
    %dma_wait3A_95 = tpu.memref_squeeze %dma_wait3A_94 : memref<1x1x128xf32, #tpu.memory_space<hbm>> -> memref<128xf32, #tpu.memory_space<hbm>>
    %dma_wait3A_96 = arith.constant 0 : i32
    %dma_wait3A_97 = tpu.memref_slice %arg6[%dma_wait3A_88, %dma_wait3A_89, %dma_wait3A_96] : memref<2x32x128xf32, #tpu.memory_space<vmem>> -> memref<1x1x128xf32, #tpu.memory_space<vmem>>
    %dma_wait3A_98 = tpu.memref_squeeze %dma_wait3A_97 : memref<1x1x128xf32, #tpu.memory_space<vmem>> -> memref<128xf32, #tpu.memory_space<vmem>>
    %dma_wait3A_99 = arith.constant 0 : i32
    %dma_wait3A_100 = tpu.memref_slice %arg4[%dma_wait3A_86, %dma_wait3A_87, %dma_wait3A_99] : memref<640x32x128xf32, #tpu.memory_space<hbm>> -> memref<1x1x128xf32, #tpu.memory_space<hbm>>
    %dma_wait3A_101 = tpu.memref_squeeze %dma_wait3A_100 : memref<1x1x128xf32, #tpu.memory_space<hbm>> -> memref<128xf32, #tpu.memory_space<hbm>>
    tpu.wait_dma2 semaphore(%arg9 : memref<!tpu.dma_semaphore, #tpu.memory_space<semaphore_mem>>) src(%dma_wait3A_101 : memref<128xf32, #tpu.memory_space<hbm>>) dst(%dma_wait3A_98 : memref<128xf32, #tpu.memory_space<vmem>>)
    %dma_wait3A_102 = arith.constant 0 : i32
    %dma_wait3A_103 = arith.constant 0 : i32
    %dma_wait3A_104 = arith.constant 0 : i32
    %dma_wait3A_105 = arith.constant 0 : i32
    %dma_wait3A_106 = arith.constant 0 : i32
    %dma_wait3A_107 = tpu.memref_slice %arg6[%dma_wait3A_104, %dma_wait3A_105, %dma_wait3A_106] : memref<2x32x128xf32, #tpu.memory_space<vmem>> -> memref<1x1x128xf32, #tpu.memory_space<vmem>>
    %dma_wait3A_108 = tpu.memref_squeeze %dma_wait3A_107 : memref<1x1x128xf32, #tpu.memory_space<vmem>> -> memref<128xf32, #tpu.memory_space<vmem>>
    %dma_wait3A_109 = arith.constant 0 : i32
    %dma_wait3A_110 = tpu.memref_slice %arg4[%dma_wait3A_102, %dma_wait3A_103, %dma_wait3A_109] : memref<640x32x128xf32, #tpu.memory_space<hbm>> -> memref<1x1x128xf32, #tpu.memory_space<hbm>>
    %dma_wait3A_111 = tpu.memref_squeeze %dma_wait3A_110 : memref<1x1x128xf32, #tpu.memory_space<hbm>> -> memref<128xf32, #tpu.memory_space<hbm>>
    %dma_wait3A_112 = arith.constant 0 : i32
    %dma_wait3A_113 = tpu.memref_slice %arg6[%dma_wait3A_104, %dma_wait3A_105, %dma_wait3A_112] : memref<2x32x128xf32, #tpu.memory_space<vmem>> -> memref<1x1x128xf32, #tpu.memory_space<vmem>>
    %dma_wait3A_114 = tpu.memref_squeeze %dma_wait3A_113 : memref<1x1x128xf32, #tpu.memory_space<vmem>> -> memref<128xf32, #tpu.memory_space<vmem>>
    %dma_wait3A_115 = arith.constant 0 : i32
    %dma_wait3A_116 = tpu.memref_slice %arg4[%dma_wait3A_102, %dma_wait3A_103, %dma_wait3A_115] : memref<640x32x128xf32, #tpu.memory_space<hbm>> -> memref<1x1x128xf32, #tpu.memory_space<hbm>>
    %dma_wait3A_117 = tpu.memref_squeeze %dma_wait3A_116 : memref<1x1x128xf32, #tpu.memory_space<hbm>> -> memref<128xf32, #tpu.memory_space<hbm>>
    tpu.wait_dma2 semaphore(%arg9 : memref<!tpu.dma_semaphore, #tpu.memory_space<semaphore_mem>>) src(%dma_wait3A_117 : memref<128xf32, #tpu.memory_space<hbm>>) dst(%dma_wait3A_114 : memref<128xf32, #tpu.memory_space<vmem>>)
    %dma_wait3A_118 = arith.constant 0 : i32
    %dma_wait3A_119 = arith.constant 0 : i32
    %dma_wait3A_120 = arith.constant 0 : i32
    %dma_wait3A_121 = arith.constant 0 : i32
    %dma_wait3A_122 = arith.constant 0 : i32
    %dma_wait3A_123 = tpu.memref_slice %arg6[%dma_wait3A_120, %dma_wait3A_121, %dma_wait3A_122] : memref<2x32x128xf32, #tpu.memory_space<vmem>> -> memref<1x1x128xf32, #tpu.memory_space<vmem>>
    %dma_wait3A_124 = tpu.memref_squeeze %dma_wait3A_123 : memref<1x1x128xf32, #tpu.memory_space<vmem>> -> memref<128xf32, #tpu.memory_space<vmem>>
    %dma_wait3A_125 = arith.constant 0 : i32
    %dma_wait3A_126 = tpu.memref_slice %arg4[%dma_wait3A_118, %dma_wait3A_119, %dma_wait3A_125] : memref<640x32x128xf32, #tpu.memory_space<hbm>> -> memref<1x1x128xf32, #tpu.memory_space<hbm>>
    %dma_wait3A_127 = tpu.memref_squeeze %dma_wait3A_126 : memref<1x1x128xf32, #tpu.memory_space<hbm>> -> memref<128xf32, #tpu.memory_space<hbm>>
    %dma_wait3A_128 = arith.constant 0 : i32
    %dma_wait3A_129 = tpu.memref_slice %arg6[%dma_wait3A_120, %dma_wait3A_121, %dma_wait3A_128] : memref<2x32x128xf32, #tpu.memory_space<vmem>> -> memref<1x1x128xf32, #tpu.memory_space<vmem>>
    %dma_wait3A_130 = tpu.memref_squeeze %dma_wait3A_129 : memref<1x1x128xf32, #tpu.memory_space<vmem>> -> memref<128xf32, #tpu.memory_space<vmem>>
    %dma_wait3A_131 = arith.constant 0 : i32
    %dma_wait3A_132 = tpu.memref_slice %arg4[%dma_wait3A_118, %dma_wait3A_119, %dma_wait3A_131] : memref<640x32x128xf32, #tpu.memory_space<hbm>> -> memref<1x1x128xf32, #tpu.memory_space<hbm>>
    %dma_wait3A_133 = tpu.memref_squeeze %dma_wait3A_132 : memref<1x1x128xf32, #tpu.memory_space<hbm>> -> memref<128xf32, #tpu.memory_space<hbm>>
    tpu.wait_dma2 semaphore(%arg9 : memref<!tpu.dma_semaphore, #tpu.memory_space<semaphore_mem>>) src(%dma_wait3A_133 : memref<128xf32, #tpu.memory_space<hbm>>) dst(%dma_wait3A_130 : memref<128xf32, #tpu.memory_space<vmem>>)
    %dma_wait3A_134 = arith.constant 0 : i32
    %dma_wait3A_135 = arith.constant 0 : i32
    %dma_wait3A_136 = arith.constant 0 : i32
    %dma_wait3A_137 = arith.constant 0 : i32
    %dma_wait3A_138 = arith.constant 0 : i32
    %dma_wait3A_139 = tpu.memref_slice %arg6[%dma_wait3A_136, %dma_wait3A_137, %dma_wait3A_138] : memref<2x32x128xf32, #tpu.memory_space<vmem>> -> memref<1x1x128xf32, #tpu.memory_space<vmem>>
    %dma_wait3A_140 = tpu.memref_squeeze %dma_wait3A_139 : memref<1x1x128xf32, #tpu.memory_space<vmem>> -> memref<128xf32, #tpu.memory_space<vmem>>
    %dma_wait3A_141 = arith.constant 0 : i32
    %dma_wait3A_142 = tpu.memref_slice %arg4[%dma_wait3A_134, %dma_wait3A_135, %dma_wait3A_141] : memref<640x32x128xf32, #tpu.memory_space<hbm>> -> memref<1x1x128xf32, #tpu.memory_space<hbm>>
    %dma_wait3A_143 = tpu.memref_squeeze %dma_wait3A_142 : memref<1x1x128xf32, #tpu.memory_space<hbm>> -> memref<128xf32, #tpu.memory_space<hbm>>
    %dma_wait3A_144 = arith.constant 0 : i32
    %dma_wait3A_145 = tpu.memref_slice %arg6[%dma_wait3A_136, %dma_wait3A_137, %dma_wait3A_144] : memref<2x32x128xf32, #tpu.memory_space<vmem>> -> memref<1x1x128xf32, #tpu.memory_space<vmem>>
    %dma_wait3A_146 = tpu.memref_squeeze %dma_wait3A_145 : memref<1x1x128xf32, #tpu.memory_space<vmem>> -> memref<128xf32, #tpu.memory_space<vmem>>
    %dma_wait3A_147 = arith.constant 0 : i32
    %dma_wait3A_148 = tpu.memref_slice %arg4[%dma_wait3A_134, %dma_wait3A_135, %dma_wait3A_147] : memref<640x32x128xf32, #tpu.memory_space<hbm>> -> memref<1x1x128xf32, #tpu.memory_space<hbm>>
    %dma_wait3A_149 = tpu.memref_squeeze %dma_wait3A_148 : memref<1x1x128xf32, #tpu.memory_space<hbm>> -> memref<128xf32, #tpu.memory_space<hbm>>
    tpu.wait_dma2 semaphore(%arg9 : memref<!tpu.dma_semaphore, #tpu.memory_space<semaphore_mem>>) src(%dma_wait3A_149 : memref<128xf32, #tpu.memory_space<hbm>>) dst(%dma_wait3A_146 : memref<128xf32, #tpu.memory_space<vmem>>)
    %dma_wait3A_150 = arith.constant 0 : i32
    %dma_wait3A_151 = arith.constant 0 : i32
    %dma_wait3A_152 = arith.constant 0 : i32
    %dma_wait3A_153 = arith.constant 0 : i32
    %dma_wait3A_154 = arith.constant 0 : i32
    %dma_wait3A_155 = tpu.memref_slice %arg6[%dma_wait3A_152, %dma_wait3A_153, %dma_wait3A_154] : memref<2x32x128xf32, #tpu.memory_space<vmem>> -> memref<1x1x128xf32, #tpu.memory_space<vmem>>
    %dma_wait3A_156 = tpu.memref_squeeze %dma_wait3A_155 : memref<1x1x128xf32, #tpu.memory_space<vmem>> -> memref<128xf32, #tpu.memory_space<vmem>>
    %dma_wait3A_157 = arith.constant 0 : i32
    %dma_wait3A_158 = tpu.memref_slice %arg4[%dma_wait3A_150, %dma_wait3A_151, %dma_wait3A_157] : memref<640x32x128xf32, #tpu.memory_space<hbm>> -> memref<1x1x128xf32, #tpu.memory_space<hbm>>
    %dma_wait3A_159 = tpu.memref_squeeze %dma_wait3A_158 : memref<1x1x128xf32, #tpu.memory_space<hbm>> -> memref<128xf32, #tpu.memory_space<hbm>>
    %dma_wait3A_160 = arith.constant 0 : i32
    %dma_wait3A_161 = tpu.memref_slice %arg6[%dma_wait3A_152, %dma_wait3A_153, %dma_wait3A_160] : memref<2x32x128xf32, #tpu.memory_space<vmem>> -> memref<1x1x128xf32, #tpu.memory_space<vmem>>
    %dma_wait3A_162 = tpu.memref_squeeze %dma_wait3A_161 : memref<1x1x128xf32, #tpu.memory_space<vmem>> -> memref<128xf32, #tpu.memory_space<vmem>>
    %dma_wait3A_163 = arith.constant 0 : i32
    %dma_wait3A_164 = tpu.memref_slice %arg4[%dma_wait3A_150, %dma_wait3A_151, %dma_wait3A_163] : memref<640x32x128xf32, #tpu.memory_space<hbm>> -> memref<1x1x128xf32, #tpu.memory_space<hbm>>
    %dma_wait3A_165 = tpu.memref_squeeze %dma_wait3A_164 : memref<1x1x128xf32, #tpu.memory_space<hbm>> -> memref<128xf32, #tpu.memory_space<hbm>>
    tpu.wait_dma2 semaphore(%arg9 : memref<!tpu.dma_semaphore, #tpu.memory_space<semaphore_mem>>) src(%dma_wait3A_165 : memref<128xf32, #tpu.memory_space<hbm>>) dst(%dma_wait3A_162 : memref<128xf32, #tpu.memory_space<vmem>>)
    %dma_wait3A_166 = arith.constant 0 : i32
    %dma_wait3A_167 = arith.constant 0 : i32
    %dma_wait3A_168 = arith.constant 0 : i32
    %dma_wait3A_169 = arith.constant 0 : i32
    %dma_wait3A_170 = arith.constant 0 : i32
    %dma_wait3A_171 = tpu.memref_slice %arg6[%dma_wait3A_168, %dma_wait3A_169, %dma_wait3A_170] : memref<2x32x128xf32, #tpu.memory_space<vmem>> -> memref<1x1x128xf32, #tpu.memory_space<vmem>>
    %dma_wait3A_172 = tpu.memref_squeeze %dma_wait3A_171 : memref<1x1x128xf32, #tpu.memory_space<vmem>> -> memref<128xf32, #tpu.memory_space<vmem>>
    %dma_wait3A_173 = arith.constant 0 : i32
    %dma_wait3A_174 = tpu.memref_slice %arg4[%dma_wait3A_166, %dma_wait3A_167, %dma_wait3A_173] : memref<640x32x128xf32, #tpu.memory_space<hbm>> -> memref<1x1x128xf32, #tpu.memory_space<hbm>>
    %dma_wait3A_175 = tpu.memref_squeeze %dma_wait3A_174 : memref<1x1x128xf32, #tpu.memory_space<hbm>> -> memref<128xf32, #tpu.memory_space<hbm>>
    %dma_wait3A_176 = arith.constant 0 : i32
    %dma_wait3A_177 = tpu.memref_slice %arg6[%dma_wait3A_168, %dma_wait3A_169, %dma_wait3A_176] : memref<2x32x128xf32, #tpu.memory_space<vmem>> -> memref<1x1x128xf32, #tpu.memory_space<vmem>>
    %dma_wait3A_178 = tpu.memref_squeeze %dma_wait3A_177 : memref<1x1x128xf32, #tpu.memory_space<vmem>> -> memref<128xf32, #tpu.memory_space<vmem>>
    %dma_wait3A_179 = arith.constant 0 : i32
    %dma_wait3A_180 = tpu.memref_slice %arg4[%dma_wait3A_166, %dma_wait3A_167, %dma_wait3A_179] : memref<640x32x128xf32, #tpu.memory_space<hbm>> -> memref<1x1x128xf32, #tpu.memory_space<hbm>>
    %dma_wait3A_181 = tpu.memref_squeeze %dma_wait3A_180 : memref<1x1x128xf32, #tpu.memory_space<hbm>> -> memref<128xf32, #tpu.memory_space<hbm>>
    tpu.wait_dma2 semaphore(%arg9 : memref<!tpu.dma_semaphore, #tpu.memory_space<semaphore_mem>>) src(%dma_wait3A_181 : memref<128xf32, #tpu.memory_space<hbm>>) dst(%dma_wait3A_178 : memref<128xf32, #tpu.memory_space<vmem>>)
    %dma_wait3A_182 = arith.constant 0 : i32
    %dma_wait3A_183 = arith.constant 0 : i32
    %dma_wait3A_184 = arith.constant 0 : i32
    %dma_wait3A_185 = arith.constant 0 : i32
    %dma_wait3A_186 = arith.constant 0 : i32
    %dma_wait3A_187 = tpu.memref_slice %arg6[%dma_wait3A_184, %dma_wait3A_185, %dma_wait3A_186] : memref<2x32x128xf32, #tpu.memory_space<vmem>> -> memref<1x1x128xf32, #tpu.memory_space<vmem>>
    %dma_wait3A_188 = tpu.memref_squeeze %dma_wait3A_187 : memref<1x1x128xf32, #tpu.memory_space<vmem>> -> memref<128xf32, #tpu.memory_space<vmem>>
    %dma_wait3A_189 = arith.constant 0 : i32
    %dma_wait3A_190 = tpu.memref_slice %arg4[%dma_wait3A_182, %dma_wait3A_183, %dma_wait3A_189] : memref<640x32x128xf32, #tpu.memory_space<hbm>> -> memref<1x1x128xf32, #tpu.memory_space<hbm>>
    %dma_wait3A_191 = tpu.memref_squeeze %dma_wait3A_190 : memref<1x1x128xf32, #tpu.memory_space<hbm>> -> memref<128xf32, #tpu.memory_space<hbm>>
    %dma_wait3A_192 = arith.constant 0 : i32
    %dma_wait3A_193 = tpu.memref_slice %arg6[%dma_wait3A_184, %dma_wait3A_185, %dma_wait3A_192] : memref<2x32x128xf32, #tpu.memory_space<vmem>> -> memref<1x1x128xf32, #tpu.memory_space<vmem>>
    %dma_wait3A_194 = tpu.memref_squeeze %dma_wait3A_193 : memref<1x1x128xf32, #tpu.memory_space<vmem>> -> memref<128xf32, #tpu.memory_space<vmem>>
    %dma_wait3A_195 = arith.constant 0 : i32
    %dma_wait3A_196 = tpu.memref_slice %arg4[%dma_wait3A_182, %dma_wait3A_183, %dma_wait3A_195] : memref<640x32x128xf32, #tpu.memory_space<hbm>> -> memref<1x1x128xf32, #tpu.memory_space<hbm>>
    %dma_wait3A_197 = tpu.memref_squeeze %dma_wait3A_196 : memref<1x1x128xf32, #tpu.memory_space<hbm>> -> memref<128xf32, #tpu.memory_space<hbm>>
    tpu.wait_dma2 semaphore(%arg9 : memref<!tpu.dma_semaphore, #tpu.memory_space<semaphore_mem>>) src(%dma_wait3A_197 : memref<128xf32, #tpu.memory_space<hbm>>) dst(%dma_wait3A_194 : memref<128xf32, #tpu.memory_space<vmem>>)
    %dma_wait3A_198 = arith.constant 0 : i32
    %dma_wait3A_199 = arith.constant 0 : i32
    %dma_wait3A_200 = arith.constant 0 : i32
    %dma_wait3A_201 = arith.constant 0 : i32
    %dma_wait3A_202 = arith.constant 0 : i32
    %dma_wait3A_203 = tpu.memref_slice %arg6[%dma_wait3A_200, %dma_wait3A_201, %dma_wait3A_202] : memref<2x32x128xf32, #tpu.memory_space<vmem>> -> memref<1x1x128xf32, #tpu.memory_space<vmem>>
    %dma_wait3A_204 = tpu.memref_squeeze %dma_wait3A_203 : memref<1x1x128xf32, #tpu.memory_space<vmem>> -> memref<128xf32, #tpu.memory_space<vmem>>
    %dma_wait3A_205 = arith.constant 0 : i32
    %dma_wait3A_206 = tpu.memref_slice %arg4[%dma_wait3A_198, %dma_wait3A_199, %dma_wait3A_205] : memref<640x32x128xf32, #tpu.memory_space<hbm>> -> memref<1x1x128xf32, #tpu.memory_space<hbm>>
    %dma_wait3A_207 = tpu.memref_squeeze %dma_wait3A_206 : memref<1x1x128xf32, #tpu.memory_space<hbm>> -> memref<128xf32, #tpu.memory_space<hbm>>
    %dma_wait3A_208 = arith.constant 0 : i32
    %dma_wait3A_209 = tpu.memref_slice %arg6[%dma_wait3A_200, %dma_wait3A_201, %dma_wait3A_208] : memref<2x32x128xf32, #tpu.memory_space<vmem>> -> memref<1x1x128xf32, #tpu.memory_space<vmem>>
    %dma_wait3A_210 = tpu.memref_squeeze %dma_wait3A_209 : memref<1x1x128xf32, #tpu.memory_space<vmem>> -> memref<128xf32, #tpu.memory_space<vmem>>
    %dma_wait3A_211 = arith.constant 0 : i32
    %dma_wait3A_212 = tpu.memref_slice %arg4[%dma_wait3A_198, %dma_wait3A_199, %dma_wait3A_211] : memref<640x32x128xf32, #tpu.memory_space<hbm>> -> memref<1x1x128xf32, #tpu.memory_space<hbm>>
    %dma_wait3A_213 = tpu.memref_squeeze %dma_wait3A_212 : memref<1x1x128xf32, #tpu.memory_space<hbm>> -> memref<128xf32, #tpu.memory_space<hbm>>
    tpu.wait_dma2 semaphore(%arg9 : memref<!tpu.dma_semaphore, #tpu.memory_space<semaphore_mem>>) src(%dma_wait3A_213 : memref<128xf32, #tpu.memory_space<hbm>>) dst(%dma_wait3A_210 : memref<128xf32, #tpu.memory_space<vmem>>)
    %dma_wait3A_214 = arith.constant 0 : i32
    %dma_wait3A_215 = arith.constant 0 : i32
    %dma_wait3A_216 = arith.constant 0 : i32
    %dma_wait3A_217 = arith.constant 0 : i32
    %dma_wait3A_218 = arith.constant 0 : i32
    %dma_wait3A_219 = tpu.memref_slice %arg6[%dma_wait3A_216, %dma_wait3A_217, %dma_wait3A_218] : memref<2x32x128xf32, #tpu.memory_space<vmem>> -> memref<1x1x128xf32, #tpu.memory_space<vmem>>
    %dma_wait3A_220 = tpu.memref_squeeze %dma_wait3A_219 : memref<1x1x128xf32, #tpu.memory_space<vmem>> -> memref<128xf32, #tpu.memory_space<vmem>>
    %dma_wait3A_221 = arith.constant 0 : i32
    %dma_wait3A_222 = tpu.memref_slice %arg4[%dma_wait3A_214, %dma_wait3A_215, %dma_wait3A_221] : memref<640x32x128xf32, #tpu.memory_space<hbm>> -> memref<1x1x128xf32, #tpu.memory_space<hbm>>
    %dma_wait3A_223 = tpu.memref_squeeze %dma_wait3A_222 : memref<1x1x128xf32, #tpu.memory_space<hbm>> -> memref<128xf32, #tpu.memory_space<hbm>>
    %dma_wait3A_224 = arith.constant 0 : i32
    %dma_wait3A_225 = tpu.memref_slice %arg6[%dma_wait3A_216, %dma_wait3A_217, %dma_wait3A_224] : memref<2x32x128xf32, #tpu.memory_space<vmem>> -> memref<1x1x128xf32, #tpu.memory_space<vmem>>
    %dma_wait3A_226 = tpu.memref_squeeze %dma_wait3A_225 : memref<1x1x128xf32, #tpu.memory_space<vmem>> -> memref<128xf32, #tpu.memory_space<vmem>>
    %dma_wait3A_227 = arith.constant 0 : i32
    %dma_wait3A_228 = tpu.memref_slice %arg4[%dma_wait3A_214, %dma_wait3A_215, %dma_wait3A_227] : memref<640x32x128xf32, #tpu.memory_space<hbm>> -> memref<1x1x128xf32, #tpu.memory_space<hbm>>
    %dma_wait3A_229 = tpu.memref_squeeze %dma_wait3A_228 : memref<1x1x128xf32, #tpu.memory_space<hbm>> -> memref<128xf32, #tpu.memory_space<hbm>>
    tpu.wait_dma2 semaphore(%arg9 : memref<!tpu.dma_semaphore, #tpu.memory_space<semaphore_mem>>) src(%dma_wait3A_229 : memref<128xf32, #tpu.memory_space<hbm>>) dst(%dma_wait3A_226 : memref<128xf32, #tpu.memory_space<vmem>>)
    %dma_wait3A_230 = arith.constant 0 : i32
    %dma_wait3A_231 = arith.constant 0 : i32
    %dma_wait3A_232 = arith.constant 0 : i32
    %dma_wait3A_233 = arith.constant 0 : i32
    %dma_wait3A_234 = arith.constant 0 : i32
    %dma_wait3A_235 = tpu.memref_slice %arg6[%dma_wait3A_232, %dma_wait3A_233, %dma_wait3A_234] : memref<2x32x128xf32, #tpu.memory_space<vmem>> -> memref<1x1x128xf32, #tpu.memory_space<vmem>>
    %dma_wait3A_236 = tpu.memref_squeeze %dma_wait3A_235 : memref<1x1x128xf32, #tpu.memory_space<vmem>> -> memref<128xf32, #tpu.memory_space<vmem>>
    %dma_wait3A_237 = arith.constant 0 : i32
    %dma_wait3A_238 = tpu.memref_slice %arg4[%dma_wait3A_230, %dma_wait3A_231, %dma_wait3A_237] : memref<640x32x128xf32, #tpu.memory_space<hbm>> -> memref<1x1x128xf32, #tpu.memory_space<hbm>>
    %dma_wait3A_239 = tpu.memref_squeeze %dma_wait3A_238 : memref<1x1x128xf32, #tpu.memory_space<hbm>> -> memref<128xf32, #tpu.memory_space<hbm>>
    %dma_wait3A_240 = arith.constant 0 : i32
    %dma_wait3A_241 = tpu.memref_slice %arg6[%dma_wait3A_232, %dma_wait3A_233, %dma_wait3A_240] : memref<2x32x128xf32, #tpu.memory_space<vmem>> -> memref<1x1x128xf32, #tpu.memory_space<vmem>>
    %dma_wait3A_242 = tpu.memref_squeeze %dma_wait3A_241 : memref<1x1x128xf32, #tpu.memory_space<vmem>> -> memref<128xf32, #tpu.memory_space<vmem>>
    %dma_wait3A_243 = arith.constant 0 : i32
    %dma_wait3A_244 = tpu.memref_slice %arg4[%dma_wait3A_230, %dma_wait3A_231, %dma_wait3A_243] : memref<640x32x128xf32, #tpu.memory_space<hbm>> -> memref<1x1x128xf32, #tpu.memory_space<hbm>>
    %dma_wait3A_245 = tpu.memref_squeeze %dma_wait3A_244 : memref<1x1x128xf32, #tpu.memory_space<hbm>> -> memref<128xf32, #tpu.memory_space<hbm>>
    tpu.wait_dma2 semaphore(%arg9 : memref<!tpu.dma_semaphore, #tpu.memory_space<semaphore_mem>>) src(%dma_wait3A_245 : memref<128xf32, #tpu.memory_space<hbm>>) dst(%dma_wait3A_242 : memref<128xf32, #tpu.memory_space<vmem>>)
    %dma_wait3A_246 = arith.constant 0 : i32
    %dma_wait3A_247 = arith.constant 0 : i32
    %dma_wait3A_248 = arith.constant 0 : i32
    %dma_wait3A_249 = arith.constant 0 : i32
    %dma_wait3A_250 = arith.constant 0 : i32
    %dma_wait3A_251 = tpu.memref_slice %arg6[%dma_wait3A_248, %dma_wait3A_249, %dma_wait3A_250] : memref<2x32x128xf32, #tpu.memory_space<vmem>> -> memref<1x1x128xf32, #tpu.memory_space<vmem>>
    %dma_wait3A_252 = tpu.memref_squeeze %dma_wait3A_251 : memref<1x1x128xf32, #tpu.memory_space<vmem>> -> memref<128xf32, #tpu.memory_space<vmem>>
    %dma_wait3A_253 = arith.constant 0 : i32
    %dma_wait3A_254 = tpu.memref_slice %arg4[%dma_wait3A_246, %dma_wait3A_247, %dma_wait3A_253] : memref<640x32x128xf32, #tpu.memory_space<hbm>> -> memref<1x1x128xf32, #tpu.memory_space<hbm>>
    %dma_wait3A_255 = tpu.memref_squeeze %dma_wait3A_254 : memref<1x1x128xf32, #tpu.memory_space<hbm>> -> memref<128xf32, #tpu.memory_space<hbm>>
    %dma_wait3A_256 = arith.constant 0 : i32
    %dma_wait3A_257 = tpu.memref_slice %arg6[%dma_wait3A_248, %dma_wait3A_249, %dma_wait3A_256] : memref<2x32x128xf32, #tpu.memory_space<vmem>> -> memref<1x1x128xf32, #tpu.memory_space<vmem>>
    %dma_wait3A_258 = tpu.memref_squeeze %dma_wait3A_257 : memref<1x1x128xf32, #tpu.memory_space<vmem>> -> memref<128xf32, #tpu.memory_space<vmem>>
    %dma_wait3A_259 = arith.constant 0 : i32
    %dma_wait3A_260 = tpu.memref_slice %arg4[%dma_wait3A_246, %dma_wait3A_247, %dma_wait3A_259] : memref<640x32x128xf32, #tpu.memory_space<hbm>> -> memref<1x1x128xf32, #tpu.memory_space<hbm>>
    %dma_wait3A_261 = tpu.memref_squeeze %dma_wait3A_260 : memref<1x1x128xf32, #tpu.memory_space<hbm>> -> memref<128xf32, #tpu.memory_space<hbm>>
    tpu.wait_dma2 semaphore(%arg9 : memref<!tpu.dma_semaphore, #tpu.memory_space<semaphore_mem>>) src(%dma_wait3A_261 : memref<128xf32, #tpu.memory_space<hbm>>) dst(%dma_wait3A_258 : memref<128xf32, #tpu.memory_space<vmem>>)
    %dma_wait3A_262 = arith.constant 0 : i32
    %dma_wait3A_263 = arith.constant 0 : i32
    %dma_wait3A_264 = arith.constant 0 : i32
    %dma_wait3A_265 = arith.constant 0 : i32
    %dma_wait3A_266 = arith.constant 0 : i32
    %dma_wait3A_267 = tpu.memref_slice %arg6[%dma_wait3A_264, %dma_wait3A_265, %dma_wait3A_266] : memref<2x32x128xf32, #tpu.memory_space<vmem>> -> memref<1x1x128xf32, #tpu.memory_space<vmem>>
    %dma_wait3A_268 = tpu.memref_squeeze %dma_wait3A_267 : memref<1x1x128xf32, #tpu.memory_space<vmem>> -> memref<128xf32, #tpu.memory_space<vmem>>
    %dma_wait3A_269 = arith.constant 0 : i32
    %dma_wait3A_270 = tpu.memref_slice %arg4[%dma_wait3A_262, %dma_wait3A_263, %dma_wait3A_269] : memref<640x32x128xf32, #tpu.memory_space<hbm>> -> memref<1x1x128xf32, #tpu.memory_space<hbm>>
    %dma_wait3A_271 = tpu.memref_squeeze %dma_wait3A_270 : memref<1x1x128xf32, #tpu.memory_space<hbm>> -> memref<128xf32, #tpu.memory_space<hbm>>
    %dma_wait3A_272 = arith.constant 0 : i32
    %dma_wait3A_273 = tpu.memref_slice %arg6[%dma_wait3A_264, %dma_wait3A_265, %dma_wait3A_272] : memref<2x32x128xf32, #tpu.memory_space<vmem>> -> memref<1x1x128xf32, #tpu.memory_space<vmem>>
    %dma_wait3A_274 = tpu.memref_squeeze %dma_wait3A_273 : memref<1x1x128xf32, #tpu.memory_space<vmem>> -> memref<128xf32, #tpu.memory_space<vmem>>
    %dma_wait3A_275 = arith.constant 0 : i32
    %dma_wait3A_276 = tpu.memref_slice %arg4[%dma_wait3A_262, %dma_wait3A_263, %dma_wait3A_275] : memref<640x32x128xf32, #tpu.memory_space<hbm>> -> memref<1x1x128xf32, #tpu.memory_space<hbm>>
    %dma_wait3A_277 = tpu.memref_squeeze %dma_wait3A_276 : memref<1x1x128xf32, #tpu.memory_space<hbm>> -> memref<128xf32, #tpu.memory_space<hbm>>
    tpu.wait_dma2 semaphore(%arg9 : memref<!tpu.dma_semaphore, #tpu.memory_space<semaphore_mem>>) src(%dma_wait3A_277 : memref<128xf32, #tpu.memory_space<hbm>>) dst(%dma_wait3A_274 : memref<128xf32, #tpu.memory_space<vmem>>)
    %dma_wait3A_278 = arith.constant 0 : i32
    %dma_wait3A_279 = arith.constant 0 : i32
    %dma_wait3A_280 = arith.constant 0 : i32
    %dma_wait3A_281 = arith.constant 0 : i32
    %dma_wait3A_282 = arith.constant 0 : i32
    %dma_wait3A_283 = tpu.memref_slice %arg6[%dma_wait3A_280, %dma_wait3A_281, %dma_wait3A_282] : memref<2x32x128xf32, #tpu.memory_space<vmem>> -> memref<1x1x128xf32, #tpu.memory_space<vmem>>
    %dma_wait3A_284 = tpu.memref_squeeze %dma_wait3A_283 : memref<1x1x128xf32, #tpu.memory_space<vmem>> -> memref<128xf32, #tpu.memory_space<vmem>>
    %dma_wait3A_285 = arith.constant 0 : i32
    %dma_wait3A_286 = tpu.memref_slice %arg4[%dma_wait3A_278, %dma_wait3A_279, %dma_wait3A_285] : memref<640x32x128xf32, #tpu.memory_space<hbm>> -> memref<1x1x128xf32, #tpu.memory_space<hbm>>
    %dma_wait3A_287 = tpu.memref_squeeze %dma_wait3A_286 : memref<1x1x128xf32, #tpu.memory_space<hbm>> -> memref<128xf32, #tpu.memory_space<hbm>>
    %dma_wait3A_288 = arith.constant 0 : i32
    %dma_wait3A_289 = tpu.memref_slice %arg6[%dma_wait3A_280, %dma_wait3A_281, %dma_wait3A_288] : memref<2x32x128xf32, #tpu.memory_space<vmem>> -> memref<1x1x128xf32, #tpu.memory_space<vmem>>
    %dma_wait3A_290 = tpu.memref_squeeze %dma_wait3A_289 : memref<1x1x128xf32, #tpu.memory_space<vmem>> -> memref<128xf32, #tpu.memory_space<vmem>>
    %dma_wait3A_291 = arith.constant 0 : i32
    %dma_wait3A_292 = tpu.memref_slice %arg4[%dma_wait3A_278, %dma_wait3A_279, %dma_wait3A_291] : memref<640x32x128xf32, #tpu.memory_space<hbm>> -> memref<1x1x128xf32, #tpu.memory_space<hbm>>
    %dma_wait3A_293 = tpu.memref_squeeze %dma_wait3A_292 : memref<1x1x128xf32, #tpu.memory_space<hbm>> -> memref<128xf32, #tpu.memory_space<hbm>>
    tpu.wait_dma2 semaphore(%arg9 : memref<!tpu.dma_semaphore, #tpu.memory_space<semaphore_mem>>) src(%dma_wait3A_293 : memref<128xf32, #tpu.memory_space<hbm>>) dst(%dma_wait3A_290 : memref<128xf32, #tpu.memory_space<vmem>>)
    %dma_wait3A_294 = arith.constant 0 : i32
    %dma_wait3A_295 = arith.constant 0 : i32
    %dma_wait3A_296 = arith.constant 0 : i32
    %dma_wait3A_297 = arith.constant 0 : i32
    %dma_wait3A_298 = arith.constant 0 : i32
    %dma_wait3A_299 = tpu.memref_slice %arg6[%dma_wait3A_296, %dma_wait3A_297, %dma_wait3A_298] : memref<2x32x128xf32, #tpu.memory_space<vmem>> -> memref<1x1x128xf32, #tpu.memory_space<vmem>>
    %dma_wait3A_300 = tpu.memref_squeeze %dma_wait3A_299 : memref<1x1x128xf32, #tpu.memory_space<vmem>> -> memref<128xf32, #tpu.memory_space<vmem>>
    %dma_wait3A_301 = arith.constant 0 : i32
    %dma_wait3A_302 = tpu.memref_slice %arg4[%dma_wait3A_294, %dma_wait3A_295, %dma_wait3A_301] : memref<640x32x128xf32, #tpu.memory_space<hbm>> -> memref<1x1x128xf32, #tpu.memory_space<hbm>>
    %dma_wait3A_303 = tpu.memref_squeeze %dma_wait3A_302 : memref<1x1x128xf32, #tpu.memory_space<hbm>> -> memref<128xf32, #tpu.memory_space<hbm>>
    %dma_wait3A_304 = arith.constant 0 : i32
    %dma_wait3A_305 = tpu.memref_slice %arg6[%dma_wait3A_296, %dma_wait3A_297, %dma_wait3A_304] : memref<2x32x128xf32, #tpu.memory_space<vmem>> -> memref<1x1x128xf32, #tpu.memory_space<vmem>>
    %dma_wait3A_306 = tpu.memref_squeeze %dma_wait3A_305 : memref<1x1x128xf32, #tpu.memory_space<vmem>> -> memref<128xf32, #tpu.memory_space<vmem>>
    %dma_wait3A_307 = arith.constant 0 : i32
    %dma_wait3A_308 = tpu.memref_slice %arg4[%dma_wait3A_294, %dma_wait3A_295, %dma_wait3A_307] : memref<640x32x128xf32, #tpu.memory_space<hbm>> -> memref<1x1x128xf32, #tpu.memory_space<hbm>>
    %dma_wait3A_309 = tpu.memref_squeeze %dma_wait3A_308 : memref<1x1x128xf32, #tpu.memory_space<hbm>> -> memref<128xf32, #tpu.memory_space<hbm>>
    tpu.wait_dma2 semaphore(%arg9 : memref<!tpu.dma_semaphore, #tpu.memory_space<semaphore_mem>>) src(%dma_wait3A_309 : memref<128xf32, #tpu.memory_space<hbm>>) dst(%dma_wait3A_306 : memref<128xf32, #tpu.memory_space<vmem>>)
    %dma_wait3A_310 = arith.constant 0 : i32
    %dma_wait3A_311 = arith.constant 0 : i32
    %dma_wait3A_312 = arith.constant 0 : i32
    %dma_wait3A_313 = arith.constant 0 : i32
    %dma_wait3A_314 = arith.constant 0 : i32
    %dma_wait3A_315 = tpu.memref_slice %arg6[%dma_wait3A_312, %dma_wait3A_313, %dma_wait3A_314] : memref<2x32x128xf32, #tpu.memory_space<vmem>> -> memref<1x1x128xf32, #tpu.memory_space<vmem>>
    %dma_wait3A_316 = tpu.memref_squeeze %dma_wait3A_315 : memref<1x1x128xf32, #tpu.memory_space<vmem>> -> memref<128xf32, #tpu.memory_space<vmem>>
    %dma_wait3A_317 = arith.constant 0 : i32
    %dma_wait3A_318 = tpu.memref_slice %arg4[%dma_wait3A_310, %dma_wait3A_311, %dma_wait3A_317] : memref<640x32x128xf32, #tpu.memory_space<hbm>> -> memref<1x1x128xf32, #tpu.memory_space<hbm>>
    %dma_wait3A_319 = tpu.memref_squeeze %dma_wait3A_318 : memref<1x1x128xf32, #tpu.memory_space<hbm>> -> memref<128xf32, #tpu.memory_space<hbm>>
    %dma_wait3A_320 = arith.constant 0 : i32
    %dma_wait3A_321 = tpu.memref_slice %arg6[%dma_wait3A_312, %dma_wait3A_313, %dma_wait3A_320] : memref<2x32x128xf32, #tpu.memory_space<vmem>> -> memref<1x1x128xf32, #tpu.memory_space<vmem>>
    %dma_wait3A_322 = tpu.memref_squeeze %dma_wait3A_321 : memref<1x1x128xf32, #tpu.memory_space<vmem>> -> memref<128xf32, #tpu.memory_space<vmem>>
    %dma_wait3A_323 = arith.constant 0 : i32
    %dma_wait3A_324 = tpu.memref_slice %arg4[%dma_wait3A_310, %dma_wait3A_311, %dma_wait3A_323] : memref<640x32x128xf32, #tpu.memory_space<hbm>> -> memref<1x1x128xf32, #tpu.memory_space<hbm>>
    %dma_wait3A_325 = tpu.memref_squeeze %dma_wait3A_324 : memref<1x1x128xf32, #tpu.memory_space<hbm>> -> memref<128xf32, #tpu.memory_space<hbm>>
    tpu.wait_dma2 semaphore(%arg9 : memref<!tpu.dma_semaphore, #tpu.memory_space<semaphore_mem>>) src(%dma_wait3A_325 : memref<128xf32, #tpu.memory_space<hbm>>) dst(%dma_wait3A_322 : memref<128xf32, #tpu.memory_space<vmem>>)
    %dma_wait3A_326 = arith.constant 0 : i32
    %dma_wait3A_327 = arith.constant 0 : i32
    %dma_wait3A_328 = arith.constant 0 : i32
    %dma_wait3A_329 = arith.constant 0 : i32
    %dma_wait3A_330 = arith.constant 0 : i32
    %dma_wait3A_331 = tpu.memref_slice %arg6[%dma_wait3A_328, %dma_wait3A_329, %dma_wait3A_330] : memref<2x32x128xf32, #tpu.memory_space<vmem>> -> memref<1x1x128xf32, #tpu.memory_space<vmem>>
    %dma_wait3A_332 = tpu.memref_squeeze %dma_wait3A_331 : memref<1x1x128xf32, #tpu.memory_space<vmem>> -> memref<128xf32, #tpu.memory_space<vmem>>
    %dma_wait3A_333 = arith.constant 0 : i32
    %dma_wait3A_334 = tpu.memref_slice %arg4[%dma_wait3A_326, %dma_wait3A_327, %dma_wait3A_333] : memref<640x32x128xf32, #tpu.memory_space<hbm>> -> memref<1x1x128xf32, #tpu.memory_space<hbm>>
    %dma_wait3A_335 = tpu.memref_squeeze %dma_wait3A_334 : memref<1x1x128xf32, #tpu.memory_space<hbm>> -> memref<128xf32, #tpu.memory_space<hbm>>
    %dma_wait3A_336 = arith.constant 0 : i32
    %dma_wait3A_337 = tpu.memref_slice %arg6[%dma_wait3A_328, %dma_wait3A_329, %dma_wait3A_336] : memref<2x32x128xf32, #tpu.memory_space<vmem>> -> memref<1x1x128xf32, #tpu.memory_space<vmem>>
    %dma_wait3A_338 = tpu.memref_squeeze %dma_wait3A_337 : memref<1x1x128xf32, #tpu.memory_space<vmem>> -> memref<128xf32, #tpu.memory_space<vmem>>
    %dma_wait3A_339 = arith.constant 0 : i32
    %dma_wait3A_340 = tpu.memref_slice %arg4[%dma_wait3A_326, %dma_wait3A_327, %dma_wait3A_339] : memref<640x32x128xf32, #tpu.memory_space<hbm>> -> memref<1x1x128xf32, #tpu.memory_space<hbm>>
    %dma_wait3A_341 = tpu.memref_squeeze %dma_wait3A_340 : memref<1x1x128xf32, #tpu.memory_space<hbm>> -> memref<128xf32, #tpu.memory_space<hbm>>
    tpu.wait_dma2 semaphore(%arg9 : memref<!tpu.dma_semaphore, #tpu.memory_space<semaphore_mem>>) src(%dma_wait3A_341 : memref<128xf32, #tpu.memory_space<hbm>>) dst(%dma_wait3A_338 : memref<128xf32, #tpu.memory_space<vmem>>)
    %dma_wait3A_342 = arith.constant 0 : i32
    %dma_wait3A_343 = arith.constant 0 : i32
    %dma_wait3A_344 = arith.constant 0 : i32
    %dma_wait3A_345 = arith.constant 0 : i32
    %dma_wait3A_346 = arith.constant 0 : i32
    %dma_wait3A_347 = tpu.memref_slice %arg6[%dma_wait3A_344, %dma_wait3A_345, %dma_wait3A_346] : memref<2x32x128xf32, #tpu.memory_space<vmem>> -> memref<1x1x128xf32, #tpu.memory_space<vmem>>
    %dma_wait3A_348 = tpu.memref_squeeze %dma_wait3A_347 : memref<1x1x128xf32, #tpu.memory_space<vmem>> -> memref<128xf32, #tpu.memory_space<vmem>>
    %dma_wait3A_349 = arith.constant 0 : i32
    %dma_wait3A_350 = tpu.memref_slice %arg4[%dma_wait3A_342, %dma_wait3A_343, %dma_wait3A_349] : memref<640x32x128xf32, #tpu.memory_space<hbm>> -> memref<1x1x128xf32, #tpu.memory_space<hbm>>
    %dma_wait3A_351 = tpu.memref_squeeze %dma_wait3A_350 : memref<1x1x128xf32, #tpu.memory_space<hbm>> -> memref<128xf32, #tpu.memory_space<hbm>>
    %dma_wait3A_352 = arith.constant 0 : i32
    %dma_wait3A_353 = tpu.memref_slice %arg6[%dma_wait3A_344, %dma_wait3A_345, %dma_wait3A_352] : memref<2x32x128xf32, #tpu.memory_space<vmem>> -> memref<1x1x128xf32, #tpu.memory_space<vmem>>
    %dma_wait3A_354 = tpu.memref_squeeze %dma_wait3A_353 : memref<1x1x128xf32, #tpu.memory_space<vmem>> -> memref<128xf32, #tpu.memory_space<vmem>>
    %dma_wait3A_355 = arith.constant 0 : i32
    %dma_wait3A_356 = tpu.memref_slice %arg4[%dma_wait3A_342, %dma_wait3A_343, %dma_wait3A_355] : memref<640x32x128xf32, #tpu.memory_space<hbm>> -> memref<1x1x128xf32, #tpu.memory_space<hbm>>
    %dma_wait3A_357 = tpu.memref_squeeze %dma_wait3A_356 : memref<1x1x128xf32, #tpu.memory_space<hbm>> -> memref<128xf32, #tpu.memory_space<hbm>>
    tpu.wait_dma2 semaphore(%arg9 : memref<!tpu.dma_semaphore, #tpu.memory_space<semaphore_mem>>) src(%dma_wait3A_357 : memref<128xf32, #tpu.memory_space<hbm>>) dst(%dma_wait3A_354 : memref<128xf32, #tpu.memory_space<vmem>>)
    %dma_wait3A_358 = arith.constant 0 : i32
    %dma_wait3A_359 = arith.constant 0 : i32
    %dma_wait3A_360 = arith.constant 0 : i32
    %dma_wait3A_361 = arith.constant 0 : i32
    %dma_wait3A_362 = arith.constant 0 : i32
    %dma_wait3A_363 = tpu.memref_slice %arg6[%dma_wait3A_360, %dma_wait3A_361, %dma_wait3A_362] : memref<2x32x128xf32, #tpu.memory_space<vmem>> -> memref<1x1x128xf32, #tpu.memory_space<vmem>>
    %dma_wait3A_364 = tpu.memref_squeeze %dma_wait3A_363 : memref<1x1x128xf32, #tpu.memory_space<vmem>> -> memref<128xf32, #tpu.memory_space<vmem>>
    %dma_wait3A_365 = arith.constant 0 : i32
    %dma_wait3A_366 = tpu.memref_slice %arg4[%dma_wait3A_358, %dma_wait3A_359, %dma_wait3A_365] : memref<640x32x128xf32, #tpu.memory_space<hbm>> -> memref<1x1x128xf32, #tpu.memory_space<hbm>>
    %dma_wait3A_367 = tpu.memref_squeeze %dma_wait3A_366 : memref<1x1x128xf32, #tpu.memory_space<hbm>> -> memref<128xf32, #tpu.memory_space<hbm>>
    %dma_wait3A_368 = arith.constant 0 : i32
    %dma_wait3A_369 = tpu.memref_slice %arg6[%dma_wait3A_360, %dma_wait3A_361, %dma_wait3A_368] : memref<2x32x128xf32, #tpu.memory_space<vmem>> -> memref<1x1x128xf32, #tpu.memory_space<vmem>>
    %dma_wait3A_370 = tpu.memref_squeeze %dma_wait3A_369 : memref<1x1x128xf32, #tpu.memory_space<vmem>> -> memref<128xf32, #tpu.memory_space<vmem>>
    %dma_wait3A_371 = arith.constant 0 : i32
    %dma_wait3A_372 = tpu.memref_slice %arg4[%dma_wait3A_358, %dma_wait3A_359, %dma_wait3A_371] : memref<640x32x128xf32, #tpu.memory_space<hbm>> -> memref<1x1x128xf32, #tpu.memory_space<hbm>>
    %dma_wait3A_373 = tpu.memref_squeeze %dma_wait3A_372 : memref<1x1x128xf32, #tpu.memory_space<hbm>> -> memref<128xf32, #tpu.memory_space<hbm>>
    tpu.wait_dma2 semaphore(%arg9 : memref<!tpu.dma_semaphore, #tpu.memory_space<semaphore_mem>>) src(%dma_wait3A_373 : memref<128xf32, #tpu.memory_space<hbm>>) dst(%dma_wait3A_370 : memref<128xf32, #tpu.memory_space<vmem>>)
    %dma_wait3A_374 = arith.constant 0 : i32
    %dma_wait3A_375 = arith.constant 0 : i32
    %dma_wait3A_376 = arith.constant 0 : i32
    %dma_wait3A_377 = arith.constant 0 : i32
    %dma_wait3A_378 = arith.constant 0 : i32
    %dma_wait3A_379 = tpu.memref_slice %arg6[%dma_wait3A_376, %dma_wait3A_377, %dma_wait3A_378] : memref<2x32x128xf32, #tpu.memory_space<vmem>> -> memref<1x1x128xf32, #tpu.memory_space<vmem>>
    %dma_wait3A_380 = tpu.memref_squeeze %dma_wait3A_379 : memref<1x1x128xf32, #tpu.memory_space<vmem>> -> memref<128xf32, #tpu.memory_space<vmem>>
    %dma_wait3A_381 = arith.constant 0 : i32
    %dma_wait3A_382 = tpu.memref_slice %arg4[%dma_wait3A_374, %dma_wait3A_375, %dma_wait3A_381] : memref<640x32x128xf32, #tpu.memory_space<hbm>> -> memref<1x1x128xf32, #tpu.memory_space<hbm>>
    %dma_wait3A_383 = tpu.memref_squeeze %dma_wait3A_382 : memref<1x1x128xf32, #tpu.memory_space<hbm>> -> memref<128xf32, #tpu.memory_space<hbm>>
    %dma_wait3A_384 = arith.constant 0 : i32
    %dma_wait3A_385 = tpu.memref_slice %arg6[%dma_wait3A_376, %dma_wait3A_377, %dma_wait3A_384] : memref<2x32x128xf32, #tpu.memory_space<vmem>> -> memref<1x1x128xf32, #tpu.memory_space<vmem>>
    %dma_wait3A_386 = tpu.memref_squeeze %dma_wait3A_385 : memref<1x1x128xf32, #tpu.memory_space<vmem>> -> memref<128xf32, #tpu.memory_space<vmem>>
    %dma_wait3A_387 = arith.constant 0 : i32
    %dma_wait3A_388 = tpu.memref_slice %arg4[%dma_wait3A_374, %dma_wait3A_375, %dma_wait3A_387] : memref<640x32x128xf32, #tpu.memory_space<hbm>> -> memref<1x1x128xf32, #tpu.memory_space<hbm>>
    %dma_wait3A_389 = tpu.memref_squeeze %dma_wait3A_388 : memref<1x1x128xf32, #tpu.memory_space<hbm>> -> memref<128xf32, #tpu.memory_space<hbm>>
    tpu.wait_dma2 semaphore(%arg9 : memref<!tpu.dma_semaphore, #tpu.memory_space<semaphore_mem>>) src(%dma_wait3A_389 : memref<128xf32, #tpu.memory_space<hbm>>) dst(%dma_wait3A_386 : memref<128xf32, #tpu.memory_space<vmem>>)
    %dma_wait3A_390 = arith.constant 0 : i32
    %dma_wait3A_391 = arith.constant 0 : i32
    %dma_wait3A_392 = arith.constant 0 : i32
    %dma_wait3A_393 = arith.constant 0 : i32
    %dma_wait3A_394 = arith.constant 0 : i32
    %dma_wait3A_395 = tpu.memref_slice %arg6[%dma_wait3A_392, %dma_wait3A_393, %dma_wait3A_394] : memref<2x32x128xf32, #tpu.memory_space<vmem>> -> memref<1x1x128xf32, #tpu.memory_space<vmem>>
    %dma_wait3A_396 = tpu.memref_squeeze %dma_wait3A_395 : memref<1x1x128xf32, #tpu.memory_space<vmem>> -> memref<128xf32, #tpu.memory_space<vmem>>
    %dma_wait3A_397 = arith.constant 0 : i32
    %dma_wait3A_398 = tpu.memref_slice %arg4[%dma_wait3A_390, %dma_wait3A_391, %dma_wait3A_397] : memref<640x32x128xf32, #tpu.memory_space<hbm>> -> memref<1x1x128xf32, #tpu.memory_space<hbm>>
    %dma_wait3A_399 = tpu.memref_squeeze %dma_wait3A_398 : memref<1x1x128xf32, #tpu.memory_space<hbm>> -> memref<128xf32, #tpu.memory_space<hbm>>
    %dma_wait3A_400 = arith.constant 0 : i32
    %dma_wait3A_401 = tpu.memref_slice %arg6[%dma_wait3A_392, %dma_wait3A_393, %dma_wait3A_400] : memref<2x32x128xf32, #tpu.memory_space<vmem>> -> memref<1x1x128xf32, #tpu.memory_space<vmem>>
    %dma_wait3A_402 = tpu.memref_squeeze %dma_wait3A_401 : memref<1x1x128xf32, #tpu.memory_space<vmem>> -> memref<128xf32, #tpu.memory_space<vmem>>
    %dma_wait3A_403 = arith.constant 0 : i32
    %dma_wait3A_404 = tpu.memref_slice %arg4[%dma_wait3A_390, %dma_wait3A_391, %dma_wait3A_403] : memref<640x32x128xf32, #tpu.memory_space<hbm>> -> memref<1x1x128xf32, #tpu.memory_space<hbm>>
    %dma_wait3A_405 = tpu.memref_squeeze %dma_wait3A_404 : memref<1x1x128xf32, #tpu.memory_space<hbm>> -> memref<128xf32, #tpu.memory_space<hbm>>
    tpu.wait_dma2 semaphore(%arg9 : memref<!tpu.dma_semaphore, #tpu.memory_space<semaphore_mem>>) src(%dma_wait3A_405 : memref<128xf32, #tpu.memory_space<hbm>>) dst(%dma_wait3A_402 : memref<128xf32, #tpu.memory_space<vmem>>)
    %dma_wait3A_406 = arith.constant 0 : i32
    %dma_wait3A_407 = arith.constant 0 : i32
    %dma_wait3A_408 = arith.constant 0 : i32
    %dma_wait3A_409 = arith.constant 0 : i32
    %dma_wait3A_410 = arith.constant 0 : i32
    %dma_wait3A_411 = tpu.memref_slice %arg6[%dma_wait3A_408, %dma_wait3A_409, %dma_wait3A_410] : memref<2x32x128xf32, #tpu.memory_space<vmem>> -> memref<1x1x128xf32, #tpu.memory_space<vmem>>
    %dma_wait3A_412 = tpu.memref_squeeze %dma_wait3A_411 : memref<1x1x128xf32, #tpu.memory_space<vmem>> -> memref<128xf32, #tpu.memory_space<vmem>>
    %dma_wait3A_413 = arith.constant 0 : i32
    %dma_wait3A_414 = tpu.memref_slice %arg4[%dma_wait3A_406, %dma_wait3A_407, %dma_wait3A_413] : memref<640x32x128xf32, #tpu.memory_space<hbm>> -> memref<1x1x128xf32, #tpu.memory_space<hbm>>
    %dma_wait3A_415 = tpu.memref_squeeze %dma_wait3A_414 : memref<1x1x128xf32, #tpu.memory_space<hbm>> -> memref<128xf32, #tpu.memory_space<hbm>>
    %dma_wait3A_416 = arith.constant 0 : i32
    %dma_wait3A_417 = tpu.memref_slice %arg6[%dma_wait3A_408, %dma_wait3A_409, %dma_wait3A_416] : memref<2x32x128xf32, #tpu.memory_space<vmem>> -> memref<1x1x128xf32, #tpu.memory_space<vmem>>
    %dma_wait3A_418 = tpu.memref_squeeze %dma_wait3A_417 : memref<1x1x128xf32, #tpu.memory_space<vmem>> -> memref<128xf32, #tpu.memory_space<vmem>>
    %dma_wait3A_419 = arith.constant 0 : i32
    %dma_wait3A_420 = tpu.memref_slice %arg4[%dma_wait3A_406, %dma_wait3A_407, %dma_wait3A_419] : memref<640x32x128xf32, #tpu.memory_space<hbm>> -> memref<1x1x128xf32, #tpu.memory_space<hbm>>
    %dma_wait3A_421 = tpu.memref_squeeze %dma_wait3A_420 : memref<1x1x128xf32, #tpu.memory_space<hbm>> -> memref<128xf32, #tpu.memory_space<hbm>>
    tpu.wait_dma2 semaphore(%arg9 : memref<!tpu.dma_semaphore, #tpu.memory_space<semaphore_mem>>) src(%dma_wait3A_421 : memref<128xf32, #tpu.memory_space<hbm>>) dst(%dma_wait3A_418 : memref<128xf32, #tpu.memory_space<vmem>>)
    %dma_wait3A_422 = arith.constant 0 : i32
    %dma_wait3A_423 = arith.constant 0 : i32
    %dma_wait3A_424 = arith.constant 0 : i32
    %dma_wait3A_425 = arith.constant 0 : i32
    %dma_wait3A_426 = arith.constant 0 : i32
    %dma_wait3A_427 = tpu.memref_slice %arg6[%dma_wait3A_424, %dma_wait3A_425, %dma_wait3A_426] : memref<2x32x128xf32, #tpu.memory_space<vmem>> -> memref<1x1x128xf32, #tpu.memory_space<vmem>>
    %dma_wait3A_428 = tpu.memref_squeeze %dma_wait3A_427 : memref<1x1x128xf32, #tpu.memory_space<vmem>> -> memref<128xf32, #tpu.memory_space<vmem>>
    %dma_wait3A_429 = arith.constant 0 : i32
    %dma_wait3A_430 = tpu.memref_slice %arg4[%dma_wait3A_422, %dma_wait3A_423, %dma_wait3A_429] : memref<640x32x128xf32, #tpu.memory_space<hbm>> -> memref<1x1x128xf32, #tpu.memory_space<hbm>>
    %dma_wait3A_431 = tpu.memref_squeeze %dma_wait3A_430 : memref<1x1x128xf32, #tpu.memory_space<hbm>> -> memref<128xf32, #tpu.memory_space<hbm>>
    %dma_wait3A_432 = arith.constant 0 : i32
    %dma_wait3A_433 = tpu.memref_slice %arg6[%dma_wait3A_424, %dma_wait3A_425, %dma_wait3A_432] : memref<2x32x128xf32, #tpu.memory_space<vmem>> -> memref<1x1x128xf32, #tpu.memory_space<vmem>>
    %dma_wait3A_434 = tpu.memref_squeeze %dma_wait3A_433 : memref<1x1x128xf32, #tpu.memory_space<vmem>> -> memref<128xf32, #tpu.memory_space<vmem>>
    %dma_wait3A_435 = arith.constant 0 : i32
    %dma_wait3A_436 = tpu.memref_slice %arg4[%dma_wait3A_422, %dma_wait3A_423, %dma_wait3A_435] : memref<640x32x128xf32, #tpu.memory_space<hbm>> -> memref<1x1x128xf32, #tpu.memory_space<hbm>>
    %dma_wait3A_437 = tpu.memref_squeeze %dma_wait3A_436 : memref<1x1x128xf32, #tpu.memory_space<hbm>> -> memref<128xf32, #tpu.memory_space<hbm>>
    tpu.wait_dma2 semaphore(%arg9 : memref<!tpu.dma_semaphore, #tpu.memory_space<semaphore_mem>>) src(%dma_wait3A_437 : memref<128xf32, #tpu.memory_space<hbm>>) dst(%dma_wait3A_434 : memref<128xf32, #tpu.memory_space<vmem>>)
    %dma_wait3A_438 = arith.constant 0 : i32
    %dma_wait3A_439 = arith.constant 0 : i32
    %dma_wait3A_440 = arith.constant 0 : i32
    %dma_wait3A_441 = arith.constant 0 : i32
    %dma_wait3A_442 = arith.constant 0 : i32
    %dma_wait3A_443 = tpu.memref_slice %arg6[%dma_wait3A_440, %dma_wait3A_441, %dma_wait3A_442] : memref<2x32x128xf32, #tpu.memory_space<vmem>> -> memref<1x1x128xf32, #tpu.memory_space<vmem>>
    %dma_wait3A_444 = tpu.memref_squeeze %dma_wait3A_443 : memref<1x1x128xf32, #tpu.memory_space<vmem>> -> memref<128xf32, #tpu.memory_space<vmem>>
    %dma_wait3A_445 = arith.constant 0 : i32
    %dma_wait3A_446 = tpu.memref_slice %arg4[%dma_wait3A_438, %dma_wait3A_439, %dma_wait3A_445] : memref<640x32x128xf32, #tpu.memory_space<hbm>> -> memref<1x1x128xf32, #tpu.memory_space<hbm>>
    %dma_wait3A_447 = tpu.memref_squeeze %dma_wait3A_446 : memref<1x1x128xf32, #tpu.memory_space<hbm>> -> memref<128xf32, #tpu.memory_space<hbm>>
    %dma_wait3A_448 = arith.constant 0 : i32
    %dma_wait3A_449 = tpu.memref_slice %arg6[%dma_wait3A_440, %dma_wait3A_441, %dma_wait3A_448] : memref<2x32x128xf32, #tpu.memory_space<vmem>> -> memref<1x1x128xf32, #tpu.memory_space<vmem>>
    %dma_wait3A_450 = tpu.memref_squeeze %dma_wait3A_449 : memref<1x1x128xf32, #tpu.memory_space<vmem>> -> memref<128xf32, #tpu.memory_space<vmem>>
    %dma_wait3A_451 = arith.constant 0 : i32
    %dma_wait3A_452 = tpu.memref_slice %arg4[%dma_wait3A_438, %dma_wait3A_439, %dma_wait3A_451] : memref<640x32x128xf32, #tpu.memory_space<hbm>> -> memref<1x1x128xf32, #tpu.memory_space<hbm>>
    %dma_wait3A_453 = tpu.memref_squeeze %dma_wait3A_452 : memref<1x1x128xf32, #tpu.memory_space<hbm>> -> memref<128xf32, #tpu.memory_space<hbm>>
    tpu.wait_dma2 semaphore(%arg9 : memref<!tpu.dma_semaphore, #tpu.memory_space<semaphore_mem>>) src(%dma_wait3A_453 : memref<128xf32, #tpu.memory_space<hbm>>) dst(%dma_wait3A_450 : memref<128xf32, #tpu.memory_space<vmem>>)
    %dma_wait3A_454 = arith.constant 0 : i32
    %dma_wait3A_455 = arith.constant 0 : i32
    %dma_wait3A_456 = arith.constant 0 : i32
    %dma_wait3A_457 = arith.constant 0 : i32
    %dma_wait3A_458 = arith.constant 0 : i32
    %dma_wait3A_459 = tpu.memref_slice %arg6[%dma_wait3A_456, %dma_wait3A_457, %dma_wait3A_458] : memref<2x32x128xf32, #tpu.memory_space<vmem>> -> memref<1x1x128xf32, #tpu.memory_space<vmem>>
    %dma_wait3A_460 = tpu.memref_squeeze %dma_wait3A_459 : memref<1x1x128xf32, #tpu.memory_space<vmem>> -> memref<128xf32, #tpu.memory_space<vmem>>
    %dma_wait3A_461 = arith.constant 0 : i32
    %dma_wait3A_462 = tpu.memref_slice %arg4[%dma_wait3A_454, %dma_wait3A_455, %dma_wait3A_461] : memref<640x32x128xf32, #tpu.memory_space<hbm>> -> memref<1x1x128xf32, #tpu.memory_space<hbm>>
    %dma_wait3A_463 = tpu.memref_squeeze %dma_wait3A_462 : memref<1x1x128xf32, #tpu.memory_space<hbm>> -> memref<128xf32, #tpu.memory_space<hbm>>
    %dma_wait3A_464 = arith.constant 0 : i32
    %dma_wait3A_465 = tpu.memref_slice %arg6[%dma_wait3A_456, %dma_wait3A_457, %dma_wait3A_464] : memref<2x32x128xf32, #tpu.memory_space<vmem>> -> memref<1x1x128xf32, #tpu.memory_space<vmem>>
    %dma_wait3A_466 = tpu.memref_squeeze %dma_wait3A_465 : memref<1x1x128xf32, #tpu.memory_space<vmem>> -> memref<128xf32, #tpu.memory_space<vmem>>
    %dma_wait3A_467 = arith.constant 0 : i32
    %dma_wait3A_468 = tpu.memref_slice %arg4[%dma_wait3A_454, %dma_wait3A_455, %dma_wait3A_467] : memref<640x32x128xf32, #tpu.memory_space<hbm>> -> memref<1x1x128xf32, #tpu.memory_space<hbm>>
    %dma_wait3A_469 = tpu.memref_squeeze %dma_wait3A_468 : memref<1x1x128xf32, #tpu.memory_space<hbm>> -> memref<128xf32, #tpu.memory_space<hbm>>
    tpu.wait_dma2 semaphore(%arg9 : memref<!tpu.dma_semaphore, #tpu.memory_space<semaphore_mem>>) src(%dma_wait3A_469 : memref<128xf32, #tpu.memory_space<hbm>>) dst(%dma_wait3A_466 : memref<128xf32, #tpu.memory_space<vmem>>)
    %dma_wait3A_470 = arith.constant 0 : i32
    %dma_wait3A_471 = arith.constant 0 : i32
    %dma_wait3A_472 = arith.constant 0 : i32
    %dma_wait3A_473 = arith.constant 0 : i32
    %dma_wait3A_474 = arith.constant 0 : i32
    %dma_wait3A_475 = tpu.memref_slice %arg6[%dma_wait3A_472, %dma_wait3A_473, %dma_wait3A_474] : memref<2x32x128xf32, #tpu.memory_space<vmem>> -> memref<1x1x128xf32, #tpu.memory_space<vmem>>
    %dma_wait3A_476 = tpu.memref_squeeze %dma_wait3A_475 : memref<1x1x128xf32, #tpu.memory_space<vmem>> -> memref<128xf32, #tpu.memory_space<vmem>>
    %dma_wait3A_477 = arith.constant 0 : i32
    %dma_wait3A_478 = tpu.memref_slice %arg4[%dma_wait3A_470, %dma_wait3A_471, %dma_wait3A_477] : memref<640x32x128xf32, #tpu.memory_space<hbm>> -> memref<1x1x128xf32, #tpu.memory_space<hbm>>
    %dma_wait3A_479 = tpu.memref_squeeze %dma_wait3A_478 : memref<1x1x128xf32, #tpu.memory_space<hbm>> -> memref<128xf32, #tpu.memory_space<hbm>>
    %dma_wait3A_480 = arith.constant 0 : i32
    %dma_wait3A_481 = tpu.memref_slice %arg6[%dma_wait3A_472, %dma_wait3A_473, %dma_wait3A_480] : memref<2x32x128xf32, #tpu.memory_space<vmem>> -> memref<1x1x128xf32, #tpu.memory_space<vmem>>
    %dma_wait3A_482 = tpu.memref_squeeze %dma_wait3A_481 : memref<1x1x128xf32, #tpu.memory_space<vmem>> -> memref<128xf32, #tpu.memory_space<vmem>>
    %dma_wait3A_483 = arith.constant 0 : i32
    %dma_wait3A_484 = tpu.memref_slice %arg4[%dma_wait3A_470, %dma_wait3A_471, %dma_wait3A_483] : memref<640x32x128xf32, #tpu.memory_space<hbm>> -> memref<1x1x128xf32, #tpu.memory_space<hbm>>
    %dma_wait3A_485 = tpu.memref_squeeze %dma_wait3A_484 : memref<1x1x128xf32, #tpu.memory_space<hbm>> -> memref<128xf32, #tpu.memory_space<hbm>>
    tpu.wait_dma2 semaphore(%arg9 : memref<!tpu.dma_semaphore, #tpu.memory_space<semaphore_mem>>) src(%dma_wait3A_485 : memref<128xf32, #tpu.memory_space<hbm>>) dst(%dma_wait3A_482 : memref<128xf32, #tpu.memory_space<vmem>>)
    %dma_wait3A_486 = arith.constant 0 : i32
    %dma_wait3A_487 = arith.constant 0 : i32
    %dma_wait3A_488 = arith.constant 0 : i32
    %dma_wait3A_489 = arith.constant 0 : i32
    %dma_wait3A_490 = arith.constant 0 : i32
    %dma_wait3A_491 = tpu.memref_slice %arg6[%dma_wait3A_488, %dma_wait3A_489, %dma_wait3A_490] : memref<2x32x128xf32, #tpu.memory_space<vmem>> -> memref<1x1x128xf32, #tpu.memory_space<vmem>>
    %dma_wait3A_492 = tpu.memref_squeeze %dma_wait3A_491 : memref<1x1x128xf32, #tpu.memory_space<vmem>> -> memref<128xf32, #tpu.memory_space<vmem>>
    %dma_wait3A_493 = arith.constant 0 : i32
    %dma_wait3A_494 = tpu.memref_slice %arg4[%dma_wait3A_486, %dma_wait3A_487, %dma_wait3A_493] : memref<640x32x128xf32, #tpu.memory_space<hbm>> -> memref<1x1x128xf32, #tpu.memory_space<hbm>>
    %dma_wait3A_495 = tpu.memref_squeeze %dma_wait3A_494 : memref<1x1x128xf32, #tpu.memory_space<hbm>> -> memref<128xf32, #tpu.memory_space<hbm>>
    %dma_wait3A_496 = arith.constant 0 : i32
    %dma_wait3A_497 = tpu.memref_slice %arg6[%dma_wait3A_488, %dma_wait3A_489, %dma_wait3A_496] : memref<2x32x128xf32, #tpu.memory_space<vmem>> -> memref<1x1x128xf32, #tpu.memory_space<vmem>>
    %dma_wait3A_498 = tpu.memref_squeeze %dma_wait3A_497 : memref<1x1x128xf32, #tpu.memory_space<vmem>> -> memref<128xf32, #tpu.memory_space<vmem>>
    %dma_wait3A_499 = arith.constant 0 : i32
    %dma_wait3A_500 = tpu.memref_slice %arg4[%dma_wait3A_486, %dma_wait3A_487, %dma_wait3A_499] : memref<640x32x128xf32, #tpu.memory_space<hbm>> -> memref<1x1x128xf32, #tpu.memory_space<hbm>>
    %dma_wait3A_501 = tpu.memref_squeeze %dma_wait3A_500 : memref<1x1x128xf32, #tpu.memory_space<hbm>> -> memref<128xf32, #tpu.memory_space<hbm>>
    tpu.wait_dma2 semaphore(%arg9 : memref<!tpu.dma_semaphore, #tpu.memory_space<semaphore_mem>>) src(%dma_wait3A_501 : memref<128xf32, #tpu.memory_space<hbm>>) dst(%dma_wait3A_498 : memref<128xf32, #tpu.memory_space<vmem>>)
    %dma_wait3A_502 = arith.constant 0 : i32
    %dma_wait3A_503 = arith.constant 0 : i32
    %dma_wait3A_504 = arith.constant 0 : i32
    %dma_wait3A_505 = arith.constant 0 : i32
    %dma_wait3A_506 = arith.constant 0 : i32
    %dma_wait3A_507 = tpu.memref_slice %arg6[%dma_wait3A_504, %dma_wait3A_505, %dma_wait3A_506] : memref<2x32x128xf32, #tpu.memory_space<vmem>> -> memref<1x1x128xf32, #tpu.memory_space<vmem>>
    %dma_wait3A_508 = tpu.memref_squeeze %dma_wait3A_507 : memref<1x1x128xf32, #tpu.memory_space<vmem>> -> memref<128xf32, #tpu.memory_space<vmem>>
    %dma_wait3A_509 = arith.constant 0 : i32
    %dma_wait3A_510 = tpu.memref_slice %arg4[%dma_wait3A_502, %dma_wait3A_503, %dma_wait3A_509] : memref<640x32x128xf32, #tpu.memory_space<hbm>> -> memref<1x1x128xf32, #tpu.memory_space<hbm>>
    %dma_wait3A_511 = tpu.memref_squeeze %dma_wait3A_510 : memref<1x1x128xf32, #tpu.memory_space<hbm>> -> memref<128xf32, #tpu.memory_space<hbm>>
    %dma_wait3A_512 = arith.constant 0 : i32
    %dma_wait3A_513 = tpu.memref_slice %arg6[%dma_wait3A_504, %dma_wait3A_505, %dma_wait3A_512] : memref<2x32x128xf32, #tpu.memory_space<vmem>> -> memref<1x1x128xf32, #tpu.memory_space<vmem>>
    %dma_wait3A_514 = tpu.memref_squeeze %dma_wait3A_513 : memref<1x1x128xf32, #tpu.memory_space<vmem>> -> memref<128xf32, #tpu.memory_space<vmem>>
    %dma_wait3A_515 = arith.constant 0 : i32
    %dma_wait3A_516 = tpu.memref_slice %arg4[%dma_wait3A_502, %dma_wait3A_503, %dma_wait3A_515] : memref<640x32x128xf32, #tpu.memory_space<hbm>> -> memref<1x1x128xf32, #tpu.memory_space<hbm>>
    %dma_wait3A_517 = tpu.memref_squeeze %dma_wait3A_516 : memref<1x1x128xf32, #tpu.memory_space<hbm>> -> memref<128xf32, #tpu.memory_space<hbm>>
    tpu.wait_dma2 semaphore(%arg9 : memref<!tpu.dma_semaphore, #tpu.memory_space<semaphore_mem>>) src(%dma_wait3A_517 : memref<128xf32, #tpu.memory_space<hbm>>) dst(%dma_wait3A_514 : memref<128xf32, #tpu.memory_space<vmem>>)
    %dma_wait3A_518 = arith.constant 0 : i32
    %dma_wait3A_519 = arith.constant 0 : i32
    %dma_wait3A_520 = arith.constant 0 : i32
    %dma_wait3A_521 = arith.constant 0 : i32
    %dma_wait3A_522 = arith.constant 0 : i32
    %dma_wait3A_523 = tpu.memref_slice %arg6[%dma_wait3A_520, %dma_wait3A_521, %dma_wait3A_522] : memref<2x32x128xf32, #tpu.memory_space<vmem>> -> memref<1x1x128xf32, #tpu.memory_space<vmem>>
    %dma_wait3A_524 = tpu.memref_squeeze %dma_wait3A_523 : memref<1x1x128xf32, #tpu.memory_space<vmem>> -> memref<128xf32, #tpu.memory_space<vmem>>
    %dma_wait3A_525 = arith.constant 0 : i32
    %dma_wait3A_526 = tpu.memref_slice %arg4[%dma_wait3A_518, %dma_wait3A_519, %dma_wait3A_525] : memref<640x32x128xf32, #tpu.memory_space<hbm>> -> memref<1x1x128xf32, #tpu.memory_space<hbm>>
    %dma_wait3A_527 = tpu.memref_squeeze %dma_wait3A_526 : memref<1x1x128xf32, #tpu.memory_space<hbm>> -> memref<128xf32, #tpu.memory_space<hbm>>
    %dma_wait3A_528 = arith.constant 0 : i32
    %dma_wait3A_529 = tpu.memref_slice %arg6[%dma_wait3A_520, %dma_wait3A_521, %dma_wait3A_528] : memref<2x32x128xf32, #tpu.memory_space<vmem>> -> memref<1x1x128xf32, #tpu.memory_space<vmem>>
    %dma_wait3A_530 = tpu.memref_squeeze %dma_wait3A_529 : memref<1x1x128xf32, #tpu.memory_space<vmem>> -> memref<128xf32, #tpu.memory_space<vmem>>
    %dma_wait3A_531 = arith.constant 0 : i32
    %dma_wait3A_532 = tpu.memref_slice %arg4[%dma_wait3A_518, %dma_wait3A_519, %dma_wait3A_531] : memref<640x32x128xf32, #tpu.memory_space<hbm>> -> memref<1x1x128xf32, #tpu.memory_space<hbm>>
    %dma_wait3A_533 = tpu.memref_squeeze %dma_wait3A_532 : memref<1x1x128xf32, #tpu.memory_space<hbm>> -> memref<128xf32, #tpu.memory_space<hbm>>
    tpu.wait_dma2 semaphore(%arg9 : memref<!tpu.dma_semaphore, #tpu.memory_space<semaphore_mem>>) src(%dma_wait3A_533 : memref<128xf32, #tpu.memory_space<hbm>>) dst(%dma_wait3A_530 : memref<128xf32, #tpu.memory_space<vmem>>)
    %add3A_534 = arith.constant 608 : i32
    %add3A_535 = arith.addi %add3A_534, %add3A : i32
    %dma_start3A_536 = arith.constant 1 : i32
    %dma_start3A_537 = arith.constant 0 : i32
    %dma_start3A_538 = arith.constant 0 : i32
    %dma_start3A_539 = tpu.memref_slice %arg6[%dma_start3A_536, %dma_start3A_537, %dma_start3A_538] : memref<2x32x128xf32, #tpu.memory_space<vmem>> -> memref<1x32x128xf32, #tpu.memory_space<vmem>>
    %dma_start3A_540 = tpu.memref_squeeze %dma_start3A_539 : memref<1x32x128xf32, #tpu.memory_space<vmem>> -> memref<32x128xf32, #tpu.memory_space<vmem>>
    %dma_start3A_541 = arith.constant 0 : i32
    %dma_start3A_542 = arith.constant 0 : i32
    %dma_start3A_543 = tpu.memref_slice %arg4[%add3A_535, %dma_start3A_541, %dma_start3A_542] : memref<640x32x128xf32, #tpu.memory_space<hbm>> -> memref<1x32x128xf32, #tpu.memory_space<hbm>>
    %dma_start3A_544 = tpu.memref_squeeze %dma_start3A_543 : memref<1x32x128xf32, #tpu.memory_space<hbm>> -> memref<32x128xf32, #tpu.memory_space<hbm>>
    %dma_start3A_545 = arith.constant 0 : i32
    %dma_start3A_546 = arith.constant 0 : i32
    %dma_start3A_547 = tpu.memref_slice %arg4[%add3A_535, %dma_start3A_545, %dma_start3A_546] : memref<640x32x128xf32, #tpu.memory_space<hbm>> -> memref<1x32x128xf32, #tpu.memory_space<hbm>>
    %dma_start3A_548 = tpu.memref_squeeze %dma_start3A_547 : memref<1x32x128xf32, #tpu.memory_space<hbm>> -> memref<32x128xf32, #tpu.memory_space<hbm>>
    %dma_start3A_549 = arith.constant 0 : i32
    %dma_start3A_550 = arith.constant 0 : i32
    %dma_start3A_551 = tpu.memref_slice %arg6[%dma_start3A_536, %dma_start3A_549, %dma_start3A_550] : memref<2x32x128xf32, #tpu.memory_space<vmem>> -> memref<1x32x128xf32, #tpu.memory_space<vmem>>
    %dma_start3A_552 = tpu.memref_squeeze %dma_start3A_551 : memref<1x32x128xf32, #tpu.memory_space<vmem>> -> memref<32x128xf32, #tpu.memory_space<vmem>>
    tpu.enqueue_dma source(%dma_start3A_552 : memref<32x128xf32, #tpu.memory_space<vmem>>) target(%dma_start3A_548 : memref<32x128xf32, #tpu.memory_space<hbm>>) target_semaphore(%arg11 : memref<!tpu.dma_semaphore, #tpu.memory_space<semaphore_mem>>)
    %dma_wait3A_553 = arith.constant 0 : i32
    %dma_wait3A_554 = arith.constant 0 : i32
    %dma_wait3A_555 = arith.constant 0 : i32
    %dma_wait3A_556 = arith.constant 0 : i32
    %dma_wait3A_557 = tpu.memref_slice %arg6[%dma_wait3A_554, %dma_wait3A_555, %dma_wait3A_556] : memref<2x32x128xf32, #tpu.memory_space<vmem>> -> memref<1x32x128xf32, #tpu.memory_space<vmem>>
    %dma_wait3A_558 = tpu.memref_squeeze %dma_wait3A_557 : memref<1x32x128xf32, #tpu.memory_space<vmem>> -> memref<32x128xf32, #tpu.memory_space<vmem>>
    %dma_wait3A_559 = arith.constant 0 : i32
    %dma_wait3A_560 = arith.constant 0 : i32
    %dma_wait3A_561 = tpu.memref_slice %arg4[%dma_wait3A_553, %dma_wait3A_559, %dma_wait3A_560] : memref<640x32x128xf32, #tpu.memory_space<hbm>> -> memref<1x32x128xf32, #tpu.memory_space<hbm>>
    %dma_wait3A_562 = tpu.memref_squeeze %dma_wait3A_561 : memref<1x32x128xf32, #tpu.memory_space<hbm>> -> memref<32x128xf32, #tpu.memory_space<hbm>>
    %dma_wait3A_563 = arith.constant 0 : i32
    %dma_wait3A_564 = arith.constant 0 : i32
    %dma_wait3A_565 = tpu.memref_slice %arg6[%dma_wait3A_554, %dma_wait3A_563, %dma_wait3A_564] : memref<2x32x128xf32, #tpu.memory_space<vmem>> -> memref<1x32x128xf32, #tpu.memory_space<vmem>>
    %dma_wait3A_566 = tpu.memref_squeeze %dma_wait3A_565 : memref<1x32x128xf32, #tpu.memory_space<vmem>> -> memref<32x128xf32, #tpu.memory_space<vmem>>
    %dma_wait3A_567 = arith.constant 0 : i32
    %dma_wait3A_568 = arith.constant 0 : i32
    %dma_wait3A_569 = tpu.memref_slice %arg4[%dma_wait3A_553, %dma_wait3A_567, %dma_wait3A_568] : memref<640x32x128xf32, #tpu.memory_space<hbm>> -> memref<1x32x128xf32, #tpu.memory_space<hbm>>
    %dma_wait3A_570 = tpu.memref_squeeze %dma_wait3A_569 : memref<1x32x128xf32, #tpu.memory_space<hbm>> -> memref<32x128xf32, #tpu.memory_space<hbm>>
    tpu.wait_dma2 semaphore(%arg10 : memref<!tpu.dma_semaphore, #tpu.memory_space<semaphore_mem>>) src(%dma_wait3A_570 : memref<32x128xf32, #tpu.memory_space<hbm>>) dst(%dma_wait3A_566 : memref<32x128xf32, #tpu.memory_space<vmem>>)
    %dma_wait3A_571 = arith.constant 0 : i32
    %dma_wait3A_572 = arith.constant 0 : i32
    %dma_wait3A_573 = arith.constant 0 : i32
    %dma_wait3A_574 = arith.constant 0 : i32
    %dma_wait3A_575 = tpu.memref_slice %arg6[%dma_wait3A_572, %dma_wait3A_573, %dma_wait3A_574] : memref<2x32x128xf32, #tpu.memory_space<vmem>> -> memref<1x32x128xf32, #tpu.memory_space<vmem>>
    %dma_wait3A_576 = tpu.memref_squeeze %dma_wait3A_575 : memref<1x32x128xf32, #tpu.memory_space<vmem>> -> memref<32x128xf32, #tpu.memory_space<vmem>>
    %dma_wait3A_577 = arith.constant 0 : i32
    %dma_wait3A_578 = arith.constant 0 : i32
    %dma_wait3A_579 = tpu.memref_slice %arg4[%dma_wait3A_571, %dma_wait3A_577, %dma_wait3A_578] : memref<640x32x128xf32, #tpu.memory_space<hbm>> -> memref<1x32x128xf32, #tpu.memory_space<hbm>>
    %dma_wait3A_580 = tpu.memref_squeeze %dma_wait3A_579 : memref<1x32x128xf32, #tpu.memory_space<hbm>> -> memref<32x128xf32, #tpu.memory_space<hbm>>
    %dma_wait3A_581 = arith.constant 0 : i32
    %dma_wait3A_582 = arith.constant 0 : i32
    %dma_wait3A_583 = tpu.memref_slice %arg6[%dma_wait3A_572, %dma_wait3A_581, %dma_wait3A_582] : memref<2x32x128xf32, #tpu.memory_space<vmem>> -> memref<1x32x128xf32, #tpu.memory_space<vmem>>
    %dma_wait3A_584 = tpu.memref_squeeze %dma_wait3A_583 : memref<1x32x128xf32, #tpu.memory_space<vmem>> -> memref<32x128xf32, #tpu.memory_space<vmem>>
    %dma_wait3A_585 = arith.constant 0 : i32
    %dma_wait3A_586 = arith.constant 0 : i32
    %dma_wait3A_587 = tpu.memref_slice %arg4[%dma_wait3A_571, %dma_wait3A_585, %dma_wait3A_586] : memref<640x32x128xf32, #tpu.memory_space<hbm>> -> memref<1x32x128xf32, #tpu.memory_space<hbm>>
    %dma_wait3A_588 = tpu.memref_squeeze %dma_wait3A_587 : memref<1x32x128xf32, #tpu.memory_space<hbm>> -> memref<32x128xf32, #tpu.memory_space<hbm>>
    tpu.wait_dma2 semaphore(%arg11 : memref<!tpu.dma_semaphore, #tpu.memory_space<semaphore_mem>>) src(%dma_wait3A_588 : memref<32x128xf32, #tpu.memory_space<hbm>>) dst(%dma_wait3A_584 : memref<32x128xf32, #tpu.memory_space<vmem>>)
    return
  }
}

</mosaic_0001>

<sc_bundles>
// kernel: kernel.3.cloned.1.call-start
scs
__scs_entry_jumppad:
0x0: {  	(pc) =	sbr.rel $0x88, $3  }
0x1: {  	(tag) =	ssettag $0x0;
	lr =	simm.s32 $0x1  }
0x2: {  	[smem:$0x3F9F] =	sst lr;
	_ =	strace $0xD0000000  }
0x3: {  	_ = 	snop  }
0x4: {  	_ = 	snop  }
0x5: {  	_ = 	snop  }
0x6: {  	_ = 	snop  }
0x7: {  	_ = 	snop  }
__scs_overlays_trampoline_lowered:
0x8: {  	[smem:$0x3FAE] =	sst s0  }
0x9: {  	[smem:$0x3FAF] =	sst s1  }
0xa: {  	[smem:$0x3FB0] =	sst s2  }
0xb: {  	[smem:$0x3FB1] =	sst s3  }
0xc: {  	[smem:$0x3FB2] =	sst s4  }
0xd: {  	[smem:$0x3FB3] =	sst s5  }
0xe: {  	[smem:$0x3FB4] =	sst s6  }
0xf: {  	[smem:$0x3FB5] =	sst s7  }
0x10: {  	[smem:$0x3FB6] =	sst s8  }
0x11: {  	[smem:$0x3FB7] =	sst s9;
	s0 =	simm.s32 @!p0 $0x0  }
0x12: {  	s1 =	sld [smem:$0x3F9D];
	s0 =	simm.s32 @p0 $0x1  }
0x13: {  	[smem:$0x3FB8] =	sst s0;
	s0 =	simm.s32 @!p1 $0x0  }
0x14: {  	s2 =	sld [smem:$0x3F9C];
	s0 =	simm.s32 @p1 $0x1  }
0x15: {  	[smem:$0x3FB9] =	sst s0;
	s0 =	simm.s32 @!p2 $0x0  }
0x16: {  	s3 =	sld [smem:$0x3FDB];
	s0 =	simm.s32 @p2 $0x1  }
0x17: {  	s4 =	simm.s32 $0x1BF5;
	[smem:$0x3FBB] =	sst s0  }
0x18: {  	s0 =	sld [smem:$0x3F9E];
	_ =	swait.ge [sflag:s4], $0x0  }
0x19: {  	s7 =	sld [smem:$0x3F9F]  }
0x1a: {  	s8 =	sadd.s32 $0xFFFFE003, lr  }
0x1b: {  	s9 =	sadd.s32 $0xFFFFFEF7, lr;
	s5 =	simm.s32 $0xFFFFFFFF;
	p2 =	slt.u32 s8, $0xFFFFF086  }
0x1c: {  	p1 =	slt.u32 s9, $0xF7A;
	s5 =	simm.s32 @!p2 $0x0  }
0x1d: {  	s5 =	simm.s32 @p1 $0x1;
	p0 =	seq.s32 s7, s2  }
0x1e: {  	s7 =	smul.u32 @!p0 $0xF7A, s2;
	p2 =	seq.s32 @!p0 s5, $0x0  }
0x1f: {  	s9 =	smul.u32 $0xF7A, s1;
	s8 =	simm.s32 @!p0 $0x1BF5;
	p2 =	por !p2, p0  }
0x20: {  	[sflag:s8] =	ssyncset.s32 @!p0 $0xFFFFF086;
	s6 =	sadd.s32 @!p0 s3, s7;
	s7 =	simm.s32 @!p0 $0x108  }
0x21: {  	s3 =	sadd.s32 s3, s9;
	s6 =	sadd.s32 @!p0 $0x88, s6;
	s7 =	simm.s32 @p2 $0x1082  }
0x22: {  	[simem:s7], [sflag:s8] =	dma.local @!p0 [hbm:s6], $0xF7A  }
0x23: {  	s9 =	sor.u32 $0xD0000000, s2;
	s6 =	simm.s32 $0x108;
	_ =	swait.ge @!p0 [sflag:s8], $0x0  }
0x24: {  	s3 =	sadd.s32 $0x88, s3;
	s6 =	simm.s32 @!p1 $0x1082;
	[sflag:s4] =	ssyncset.s32 $0xFFFFF086  }
0x25: {  	[simem:s6], [sflag:s4] =	dma.local [hbm:s3], $0xF7A  }
0x26: {  	[smem:$0x3F9F] =	sst s1;
	(tag) =	ssettag s2;
	_ =	strace s9  }
0x27: {  	s1 =	sld [smem:$0x3FAF]  }
0x28: {  	s2 =	sld [smem:$0x3FB0]  }
0x29: {  	s4 =	sld [smem:$0x3FB2]  }
0x2a: {  	p0 =	seq.s32 s5, $0x0;
	s5 =	sld [smem:$0x3FB3]  }
0x2b: {  	s6 =	sld [smem:$0x3FB4]  }
0x2c: {  	s7 =	sld [smem:$0x3FB5]  }
0x2d: {  	s3 =	simm.s32 $0x108;
	s8 =	sld [smem:$0x3FB6]  }
0x2e: {  	s3 =	simm.s32 @!p0 $0x1082;
	s9 =	sld [smem:$0x3FB7]  }
0x2f: {  	lr =	sadd.s32 s0, s3;
	s0 =	sld [smem:$0x3FAE]  }
0x30: {  	s3 =	sld [smem:$0x3FB1]  }
0x31: {  	[smem:$0x3FBA] =	sst s10  }
0x32: {  	s10 =	sld [smem:$0x3FB8];
	_ =	sdelay $0x3  }
0x33: {  	p0 =	seq.s32 s10, $0x1;
	s10 =	sld [smem:$0x3FBA];
	_ =	sdelay $0x3  }
0x34: {  	[smem:$0x3FBA] =	sst s10  }
0x35: {  	s10 =	sld [smem:$0x3FB9];
	_ =	sdelay $0x3  }
0x36: {  	p1 =	seq.s32 s10, $0x1;
	s10 =	sld [smem:$0x3FBA];
	_ =	sdelay $0x3  }
0x37: {  	[smem:$0x3FBA] =	sst s10  }
0x38: {  	s10 =	sld [smem:$0x3FBB]  }
0x39: {  	_ = 	snop;
	(pc) =	sbr.ind lr, $3  }
0x3a: {  	_ = 	snop  }
0x3b: {  	_ = 	snop  }
0x3c: {  	p2 =	seq.s32 s10, $0x1;
	s10 =	sld [smem:$0x3FBA]  }
0x3d: {  	_ =	shalt  }
0x3e: {  	_ =	shalt  }
0x3f: {  	_ =	shalt  }
0x40: {  	_ =	shalt  }
0x41: {  	_ =	shalt  }
0x42: {  	_ =	shalt  }
0x43: {  	_ =	shalt  }
0x44: {  	_ =	shalt  }
0x45: {  	_ =	shalt  }
0x46: {  	_ =	shalt  }
0x47: {  	_ =	shalt  }
0x48: {  	_ =	shalt  }
0x49: {  	_ =	shalt  }
0x4a: {  	_ =	shalt  }
0x4b: {  	_ =	shalt  }
0x4c: {  	_ =	shalt  }
0x4d: {  	_ =	shalt  }
0x4e: {  	_ =	shalt  }
0x4f: {  	_ =	shalt  }
0x50: {  	_ =	shalt  }
0x51: {  	_ =	shalt  }
0x52: {  	_ =	shalt  }
0x53: {  	_ =	shalt  }
0x54: {  	_ =	shalt  }
0x55: {  	_ =	shalt  }
0x56: {  	_ =	shalt  }
0x57: {  	_ =	shalt  }
0x58: {  	_ =	shalt  }
0x59: {  	_ =	shalt  }
0x5a: {  	_ =	shalt  }
0x5b: {  	_ =	shalt  }
0x5c: {  	_ =	shalt  }
0x5d: {  	_ =	shalt  }
0x5e: {  	_ =	shalt  }
0x5f: {  	_ =	shalt  }
0x60: {  	_ =	shalt  }
0x61: {  	_ =	shalt  }
0x62: {  	_ =	shalt  }
0x63: {  	_ =	shalt  }
0x64: {  	_ =	shalt  }
0x65: {  	_ =	shalt  }
0x66: {  	_ =	shalt  }
0x67: {  	_ =	shalt  }
0x68: {  	_ =	shalt  }
0x69: {  	_ =	shalt  }
0x6a: {  	_ =	shalt  }
0x6b: {  	_ =	shalt  }
0x6c: {  	_ =	shalt  }
0x6d: {  	_ =	shalt  }
0x6e: {  	_ =	shalt  }
0x6f: {  	_ =	shalt  }
0x70: {  	_ =	shalt  }
0x71: {  	_ =	shalt  }
0x72: {  	_ =	shalt  }
0x73: {  	_ =	shalt  }
0x74: {  	_ =	shalt  }
0x75: {  	_ =	shalt  }
0x76: {  	_ =	shalt  }
0x77: {  	_ =	shalt  }
0x78: {  	_ =	shalt  }
0x79: {  	_ =	shalt  }
0x7a: {  	_ =	shalt  }
0x7b: {  	_ =	shalt  }
0x7c: {  	_ =	shalt  }
0x7d: {  	_ =	shalt  }
0x7e: {  	_ =	shalt  }
0x7f: {  	_ =	shalt  }
0x80: {  	_ =	shalt  }
0x81: {  	_ =	shalt  }
0x82: {  	_ =	shalt  }
0x83: {  	_ =	shalt  }
0x84: {  	_ =	shalt  }
0x85: {  	_ =	shalt  }
0x86: {  	_ =	shalt  }
0x87: {  	_ =	shalt  }
.Lfunc_end0:
.L_simem_size_0:
called_computation_lowered:
.L_overlay_start_0:
0x88: {  	s2 =	sld [smem:$0x3FD9]  }
0x89: {  	s3 =	sld [smem:$0x3FFE];
	_ =	sdelay $0x1  }
0x8a: {  	s1 =	srdreg.scid  }
0x8b: {  	s0 =	sand.u32 $0x1, s1  }
0x8c: {  	s17 =	sshll.u32 s0, $0xA;
	s2 =	sadd.s32 s3, s2  }
0x8d: {  	s2 =	sadd.s32 s2, s17  }
0x8e: {  	[smem:$0x3FC6] =	sst s2  }
0x8f: {  	_ = 	snop  }
0x90: {  	s2 =	sld [smem:$0x3FD0];
	(tm) =	ssettm $0x1  }
0x91: {  	s18 =	sld [smem:$0x3FFB];
	_ =	sdelay $0x3  }
0x92: {  	_ =	strace s18  }
0x93: {  	s3 =	sld [smem:$0x3FFC];
	_ =	sdelay $0x3  }
0x94: {  	_ =	strace s3  }
0x95: {  	s3 =	sld [smem:$0x3FFD];
	_ =	sdelay $0x3  }
0x96: {  	_ =	strace s3  }
0x97: {  	_ =	strace $0x8FFFFFFF  }
0x98: {  	s19 =	sld [smem:$0x3FDB];
	_ =	sdelay $0x1  }
0x99: {  	s4 =	simm.s32 $_scs_section_size  }
0x9a: {  	s5 =	simm.s32 $_size__tile_overlayer_lowered;
	s6 =	simm.s32 $_tile_overlayer_lowered  }
0x9b: {  	s22 =	simm.s32 $0x1BFF;
	s21 =	sshll.u32 s6, $0x1;
	s3 =	sadd.s32 s4, s19  }
0x9c: {  	s7 =	simm.s32 $0x0;
	s20 =	sshll.u32 s5, $0x1;
	s5 =	sadd.s32 s21, s3  }
0x9d: {  	[timem:s7], [sflag:s22] =	dma.local [hbm:s5], s20  }
0x9e: {  	_ =	swait.ge [sflag:s22], s20  }
0x9f: {  	s4 =	ssub.s32 $0x0, s20;
	[sflag:s22] =	ssyncset.done $0x0  }
0xa0: {  	[sflag:s22] =	ssyncadd.s32 s4;
	_ =	sdelay $0x1  }
0xa1: {  	s23 =	simm.s32 $0x1B8B  }
0xa2: {  	_ =	swait.ge [sflag:s23], $0x1  }
0xa3: {  	[sflag:s23] =	ssyncset.done $0x0  }
0xa4: {  	s25 =	simm.s32 $0x1B8E;
	s24 =	sld [smem:$0x3FFE];
	[sflag:s23] =	ssyncadd.s32 $0xFFFFFFFF  }
0xa5: {  	s26 =	simm.s32 $execute0_lowered;
	[smem:$0x3FD2] =	sst s25  }
0xa6: {  	s5 =	sshll.u32 s26, $0x1;
	_ =	strace $0x80000046;
	[dreg:$0x1] =	wrdreg $0xFFFFFFFF  }
0xa7: {  	s28 =	simm.s32 $_size_execute0_lowered;
	s3 =	sadd.s32 s3, s5;
	[dreg:$0x0] =	wrdreg $0x0  }
0xa8: {  	s5 =	sshll.u32 s28, $0x1;
	[dreg:$0x2] =	wrdreg s3  }
0xa9: {  	[dreg:$0x3] =	wrdreg s5  }
0xaa: {  	[dreg:$0x4] =	wrdreg $0xC0  }
0xab: {  	_ =	task [dreg:s7], $0x5FFFF  }
0xac: {  	[dreg:$0x1] =	wrdreg $0xFFFFFFFF  }
0xad: {  	[dreg:$0x0] =	wrdreg $0x60  }
0xae: {  	[dreg:$0x2] =	wrdreg s2  }
0xaf: {  	[dreg:$0x3] =	wrdreg s24  }
0xb0: {  	[dreg:$0x4] =	wrdreg $0x9  }
0xb1: {  	_ =	task.clear_ibuf [dreg:s7], $0x5FFFF;
	_ =	strace $0x90000046  }
0xb2: {  	s29 =	simm.s32 $0x9;
	_ =	strace $0x80000048  }
0xb3: {  	_ =	swait.ge [sflag:s29], $0x1  }
0xb4: {  	[sflag:s29] =	ssyncadd.s32 $0xFFFFFFFF  }
0xb5: {  	_ =	strace $0x90000048  }
0xb6: {  	_ =	sfence  }
0xb7: {  	s30 =	sld [smem:$0x0];
	_ =	sdelay $0x2  }
0xb8: {  	s31 =	sshll.u32 s1, $0xD;
	s1 =	sshrl.u32 s1, $0x2  }
0xb9: {  	s3 =	sand.u32 $0x4000, s31;
	s1 =	sadd.s32 s1, s30  }
0xba: {  	s0 =	sor.u32 s3, s0;
	s1 =	sshll.u32 s1, $0x11  }
0xbb: {  	s0 =	sor.u32 s1, s0  }
0xbc: {  	s0 =	sadd.s32 $0x8F2B, s0  }
0xbd: {  	[sflag:s0] =	ssyncadd.remote.s32 $0x1  }
0xbe: {  	_ =	sfence.sel $0xFFFF  }
0xbf: {  	[dreg:$0x0] =	wrdreg $0xFFFFFFFF;
	(pc) =	sbr.abs _section_cstart, $3  }
0xc0: {  	[dreg:$0x1] =	wrdreg $0xFFFFFFFF  }
0xc1: {  	_ =	task.clear_ibuf [dreg:s7], $0x2FFFF;
	_ =	strace $0x9FFFFFFF  }
0xc2: {  	(tm) =	ssettm $0x7FFFFFFF  }
0xc3: {  	_ =	shalt  }
tec
execute0_lowered:
.L_overlay_start_1:
0x0: {  	(tag) =	ssettag $0x1  }
0x1: {  	s9 =	rddreg [dreg:$0x0]  }
0x2: {  	s0 =	rddreg [dreg:$0x1]  }
0x3: {  	s3 =	simm.s32 $0x0;
	s1 =	srdreg.scid;
	s10 =	stileid.u32  }
0x4: {  	s11 =	simm.s32 $0x1;
	s12 =	simm.s32 $0x80;
	s13 =	simm.s32 $0x3  }
0x5: {  	s17 =	simm.s32 $0x2000;
	s15 =	simm.s32 $0xC80;
	s16 =	simm.s32 $0x2C80  }
0x6: {  	s14 =	simm.s32 $0xD00;
	s18 =	simm.s32 $0x2D00;
	s19 =	simm.s32 $0xD80  }
0x7: {  	s28 =	simm.s32 $0xF80;
	s29 =	simm.s32 $0x2F80;
	s30 =	simm.s32 $0x2  }
0x8: {  	[smem:$0x7FF] =	sst s3;
	s1 =	sand.u32 $0x1, s1;
	s2 =	smul.u32 $0x61A8, s10  }
0x9: {  	s5 =	sshll.u32 s10, $0xA;
	s4 =	sadd.s32 $0x7A1600, s0;
	s22 =	sshll.u32 s10, $0xD  }
0xa: {  	s31 =	sadd.s32 $0x200, s9;
	s10 =	simm.s32 $0x2C00;
	_ =	strace $0x80000047  }
0xb: {  	s6 =	sshll.u32 s1, $0x9;
	s7 =	ssub.s32 $0x2, s1;
	s23 =	sshll.u32 s1, $0xC  }
0xc: {  	s1 =	smul.u32 $0x30D4, s1;
	[dreg:$0x8] =	wrdreg s31;
	s8 =	sor.u32 s6, s5  }
0xd: {  	s0 =	sadd.s32 s2, s0;
	s20 =	sshrl.u32 s7, $0x1;
	s5 =	sadd.s32 s5, s4  }
0xe: {  	s25 =	sor.u32 s23, s22;
	s22 =	simm.s32 $0x2E00;
	s23 =	simm.s32 $0xE80  }
0xf: {  	s8 =	sadd.s32 s8, s4;
	s2 =	ssub.s32 s7, s20;
	s24 =	sadd.s32 s6, s5  }
0x10: {  	s26 =	sor.u32 $0xFFFE0000, s25;
	s0 =	sadd.s32 s1, s0;
	s20 =	simm.s32 $0x2D80  }
.Ltmp0:
0x11: {  	s21 =	sadd.s32 $0x4C000, s8;
	[dreg:$0x6] =	wrdreg s26;
	(pc) =	sbr.rel .LBB2_1-.Ltmp0, $4  }
0x12: {  	s25 =	simm.s32 $0xF00;
	s2 =	smax.u32 s2, $0x1;
	[dreg:$0x3] =	wrdreg s21  }
0x13: {  	s0 =	sadd.s32 $0x400, s0;
	s26 =	simm.s32 $0x2F00;
	[dreg:$0x4] =	wrdreg s2  }
0x14: {  	s2 =	sadd.s32 $0xFFFFC000, s24;
	[dreg:$0x7] =	wrdreg s0;
	s21 =	simm.s32 $0xE00  }
0x15: {  	s24 =	simm.s32 $0x2E80;
	[dreg:$0x5] =	wrdreg s2;
	s2 =	simm.s32 $0x0  }
.LBB2_15:
0x16: {  	_ =	swait.ge [sflag:s13], $0x80  }
0x17: {  	[sflag:s13] =	ssyncset.done $0x0  }
0x18: {  	[sflag:s13] =	ssyncadd.s32 $0xFFFFFF80  }
0x19: {  	_ =	swait.ge [sflag:s13], $0x80  }
0x1a: {  	[sflag:s13] =	ssyncset.done $0x0  }
0x1b: {  	[sflag:s13] =	ssyncadd.s32 $0xFFFFFF80  }
0x1c: {  	_ =	swait.ge [sflag:s13], $0x80  }
0x1d: {  	[sflag:s13] =	ssyncset.done $0x0  }
0x1e: {  	[sflag:s13] =	ssyncadd.s32 $0xFFFFFF80  }
0x1f: {  	_ =	swait.ge [sflag:s13], $0x80  }
0x20: {  	[sflag:s13] =	ssyncset.done $0x0  }
0x21: {  	[sflag:s13] =	ssyncadd.s32 $0xFFFFFF80  }
0x22: {  	_ =	swait.ge [sflag:s13], $0x80  }
0x23: {  	[sflag:s13] =	ssyncset.done $0x0  }
0x24: {  	[sflag:s13] =	ssyncadd.s32 $0xFFFFFF80  }
0x25: {  	_ =	swait.ge [sflag:s13], $0x80  }
0x26: {  	[sflag:s13] =	ssyncset.done $0x0  }
0x27: {  	[sflag:s13] =	ssyncadd.s32 $0xFFFFFF80  }
0x28: {  	_ =	swait.ge [sflag:s13], $0x80  }
0x29: {  	[sflag:s13] =	ssyncset.done $0x0  }
0x2a: {  	[sflag:s13] =	ssyncadd.s32 $0xFFFFFF80  }
0x2b: {  	_ =	swait.ge [sflag:s13], $0x80  }
0x2c: {  	[sflag:s13] =	ssyncset.done $0x0  }
0x2d: {  	[sflag:s13] =	ssyncadd.s32 $0xFFFFFF80  }
0x2e: {  	_ =	swait.ge [sflag:s13], $0x80  }
0x2f: {  	[sflag:s13] =	ssyncset.done $0x0  }
0x30: {  	[sflag:s13] =	ssyncadd.s32 $0xFFFFFF80  }
0x31: {  	_ =	swait.ge [sflag:s13], $0x80  }
0x32: {  	[sflag:s13] =	ssyncset.done $0x0  }
0x33: {  	[sflag:s13] =	ssyncadd.s32 $0xFFFFFF80  }
0x34: {  	_ =	swait.ge [sflag:s13], $0x80  }
0x35: {  	[sflag:s13] =	ssyncset.done $0x0  }
0x36: {  	[sflag:s13] =	ssyncadd.s32 $0xFFFFFF80  }
0x37: {  	_ =	swait.ge [sflag:s13], $0x80  }
0x38: {  	[sflag:s13] =	ssyncset.done $0x0  }
0x39: {  	[sflag:s13] =	ssyncadd.s32 $0xFFFFFF80  }
0x3a: {  	_ =	swait.ge [sflag:s13], $0x80  }
0x3b: {  	[sflag:s13] =	ssyncset.done $0x0  }
0x3c: {  	[sflag:s13] =	ssyncadd.s32 $0xFFFFFF80  }
0x3d: {  	_ =	swait.ge [sflag:s13], $0x80  }
0x3e: {  	[sflag:s13] =	ssyncset.done $0x0  }
0x3f: {  	[sflag:s13] =	ssyncadd.s32 $0xFFFFFF80  }
0x40: {  	_ =	swait.ge [sflag:s13], $0x80  }
0x41: {  	[sflag:s13] =	ssyncset.done $0x0  }
0x42: {  	[sflag:s13] =	ssyncadd.s32 $0xFFFFFF80  }
0x43: {  	_ =	swait.ge [sflag:s13], $0x80  }
0x44: {  	[sflag:s13] =	ssyncset.done $0x0  }
0x45: {  	[sflag:s13] =	ssyncadd.s32 $0xFFFFFF80  }
0x46: {  	_ =	swait.ge [sflag:s13], $0x80  }
0x47: {  	[sflag:s13] =	ssyncset.done $0x0  }
0x48: {  	[sflag:s13] =	ssyncadd.s32 $0xFFFFFF80  }
0x49: {  	_ =	swait.ge [sflag:s13], $0x80  }
0x4a: {  	[sflag:s13] =	ssyncset.done $0x0  }
0x4b: {  	[sflag:s13] =	ssyncadd.s32 $0xFFFFFF80  }
0x4c: {  	_ =	swait.ge [sflag:s13], $0x80  }
0x4d: {  	[sflag:s13] =	ssyncset.done $0x0  }
0x4e: {  	[sflag:s13] =	ssyncadd.s32 $0xFFFFFF80  }
0x4f: {  	_ =	swait.ge [sflag:s13], $0x80  }
0x50: {  	[sflag:s13] =	ssyncset.done $0x0  }
0x51: {  	[sflag:s13] =	ssyncadd.s32 $0xFFFFFF80  }
0x52: {  	_ =	swait.ge [sflag:s13], $0x80  }
0x53: {  	[sflag:s13] =	ssyncset.done $0x0  }
0x54: {  	[sflag:s13] =	ssyncadd.s32 $0xFFFFFF80  }
0x55: {  	_ =	swait.ge [sflag:s13], $0x80  }
0x56: {  	[sflag:s13] =	ssyncset.done $0x0  }
0x57: {  	[sflag:s13] =	ssyncadd.s32 $0xFFFFFF80  }
0x58: {  	_ =	swait.ge [sflag:s13], $0x80  }
0x59: {  	[sflag:s13] =	ssyncset.done $0x0  }
0x5a: {  	[sflag:s13] =	ssyncadd.s32 $0xFFFFFF80  }
0x5b: {  	_ =	swait.ge [sflag:s13], $0x80  }
0x5c: {  	[sflag:s13] =	ssyncset.done $0x0  }
0x5d: {  	[sflag:s13] =	ssyncadd.s32 $0xFFFFFF80  }
0x5e: {  	_ =	swait.ge [sflag:s13], $0x80  }
0x5f: {  	[sflag:s13] =	ssyncset.done $0x0  }
0x60: {  	[sflag:s13] =	ssyncadd.s32 $0xFFFFFF80  }
0x61: {  	_ =	swait.ge [sflag:s13], $0x80  }
0x62: {  	[sflag:s13] =	ssyncset.done $0x0  }
0x63: {  	[sflag:s13] =	ssyncadd.s32 $0xFFFFFF80  }
0x64: {  	_ =	swait.ge [sflag:s13], $0x80  }
0x65: {  	[sflag:s13] =	ssyncset.done $0x0  }
0x66: {  	[sflag:s13] =	ssyncadd.s32 $0xFFFFFF80  }
0x67: {  	_ =	swait.ge [sflag:s13], $0x80  }
0x68: {  	[sflag:s13] =	ssyncset.done $0x0  }
0x69: {  	[sflag:s13] =	ssyncadd.s32 $0xFFFFFF80  }
0x6a: {  	_ =	swait.ge [sflag:s13], $0x80  }
0x6b: {  	[sflag:s13] =	ssyncset.done $0x0  }
0x6c: {  	[sflag:s13] =	ssyncadd.s32 $0xFFFFFF80  }
0x6d: {  	_ =	swait.ge [sflag:s13], $0x80  }
0x6e: {  	[sflag:s13] =	ssyncset.done $0x0  }
0x6f: {  	[sflag:s13] =	ssyncadd.s32 $0xFFFFFF80  }
0x70: {  	_ =	swait.ge [sflag:s13], $0x80  }
0x71: {  	[sflag:s13] =	ssyncset.done $0x0  }
0x72: {  	[sflag:s13] =	ssyncadd.s32 $0xFFFFFF80  }
0x73: {  	_ =	swait.ge [sflag:s13], $0x80  }
0x74: {  	s1 =	simm.s32 $0x3000;
	[sflag:s13] =	ssyncset.done $0x0  }
0x75: {  	s8 =	simm.s32 $0x4;
	s0 =	rddreg [dreg:$0x3];
	[sflag:s13] =	ssyncadd.s32 $0xFFFFFF80  }
0x76: {  	[hbm4b:s0+s3] =	stream.linear.scatter [tilespmem:s1], [sflag:$0x5], $0x1000, $0x38;
	[tilespmem:$0x4000] =	vst v63  }
0x77: {  	_ =	swait.ge [sflag:s8], $0x1000  }
0x78: {  	[sflag:s8] =	ssyncset.done $0x0  }
0x79: {  	s9 =	simm.s32 $0x5;
	[sflag:s8] =	ssyncadd.s32 $0xFFFFF000  }
0x7a: {  	_ =	swait.ge [sflag:s9], $0x1000  }
0x7b: {  	s2 =	rddreg [dreg:$0x9]  }
0x7c: {  	s31 =	rddreg [dreg:$0x4];
	s2 =	sadd.s32 $0x1, s2  }
0x7d: {  	p0 =	sne.s32 s2, s31  }
.Ltmp1:
0x7e: {  	_ = 	snop;
	(pc) =	sbr.rel @!p0 .LBB2_16-.Ltmp1, $3  }
0x7f: {  	_ =	sdelay $0x1  }
0x80: {  	[sflag:s9] =	ssyncset.done $0x0  }
0x81: {  	[sflag:s9] =	ssyncadd.s32 $0xFFFFF000  }
.LBB2_1:
0x82: {  	[dreg:$0x9] =	wrdreg s2  }
0x83: {  	s0 =	rddreg [dreg:$0x0]  }
.Ltmp2:
0x84: {  	s2 =	rddreg [dreg:$0x7];
	(pc) =	sbr.rel .LBB2_2-.Ltmp2, $4  }
0x85: {  	s1 =	rddreg [dreg:$0x6]  }
0x86: {  	s5 =	rddreg [dreg:$0x5]  }
0x87: {  	[tilespmem:s3], [sflag:$0x1] =	stream.linear.gather [hbm4b:s0+s3], $0x1000, $0x38;
	[tilespmem:$0x4000] =	vst v63  }
0x88: {  	s31 =	simm.s32 $0x1000;
	s6 =	simm.s32 $0x0;
	s0 =	rddreg [dreg:$0x8]  }
.LBB2_13:
0x89: {  	s7 =	sshll.u32 s7, $0xC  }
0x8a: {  	s8 =	sor.u32 $0x2000, s7  }
0x8b: {  	[tilespmem:s8], [sflag:$0x3] =	stream.indirect.gather [hbm4b:s2+s12], $0x1, s7, s12, $0xb8;
	[tilespmem:$0x4000] =	vst v63  }
0x8c: {  	s9 =	sor.u32 $0x2080, s7;
	s8 =	sor.u32 $0x80, s7  }
0x8d: {  	[tilespmem:s9], [sflag:$0x3] =	stream.indirect.gather [hbm4b:s2+s12], $0x1, s8, s12, $0xb8;
	[tilespmem:$0x4000] =	vst v63  }
0x8e: {  	s8 =	sor.u32 $0x100, s7;
	s9 =	sor.u32 $0x2100, s7  }
0x8f: {  	[tilespmem:s9], [sflag:$0x3] =	stream.indirect.gather [hbm4b:s2+s12], $0x1, s8, s12, $0xb8;
	[tilespmem:$0x4000] =	vst v63  }
0x90: {  	s8 =	sor.u32 $0x180, s7;
	s9 =	sor.u32 $0x2180, s7  }
0x91: {  	[tilespmem:s9], [sflag:$0x3] =	stream.indirect.gather [hbm4b:s2+s12], $0x1, s8, s12, $0xb8;
	[tilespmem:$0x4000] =	vst v63  }
0x92: {  	s8 =	sor.u32 $0x200, s7;
	s9 =	sor.u32 $0x2200, s7  }
0x93: {  	[tilespmem:s9], [sflag:$0x3] =	stream.indirect.gather [hbm4b:s2+s12], $0x1, s8, s12, $0xb8;
	[tilespmem:$0x4000] =	vst v63  }
0x94: {  	s8 =	sor.u32 $0x280, s7;
	s9 =	sor.u32 $0x2280, s7  }
0x95: {  	[tilespmem:s9], [sflag:$0x3] =	stream.indirect.gather [hbm4b:s2+s12], $0x1, s8, s12, $0xb8;
	[tilespmem:$0x4000] =	vst v63  }
0x96: {  	s8 =	sor.u32 $0x300, s7;
	s9 =	sor.u32 $0x2300, s7  }
0x97: {  	[tilespmem:s9], [sflag:$0x3] =	stream.indirect.gather [hbm4b:s2+s12], $0x1, s8, s12, $0xb8;
	[tilespmem:$0x4000] =	vst v63  }
0x98: {  	s8 =	sor.u32 $0x380, s7;
	s9 =	sor.u32 $0x2380, s7  }
0x99: {  	[tilespmem:s9], [sflag:$0x3] =	stream.indirect.gather [hbm4b:s2+s12], $0x1, s8, s12, $0xb8;
	[tilespmem:$0x4000] =	vst v63  }
0x9a: {  	s8 =	sor.u32 $0x400, s7;
	s9 =	sor.u32 $0x2400, s7  }
0x9b: {  	[tilespmem:s9], [sflag:$0x3] =	stream.indirect.gather [hbm4b:s2+s12], $0x1, s8, s12, $0xb8;
	[tilespmem:$0x4000] =	vst v63  }
0x9c: {  	s8 =	sor.u32 $0x480, s7;
	s9 =	sor.u32 $0x2480, s7  }
0x9d: {  	[tilespmem:s9], [sflag:$0x3] =	stream.indirect.gather [hbm4b:s2+s12], $0x1, s8, s12, $0xb8;
	[tilespmem:$0x4000] =	vst v63  }
0x9e: {  	s8 =	sor.u32 $0x500, s7;
	s9 =	sor.u32 $0x2500, s7  }
0x9f: {  	[tilespmem:s9], [sflag:$0x3] =	stream.indirect.gather [hbm4b:s2+s12], $0x1, s8, s12, $0xb8;
	[tilespmem:$0x4000] =	vst v63  }
0xa0: {  	s8 =	sor.u32 $0x580, s7;
	s9 =	sor.u32 $0x2580, s7  }
0xa1: {  	[tilespmem:s9], [sflag:$0x3] =	stream.indirect.gather [hbm4b:s2+s12], $0x1, s8, s12, $0xb8;
	[tilespmem:$0x4000] =	vst v63  }
0xa2: {  	s8 =	sor.u32 $0x600, s7;
	s9 =	sor.u32 $0x2600, s7  }
0xa3: {  	[tilespmem:s9], [sflag:$0x3] =	stream.indirect.gather [hbm4b:s2+s12], $0x1, s8, s12, $0xb8;
	[tilespmem:$0x4000] =	vst v63  }
0xa4: {  	s8 =	sor.u32 $0x680, s7;
	s9 =	sor.u32 $0x2680, s7  }
0xa5: {  	[tilespmem:s9], [sflag:$0x3] =	stream.indirect.gather [hbm4b:s2+s12], $0x1, s8, s12, $0xb8;
	[tilespmem:$0x4000] =	vst v63  }
0xa6: {  	s8 =	sor.u32 $0x700, s7;
	s9 =	sor.u32 $0x2700, s7  }
0xa7: {  	[tilespmem:s9], [sflag:$0x3] =	stream.indirect.gather [hbm4b:s2+s12], $0x1, s8, s12, $0xb8;
	[tilespmem:$0x4000] =	vst v63  }
0xa8: {  	s8 =	sor.u32 $0x780, s7;
	s9 =	sor.u32 $0x2780, s7  }
0xa9: {  	[tilespmem:s9], [sflag:$0x3] =	stream.indirect.gather [hbm4b:s2+s12], $0x1, s8, s12, $0xb8;
	[tilespmem:$0x4000] =	vst v63  }
0xaa: {  	s8 =	sor.u32 $0x800, s7;
	s9 =	sor.u32 $0x2800, s7  }
0xab: {  	[tilespmem:s9], [sflag:$0x3] =	stream.indirect.gather [hbm4b:s2+s12], $0x1, s8, s12, $0xb8;
	[tilespmem:$0x4000] =	vst v63  }
0xac: {  	s8 =	sor.u32 $0x880, s7;
	s9 =	sor.u32 $0x2880, s7  }
0xad: {  	[tilespmem:s9], [sflag:$0x3] =	stream.indirect.gather [hbm4b:s2+s12], $0x1, s8, s12, $0xb8;
	[tilespmem:$0x4000] =	vst v63  }
0xae: {  	s8 =	sor.u32 $0x900, s7;
	s9 =	sor.u32 $0x2900, s7  }
0xaf: {  	[tilespmem:s9], [sflag:$0x3] =	stream.indirect.gather [hbm4b:s2+s12], $0x1, s8, s12, $0xb8;
	[tilespmem:$0x4000] =	vst v63  }
0xb0: {  	s8 =	sor.u32 $0x980, s7;
	s9 =	sor.u32 $0x2980, s7  }
0xb1: {  	[tilespmem:s9], [sflag:$0x3] =	stream.indirect.gather [hbm4b:s2+s12], $0x1, s8, s12, $0xb8;
	[tilespmem:$0x4000] =	vst v63  }
0xb2: {  	s8 =	sor.u32 $0xA00, s7;
	s9 =	sor.u32 $0x2A00, s7  }
0xb3: {  	[tilespmem:s9], [sflag:$0x3] =	stream.indirect.gather [hbm4b:s2+s12], $0x1, s8, s12, $0xb8;
	[tilespmem:$0x4000] =	vst v63  }
0xb4: {  	s8 =	sor.u32 $0xA80, s7;
	s9 =	sor.u32 $0x2A80, s7  }
0xb5: {  	[tilespmem:s9], [sflag:$0x3] =	stream.indirect.gather [hbm4b:s2+s12], $0x1, s8, s12, $0xb8;
	[tilespmem:$0x4000] =	vst v63  }
0xb6: {  	s8 =	sor.u32 $0xB00, s7;
	s9 =	sor.u32 $0x2B00, s7  }
0xb7: {  	[tilespmem:s9], [sflag:$0x3] =	stream.indirect.gather [hbm4b:s2+s12], $0x1, s8, s12, $0xb8;
	[tilespmem:$0x4000] =	vst v63  }
0xb8: {  	s8 =	sor.u32 $0xB80, s7;
	s9 =	sor.u32 $0x2B80, s7  }
0xb9: {  	[tilespmem:s9], [sflag:$0x3] =	stream.indirect.gather [hbm4b:s2+s12], $0x1, s8, s12, $0xb8;
	[tilespmem:$0x4000] =	vst v63  }
0xba: {  	s8 =	sor.u32 $0xC00, s7;
	s9 =	sor.u32 $0x2C00, s7  }
0xbb: {  	[tilespmem:s9], [sflag:$0x3] =	stream.indirect.gather [hbm4b:s2+s12], $0x1, s8, s12, $0xb8;
	[tilespmem:$0x4000] =	vst v63  }
0xbc: {  	s8 =	sor.u32 $0xC80, s7;
	s9 =	sor.u32 $0x2C80, s7  }
0xbd: {  	[tilespmem:s9], [sflag:$0x3] =	stream.indirect.gather [hbm4b:s2+s12], $0x1, s8, s12, $0xb8;
	[tilespmem:$0x4000] =	vst v63  }
0xbe: {  	s8 =	sor.u32 $0xD00, s7;
	s9 =	sor.u32 $0x2D00, s7  }
0xbf: {  	[tilespmem:s9], [sflag:$0x3] =	stream.indirect.gather [hbm4b:s2+s12], $0x1, s8, s12, $0xb8;
	[tilespmem:$0x4000] =	vst v63  }
0xc0: {  	s8 =	sor.u32 $0xD80, s7;
	s9 =	sor.u32 $0x2D80, s7  }
0xc1: {  	[tilespmem:s9], [sflag:$0x3] =	stream.indirect.gather [hbm4b:s2+s12], $0x1, s8, s12, $0xb8;
	[tilespmem:$0x4000] =	vst v63  }
0xc2: {  	s8 =	sor.u32 $0xE00, s7;
	s9 =	sor.u32 $0x2E00, s7  }
0xc3: {  	[tilespmem:s9], [sflag:$0x3] =	stream.indirect.gather [hbm4b:s2+s12], $0x1, s8, s12, $0xb8;
	[tilespmem:$0x4000] =	vst v63  }
0xc4: {  	s8 =	sor.u32 $0xE80, s7;
	s9 =	sor.u32 $0x2E80, s7  }
0xc5: {  	[tilespmem:s9], [sflag:$0x3] =	stream.indirect.gather [hbm4b:s2+s12], $0x1, s8, s12, $0xb8;
	[tilespmem:$0x4000] =	vst v63  }
0xc6: {  	s8 =	sor.u32 $0xF00, s7;
	s9 =	sor.u32 $0x2F00, s7  }
0xc7: {  	[tilespmem:s9], [sflag:$0x3] =	stream.indirect.gather [hbm4b:s2+s12], $0x1, s8, s12, $0xb8;
	[tilespmem:$0x4000] =	vst v63  }
0xc8: {  	s9 =	sor.u32 $0xF80, s7;
	s7 =	sor.u32 $0x2F80, s7  }
0xc9: {  	[tilespmem:s7], [sflag:$0x3] =	stream.indirect.gather [hbm4b:s2+s12], $0x1, s9, s12, $0xb8;
	[tilespmem:$0x4000] =	vst v63  }
.LBB2_14:
0xca: {  	s6 =	sadd.s32 $0x1, s6  }
0xcb: {  	p0 =	sne.s32 s6, $0x14  }
.Ltmp3:
0xcc: {  	_ = 	snop;
	(pc) =	sbr.rel @!p0 .LBB2_15-.Ltmp3, $3  }
0xcd: {  	_ =	sdelay $0x1  }
0xce: {  	s5 =	sadd.s32 $0x4000, s5;
	s1 =	sadd.s32 $0x20000, s1  }
0xcf: {  	s2 =	sadd.s32 $0x61A80, s2;
	s0 =	sadd.s32 $0x200, s0;
	s31 =	sadd.s32 $0x1000, s31  }
.LBB2_2:
0xd0: {  	p0 =	seq.s32 s6, $0x0  }
.Ltmp4:
0xd1: {  	_ = 	snop;
	(pc) =	sbr.rel @p0 .LBB2_6-.Ltmp4, $1  }
0xd2: {  	_ =	sdelay $0x3  }
0xd3: {  	s7 =	sand.u32 $0x1, s6  }
0xd4: {  	p0 =	seq.s32 s7, $0x0  }
.Ltmp5:
0xd5: {  	_ = 	snop;
	(pc) =	sbr.rel @p0 .LBB2_5-.Ltmp5, $1  }
0xd6: {  	_ =	sdelay $0x3  }
0xd7: {  	_ =	swait.ge [sflag:s30], $0x80  }
0xd8: {  	[sflag:s30] =	ssyncset.done $0x0  }
0xd9: {  	[sflag:s30] =	ssyncadd.s32 $0xFFFFFF80  }
0xda: {  	_ =	swait.ge [sflag:s30], $0x80  }
0xdb: {  	[sflag:s30] =	ssyncset.done $0x0  }
0xdc: {  	[sflag:s30] =	ssyncadd.s32 $0xFFFFFF80  }
0xdd: {  	_ =	swait.ge [sflag:s30], $0x80  }
0xde: {  	[sflag:s30] =	ssyncset.done $0x0  }
0xdf: {  	[sflag:s30] =	ssyncadd.s32 $0xFFFFFF80  }
0xe0: {  	_ =	swait.ge [sflag:s30], $0x80  }
0xe1: {  	[sflag:s30] =	ssyncset.done $0x0  }
0xe2: {  	[sflag:s30] =	ssyncadd.s32 $0xFFFFFF80  }
0xe3: {  	_ =	swait.ge [sflag:s30], $0x80  }
0xe4: {  	[sflag:s30] =	ssyncset.done $0x0  }
0xe5: {  	[sflag:s30] =	ssyncadd.s32 $0xFFFFFF80  }
0xe6: {  	_ =	swait.ge [sflag:s30], $0x80  }
0xe7: {  	[sflag:s30] =	ssyncset.done $0x0  }
0xe8: {  	[sflag:s30] =	ssyncadd.s32 $0xFFFFFF80  }
0xe9: {  	_ =	swait.ge [sflag:s30], $0x80  }
0xea: {  	[sflag:s30] =	ssyncset.done $0x0  }
0xeb: {  	[sflag:s30] =	ssyncadd.s32 $0xFFFFFF80  }
0xec: {  	_ =	swait.ge [sflag:s30], $0x80  }
0xed: {  	[sflag:s30] =	ssyncset.done $0x0  }
0xee: {  	[sflag:s30] =	ssyncadd.s32 $0xFFFFFF80  }
0xef: {  	_ =	swait.ge [sflag:s30], $0x80  }
0xf0: {  	[sflag:s30] =	ssyncset.done $0x0  }
0xf1: {  	[sflag:s30] =	ssyncadd.s32 $0xFFFFFF80  }
0xf2: {  	_ =	swait.ge [sflag:s30], $0x80  }
0xf3: {  	[sflag:s30] =	ssyncset.done $0x0  }
0xf4: {  	[sflag:s30] =	ssyncadd.s32 $0xFFFFFF80  }
0xf5: {  	_ =	swait.ge [sflag:s30], $0x80  }
0xf6: {  	[sflag:s30] =	ssyncset.done $0x0  }
0xf7: {  	[sflag:s30] =	ssyncadd.s32 $0xFFFFFF80  }
0xf8: {  	_ =	swait.ge [sflag:s30], $0x80  }
0xf9: {  	[sflag:s30] =	ssyncset.done $0x0  }
0xfa: {  	[sflag:s30] =	ssyncadd.s32 $0xFFFFFF80  }
0xfb: {  	_ =	swait.ge [sflag:s30], $0x80  }
0xfc: {  	[sflag:s30] =	ssyncset.done $0x0  }
0xfd: {  	[sflag:s30] =	ssyncadd.s32 $0xFFFFFF80  }
0xfe: {  	_ =	swait.ge [sflag:s30], $0x80  }
0xff: {  	[sflag:s30] =	ssyncset.done $0x0  }
0x100: {  	[sflag:s30] =	ssyncadd.s32 $0xFFFFFF80  }
0x101: {  	_ =	swait.ge [sflag:s30], $0x80  }
0x102: {  	[sflag:s30] =	ssyncset.done $0x0  }
0x103: {  	[sflag:s30] =	ssyncadd.s32 $0xFFFFFF80  }
0x104: {  	_ =	swait.ge [sflag:s30], $0x80  }
0x105: {  	[sflag:s30] =	ssyncset.done $0x0  }
0x106: {  	[sflag:s30] =	ssyncadd.s32 $0xFFFFFF80  }
0x107: {  	_ =	swait.ge [sflag:s30], $0x80  }
0x108: {  	[sflag:s30] =	ssyncset.done $0x0  }
0x109: {  	[sflag:s30] =	ssyncadd.s32 $0xFFFFFF80  }
0x10a: {  	_ =	swait.ge [sflag:s30], $0x80  }
0x10b: {  	[sflag:s30] =	ssyncset.done $0x0  }
0x10c: {  	[sflag:s30] =	ssyncadd.s32 $0xFFFFFF80  }
0x10d: {  	_ =	swait.ge [sflag:s30], $0x80  }
0x10e: {  	[sflag:s30] =	ssyncset.done $0x0  }
0x10f: {  	[sflag:s30] =	ssyncadd.s32 $0xFFFFFF80  }
0x110: {  	_ =	swait.ge [sflag:s30], $0x80  }
0x111: {  	[sflag:s30] =	ssyncset.done $0x0  }
0x112: {  	[sflag:s30] =	ssyncadd.s32 $0xFFFFFF80  }
0x113: {  	_ =	swait.ge [sflag:s30], $0x80  }
0x114: {  	[sflag:s30] =	ssyncset.done $0x0  }
0x115: {  	[sflag:s30] =	ssyncadd.s32 $0xFFFFFF80  }
0x116: {  	_ =	swait.ge [sflag:s30], $0x80  }
0x117: {  	[sflag:s30] =	ssyncset.done $0x0  }
0x118: {  	[sflag:s30] =	ssyncadd.s32 $0xFFFFFF80  }
0x119: {  	_ =	swait.ge [sflag:s30], $0x80  }
0x11a: {  	[sflag:s30] =	ssyncset.done $0x0  }
0x11b: {  	[sflag:s30] =	ssyncadd.s32 $0xFFFFFF80  }
0x11c: {  	_ =	swait.ge [sflag:s30], $0x80  }
0x11d: {  	[sflag:s30] =	ssyncset.done $0x0  }
0x11e: {  	[sflag:s30] =	ssyncadd.s32 $0xFFFFFF80  }
0x11f: {  	_ =	swait.ge [sflag:s30], $0x80  }
0x120: {  	[sflag:s30] =	ssyncset.done $0x0  }
0x121: {  	[sflag:s30] =	ssyncadd.s32 $0xFFFFFF80  }
0x122: {  	_ =	swait.ge [sflag:s30], $0x80  }
0x123: {  	[sflag:s30] =	ssyncset.done $0x0  }
0x124: {  	[sflag:s30] =	ssyncadd.s32 $0xFFFFFF80  }
0x125: {  	_ =	swait.ge [sflag:s30], $0x80  }
0x126: {  	[sflag:s30] =	ssyncset.done $0x0  }
0x127: {  	[sflag:s30] =	ssyncadd.s32 $0xFFFFFF80  }
0x128: {  	_ =	swait.ge [sflag:s30], $0x80  }
0x129: {  	[sflag:s30] =	ssyncset.done $0x0  }
0x12a: {  	[sflag:s30] =	ssyncadd.s32 $0xFFFFFF80  }
0x12b: {  	_ =	swait.ge [sflag:s30], $0x80  }
0x12c: {  	[sflag:s30] =	ssyncset.done $0x0  }
0x12d: {  	[sflag:s30] =	ssyncadd.s32 $0xFFFFFF80  }
0x12e: {  	_ =	swait.ge [sflag:s30], $0x80  }
0x12f: {  	[sflag:s30] =	ssyncset.done $0x0  }
0x130: {  	[sflag:s30] =	ssyncadd.s32 $0xFFFFFF80  }
0x131: {  	_ =	swait.ge [sflag:s30], $0x80  }
0x132: {  	[sflag:s30] =	ssyncset.done $0x0  }
.Ltmp6:
0x133: {  	[sflag:s30] =	ssyncadd.s32 $0xFFFFFF80;
	(pc) =	sbr.rel .LBB2_6-.Ltmp6, $4  }
0x134: {  	_ =	swait.ge [sflag:s30], $0x80  }
0x135: {  	[sflag:s30] =	ssyncset.done $0x0  }
0x136: {  	[sflag:s30] =	ssyncadd.s32 $0xFFFFFF80  }
0x137: {  	[hbm4b:s5+s3] =	stream.linear.scatter [tilespmem:s17], [sflag:$0x4], $0x1000, $0x38;
	[tilespmem:$0x4000] =	vst v63  }
.LBB2_5:
0x138: {  	_ =	swait.ge [sflag:s13], $0x80  }
0x139: {  	[sflag:s13] =	ssyncset.done $0x0  }
0x13a: {  	[sflag:s13] =	ssyncadd.s32 $0xFFFFFF80  }
0x13b: {  	_ =	swait.ge [sflag:s13], $0x80  }
0x13c: {  	[sflag:s13] =	ssyncset.done $0x0  }
0x13d: {  	[sflag:s13] =	ssyncadd.s32 $0xFFFFFF80  }
0x13e: {  	_ =	swait.ge [sflag:s13], $0x80  }
0x13f: {  	[sflag:s13] =	ssyncset.done $0x0  }
0x140: {  	[sflag:s13] =	ssyncadd.s32 $0xFFFFFF80  }
0x141: {  	_ =	swait.ge [sflag:s13], $0x80  }
0x142: {  	[sflag:s13] =	ssyncset.done $0x0  }
0x143: {  	[sflag:s13] =	ssyncadd.s32 $0xFFFFFF80  }
0x144: {  	_ =	swait.ge [sflag:s13], $0x80  }
0x145: {  	[sflag:s13] =	ssyncset.done $0x0  }
0x146: {  	[sflag:s13] =	ssyncadd.s32 $0xFFFFFF80  }
0x147: {  	_ =	swait.ge [sflag:s13], $0x80  }
0x148: {  	[sflag:s13] =	ssyncset.done $0x0  }
0x149: {  	[sflag:s13] =	ssyncadd.s32 $0xFFFFFF80  }
0x14a: {  	_ =	swait.ge [sflag:s13], $0x80  }
0x14b: {  	[sflag:s13] =	ssyncset.done $0x0  }
0x14c: {  	[sflag:s13] =	ssyncadd.s32 $0xFFFFFF80  }
0x14d: {  	_ =	swait.ge [sflag:s13], $0x80  }
0x14e: {  	[sflag:s13] =	ssyncset.done $0x0  }
0x14f: {  	[sflag:s13] =	ssyncadd.s32 $0xFFFFFF80  }
0x150: {  	_ =	swait.ge [sflag:s13], $0x80  }
0x151: {  	[sflag:s13] =	ssyncset.done $0x0  }
0x152: {  	[sflag:s13] =	ssyncadd.s32 $0xFFFFFF80  }
0x153: {  	_ =	swait.ge [sflag:s13], $0x80  }
0x154: {  	[sflag:s13] =	ssyncset.done $0x0  }
0x155: {  	[sflag:s13] =	ssyncadd.s32 $0xFFFFFF80  }
0x156: {  	_ =	swait.ge [sflag:s13], $0x80  }
0x157: {  	[sflag:s13] =	ssyncset.done $0x0  }
0x158: {  	[sflag:s13] =	ssyncadd.s32 $0xFFFFFF80  }
0x159: {  	_ =	swait.ge [sflag:s13], $0x80  }
0x15a: {  	[sflag:s13] =	ssyncset.done $0x0  }
0x15b: {  	[sflag:s13] =	ssyncadd.s32 $0xFFFFFF80  }
0x15c: {  	_ =	swait.ge [sflag:s13], $0x80  }
0x15d: {  	[sflag:s13] =	ssyncset.done $0x0  }
0x15e: {  	[sflag:s13] =	ssyncadd.s32 $0xFFFFFF80  }
0x15f: {  	_ =	swait.ge [sflag:s13], $0x80  }
0x160: {  	[sflag:s13] =	ssyncset.done $0x0  }
0x161: {  	[sflag:s13] =	ssyncadd.s32 $0xFFFFFF80  }
0x162: {  	_ =	swait.ge [sflag:s13], $0x80  }
0x163: {  	[sflag:s13] =	ssyncset.done $0x0  }
0x164: {  	[sflag:s13] =	ssyncadd.s32 $0xFFFFFF80  }
0x165: {  	_ =	swait.ge [sflag:s13], $0x80  }
0x166: {  	[sflag:s13] =	ssyncset.done $0x0  }
0x167: {  	[sflag:s13] =	ssyncadd.s32 $0xFFFFFF80  }
0x168: {  	_ =	swait.ge [sflag:s13], $0x80  }
0x169: {  	[sflag:s13] =	ssyncset.done $0x0  }
0x16a: {  	[sflag:s13] =	ssyncadd.s32 $0xFFFFFF80  }
0x16b: {  	_ =	swait.ge [sflag:s13], $0x80  }
0x16c: {  	[sflag:s13] =	ssyncset.done $0x0  }
0x16d: {  	[sflag:s13] =	ssyncadd.s32 $0xFFFFFF80  }
0x16e: {  	_ =	swait.ge [sflag:s13], $0x80  }
0x16f: {  	[sflag:s13] =	ssyncset.done $0x0  }
0x170: {  	[sflag:s13] =	ssyncadd.s32 $0xFFFFFF80  }
0x171: {  	_ =	swait.ge [sflag:s13], $0x80  }
0x172: {  	[sflag:s13] =	ssyncset.done $0x0  }
0x173: {  	[sflag:s13] =	ssyncadd.s32 $0xFFFFFF80  }
0x174: {  	_ =	swait.ge [sflag:s13], $0x80  }
0x175: {  	[sflag:s13] =	ssyncset.done $0x0  }
0x176: {  	[sflag:s13] =	ssyncadd.s32 $0xFFFFFF80  }
0x177: {  	_ =	swait.ge [sflag:s13], $0x80  }
0x178: {  	[sflag:s13] =	ssyncset.done $0x0  }
0x179: {  	[sflag:s13] =	ssyncadd.s32 $0xFFFFFF80  }
0x17a: {  	_ =	swait.ge [sflag:s13], $0x80  }
0x17b: {  	[sflag:s13] =	ssyncset.done $0x0  }
0x17c: {  	[sflag:s13] =	ssyncadd.s32 $0xFFFFFF80  }
0x17d: {  	_ =	swait.ge [sflag:s13], $0x80  }
0x17e: {  	[sflag:s13] =	ssyncset.done $0x0  }
0x17f: {  	[sflag:s13] =	ssyncadd.s32 $0xFFFFFF80  }
0x180: {  	_ =	swait.ge [sflag:s13], $0x80  }
0x181: {  	[sflag:s13] =	ssyncset.done $0x0  }
0x182: {  	[sflag:s13] =	ssyncadd.s32 $0xFFFFFF80  }
0x183: {  	_ =	swait.ge [sflag:s13], $0x80  }
0x184: {  	[sflag:s13] =	ssyncset.done $0x0  }
0x185: {  	[sflag:s13] =	ssyncadd.s32 $0xFFFFFF80  }
0x186: {  	_ =	swait.ge [sflag:s13], $0x80  }
0x187: {  	[sflag:s13] =	ssyncset.done $0x0  }
0x188: {  	[sflag:s13] =	ssyncadd.s32 $0xFFFFFF80  }
0x189: {  	_ =	swait.ge [sflag:s13], $0x80  }
0x18a: {  	[sflag:s13] =	ssyncset.done $0x0  }
0x18b: {  	[sflag:s13] =	ssyncadd.s32 $0xFFFFFF80  }
0x18c: {  	_ =	swait.ge [sflag:s13], $0x80  }
0x18d: {  	[sflag:s13] =	ssyncset.done $0x0  }
0x18e: {  	[sflag:s13] =	ssyncadd.s32 $0xFFFFFF80  }
0x18f: {  	_ =	swait.ge [sflag:s13], $0x80  }
0x190: {  	[sflag:s13] =	ssyncset.done $0x0  }
0x191: {  	[sflag:s13] =	ssyncadd.s32 $0xFFFFFF80  }
0x192: {  	_ =	swait.ge [sflag:s13], $0x80  }
0x193: {  	[sflag:s13] =	ssyncset.done $0x0  }
0x194: {  	[sflag:s13] =	ssyncadd.s32 $0xFFFFFF80  }
0x195: {  	_ =	swait.ge [sflag:s13], $0x80  }
0x196: {  	s7 =	sshrl.u32 s1, $0x3;
	[sflag:s13] =	ssyncset.done $0x0  }
0x197: {  	s8 =	simm.s32 $0x3000;
	s7 =	sadd.s32 s4, s7;
	[sflag:s13] =	ssyncadd.s32 $0xFFFFFF80  }
0x198: {  	[hbm4b:s7+s3] =	stream.linear.scatter [tilespmem:s8], [sflag:$0x5], $0x1000, $0x38;
	[tilespmem:$0x4000] =	vst v63  }
.LBB2_6:
0x199: {  	p0 =	seq.s32 s6, $0x13  }
.Ltmp7:
0x19a: {  	_ = 	snop;
	(pc) =	sbr.rel @!p0 .LBB2_7-.Ltmp7, $4  }
0x19b: {  	_ = 	snop  }
0x19c: {  	_ =	swait.ge [sflag:s11], $0x1000  }
0x19d: {  	[sflag:s11] =	ssyncset.done $0x0  }
0x19e: {  	[sflag:s11] =	ssyncadd.s32 $0xFFFFF000  }
.LBB2_9:
0x19f: {  	s7 =	simm.s32 $0x5  }
.LBB2_10:
.Ltmp8:
0x1a0: {  	(pc) =	sbr.rel .LBB2_11-.Ltmp8, $4  }
0x1a1: {  	_ = 	snop  }
0x1a2: {  	_ =	swait.ge [sflag:s7], $0x1000  }
0x1a3: {  	[sflag:s7] =	ssyncset.done $0x0  }
0x1a4: {  	[sflag:s7] =	ssyncadd.s32 $0xFFFFF000  }
.LBB2_7:
0x1a5: {  	p0 =	slt.u32 s6, $0x2  }
.Ltmp9:
0x1a6: {  	_ = 	snop;
	(pc) =	sbr.rel @p0 .LBB2_11-.Ltmp9, $3  }
0x1a7: {  	_ =	sdelay $0x1  }
0x1a8: {  	s7 =	sand.u32 $0x1000, s31  }
0x1a9: {  	[tilespmem:s7], [sflag:$0x1] =	stream.linear.gather [hbm4b:s0+s3], $0x1000, $0x38;
	[tilespmem:$0x4000] =	vst v63  }
0x1aa: {  	s7 =	sand.u32 $0x1, s6  }
0x1ab: {  	p0 =	seq.s32 s7, $0x0  }
.Ltmp10:
0x1ac: {  	_ = 	snop;
	(pc) =	sbr.rel @p0 .LBB2_10-.Ltmp10, $4  }
.Ltmp11:
0x1ad: {  	_ = 	snop;
	(pc) =	sbr.rel @!p0 .LBB2_9-.Ltmp11, $4  }
0x1ae: {  	_ = 	snop  }
0x1af: {  	_ = 	snop  }
0x1b0: {  	s7 =	simm.s32 $0x4  }
0x1b1: {  	_ = 	snop  }
.LBB2_11:
0x1b2: {  	s7 =	sand.u32 $0x1, s6  }
0x1b3: {  	p0 =	seq.s32 s7, $0x1  }
.Ltmp12:
0x1b4: {  	_ = 	snop;
	(pc) =	sbr.rel @p0 .LBB2_13-.Ltmp12, $1  }
0x1b5: {  	_ =	sdelay $0x3  }
0x1b6: {  	[tilespmem:s17], [sflag:$0x2] =	stream.indirect.gather [hbm4b:s2+s12], $0x1, s3, s12, $0xb8;
	[tilespmem:$0x4000] =	vst v63  }
0x1b7: {  	s8 =	simm.s32 $0x2080  }
0x1b8: {  	[tilespmem:s8], [sflag:$0x2] =	stream.indirect.gather [hbm4b:s2+s12], $0x1, s12, s12, $0xb8;
	[tilespmem:$0x4000] =	vst v63  }
0x1b9: {  	s9 =	simm.s32 $0x2100;
	s8 =	simm.s32 $0x100  }
0x1ba: {  	[tilespmem:s9], [sflag:$0x2] =	stream.indirect.gather [hbm4b:s2+s12], $0x1, s8, s12, $0xb8;
	[tilespmem:$0x4000] =	vst v63  }
0x1bb: {  	s8 =	simm.s32 $0x180;
	s9 =	simm.s32 $0x2180  }
0x1bc: {  	[tilespmem:s9], [sflag:$0x2] =	stream.indirect.gather [hbm4b:s2+s12], $0x1, s8, s12, $0xb8;
	[tilespmem:$0x4000] =	vst v63  }
0x1bd: {  	s8 =	simm.s32 $0x200;
	s9 =	simm.s32 $0x2200  }
0x1be: {  	[tilespmem:s9], [sflag:$0x2] =	stream.indirect.gather [hbm4b:s2+s12], $0x1, s8, s12, $0xb8;
	[tilespmem:$0x4000] =	vst v63  }
0x1bf: {  	s8 =	simm.s32 $0x280;
	s9 =	simm.s32 $0x2280  }
0x1c0: {  	[tilespmem:s9], [sflag:$0x2] =	stream.indirect.gather [hbm4b:s2+s12], $0x1, s8, s12, $0xb8;
	[tilespmem:$0x4000] =	vst v63  }
0x1c1: {  	s8 =	simm.s32 $0x300;
	s9 =	simm.s32 $0x2300  }
0x1c2: {  	[tilespmem:s9], [sflag:$0x2] =	stream.indirect.gather [hbm4b:s2+s12], $0x1, s8, s12, $0xb8;
	[tilespmem:$0x4000] =	vst v63  }
0x1c3: {  	s8 =	simm.s32 $0x380;
	s9 =	simm.s32 $0x2380  }
0x1c4: {  	[tilespmem:s9], [sflag:$0x2] =	stream.indirect.gather [hbm4b:s2+s12], $0x1, s8, s12, $0xb8;
	[tilespmem:$0x4000] =	vst v63  }
0x1c5: {  	s8 =	simm.s32 $0x400;
	s9 =	simm.s32 $0x2400  }
0x1c6: {  	[tilespmem:s9], [sflag:$0x2] =	stream.indirect.gather [hbm4b:s2+s12], $0x1, s8, s12, $0xb8;
	[tilespmem:$0x4000] =	vst v63  }
0x1c7: {  	s8 =	simm.s32 $0x480;
	s9 =	simm.s32 $0x2480  }
0x1c8: {  	[tilespmem:s9], [sflag:$0x2] =	stream.indirect.gather [hbm4b:s2+s12], $0x1, s8, s12, $0xb8;
	[tilespmem:$0x4000] =	vst v63  }
0x1c9: {  	s8 =	simm.s32 $0x500;
	s9 =	simm.s32 $0x2500  }
0x1ca: {  	[tilespmem:s9], [sflag:$0x2] =	stream.indirect.gather [hbm4b:s2+s12], $0x1, s8, s12, $0xb8;
	[tilespmem:$0x4000] =	vst v63  }
0x1cb: {  	s8 =	simm.s32 $0x580;
	s9 =	simm.s32 $0x2580  }
0x1cc: {  	[tilespmem:s9], [sflag:$0x2] =	stream.indirect.gather [hbm4b:s2+s12], $0x1, s8, s12, $0xb8;
	[tilespmem:$0x4000] =	vst v63  }
0x1cd: {  	s8 =	simm.s32 $0x600;
	s9 =	simm.s32 $0x2600  }
0x1ce: {  	[tilespmem:s9], [sflag:$0x2] =	stream.indirect.gather [hbm4b:s2+s12], $0x1, s8, s12, $0xb8;
	[tilespmem:$0x4000] =	vst v63  }
0x1cf: {  	s8 =	simm.s32 $0x680;
	s9 =	simm.s32 $0x2680  }
0x1d0: {  	[tilespmem:s9], [sflag:$0x2] =	stream.indirect.gather [hbm4b:s2+s12], $0x1, s8, s12, $0xb8;
	[tilespmem:$0x4000] =	vst v63  }
0x1d1: {  	s8 =	simm.s32 $0x700;
	s9 =	simm.s32 $0x2700  }
0x1d2: {  	[tilespmem:s9], [sflag:$0x2] =	stream.indirect.gather [hbm4b:s2+s12], $0x1, s8, s12, $0xb8;
	[tilespmem:$0x4000] =	vst v63  }
0x1d3: {  	s8 =	simm.s32 $0x780;
	s9 =	simm.s32 $0x2780  }
0x1d4: {  	[tilespmem:s9], [sflag:$0x2] =	stream.indirect.gather [hbm4b:s2+s12], $0x1, s8, s12, $0xb8;
	[tilespmem:$0x4000] =	vst v63  }
0x1d5: {  	s8 =	simm.s32 $0x800;
	s9 =	simm.s32 $0x2800  }
0x1d6: {  	[tilespmem:s9], [sflag:$0x2] =	stream.indirect.gather [hbm4b:s2+s12], $0x1, s8, s12, $0xb8;
	[tilespmem:$0x4000] =	vst v63  }
0x1d7: {  	s8 =	simm.s32 $0x880;
	s9 =	simm.s32 $0x2880  }
0x1d8: {  	[tilespmem:s9], [sflag:$0x2] =	stream.indirect.gather [hbm4b:s2+s12], $0x1, s8, s12, $0xb8;
	[tilespmem:$0x4000] =	vst v63  }
0x1d9: {  	s8 =	simm.s32 $0x900;
	s9 =	simm.s32 $0x2900  }
0x1da: {  	[tilespmem:s9], [sflag:$0x2] =	stream.indirect.gather [hbm4b:s2+s12], $0x1, s8, s12, $0xb8;
	[tilespmem:$0x4000] =	vst v63  }
0x1db: {  	s8 =	simm.s32 $0x980;
	s9 =	simm.s32 $0x2980  }
0x1dc: {  	[tilespmem:s9], [sflag:$0x2] =	stream.indirect.gather [hbm4b:s2+s12], $0x1, s8, s12, $0xb8;
	[tilespmem:$0x4000] =	vst v63  }
0x1dd: {  	s8 =	simm.s32 $0xA00;
	s9 =	simm.s32 $0x2A00  }
0x1de: {  	[tilespmem:s9], [sflag:$0x2] =	stream.indirect.gather [hbm4b:s2+s12], $0x1, s8, s12, $0xb8;
	[tilespmem:$0x4000] =	vst v63  }
0x1df: {  	s8 =	simm.s32 $0xA80;
	s9 =	simm.s32 $0x2A80  }
0x1e0: {  	[tilespmem:s9], [sflag:$0x2] =	stream.indirect.gather [hbm4b:s2+s12], $0x1, s8, s12, $0xb8;
	[tilespmem:$0x4000] =	vst v63  }
0x1e1: {  	s8 =	simm.s32 $0xB00;
	s9 =	simm.s32 $0x2B00  }
0x1e2: {  	[tilespmem:s9], [sflag:$0x2] =	stream.indirect.gather [hbm4b:s2+s12], $0x1, s8, s12, $0xb8;
	[tilespmem:$0x4000] =	vst v63  }
0x1e3: {  	s8 =	simm.s32 $0xB80;
	s9 =	simm.s32 $0x2B80  }
0x1e4: {  	[tilespmem:s9], [sflag:$0x2] =	stream.indirect.gather [hbm4b:s2+s12], $0x1, s8, s12, $0xb8;
	[tilespmem:$0x4000] =	vst v63  }
0x1e5: {  	s9 =	simm.s32 $0xC00  }
0x1e6: {  	[tilespmem:s10], [sflag:$0x2] =	stream.indirect.gather [hbm4b:s2+s12], $0x1, s9, s12, $0xb8;
	[tilespmem:$0x4000] =	vst v63  }
0x1e7: {  	_ = 	snop  }
0x1e8: {  	[tilespmem:s16], [sflag:$0x2] =	stream.indirect.gather [hbm4b:s2+s12], $0x1, s15, s12, $0xb8;
	[tilespmem:$0x4000] =	vst v63  }
0x1e9: {  	_ = 	snop  }
0x1ea: {  	[tilespmem:s18], [sflag:$0x2] =	stream.indirect.gather [hbm4b:s2+s12], $0x1, s14, s12, $0xb8;
	[tilespmem:$0x4000] =	vst v63  }
0x1eb: {  	_ = 	snop  }
0x1ec: {  	[tilespmem:s20], [sflag:$0x2] =	stream.indirect.gather [hbm4b:s2+s12], $0x1, s19, s12, $0xb8;
	[tilespmem:$0x4000] =	vst v63  }
0x1ed: {  	_ = 	snop  }
0x1ee: {  	[tilespmem:s22], [sflag:$0x2] =	stream.indirect.gather [hbm4b:s2+s12], $0x1, s21, s12, $0xb8;
	[tilespmem:$0x4000] =	vst v63  }
0x1ef: {  	p0 =	seq.s32 s7, $0x0  }
0x1f0: {  	[tilespmem:s24], [sflag:$0x2] =	stream.indirect.gather [hbm4b:s2+s12], $0x1, s23, s12, $0xb8;
	[tilespmem:$0x4000] =	vst v63  }
.Ltmp13:
0x1f1: {  	_ = 	snop;
	(pc) =	sbr.rel @p0 .LBB2_14-.Ltmp13, $4  }
.Ltmp14:
0x1f2: {  	_ = 	snop;
	(pc) =	sbr.rel @!p0 .LBB2_13-.Ltmp14, $4  }
0x1f3: {  	[tilespmem:s26], [sflag:$0x2] =	stream.indirect.gather [hbm4b:s2+s12], $0x1, s25, s12, $0xb8;
	[tilespmem:$0x4000] =	vst v63  }
0x1f4: {  	_ = 	snop  }
0x1f5: {  	[tilespmem:s29], [sflag:$0x2] =	stream.indirect.gather [hbm4b:s2+s12], $0x1, s28, s12, $0xb8;
	[tilespmem:$0x4000] =	vst v63  }
0x1f6: {  	_ = 	snop  }
.LBB2_16:
0x1f7: {  	_ =	sfence.sel $0x180000  }
0x1f8: {  	[bflag:$0x0] =	sbarrier.arrive $0xFFFF  }
0x1f9: {  	_ =	strace $0x90000047  }
0x1fa: {  	s0 =	stileid.u32;
	[bflag:$0x2] =	sbarrier.arrive $0xFFFF  }
0x1fb: {  	p0 =	sne.s32 s0, $0x0;
	s0 =	rddreg [dreg:$0x2]  }
0x1fc: {  	s0 =	sadd.s32 @!p0 $0x100000, s0  }
0x1fd: {  	[sflag:s0] =	ssyncadd.tile.s32 @!p0 $0x1;
	_ =	shalt  }
.Lfunc_end2:
_tile_overlayer_lowered:
.L_overlay_start_2:
0x1fe: {  	(tag) =	ssettag $0x2  }
0x1ff: {  	s0 =	rddreg [dreg:$0x0];
	s2 =	stileid.u32  }
0x200: {  	s1 =	rddreg [dreg:$0x1];
	p0 =	sne.s32 s2, $0x0  }
0x201: {  	s3 =	rddreg [dreg:$0x2];
	[bflag:$0x3] =	sbarrier.arrive $0xFFFF;
	s2 =	simm.s32 @!p0 $0x1C06  }
0x202: {  	[timem:s3], [sflag:s2] =	dma.local @!p0 [hbm:s0], s1  }
0x203: {  	s0 =	simm.s32 @!p0 $0x6  }
0x204: {  	_ =	swait.ge @!p0 [sflag:s0], s1  }
0x205: {  	s1 =	ssub.s32 @!p0 $0x0, s1;
	[sflag:s0] =	ssyncset.done @!p0 $0x0  }
0x206: {  	[sflag:s0] =	ssyncadd.s32 @!p0 s1  }
0x207: {  	[bflag:$0x3] =	sbarrier.arrive $0xFFFF  }
0x208: {  	_ =	shalt  }

</sc_bundles>
